<compile_context>
chip_gen: v7x
topology: tpu7x:2x2x1
jax: 0.10.2.dev20260603
libtpu: 0.0.44.dev20260713+nightly
codegen_flags: <defaults>
</compile_context>

<pallas_src>
import functools

import jax
import jax.numpy as jnp
from jax import lax
from jax.experimental import pallas as pl
from jax.experimental.pallas import tpu as pltpu
from jax.experimental.pallas import tpu_sc as plsc

_BLK = 128


def _make_sc_decode(N, N_pad, A, P, NC, NW, n_iters):
    A_pad = ((A + 15) // 16) * 16
    mesh = plsc.VectorSubcoreMesh(core_axis_name="c", subcore_axis_name="s")
    tile_words = P * _BLK

    @functools.partial(
        pl.kernel,
        mesh=mesh,
        out_type=jax.ShapeDtypeStruct((N * P,), jnp.float32),
        scratch_types=[
            pltpu.VMEM((_BLK,), jnp.int32),
            pltpu.VMEM((A_pad,), jnp.int32),
            pltpu.VMEM((A, P, _BLK), jnp.float32),
            pltpu.VMEM((_BLK * P,), jnp.float32),
            pltpu.SemaphoreType.DMA,
            pltpu.SemaphoreType.DMA,
        ],
        compiler_params=pltpu.CompilerParams(
            use_tc_tiling_on_sc=True, needs_layout_passes=False
        ),
    )
    def k(table_hbm, acts_hbm, out_hbm, acts_v, present_v, buf,
          rows_v, sem, sem_out):
        wid = lax.axis_index("s") * NC + lax.axis_index("c")
        lane = lax.iota(jnp.int32, 16)
        lane8 = lane * P
        zeros16 = jnp.zeros((16,), jnp.int32)
        ones16 = jnp.ones((16,), jnp.int32)

        def do_block(kb, _):
            b = pl.multiple_of((kb * NW + wid) * _BLK, _BLK)

            @pl.when(b < N_pad)
            def _process():
                @pl.when(b + _BLK <= N)
                def _lda():
                    pltpu.sync_copy(acts_hbm.at[pl.ds(b, _BLK)], acts_v)

                @pl.when(b + _BLK > N)
                def _ldt():
                    pltpu.sync_copy(
                        acts_hbm.at[pl.ds(b, N % _BLK)],
                        acts_v.at[pl.ds(0, N % _BLK)],
                    )
                for ch in range(A_pad // 16):
                    present_v[pl.ds(ch * 16, 16)] = zeros16
                for ch in range(_BLK // 16):
                    a16 = acts_v[pl.ds(ch * 16, 16)]
                    plsc.store_scatter(present_v, [a16], ones16)
                pres = [
                    present_v[pl.ds(ch * 16, 16)] for ch in range(A_pad // 16)
                ]

                for a in range(A):
                    @pl.when(pres[a // 16][a % 16] != 0)
                    def _go(a=a):
                        pltpu.async_copy(
                            table_hbm.at[a, :, pl.ds(b, _BLK)],
                            buf.at[a],
                            sem,
                        )

                acc = pres[0]
                for ch in range(1, A_pad // 16):
                    acc = acc + pres[ch]
                n_tiles = jnp.sum(acc)

                def drain(_i, _c):
                    pltpu.make_async_copy(
                        table_hbm.at[0, :, pl.ds(b, _BLK)],
                        buf.at[0],
                        sem,
                    ).wait()
                    return _c

                lax.fori_loop(0, n_tiles, drain, 0)

                for ch in range(_BLK // 16):
                    a16 = acts_v[pl.ds(ch * 16, 16)]
                    l16 = ch * 16 + lane
                    for p in range(P):
                        vals = plsc.load_gather(
                            buf, [a16, jnp.full((16,), p, jnp.int32), l16]
                        )
                        plsc.store_scatter(
                            rows_v, [lane8 + (ch * 16 * P + p)], vals
                        )

                @pl.when(b + _BLK <= N)
                def _full():
                    pltpu.async_copy(
                        rows_v, out_hbm.at[pl.ds(b * P, _BLK * P)], sem_out
                    ).wait()

                @pl.when(b + _BLK > N)
                def _tail():
                    pltpu.async_copy(
                        rows_v.at[pl.ds(0, (N % _BLK) * P)],
                        out_hbm.at[pl.ds(b * P, (N % _BLK) * P)],
                        sem_out,
                    ).wait()

            return _

        lax.fori_loop(0, n_iters, do_block, 0)

    return k


def kernel(abs_actions, decode_map):
    N, A, P = decode_map.shape
    info = plsc.get_sparse_core_info()
    NC = info.num_cores
    NW = NC * info.num_subcores

    N_pad = ((N + _BLK - 1) // _BLK) * _BLK
    NB = N_pad // _BLK
    n_iters = (NB + NW - 1) // NW

    table = decode_map.transpose(1, 2, 0)
    acts = abs_actions.astype(jnp.int32)

    return _make_sc_decode(N, N_pad, A, P, NC, NW, n_iters)(table, acts)

# --- scband reference (transcript-rebuilt; emitter-appended) ---
"""Pipeline reference for scband-decoder-29180007809233 (READ-ONLY COPY).

The authoritative reference and input builder live on the scoring server;
editing this copy changes nothing except your own understanding.
"""

import jax, jax.numpy as jnp
import numpy as np

NUM_ABSTRACT_AGENTS = 100000
ABS_ACTION_SPACE_DIM = 100
AGENTS_PER_ABS_AGENT = 8
ACTION_DIM = 16


def setup_inputs(seed: int = 0) -> dict:
    key = jax.random.key(seed)
    k1, k2 = jax.random.split(key)
    # one abstract action per abstract agent
    abs_actions = jax.random.randint(
        k1, (NUM_ABSTRACT_AGENTS,), 0, ABS_ACTION_SPACE_DIM, dtype=jnp.int32
    )
    # learned/decode table: per (abstract agent, abstract action) -> concrete actions
    # (float32 so it is differentiable in the fwd+bwd variant; values mimic randint(0, action_dim))
    decode_map = jax.random.randint(
        k2,
        (NUM_ABSTRACT_AGENTS, ABS_ACTION_SPACE_DIM, AGENTS_PER_ABS_AGENT),
        0,
        ACTION_DIM,
        dtype=jnp.int32,
    ).astype(jnp.float32)
    return {"abs_actions": abs_actions, "decode_map": decode_map}


def reference(abs_actions, decode_map):
    # Faithful vectorized form of:
    #   for abs_agent_id, abs_action in enumerate(abs_actions):
    #       output_actions += list(decode_map[abs_agent_id, abs_action, :])
    idx = abs_actions.astype(jnp.int32)[:, None, None]
    gathered = jnp.take_along_axis(decode_map, idx, axis=1)  # [N, 1, P]
    output_actions = gathered[:, 0, :].reshape(-1)  # flat list of N*P actions
    return output_actions

if __name__ == "__main__":
    import jax
    _d = setup_inputs()
    print(jax.jit(kernel)(*tuple(_d.values())))

</pallas_src>

<mosaic_0001>
#map = affine_map<(d0, d1) -> (0, 0, 0)>
#map1 = affine_map<(d0, d1) -> (0)>
module attributes {stable_mosaic.version = 14 : i64} {
  func.func @k(%arg0: i32, %arg1: i32, %arg2: memref<100x8x100000xf32, #tpu.memory_space<hbm>>, %arg3: memref<100000xi32, #tpu.memory_space<hbm>>, %arg4: memref<800000xf32, #tpu.memory_space<hbm>>, %arg5: memref<128xi32, #tpu.memory_space<vmem>>, %arg6: memref<112xi32, #tpu.memory_space<vmem>>, %arg7: memref<100x8x128xf32, #tpu.memory_space<vmem>>, %arg8: memref<1024xf32, #tpu.memory_space<vmem>>, %arg9: memref<!tpu.dma_semaphore, #tpu.memory_space<semaphore_mem>>, %arg10: memref<!tpu.dma_semaphore, #tpu.memory_space<semaphore_mem>>) attributes {dimension_semantics = [#tpu.dimension_semantics<core_parallel>, #tpu.dimension_semantics<subcore_parallel>], iteration_bounds = array<i64: 2, 16>, scalar_prefetch = 0 : i64, scratch_operands = 6 : i64, tpu.core_type = #tpu.core_type<sc_vector_subcore>, window_params = [{transform_indices = #map}, {transform_indices = #map1}, {transform_indices = #map1}]} {
    %mul3A = arith.constant 2 : i32
    %mul3A_0 = arith.muli %arg1, %mul3A : i32
    %add3A = arith.addi %mul3A_0, %arg0 : i32
    %iota3A = tpu.iota {dimensions = array<i32: 0>} : vector<16xi32>
    %mul3A_1 = arith.constant 8 : i32
    %mul3A_2 = vector.broadcast %mul3A_1 : i32 to vector<16xi32>
    %mul3A_3 = arith.muli %iota3A, %mul3A_2 : vector<16xi32>
    %broadcast_in_dim3A = arith.constant 0 : i32
    %broadcast_in_dim3A_4 = vector.broadcast %broadcast_in_dim3A : i32 to vector<16xi32>
    %broadcast_in_dim3A_5 = arith.constant 1 : i32
    %broadcast_in_dim3A_6 = vector.broadcast %broadcast_in_dim3A_5 : i32 to vector<16xi32>
    %scan3A = arith.constant 0 : i32
    %scan3A_7 = arith.constant 0 : i32
    %scan3A_8 = arith.constant 25 : i32
    %scan3A_9 = arith.addi %scan3A_7, %scan3A_8 : i32
    %scan3A_10 = arith.constant 1 : i32
    scf.for %scan3A_12 = %scan3A_7 to %scan3A_9 step %scan3A_10  : i32 {
      %mul3A_13 = arith.constant 32 : i32
      %mul3A_14 = arith.muli %scan3A_12, %mul3A_13 : i32
      %add3A_15 = arith.addi %mul3A_14, %add3A : i32
      %mul3A_16 = arith.constant 128 : i32
      %mul3A_17 = arith.muli %add3A_15, %mul3A_16 : i32
      %multiple_of3A = tpu.assume_multiple %mul3A_17, 128 : i32
      %lt3A = arith.constant 100096 : i32
      %lt3A_18 = arith.cmpi slt, %multiple_of3A, %lt3A : i32
      %convert_element_type3A = arith.extui %lt3A_18 : i1 to i32
      %cond3A = arith.constant 0 : i32
      %cond3A_19 = arith.cmpi ne, %convert_element_type3A, %cond3A : i32
      scf.if %cond3A_19 {
        %add3A_20 = arith.constant 128 : i32
        %add3A_21 = arith.addi %multiple_of3A, %add3A_20 : i32
        %le3A = arith.constant 100000 : i32
        %le3A_22 = arith.cmpi sle, %add3A_21, %le3A : i32
        %convert_element_type3A_23 = arith.extui %le3A_22 : i1 to i32
        %cond3A_24 = arith.constant 0 : i32
        %cond3A_25 = arith.cmpi ne, %convert_element_type3A_23, %cond3A_24 : i32
        scf.if %cond3A_25 {
          "tpu.region"() ({
            %run_scoped3A = tpu.sem_alloc : memref<!tpu.dma_semaphore, #tpu.memory_space<semaphore_mem>>
            %dma_start3A = tpu.memref_slice %arg3[%multiple_of3A] : memref<100000xi32, #tpu.memory_space<hbm>> -> memref<128xi32, #tpu.memory_space<hbm>>
            %dma_start3A_1226 = tpu.memref_slice %arg3[%multiple_of3A] : memref<100000xi32, #tpu.memory_space<hbm>> -> memref<128xi32, #tpu.memory_space<hbm>>
            tpu.enqueue_dma source(%dma_start3A_1226 : memref<128xi32, #tpu.memory_space<hbm>>) target(%arg5 : memref<128xi32, #tpu.memory_space<vmem>>) target_semaphore(%run_scoped3A : memref<!tpu.dma_semaphore, #tpu.memory_space<semaphore_mem>>)
            %dma_wait3A = tpu.memref_slice %arg3[%multiple_of3A] : memref<100000xi32, #tpu.memory_space<hbm>> -> memref<128xi32, #tpu.memory_space<hbm>>
            %dma_wait3A_1227 = tpu.memref_slice %arg3[%multiple_of3A] : memref<100000xi32, #tpu.memory_space<hbm>> -> memref<128xi32, #tpu.memory_space<hbm>>
            tpu.wait_dma2 semaphore(%run_scoped3A : memref<!tpu.dma_semaphore, #tpu.memory_space<semaphore_mem>>) src(%dma_wait3A_1227 : memref<128xi32, #tpu.memory_space<hbm>>) dst(%arg5 : memref<128xi32, #tpu.memory_space<vmem>>)
            tpu.yield
          }) : () -> ()
        } else {
        }
        %add3A_26 = arith.constant 128 : i32
        %add3A_27 = arith.addi %multiple_of3A, %add3A_26 : i32
        %gt3A = arith.constant 100000 : i32
        %gt3A_28 = arith.cmpi sgt, %add3A_27, %gt3A : i32
        %convert_element_type3A_29 = arith.extui %gt3A_28 : i1 to i32
        %cond3A_30 = arith.constant 0 : i32
        %cond3A_31 = arith.cmpi ne, %convert_element_type3A_29, %cond3A_30 : i32
        scf.if %cond3A_31 {
          "tpu.region"() ({
            %run_scoped3A = tpu.sem_alloc : memref<!tpu.dma_semaphore, #tpu.memory_space<semaphore_mem>>
            %dma_start3A = arith.constant 0 : i32
            %dma_start3A_1226 = tpu.memref_slice %arg5[%dma_start3A] : memref<128xi32, #tpu.memory_space<vmem>> -> memref<32xi32, #tpu.memory_space<vmem>>
            %dma_start3A_1227 = tpu.memref_slice %arg3[%multiple_of3A] : memref<100000xi32, #tpu.memory_space<hbm>> -> memref<32xi32, #tpu.memory_space<hbm>>
            %dma_start3A_1228 = arith.constant 0 : i32
            %dma_start3A_1229 = tpu.memref_slice %arg5[%dma_start3A_1228] : memref<128xi32, #tpu.memory_space<vmem>> -> memref<32xi32, #tpu.memory_space<vmem>>
            %dma_start3A_1230 = tpu.memref_slice %arg3[%multiple_of3A] : memref<100000xi32, #tpu.memory_space<hbm>> -> memref<32xi32, #tpu.memory_space<hbm>>
            tpu.enqueue_dma source(%dma_start3A_1230 : memref<32xi32, #tpu.memory_space<hbm>>) target(%dma_start3A_1229 : memref<32xi32, #tpu.memory_space<vmem>>) target_semaphore(%run_scoped3A : memref<!tpu.dma_semaphore, #tpu.memory_space<semaphore_mem>>)
            %dma_wait3A = arith.constant 0 : i32
            %dma_wait3A_1231 = tpu.memref_slice %arg5[%dma_wait3A] : memref<128xi32, #tpu.memory_space<vmem>> -> memref<32xi32, #tpu.memory_space<vmem>>
            %dma_wait3A_1232 = tpu.memref_slice %arg3[%multiple_of3A] : memref<100000xi32, #tpu.memory_space<hbm>> -> memref<32xi32, #tpu.memory_space<hbm>>
            %dma_wait3A_1233 = arith.constant 0 : i32
            %dma_wait3A_1234 = tpu.memref_slice %arg5[%dma_wait3A_1233] : memref<128xi32, #tpu.memory_space<vmem>> -> memref<32xi32, #tpu.memory_space<vmem>>
            %dma_wait3A_1235 = tpu.memref_slice %arg3[%multiple_of3A] : memref<100000xi32, #tpu.memory_space<hbm>> -> memref<32xi32, #tpu.memory_space<hbm>>
            tpu.wait_dma2 semaphore(%run_scoped3A : memref<!tpu.dma_semaphore, #tpu.memory_space<semaphore_mem>>) src(%dma_wait3A_1235 : memref<32xi32, #tpu.memory_space<hbm>>) dst(%dma_wait3A_1234 : memref<32xi32, #tpu.memory_space<vmem>>)
            tpu.yield
          }) : () -> ()
        } else {
        }
        %swap3A = arith.constant 0 : index
        %swap3A_32 = tpu.vector_load %arg6[%swap3A] {strides = array<i32>} : memref<112xi32, #tpu.memory_space<vmem>>, vector<16xi32>,
        tpu.vector_store %arg6[%swap3A], %broadcast_in_dim3A_4 {strides = array<i32>} : memref<112xi32, #tpu.memory_space<vmem>>, vector<16xi32>,
        %swap3A_33 = arith.constant 16 : index
        %swap3A_34 = tpu.vector_load %arg6[%swap3A_33] {strides = array<i32>} : memref<112xi32, #tpu.memory_space<vmem>>, vector<16xi32>,
        tpu.vector_store %arg6[%swap3A_33], %broadcast_in_dim3A_4 {strides = array<i32>} : memref<112xi32, #tpu.memory_space<vmem>>, vector<16xi32>,
        %swap3A_35 = arith.constant 32 : index
        %swap3A_36 = tpu.vector_load %arg6[%swap3A_35] {strides = array<i32>} : memref<112xi32, #tpu.memory_space<vmem>>, vector<16xi32>,
        tpu.vector_store %arg6[%swap3A_35], %broadcast_in_dim3A_4 {strides = array<i32>} : memref<112xi32, #tpu.memory_space<vmem>>, vector<16xi32>,
        %swap3A_37 = arith.constant 48 : index
        %swap3A_38 = tpu.vector_load %arg6[%swap3A_37] {strides = array<i32>} : memref<112xi32, #tpu.memory_space<vmem>>, vector<16xi32>,
        tpu.vector_store %arg6[%swap3A_37], %broadcast_in_dim3A_4 {strides = array<i32>} : memref<112xi32, #tpu.memory_space<vmem>>, vector<16xi32>,
        %swap3A_39 = arith.constant 64 : index
        %swap3A_40 = tpu.vector_load %arg6[%swap3A_39] {strides = array<i32>} : memref<112xi32, #tpu.memory_space<vmem>>, vector<16xi32>,
        tpu.vector_store %arg6[%swap3A_39], %broadcast_in_dim3A_4 {strides = array<i32>} : memref<112xi32, #tpu.memory_space<vmem>>, vector<16xi32>,
        %swap3A_41 = arith.constant 80 : index
        %swap3A_42 = tpu.vector_load %arg6[%swap3A_41] {strides = array<i32>} : memref<112xi32, #tpu.memory_space<vmem>>, vector<16xi32>,
        tpu.vector_store %arg6[%swap3A_41], %broadcast_in_dim3A_4 {strides = array<i32>} : memref<112xi32, #tpu.memory_space<vmem>>, vector<16xi32>,
        %swap3A_43 = arith.constant 96 : index
        %swap3A_44 = tpu.vector_load %arg6[%swap3A_43] {strides = array<i32>} : memref<112xi32, #tpu.memory_space<vmem>>, vector<16xi32>,
        tpu.vector_store %arg6[%swap3A_43], %broadcast_in_dim3A_4 {strides = array<i32>} : memref<112xi32, #tpu.memory_space<vmem>>, vector<16xi32>,
        %get3A = arith.constant 0 : index
        %get3A_45 = tpu.vector_load %arg5[%get3A] {strides = array<i32>} : memref<128xi32, #tpu.memory_space<vmem>>, vector<16xi32>,
        tpu.vector_store_idx %arg6[%get3A_45], %broadcast_in_dim3A_6 : memref<112xi32, #tpu.memory_space<vmem>>[vector<16xi32>], vector<16xi32>,
        %get3A_46 = arith.constant 16 : index
        %get3A_47 = tpu.vector_load %arg5[%get3A_46] {strides = array<i32>} : memref<128xi32, #tpu.memory_space<vmem>>, vector<16xi32>,
        tpu.vector_store_idx %arg6[%get3A_47], %broadcast_in_dim3A_6 : memref<112xi32, #tpu.memory_space<vmem>>[vector<16xi32>], vector<16xi32>,
        %get3A_48 = arith.constant 32 : index
        %get3A_49 = tpu.vector_load %arg5[%get3A_48] {strides = array<i32>} : memref<128xi32, #tpu.memory_space<vmem>>, vector<16xi32>,
        tpu.vector_store_idx %arg6[%get3A_49], %broadcast_in_dim3A_6 : memref<112xi32, #tpu.memory_space<vmem>>[vector<16xi32>], vector<16xi32>,
        %get3A_50 = arith.constant 48 : index
        %get3A_51 = tpu.vector_load %arg5[%get3A_50] {strides = array<i32>} : memref<128xi32, #tpu.memory_space<vmem>>, vector<16xi32>,
        tpu.vector_store_idx %arg6[%get3A_51], %broadcast_in_dim3A_6 : memref<112xi32, #tpu.memory_space<vmem>>[vector<16xi32>], vector<16xi32>,
        %get3A_52 = arith.constant 64 : index
        %get3A_53 = tpu.vector_load %arg5[%get3A_52] {strides = array<i32>} : memref<128xi32, #tpu.memory_space<vmem>>, vector<16xi32>,
        tpu.vector_store_idx %arg6[%get3A_53], %broadcast_in_dim3A_6 : memref<112xi32, #tpu.memory_space<vmem>>[vector<16xi32>], vector<16xi32>,
        %get3A_54 = arith.constant 80 : index
        %get3A_55 = tpu.vector_load %arg5[%get3A_54] {strides = array<i32>} : memref<128xi32, #tpu.memory_space<vmem>>, vector<16xi32>,
        tpu.vector_store_idx %arg6[%get3A_55], %broadcast_in_dim3A_6 : memref<112xi32, #tpu.memory_space<vmem>>[vector<16xi32>], vector<16xi32>,
        %get3A_56 = arith.constant 96 : index
        %get3A_57 = tpu.vector_load %arg5[%get3A_56] {strides = array<i32>} : memref<128xi32, #tpu.memory_space<vmem>>, vector<16xi32>,
        tpu.vector_store_idx %arg6[%get3A_57], %broadcast_in_dim3A_6 : memref<112xi32, #tpu.memory_space<vmem>>[vector<16xi32>], vector<16xi32>,
        %get3A_58 = arith.constant 112 : index
        %get3A_59 = tpu.vector_load %arg5[%get3A_58] {strides = array<i32>} : memref<128xi32, #tpu.memory_space<vmem>>, vector<16xi32>,
        tpu.vector_store_idx %arg6[%get3A_59], %broadcast_in_dim3A_6 : memref<112xi32, #tpu.memory_space<vmem>>[vector<16xi32>], vector<16xi32>,
        %get3A_60 = arith.constant 0 : index
        %get3A_61 = tpu.vector_load %arg6[%get3A_60] {strides = array<i32>} : memref<112xi32, #tpu.memory_space<vmem>>, vector<16xi32>,
        %get3A_62 = arith.constant 16 : index
        %get3A_63 = tpu.vector_load %arg6[%get3A_62] {strides = array<i32>} : memref<112xi32, #tpu.memory_space<vmem>>, vector<16xi32>,
        %get3A_64 = arith.constant 32 : index
        %get3A_65 = tpu.vector_load %arg6[%get3A_64] {strides = array<i32>} : memref<112xi32, #tpu.memory_space<vmem>>, vector<16xi32>,
        %get3A_66 = arith.constant 48 : index
        %get3A_67 = tpu.vector_load %arg6[%get3A_66] {strides = array<i32>} : memref<112xi32, #tpu.memory_space<vmem>>, vector<16xi32>,
        %get3A_68 = arith.constant 64 : index
        %get3A_69 = tpu.vector_load %arg6[%get3A_68] {strides = array<i32>} : memref<112xi32, #tpu.memory_space<vmem>>, vector<16xi32>,
        %get3A_70 = arith.constant 80 : index
        %get3A_71 = tpu.vector_load %arg6[%get3A_70] {strides = array<i32>} : memref<112xi32, #tpu.memory_space<vmem>>, vector<16xi32>,
        %get3A_72 = arith.constant 96 : index
        %get3A_73 = tpu.vector_load %arg6[%get3A_72] {strides = array<i32>} : memref<112xi32, #tpu.memory_space<vmem>>, vector<16xi32>,
        %slice3A = vector.extract_strided_slice %get3A_61 {offsets = [0], sizes = [1], strides = [1]} : vector<16xi32> to vector<1xi32>
        %squeeze3A = vector.extract %slice3A[0] : i32 from vector<1xi32>
        %ne3A = arith.constant 0 : i32
        %ne3A_74 = arith.cmpi ne, %squeeze3A, %ne3A : i32
        %convert_element_type3A_75 = arith.extui %ne3A_74 : i1 to i32
        %cond3A_76 = arith.constant 0 : i32
        %cond3A_77 = arith.cmpi ne, %convert_element_type3A_75, %cond3A_76 : i32
        scf.if %cond3A_77 {
          %dma_start3A = arith.constant 0 : i32
          %dma_start3A_1226 = arith.constant 0 : i32
          %dma_start3A_1227 = arith.constant 0 : i32
          %dma_start3A_1228 = arith.constant 0 : i32
          %dma_start3A_1229 = tpu.memref_slice %arg7[%dma_start3A_1226, %dma_start3A_1227, %dma_start3A_1228] : memref<100x8x128xf32, #tpu.memory_space<vmem>> -> memref<1x8x128xf32, #tpu.memory_space<vmem>>
          %dma_start3A_1230 = tpu.memref_squeeze %dma_start3A_1229 : memref<1x8x128xf32, #tpu.memory_space<vmem>> -> memref<8x128xf32, #tpu.memory_space<vmem>>
          %dma_start3A_1231 = arith.constant 0 : i32
          %dma_start3A_1232 = tpu.memref_slice %arg2[%dma_start3A, %dma_start3A_1231, %multiple_of3A] : memref<100x8x100000xf32, #tpu.memory_space<hbm>> -> memref<1x8x128xf32, #tpu.memory_space<hbm>>
          %dma_start3A_1233 = tpu.memref_squeeze %dma_start3A_1232 : memref<1x8x128xf32, #tpu.memory_space<hbm>> -> memref<8x128xf32, #tpu.memory_space<hbm>>
          %dma_start3A_1234 = arith.constant 0 : i32
          %dma_start3A_1235 = arith.constant 0 : i32
          %dma_start3A_1236 = tpu.memref_slice %arg7[%dma_start3A_1226, %dma_start3A_1234, %dma_start3A_1235] : memref<100x8x128xf32, #tpu.memory_space<vmem>> -> memref<1x8x128xf32, #tpu.memory_space<vmem>>
          %dma_start3A_1237 = tpu.memref_squeeze %dma_start3A_1236 : memref<1x8x128xf32, #tpu.memory_space<vmem>> -> memref<8x128xf32, #tpu.memory_space<vmem>>
          %dma_start3A_1238 = arith.constant 0 : i32
          %dma_start3A_1239 = tpu.memref_slice %arg2[%dma_start3A, %dma_start3A_1238, %multiple_of3A] : memref<100x8x100000xf32, #tpu.memory_space<hbm>> -> memref<1x8x128xf32, #tpu.memory_space<hbm>>
          %dma_start3A_1240 = tpu.memref_squeeze %dma_start3A_1239 : memref<1x8x128xf32, #tpu.memory_space<hbm>> -> memref<8x128xf32, #tpu.memory_space<hbm>>
          tpu.enqueue_dma source(%dma_start3A_1240 : memref<8x128xf32, #tpu.memory_space<hbm>>) target(%dma_start3A_1237 : memref<8x128xf32, #tpu.memory_space<vmem>>) target_semaphore(%arg9 : memref<!tpu.dma_semaphore, #tpu.memory_space<semaphore_mem>>)
        } else {
        }
        %slice3A_78 = vector.extract_strided_slice %get3A_61 {offsets = [1], sizes = [1], strides = [1]} : vector<16xi32> to vector<1xi32>
        %squeeze3A_79 = vector.extract %slice3A_78[0] : i32 from vector<1xi32>
        %ne3A_80 = arith.constant 0 : i32
        %ne3A_81 = arith.cmpi ne, %squeeze3A_79, %ne3A_80 : i32
        %convert_element_type3A_82 = arith.extui %ne3A_81 : i1 to i32
        %cond3A_83 = arith.constant 0 : i32
        %cond3A_84 = arith.cmpi ne, %convert_element_type3A_82, %cond3A_83 : i32
        scf.if %cond3A_84 {
          %dma_start3A = arith.constant 1 : i32
          %dma_start3A_1226 = arith.constant 1 : i32
          %dma_start3A_1227 = arith.constant 0 : i32
          %dma_start3A_1228 = arith.constant 0 : i32
          %dma_start3A_1229 = tpu.memref_slice %arg7[%dma_start3A_1226, %dma_start3A_1227, %dma_start3A_1228] : memref<100x8x128xf32, #tpu.memory_space<vmem>> -> memref<1x8x128xf32, #tpu.memory_space<vmem>>
          %dma_start3A_1230 = tpu.memref_squeeze %dma_start3A_1229 : memref<1x8x128xf32, #tpu.memory_space<vmem>> -> memref<8x128xf32, #tpu.memory_space<vmem>>
          %dma_start3A_1231 = arith.constant 0 : i32
          %dma_start3A_1232 = tpu.memref_slice %arg2[%dma_start3A, %dma_start3A_1231, %multiple_of3A] : memref<100x8x100000xf32, #tpu.memory_space<hbm>> -> memref<1x8x128xf32, #tpu.memory_space<hbm>>
          %dma_start3A_1233 = tpu.memref_squeeze %dma_start3A_1232 : memref<1x8x128xf32, #tpu.memory_space<hbm>> -> memref<8x128xf32, #tpu.memory_space<hbm>>
          %dma_start3A_1234 = arith.constant 0 : i32
          %dma_start3A_1235 = arith.constant 0 : i32
          %dma_start3A_1236 = tpu.memref_slice %arg7[%dma_start3A_1226, %dma_start3A_1234, %dma_start3A_1235] : memref<100x8x128xf32, #tpu.memory_space<vmem>> -> memref<1x8x128xf32, #tpu.memory_space<vmem>>
          %dma_start3A_1237 = tpu.memref_squeeze %dma_start3A_1236 : memref<1x8x128xf32, #tpu.memory_space<vmem>> -> memref<8x128xf32, #tpu.memory_space<vmem>>
          %dma_start3A_1238 = arith.constant 0 : i32
          %dma_start3A_1239 = tpu.memref_slice %arg2[%dma_start3A, %dma_start3A_1238, %multiple_of3A] : memref<100x8x100000xf32, #tpu.memory_space<hbm>> -> memref<1x8x128xf32, #tpu.memory_space<hbm>>
          %dma_start3A_1240 = tpu.memref_squeeze %dma_start3A_1239 : memref<1x8x128xf32, #tpu.memory_space<hbm>> -> memref<8x128xf32, #tpu.memory_space<hbm>>
          tpu.enqueue_dma source(%dma_start3A_1240 : memref<8x128xf32, #tpu.memory_space<hbm>>) target(%dma_start3A_1237 : memref<8x128xf32, #tpu.memory_space<vmem>>) target_semaphore(%arg9 : memref<!tpu.dma_semaphore, #tpu.memory_space<semaphore_mem>>)
        } else {
        }
        %slice3A_85 = vector.extract_strided_slice %get3A_61 {offsets = [2], sizes = [1], strides = [1]} : vector<16xi32> to vector<1xi32>
        %squeeze3A_86 = vector.extract %slice3A_85[0] : i32 from vector<1xi32>
        %ne3A_87 = arith.constant 0 : i32
        %ne3A_88 = arith.cmpi ne, %squeeze3A_86, %ne3A_87 : i32
        %convert_element_type3A_89 = arith.extui %ne3A_88 : i1 to i32
        %cond3A_90 = arith.constant 0 : i32
        %cond3A_91 = arith.cmpi ne, %convert_element_type3A_89, %cond3A_90 : i32
        scf.if %cond3A_91 {
          %dma_start3A = arith.constant 2 : i32
          %dma_start3A_1226 = arith.constant 2 : i32
          %dma_start3A_1227 = arith.constant 0 : i32
          %dma_start3A_1228 = arith.constant 0 : i32
          %dma_start3A_1229 = tpu.memref_slice %arg7[%dma_start3A_1226, %dma_start3A_1227, %dma_start3A_1228] : memref<100x8x128xf32, #tpu.memory_space<vmem>> -> memref<1x8x128xf32, #tpu.memory_space<vmem>>
          %dma_start3A_1230 = tpu.memref_squeeze %dma_start3A_1229 : memref<1x8x128xf32, #tpu.memory_space<vmem>> -> memref<8x128xf32, #tpu.memory_space<vmem>>
          %dma_start3A_1231 = arith.constant 0 : i32
          %dma_start3A_1232 = tpu.memref_slice %arg2[%dma_start3A, %dma_start3A_1231, %multiple_of3A] : memref<100x8x100000xf32, #tpu.memory_space<hbm>> -> memref<1x8x128xf32, #tpu.memory_space<hbm>>
          %dma_start3A_1233 = tpu.memref_squeeze %dma_start3A_1232 : memref<1x8x128xf32, #tpu.memory_space<hbm>> -> memref<8x128xf32, #tpu.memory_space<hbm>>
          %dma_start3A_1234 = arith.constant 0 : i32
          %dma_start3A_1235 = arith.constant 0 : i32
          %dma_start3A_1236 = tpu.memref_slice %arg7[%dma_start3A_1226, %dma_start3A_1234, %dma_start3A_1235] : memref<100x8x128xf32, #tpu.memory_space<vmem>> -> memref<1x8x128xf32, #tpu.memory_space<vmem>>
          %dma_start3A_1237 = tpu.memref_squeeze %dma_start3A_1236 : memref<1x8x128xf32, #tpu.memory_space<vmem>> -> memref<8x128xf32, #tpu.memory_space<vmem>>
          %dma_start3A_1238 = arith.constant 0 : i32
          %dma_start3A_1239 = tpu.memref_slice %arg2[%dma_start3A, %dma_start3A_1238, %multiple_of3A] : memref<100x8x100000xf32, #tpu.memory_space<hbm>> -> memref<1x8x128xf32, #tpu.memory_space<hbm>>
          %dma_start3A_1240 = tpu.memref_squeeze %dma_start3A_1239 : memref<1x8x128xf32, #tpu.memory_space<hbm>> -> memref<8x128xf32, #tpu.memory_space<hbm>>
          tpu.enqueue_dma source(%dma_start3A_1240 : memref<8x128xf32, #tpu.memory_space<hbm>>) target(%dma_start3A_1237 : memref<8x128xf32, #tpu.memory_space<vmem>>) target_semaphore(%arg9 : memref<!tpu.dma_semaphore, #tpu.memory_space<semaphore_mem>>)
        } else {
        }
        %slice3A_92 = vector.extract_strided_slice %get3A_61 {offsets = [3], sizes = [1], strides = [1]} : vector<16xi32> to vector<1xi32>
        %squeeze3A_93 = vector.extract %slice3A_92[0] : i32 from vector<1xi32>
        %ne3A_94 = arith.constant 0 : i32
        %ne3A_95 = arith.cmpi ne, %squeeze3A_93, %ne3A_94 : i32
        %convert_element_type3A_96 = arith.extui %ne3A_95 : i1 to i32
        %cond3A_97 = arith.constant 0 : i32
        %cond3A_98 = arith.cmpi ne, %convert_element_type3A_96, %cond3A_97 : i32
        scf.if %cond3A_98 {
          %dma_start3A = arith.constant 3 : i32
          %dma_start3A_1226 = arith.constant 3 : i32
          %dma_start3A_1227 = arith.constant 0 : i32
          %dma_start3A_1228 = arith.constant 0 : i32
          %dma_start3A_1229 = tpu.memref_slice %arg7[%dma_start3A_1226, %dma_start3A_1227, %dma_start3A_1228] : memref<100x8x128xf32, #tpu.memory_space<vmem>> -> memref<1x8x128xf32, #tpu.memory_space<vmem>>
          %dma_start3A_1230 = tpu.memref_squeeze %dma_start3A_1229 : memref<1x8x128xf32, #tpu.memory_space<vmem>> -> memref<8x128xf32, #tpu.memory_space<vmem>>
          %dma_start3A_1231 = arith.constant 0 : i32
          %dma_start3A_1232 = tpu.memref_slice %arg2[%dma_start3A, %dma_start3A_1231, %multiple_of3A] : memref<100x8x100000xf32, #tpu.memory_space<hbm>> -> memref<1x8x128xf32, #tpu.memory_space<hbm>>
          %dma_start3A_1233 = tpu.memref_squeeze %dma_start3A_1232 : memref<1x8x128xf32, #tpu.memory_space<hbm>> -> memref<8x128xf32, #tpu.memory_space<hbm>>
          %dma_start3A_1234 = arith.constant 0 : i32
          %dma_start3A_1235 = arith.constant 0 : i32
          %dma_start3A_1236 = tpu.memref_slice %arg7[%dma_start3A_1226, %dma_start3A_1234, %dma_start3A_1235] : memref<100x8x128xf32, #tpu.memory_space<vmem>> -> memref<1x8x128xf32, #tpu.memory_space<vmem>>
          %dma_start3A_1237 = tpu.memref_squeeze %dma_start3A_1236 : memref<1x8x128xf32, #tpu.memory_space<vmem>> -> memref<8x128xf32, #tpu.memory_space<vmem>>
          %dma_start3A_1238 = arith.constant 0 : i32
          %dma_start3A_1239 = tpu.memref_slice %arg2[%dma_start3A, %dma_start3A_1238, %multiple_of3A] : memref<100x8x100000xf32, #tpu.memory_space<hbm>> -> memref<1x8x128xf32, #tpu.memory_space<hbm>>
          %dma_start3A_1240 = tpu.memref_squeeze %dma_start3A_1239 : memref<1x8x128xf32, #tpu.memory_space<hbm>> -> memref<8x128xf32, #tpu.memory_space<hbm>>
          tpu.enqueue_dma source(%dma_start3A_1240 : memref<8x128xf32, #tpu.memory_space<hbm>>) target(%dma_start3A_1237 : memref<8x128xf32, #tpu.memory_space<vmem>>) target_semaphore(%arg9 : memref<!tpu.dma_semaphore, #tpu.memory_space<semaphore_mem>>)
        } else {
        }
        %slice3A_99 = vector.extract_strided_slice %get3A_61 {offsets = [4], sizes = [1], strides = [1]} : vector<16xi32> to vector<1xi32>
        %squeeze3A_100 = vector.extract %slice3A_99[0] : i32 from vector<1xi32>
        %ne3A_101 = arith.constant 0 : i32
        %ne3A_102 = arith.cmpi ne, %squeeze3A_100, %ne3A_101 : i32
        %convert_element_type3A_103 = arith.extui %ne3A_102 : i1 to i32
        %cond3A_104 = arith.constant 0 : i32
        %cond3A_105 = arith.cmpi ne, %convert_element_type3A_103, %cond3A_104 : i32
        scf.if %cond3A_105 {
          %dma_start3A = arith.constant 4 : i32
          %dma_start3A_1226 = arith.constant 4 : i32
          %dma_start3A_1227 = arith.constant 0 : i32
          %dma_start3A_1228 = arith.constant 0 : i32
          %dma_start3A_1229 = tpu.memref_slice %arg7[%dma_start3A_1226, %dma_start3A_1227, %dma_start3A_1228] : memref<100x8x128xf32, #tpu.memory_space<vmem>> -> memref<1x8x128xf32, #tpu.memory_space<vmem>>
          %dma_start3A_1230 = tpu.memref_squeeze %dma_start3A_1229 : memref<1x8x128xf32, #tpu.memory_space<vmem>> -> memref<8x128xf32, #tpu.memory_space<vmem>>
          %dma_start3A_1231 = arith.constant 0 : i32
          %dma_start3A_1232 = tpu.memref_slice %arg2[%dma_start3A, %dma_start3A_1231, %multiple_of3A] : memref<100x8x100000xf32, #tpu.memory_space<hbm>> -> memref<1x8x128xf32, #tpu.memory_space<hbm>>
          %dma_start3A_1233 = tpu.memref_squeeze %dma_start3A_1232 : memref<1x8x128xf32, #tpu.memory_space<hbm>> -> memref<8x128xf32, #tpu.memory_space<hbm>>
          %dma_start3A_1234 = arith.constant 0 : i32
          %dma_start3A_1235 = arith.constant 0 : i32
          %dma_start3A_1236 = tpu.memref_slice %arg7[%dma_start3A_1226, %dma_start3A_1234, %dma_start3A_1235] : memref<100x8x128xf32, #tpu.memory_space<vmem>> -> memref<1x8x128xf32, #tpu.memory_space<vmem>>
          %dma_start3A_1237 = tpu.memref_squeeze %dma_start3A_1236 : memref<1x8x128xf32, #tpu.memory_space<vmem>> -> memref<8x128xf32, #tpu.memory_space<vmem>>
          %dma_start3A_1238 = arith.constant 0 : i32
          %dma_start3A_1239 = tpu.memref_slice %arg2[%dma_start3A, %dma_start3A_1238, %multiple_of3A] : memref<100x8x100000xf32, #tpu.memory_space<hbm>> -> memref<1x8x128xf32, #tpu.memory_space<hbm>>
          %dma_start3A_1240 = tpu.memref_squeeze %dma_start3A_1239 : memref<1x8x128xf32, #tpu.memory_space<hbm>> -> memref<8x128xf32, #tpu.memory_space<hbm>>
          tpu.enqueue_dma source(%dma_start3A_1240 : memref<8x128xf32, #tpu.memory_space<hbm>>) target(%dma_start3A_1237 : memref<8x128xf32, #tpu.memory_space<vmem>>) target_semaphore(%arg9 : memref<!tpu.dma_semaphore, #tpu.memory_space<semaphore_mem>>)
        } else {
        }
        %slice3A_106 = vector.extract_strided_slice %get3A_61 {offsets = [5], sizes = [1], strides = [1]} : vector<16xi32> to vector<1xi32>
        %squeeze3A_107 = vector.extract %slice3A_106[0] : i32 from vector<1xi32>
        %ne3A_108 = arith.constant 0 : i32
        %ne3A_109 = arith.cmpi ne, %squeeze3A_107, %ne3A_108 : i32
        %convert_element_type3A_110 = arith.extui %ne3A_109 : i1 to i32
        %cond3A_111 = arith.constant 0 : i32
        %cond3A_112 = arith.cmpi ne, %convert_element_type3A_110, %cond3A_111 : i32
        scf.if %cond3A_112 {
          %dma_start3A = arith.constant 5 : i32
          %dma_start3A_1226 = arith.constant 5 : i32
          %dma_start3A_1227 = arith.constant 0 : i32
          %dma_start3A_1228 = arith.constant 0 : i32
          %dma_start3A_1229 = tpu.memref_slice %arg7[%dma_start3A_1226, %dma_start3A_1227, %dma_start3A_1228] : memref<100x8x128xf32, #tpu.memory_space<vmem>> -> memref<1x8x128xf32, #tpu.memory_space<vmem>>
          %dma_start3A_1230 = tpu.memref_squeeze %dma_start3A_1229 : memref<1x8x128xf32, #tpu.memory_space<vmem>> -> memref<8x128xf32, #tpu.memory_space<vmem>>
          %dma_start3A_1231 = arith.constant 0 : i32
          %dma_start3A_1232 = tpu.memref_slice %arg2[%dma_start3A, %dma_start3A_1231, %multiple_of3A] : memref<100x8x100000xf32, #tpu.memory_space<hbm>> -> memref<1x8x128xf32, #tpu.memory_space<hbm>>
          %dma_start3A_1233 = tpu.memref_squeeze %dma_start3A_1232 : memref<1x8x128xf32, #tpu.memory_space<hbm>> -> memref<8x128xf32, #tpu.memory_space<hbm>>
          %dma_start3A_1234 = arith.constant 0 : i32
          %dma_start3A_1235 = arith.constant 0 : i32
          %dma_start3A_1236 = tpu.memref_slice %arg7[%dma_start3A_1226, %dma_start3A_1234, %dma_start3A_1235] : memref<100x8x128xf32, #tpu.memory_space<vmem>> -> memref<1x8x128xf32, #tpu.memory_space<vmem>>
          %dma_start3A_1237 = tpu.memref_squeeze %dma_start3A_1236 : memref<1x8x128xf32, #tpu.memory_space<vmem>> -> memref<8x128xf32, #tpu.memory_space<vmem>>
          %dma_start3A_1238 = arith.constant 0 : i32
          %dma_start3A_1239 = tpu.memref_slice %arg2[%dma_start3A, %dma_start3A_1238, %multiple_of3A] : memref<100x8x100000xf32, #tpu.memory_space<hbm>> -> memref<1x8x128xf32, #tpu.memory_space<hbm>>
          %dma_start3A_1240 = tpu.memref_squeeze %dma_start3A_1239 : memref<1x8x128xf32, #tpu.memory_space<hbm>> -> memref<8x128xf32, #tpu.memory_space<hbm>>
          tpu.enqueue_dma source(%dma_start3A_1240 : memref<8x128xf32, #tpu.memory_space<hbm>>) target(%dma_start3A_1237 : memref<8x128xf32, #tpu.memory_space<vmem>>) target_semaphore(%arg9 : memref<!tpu.dma_semaphore, #tpu.memory_space<semaphore_mem>>)
        } else {
        }
        %slice3A_113 = vector.extract_strided_slice %get3A_61 {offsets = [6], sizes = [1], strides = [1]} : vector<16xi32> to vector<1xi32>
        %squeeze3A_114 = vector.extract %slice3A_113[0] : i32 from vector<1xi32>
        %ne3A_115 = arith.constant 0 : i32
        %ne3A_116 = arith.cmpi ne, %squeeze3A_114, %ne3A_115 : i32
        %convert_element_type3A_117 = arith.extui %ne3A_116 : i1 to i32
        %cond3A_118 = arith.constant 0 : i32
        %cond3A_119 = arith.cmpi ne, %convert_element_type3A_117, %cond3A_118 : i32
        scf.if %cond3A_119 {
          %dma_start3A = arith.constant 6 : i32
          %dma_start3A_1226 = arith.constant 6 : i32
          %dma_start3A_1227 = arith.constant 0 : i32
          %dma_start3A_1228 = arith.constant 0 : i32
          %dma_start3A_1229 = tpu.memref_slice %arg7[%dma_start3A_1226, %dma_start3A_1227, %dma_start3A_1228] : memref<100x8x128xf32, #tpu.memory_space<vmem>> -> memref<1x8x128xf32, #tpu.memory_space<vmem>>
          %dma_start3A_1230 = tpu.memref_squeeze %dma_start3A_1229 : memref<1x8x128xf32, #tpu.memory_space<vmem>> -> memref<8x128xf32, #tpu.memory_space<vmem>>
          %dma_start3A_1231 = arith.constant 0 : i32
          %dma_start3A_1232 = tpu.memref_slice %arg2[%dma_start3A, %dma_start3A_1231, %multiple_of3A] : memref<100x8x100000xf32, #tpu.memory_space<hbm>> -> memref<1x8x128xf32, #tpu.memory_space<hbm>>
          %dma_start3A_1233 = tpu.memref_squeeze %dma_start3A_1232 : memref<1x8x128xf32, #tpu.memory_space<hbm>> -> memref<8x128xf32, #tpu.memory_space<hbm>>
          %dma_start3A_1234 = arith.constant 0 : i32
          %dma_start3A_1235 = arith.constant 0 : i32
          %dma_start3A_1236 = tpu.memref_slice %arg7[%dma_start3A_1226, %dma_start3A_1234, %dma_start3A_1235] : memref<100x8x128xf32, #tpu.memory_space<vmem>> -> memref<1x8x128xf32, #tpu.memory_space<vmem>>
          %dma_start3A_1237 = tpu.memref_squeeze %dma_start3A_1236 : memref<1x8x128xf32, #tpu.memory_space<vmem>> -> memref<8x128xf32, #tpu.memory_space<vmem>>
          %dma_start3A_1238 = arith.constant 0 : i32
          %dma_start3A_1239 = tpu.memref_slice %arg2[%dma_start3A, %dma_start3A_1238, %multiple_of3A] : memref<100x8x100000xf32, #tpu.memory_space<hbm>> -> memref<1x8x128xf32, #tpu.memory_space<hbm>>
          %dma_start3A_1240 = tpu.memref_squeeze %dma_start3A_1239 : memref<1x8x128xf32, #tpu.memory_space<hbm>> -> memref<8x128xf32, #tpu.memory_space<hbm>>
          tpu.enqueue_dma source(%dma_start3A_1240 : memref<8x128xf32, #tpu.memory_space<hbm>>) target(%dma_start3A_1237 : memref<8x128xf32, #tpu.memory_space<vmem>>) target_semaphore(%arg9 : memref<!tpu.dma_semaphore, #tpu.memory_space<semaphore_mem>>)
        } else {
        }
        %slice3A_120 = vector.extract_strided_slice %get3A_61 {offsets = [7], sizes = [1], strides = [1]} : vector<16xi32> to vector<1xi32>
        %squeeze3A_121 = vector.extract %slice3A_120[0] : i32 from vector<1xi32>
        %ne3A_122 = arith.constant 0 : i32
        %ne3A_123 = arith.cmpi ne, %squeeze3A_121, %ne3A_122 : i32
        %convert_element_type3A_124 = arith.extui %ne3A_123 : i1 to i32
        %cond3A_125 = arith.constant 0 : i32
        %cond3A_126 = arith.cmpi ne, %convert_element_type3A_124, %cond3A_125 : i32
        scf.if %cond3A_126 {
          %dma_start3A = arith.constant 7 : i32
          %dma_start3A_1226 = arith.constant 7 : i32
          %dma_start3A_1227 = arith.constant 0 : i32
          %dma_start3A_1228 = arith.constant 0 : i32
          %dma_start3A_1229 = tpu.memref_slice %arg7[%dma_start3A_1226, %dma_start3A_1227, %dma_start3A_1228] : memref<100x8x128xf32, #tpu.memory_space<vmem>> -> memref<1x8x128xf32, #tpu.memory_space<vmem>>
          %dma_start3A_1230 = tpu.memref_squeeze %dma_start3A_1229 : memref<1x8x128xf32, #tpu.memory_space<vmem>> -> memref<8x128xf32, #tpu.memory_space<vmem>>
          %dma_start3A_1231 = arith.constant 0 : i32
          %dma_start3A_1232 = tpu.memref_slice %arg2[%dma_start3A, %dma_start3A_1231, %multiple_of3A] : memref<100x8x100000xf32, #tpu.memory_space<hbm>> -> memref<1x8x128xf32, #tpu.memory_space<hbm>>
          %dma_start3A_1233 = tpu.memref_squeeze %dma_start3A_1232 : memref<1x8x128xf32, #tpu.memory_space<hbm>> -> memref<8x128xf32, #tpu.memory_space<hbm>>
          %dma_start3A_1234 = arith.constant 0 : i32
          %dma_start3A_1235 = arith.constant 0 : i32
          %dma_start3A_1236 = tpu.memref_slice %arg7[%dma_start3A_1226, %dma_start3A_1234, %dma_start3A_1235] : memref<100x8x128xf32, #tpu.memory_space<vmem>> -> memref<1x8x128xf32, #tpu.memory_space<vmem>>
          %dma_start3A_1237 = tpu.memref_squeeze %dma_start3A_1236 : memref<1x8x128xf32, #tpu.memory_space<vmem>> -> memref<8x128xf32, #tpu.memory_space<vmem>>
          %dma_start3A_1238 = arith.constant 0 : i32
          %dma_start3A_1239 = tpu.memref_slice %arg2[%dma_start3A, %dma_start3A_1238, %multiple_of3A] : memref<100x8x100000xf32, #tpu.memory_space<hbm>> -> memref<1x8x128xf32, #tpu.memory_space<hbm>>
          %dma_start3A_1240 = tpu.memref_squeeze %dma_start3A_1239 : memref<1x8x128xf32, #tpu.memory_space<hbm>> -> memref<8x128xf32, #tpu.memory_space<hbm>>
          tpu.enqueue_dma source(%dma_start3A_1240 : memref<8x128xf32, #tpu.memory_space<hbm>>) target(%dma_start3A_1237 : memref<8x128xf32, #tpu.memory_space<vmem>>) target_semaphore(%arg9 : memref<!tpu.dma_semaphore, #tpu.memory_space<semaphore_mem>>)
        } else {
        }
        %slice3A_127 = vector.extract_strided_slice %get3A_61 {offsets = [8], sizes = [1], strides = [1]} : vector<16xi32> to vector<1xi32>
        %squeeze3A_128 = vector.extract %slice3A_127[0] : i32 from vector<1xi32>
        %ne3A_129 = arith.constant 0 : i32
        %ne3A_130 = arith.cmpi ne, %squeeze3A_128, %ne3A_129 : i32
        %convert_element_type3A_131 = arith.extui %ne3A_130 : i1 to i32
        %cond3A_132 = arith.constant 0 : i32
        %cond3A_133 = arith.cmpi ne, %convert_element_type3A_131, %cond3A_132 : i32
        scf.if %cond3A_133 {
          %dma_start3A = arith.constant 8 : i32
          %dma_start3A_1226 = arith.constant 8 : i32
          %dma_start3A_1227 = arith.constant 0 : i32
          %dma_start3A_1228 = arith.constant 0 : i32
          %dma_start3A_1229 = tpu.memref_slice %arg7[%dma_start3A_1226, %dma_start3A_1227, %dma_start3A_1228] : memref<100x8x128xf32, #tpu.memory_space<vmem>> -> memref<1x8x128xf32, #tpu.memory_space<vmem>>
          %dma_start3A_1230 = tpu.memref_squeeze %dma_start3A_1229 : memref<1x8x128xf32, #tpu.memory_space<vmem>> -> memref<8x128xf32, #tpu.memory_space<vmem>>
          %dma_start3A_1231 = arith.constant 0 : i32
          %dma_start3A_1232 = tpu.memref_slice %arg2[%dma_start3A, %dma_start3A_1231, %multiple_of3A] : memref<100x8x100000xf32, #tpu.memory_space<hbm>> -> memref<1x8x128xf32, #tpu.memory_space<hbm>>
          %dma_start3A_1233 = tpu.memref_squeeze %dma_start3A_1232 : memref<1x8x128xf32, #tpu.memory_space<hbm>> -> memref<8x128xf32, #tpu.memory_space<hbm>>
          %dma_start3A_1234 = arith.constant 0 : i32
          %dma_start3A_1235 = arith.constant 0 : i32
          %dma_start3A_1236 = tpu.memref_slice %arg7[%dma_start3A_1226, %dma_start3A_1234, %dma_start3A_1235] : memref<100x8x128xf32, #tpu.memory_space<vmem>> -> memref<1x8x128xf32, #tpu.memory_space<vmem>>
          %dma_start3A_1237 = tpu.memref_squeeze %dma_start3A_1236 : memref<1x8x128xf32, #tpu.memory_space<vmem>> -> memref<8x128xf32, #tpu.memory_space<vmem>>
          %dma_start3A_1238 = arith.constant 0 : i32
          %dma_start3A_1239 = tpu.memref_slice %arg2[%dma_start3A, %dma_start3A_1238, %multiple_of3A] : memref<100x8x100000xf32, #tpu.memory_space<hbm>> -> memref<1x8x128xf32, #tpu.memory_space<hbm>>
          %dma_start3A_1240 = tpu.memref_squeeze %dma_start3A_1239 : memref<1x8x128xf32, #tpu.memory_space<hbm>> -> memref<8x128xf32, #tpu.memory_space<hbm>>
          tpu.enqueue_dma source(%dma_start3A_1240 : memref<8x128xf32, #tpu.memory_space<hbm>>) target(%dma_start3A_1237 : memref<8x128xf32, #tpu.memory_space<vmem>>) target_semaphore(%arg9 : memref<!tpu.dma_semaphore, #tpu.memory_space<semaphore_mem>>)
        } else {
        }
        %slice3A_134 = vector.extract_strided_slice %get3A_61 {offsets = [9], sizes = [1], strides = [1]} : vector<16xi32> to vector<1xi32>
        %squeeze3A_135 = vector.extract %slice3A_134[0] : i32 from vector<1xi32>
        %ne3A_136 = arith.constant 0 : i32
        %ne3A_137 = arith.cmpi ne, %squeeze3A_135, %ne3A_136 : i32
        %convert_element_type3A_138 = arith.extui %ne3A_137 : i1 to i32
        %cond3A_139 = arith.constant 0 : i32
        %cond3A_140 = arith.cmpi ne, %convert_element_type3A_138, %cond3A_139 : i32
        scf.if %cond3A_140 {
          %dma_start3A = arith.constant 9 : i32
          %dma_start3A_1226 = arith.constant 9 : i32
          %dma_start3A_1227 = arith.constant 0 : i32
          %dma_start3A_1228 = arith.constant 0 : i32
          %dma_start3A_1229 = tpu.memref_slice %arg7[%dma_start3A_1226, %dma_start3A_1227, %dma_start3A_1228] : memref<100x8x128xf32, #tpu.memory_space<vmem>> -> memref<1x8x128xf32, #tpu.memory_space<vmem>>
          %dma_start3A_1230 = tpu.memref_squeeze %dma_start3A_1229 : memref<1x8x128xf32, #tpu.memory_space<vmem>> -> memref<8x128xf32, #tpu.memory_space<vmem>>
          %dma_start3A_1231 = arith.constant 0 : i32
          %dma_start3A_1232 = tpu.memref_slice %arg2[%dma_start3A, %dma_start3A_1231, %multiple_of3A] : memref<100x8x100000xf32, #tpu.memory_space<hbm>> -> memref<1x8x128xf32, #tpu.memory_space<hbm>>
          %dma_start3A_1233 = tpu.memref_squeeze %dma_start3A_1232 : memref<1x8x128xf32, #tpu.memory_space<hbm>> -> memref<8x128xf32, #tpu.memory_space<hbm>>
          %dma_start3A_1234 = arith.constant 0 : i32
          %dma_start3A_1235 = arith.constant 0 : i32
          %dma_start3A_1236 = tpu.memref_slice %arg7[%dma_start3A_1226, %dma_start3A_1234, %dma_start3A_1235] : memref<100x8x128xf32, #tpu.memory_space<vmem>> -> memref<1x8x128xf32, #tpu.memory_space<vmem>>
          %dma_start3A_1237 = tpu.memref_squeeze %dma_start3A_1236 : memref<1x8x128xf32, #tpu.memory_space<vmem>> -> memref<8x128xf32, #tpu.memory_space<vmem>>
          %dma_start3A_1238 = arith.constant 0 : i32
          %dma_start3A_1239 = tpu.memref_slice %arg2[%dma_start3A, %dma_start3A_1238, %multiple_of3A] : memref<100x8x100000xf32, #tpu.memory_space<hbm>> -> memref<1x8x128xf32, #tpu.memory_space<hbm>>
          %dma_start3A_1240 = tpu.memref_squeeze %dma_start3A_1239 : memref<1x8x128xf32, #tpu.memory_space<hbm>> -> memref<8x128xf32, #tpu.memory_space<hbm>>
          tpu.enqueue_dma source(%dma_start3A_1240 : memref<8x128xf32, #tpu.memory_space<hbm>>) target(%dma_start3A_1237 : memref<8x128xf32, #tpu.memory_space<vmem>>) target_semaphore(%arg9 : memref<!tpu.dma_semaphore, #tpu.memory_space<semaphore_mem>>)
        } else {
        }
        %slice3A_141 = vector.extract_strided_slice %get3A_61 {offsets = [10], sizes = [1], strides = [1]} : vector<16xi32> to vector<1xi32>
        %squeeze3A_142 = vector.extract %slice3A_141[0] : i32 from vector<1xi32>
        %ne3A_143 = arith.constant 0 : i32
        %ne3A_144 = arith.cmpi ne, %squeeze3A_142, %ne3A_143 : i32
        %convert_element_type3A_145 = arith.extui %ne3A_144 : i1 to i32
        %cond3A_146 = arith.constant 0 : i32
        %cond3A_147 = arith.cmpi ne, %convert_element_type3A_145, %cond3A_146 : i32
        scf.if %cond3A_147 {
          %dma_start3A = arith.constant 10 : i32
          %dma_start3A_1226 = arith.constant 10 : i32
          %dma_start3A_1227 = arith.constant 0 : i32
          %dma_start3A_1228 = arith.constant 0 : i32
          %dma_start3A_1229 = tpu.memref_slice %arg7[%dma_start3A_1226, %dma_start3A_1227, %dma_start3A_1228] : memref<100x8x128xf32, #tpu.memory_space<vmem>> -> memref<1x8x128xf32, #tpu.memory_space<vmem>>
          %dma_start3A_1230 = tpu.memref_squeeze %dma_start3A_1229 : memref<1x8x128xf32, #tpu.memory_space<vmem>> -> memref<8x128xf32, #tpu.memory_space<vmem>>
          %dma_start3A_1231 = arith.constant 0 : i32
          %dma_start3A_1232 = tpu.memref_slice %arg2[%dma_start3A, %dma_start3A_1231, %multiple_of3A] : memref<100x8x100000xf32, #tpu.memory_space<hbm>> -> memref<1x8x128xf32, #tpu.memory_space<hbm>>
          %dma_start3A_1233 = tpu.memref_squeeze %dma_start3A_1232 : memref<1x8x128xf32, #tpu.memory_space<hbm>> -> memref<8x128xf32, #tpu.memory_space<hbm>>
          %dma_start3A_1234 = arith.constant 0 : i32
          %dma_start3A_1235 = arith.constant 0 : i32
          %dma_start3A_1236 = tpu.memref_slice %arg7[%dma_start3A_1226, %dma_start3A_1234, %dma_start3A_1235] : memref<100x8x128xf32, #tpu.memory_space<vmem>> -> memref<1x8x128xf32, #tpu.memory_space<vmem>>
          %dma_start3A_1237 = tpu.memref_squeeze %dma_start3A_1236 : memref<1x8x128xf32, #tpu.memory_space<vmem>> -> memref<8x128xf32, #tpu.memory_space<vmem>>
          %dma_start3A_1238 = arith.constant 0 : i32
          %dma_start3A_1239 = tpu.memref_slice %arg2[%dma_start3A, %dma_start3A_1238, %multiple_of3A] : memref<100x8x100000xf32, #tpu.memory_space<hbm>> -> memref<1x8x128xf32, #tpu.memory_space<hbm>>
          %dma_start3A_1240 = tpu.memref_squeeze %dma_start3A_1239 : memref<1x8x128xf32, #tpu.memory_space<hbm>> -> memref<8x128xf32, #tpu.memory_space<hbm>>
          tpu.enqueue_dma source(%dma_start3A_1240 : memref<8x128xf32, #tpu.memory_space<hbm>>) target(%dma_start3A_1237 : memref<8x128xf32, #tpu.memory_space<vmem>>) target_semaphore(%arg9 : memref<!tpu.dma_semaphore, #tpu.memory_space<semaphore_mem>>)
        } else {
        }
        %slice3A_148 = vector.extract_strided_slice %get3A_61 {offsets = [11], sizes = [1], strides = [1]} : vector<16xi32> to vector<1xi32>
        %squeeze3A_149 = vector.extract %slice3A_148[0] : i32 from vector<1xi32>
        %ne3A_150 = arith.constant 0 : i32
        %ne3A_151 = arith.cmpi ne, %squeeze3A_149, %ne3A_150 : i32
        %convert_element_type3A_152 = arith.extui %ne3A_151 : i1 to i32
        %cond3A_153 = arith.constant 0 : i32
        %cond3A_154 = arith.cmpi ne, %convert_element_type3A_152, %cond3A_153 : i32
        scf.if %cond3A_154 {
          %dma_start3A = arith.constant 11 : i32
          %dma_start3A_1226 = arith.constant 11 : i32
          %dma_start3A_1227 = arith.constant 0 : i32
          %dma_start3A_1228 = arith.constant 0 : i32
          %dma_start3A_1229 = tpu.memref_slice %arg7[%dma_start3A_1226, %dma_start3A_1227, %dma_start3A_1228] : memref<100x8x128xf32, #tpu.memory_space<vmem>> -> memref<1x8x128xf32, #tpu.memory_space<vmem>>
          %dma_start3A_1230 = tpu.memref_squeeze %dma_start3A_1229 : memref<1x8x128xf32, #tpu.memory_space<vmem>> -> memref<8x128xf32, #tpu.memory_space<vmem>>
          %dma_start3A_1231 = arith.constant 0 : i32
          %dma_start3A_1232 = tpu.memref_slice %arg2[%dma_start3A, %dma_start3A_1231, %multiple_of3A] : memref<100x8x100000xf32, #tpu.memory_space<hbm>> -> memref<1x8x128xf32, #tpu.memory_space<hbm>>
          %dma_start3A_1233 = tpu.memref_squeeze %dma_start3A_1232 : memref<1x8x128xf32, #tpu.memory_space<hbm>> -> memref<8x128xf32, #tpu.memory_space<hbm>>
          %dma_start3A_1234 = arith.constant 0 : i32
          %dma_start3A_1235 = arith.constant 0 : i32
          %dma_start3A_1236 = tpu.memref_slice %arg7[%dma_start3A_1226, %dma_start3A_1234, %dma_start3A_1235] : memref<100x8x128xf32, #tpu.memory_space<vmem>> -> memref<1x8x128xf32, #tpu.memory_space<vmem>>
          %dma_start3A_1237 = tpu.memref_squeeze %dma_start3A_1236 : memref<1x8x128xf32, #tpu.memory_space<vmem>> -> memref<8x128xf32, #tpu.memory_space<vmem>>
          %dma_start3A_1238 = arith.constant 0 : i32
          %dma_start3A_1239 = tpu.memref_slice %arg2[%dma_start3A, %dma_start3A_1238, %multiple_of3A] : memref<100x8x100000xf32, #tpu.memory_space<hbm>> -> memref<1x8x128xf32, #tpu.memory_space<hbm>>
          %dma_start3A_1240 = tpu.memref_squeeze %dma_start3A_1239 : memref<1x8x128xf32, #tpu.memory_space<hbm>> -> memref<8x128xf32, #tpu.memory_space<hbm>>
          tpu.enqueue_dma source(%dma_start3A_1240 : memref<8x128xf32, #tpu.memory_space<hbm>>) target(%dma_start3A_1237 : memref<8x128xf32, #tpu.memory_space<vmem>>) target_semaphore(%arg9 : memref<!tpu.dma_semaphore, #tpu.memory_space<semaphore_mem>>)
        } else {
        }
        %slice3A_155 = vector.extract_strided_slice %get3A_61 {offsets = [12], sizes = [1], strides = [1]} : vector<16xi32> to vector<1xi32>
        %squeeze3A_156 = vector.extract %slice3A_155[0] : i32 from vector<1xi32>
        %ne3A_157 = arith.constant 0 : i32
        %ne3A_158 = arith.cmpi ne, %squeeze3A_156, %ne3A_157 : i32
        %convert_element_type3A_159 = arith.extui %ne3A_158 : i1 to i32
        %cond3A_160 = arith.constant 0 : i32
        %cond3A_161 = arith.cmpi ne, %convert_element_type3A_159, %cond3A_160 : i32
        scf.if %cond3A_161 {
          %dma_start3A = arith.constant 12 : i32
          %dma_start3A_1226 = arith.constant 12 : i32
          %dma_start3A_1227 = arith.constant 0 : i32
          %dma_start3A_1228 = arith.constant 0 : i32
          %dma_start3A_1229 = tpu.memref_slice %arg7[%dma_start3A_1226, %dma_start3A_1227, %dma_start3A_1228] : memref<100x8x128xf32, #tpu.memory_space<vmem>> -> memref<1x8x128xf32, #tpu.memory_space<vmem>>
          %dma_start3A_1230 = tpu.memref_squeeze %dma_start3A_1229 : memref<1x8x128xf32, #tpu.memory_space<vmem>> -> memref<8x128xf32, #tpu.memory_space<vmem>>
          %dma_start3A_1231 = arith.constant 0 : i32
          %dma_start3A_1232 = tpu.memref_slice %arg2[%dma_start3A, %dma_start3A_1231, %multiple_of3A] : memref<100x8x100000xf32, #tpu.memory_space<hbm>> -> memref<1x8x128xf32, #tpu.memory_space<hbm>>
          %dma_start3A_1233 = tpu.memref_squeeze %dma_start3A_1232 : memref<1x8x128xf32, #tpu.memory_space<hbm>> -> memref<8x128xf32, #tpu.memory_space<hbm>>
          %dma_start3A_1234 = arith.constant 0 : i32
          %dma_start3A_1235 = arith.constant 0 : i32
          %dma_start3A_1236 = tpu.memref_slice %arg7[%dma_start3A_1226, %dma_start3A_1234, %dma_start3A_1235] : memref<100x8x128xf32, #tpu.memory_space<vmem>> -> memref<1x8x128xf32, #tpu.memory_space<vmem>>
          %dma_start3A_1237 = tpu.memref_squeeze %dma_start3A_1236 : memref<1x8x128xf32, #tpu.memory_space<vmem>> -> memref<8x128xf32, #tpu.memory_space<vmem>>
          %dma_start3A_1238 = arith.constant 0 : i32
          %dma_start3A_1239 = tpu.memref_slice %arg2[%dma_start3A, %dma_start3A_1238, %multiple_of3A] : memref<100x8x100000xf32, #tpu.memory_space<hbm>> -> memref<1x8x128xf32, #tpu.memory_space<hbm>>
          %dma_start3A_1240 = tpu.memref_squeeze %dma_start3A_1239 : memref<1x8x128xf32, #tpu.memory_space<hbm>> -> memref<8x128xf32, #tpu.memory_space<hbm>>
          tpu.enqueue_dma source(%dma_start3A_1240 : memref<8x128xf32, #tpu.memory_space<hbm>>) target(%dma_start3A_1237 : memref<8x128xf32, #tpu.memory_space<vmem>>) target_semaphore(%arg9 : memref<!tpu.dma_semaphore, #tpu.memory_space<semaphore_mem>>)
        } else {
        }
        %slice3A_162 = vector.extract_strided_slice %get3A_61 {offsets = [13], sizes = [1], strides = [1]} : vector<16xi32> to vector<1xi32>
        %squeeze3A_163 = vector.extract %slice3A_162[0] : i32 from vector<1xi32>
        %ne3A_164 = arith.constant 0 : i32
        %ne3A_165 = arith.cmpi ne, %squeeze3A_163, %ne3A_164 : i32
        %convert_element_type3A_166 = arith.extui %ne3A_165 : i1 to i32
        %cond3A_167 = arith.constant 0 : i32
        %cond3A_168 = arith.cmpi ne, %convert_element_type3A_166, %cond3A_167 : i32
        scf.if %cond3A_168 {
          %dma_start3A = arith.constant 13 : i32
          %dma_start3A_1226 = arith.constant 13 : i32
          %dma_start3A_1227 = arith.constant 0 : i32
          %dma_start3A_1228 = arith.constant 0 : i32
          %dma_start3A_1229 = tpu.memref_slice %arg7[%dma_start3A_1226, %dma_start3A_1227, %dma_start3A_1228] : memref<100x8x128xf32, #tpu.memory_space<vmem>> -> memref<1x8x128xf32, #tpu.memory_space<vmem>>
          %dma_start3A_1230 = tpu.memref_squeeze %dma_start3A_1229 : memref<1x8x128xf32, #tpu.memory_space<vmem>> -> memref<8x128xf32, #tpu.memory_space<vmem>>
          %dma_start3A_1231 = arith.constant 0 : i32
          %dma_start3A_1232 = tpu.memref_slice %arg2[%dma_start3A, %dma_start3A_1231, %multiple_of3A] : memref<100x8x100000xf32, #tpu.memory_space<hbm>> -> memref<1x8x128xf32, #tpu.memory_space<hbm>>
          %dma_start3A_1233 = tpu.memref_squeeze %dma_start3A_1232 : memref<1x8x128xf32, #tpu.memory_space<hbm>> -> memref<8x128xf32, #tpu.memory_space<hbm>>
          %dma_start3A_1234 = arith.constant 0 : i32
          %dma_start3A_1235 = arith.constant 0 : i32
          %dma_start3A_1236 = tpu.memref_slice %arg7[%dma_start3A_1226, %dma_start3A_1234, %dma_start3A_1235] : memref<100x8x128xf32, #tpu.memory_space<vmem>> -> memref<1x8x128xf32, #tpu.memory_space<vmem>>
          %dma_start3A_1237 = tpu.memref_squeeze %dma_start3A_1236 : memref<1x8x128xf32, #tpu.memory_space<vmem>> -> memref<8x128xf32, #tpu.memory_space<vmem>>
          %dma_start3A_1238 = arith.constant 0 : i32
          %dma_start3A_1239 = tpu.memref_slice %arg2[%dma_start3A, %dma_start3A_1238, %multiple_of3A] : memref<100x8x100000xf32, #tpu.memory_space<hbm>> -> memref<1x8x128xf32, #tpu.memory_space<hbm>>
          %dma_start3A_1240 = tpu.memref_squeeze %dma_start3A_1239 : memref<1x8x128xf32, #tpu.memory_space<hbm>> -> memref<8x128xf32, #tpu.memory_space<hbm>>
          tpu.enqueue_dma source(%dma_start3A_1240 : memref<8x128xf32, #tpu.memory_space<hbm>>) target(%dma_start3A_1237 : memref<8x128xf32, #tpu.memory_space<vmem>>) target_semaphore(%arg9 : memref<!tpu.dma_semaphore, #tpu.memory_space<semaphore_mem>>)
        } else {
        }
        %slice3A_169 = vector.extract_strided_slice %get3A_61 {offsets = [14], sizes = [1], strides = [1]} : vector<16xi32> to vector<1xi32>
        %squeeze3A_170 = vector.extract %slice3A_169[0] : i32 from vector<1xi32>
        %ne3A_171 = arith.constant 0 : i32
        %ne3A_172 = arith.cmpi ne, %squeeze3A_170, %ne3A_171 : i32
        %convert_element_type3A_173 = arith.extui %ne3A_172 : i1 to i32
        %cond3A_174 = arith.constant 0 : i32
        %cond3A_175 = arith.cmpi ne, %convert_element_type3A_173, %cond3A_174 : i32
        scf.if %cond3A_175 {
          %dma_start3A = arith.constant 14 : i32
          %dma_start3A_1226 = arith.constant 14 : i32
          %dma_start3A_1227 = arith.constant 0 : i32
          %dma_start3A_1228 = arith.constant 0 : i32
          %dma_start3A_1229 = tpu.memref_slice %arg7[%dma_start3A_1226, %dma_start3A_1227, %dma_start3A_1228] : memref<100x8x128xf32, #tpu.memory_space<vmem>> -> memref<1x8x128xf32, #tpu.memory_space<vmem>>
          %dma_start3A_1230 = tpu.memref_squeeze %dma_start3A_1229 : memref<1x8x128xf32, #tpu.memory_space<vmem>> -> memref<8x128xf32, #tpu.memory_space<vmem>>
          %dma_start3A_1231 = arith.constant 0 : i32
          %dma_start3A_1232 = tpu.memref_slice %arg2[%dma_start3A, %dma_start3A_1231, %multiple_of3A] : memref<100x8x100000xf32, #tpu.memory_space<hbm>> -> memref<1x8x128xf32, #tpu.memory_space<hbm>>
          %dma_start3A_1233 = tpu.memref_squeeze %dma_start3A_1232 : memref<1x8x128xf32, #tpu.memory_space<hbm>> -> memref<8x128xf32, #tpu.memory_space<hbm>>
          %dma_start3A_1234 = arith.constant 0 : i32
          %dma_start3A_1235 = arith.constant 0 : i32
          %dma_start3A_1236 = tpu.memref_slice %arg7[%dma_start3A_1226, %dma_start3A_1234, %dma_start3A_1235] : memref<100x8x128xf32, #tpu.memory_space<vmem>> -> memref<1x8x128xf32, #tpu.memory_space<vmem>>
          %dma_start3A_1237 = tpu.memref_squeeze %dma_start3A_1236 : memref<1x8x128xf32, #tpu.memory_space<vmem>> -> memref<8x128xf32, #tpu.memory_space<vmem>>
          %dma_start3A_1238 = arith.constant 0 : i32
          %dma_start3A_1239 = tpu.memref_slice %arg2[%dma_start3A, %dma_start3A_1238, %multiple_of3A] : memref<100x8x100000xf32, #tpu.memory_space<hbm>> -> memref<1x8x128xf32, #tpu.memory_space<hbm>>
          %dma_start3A_1240 = tpu.memref_squeeze %dma_start3A_1239 : memref<1x8x128xf32, #tpu.memory_space<hbm>> -> memref<8x128xf32, #tpu.memory_space<hbm>>
          tpu.enqueue_dma source(%dma_start3A_1240 : memref<8x128xf32, #tpu.memory_space<hbm>>) target(%dma_start3A_1237 : memref<8x128xf32, #tpu.memory_space<vmem>>) target_semaphore(%arg9 : memref<!tpu.dma_semaphore, #tpu.memory_space<semaphore_mem>>)
        } else {
        }
        %slice3A_176 = vector.extract_strided_slice %get3A_61 {offsets = [15], sizes = [1], strides = [1]} : vector<16xi32> to vector<1xi32>
        %squeeze3A_177 = vector.extract %slice3A_176[0] : i32 from vector<1xi32>
        %ne3A_178 = arith.constant 0 : i32
        %ne3A_179 = arith.cmpi ne, %squeeze3A_177, %ne3A_178 : i32
        %convert_element_type3A_180 = arith.extui %ne3A_179 : i1 to i32
        %cond3A_181 = arith.constant 0 : i32
        %cond3A_182 = arith.cmpi ne, %convert_element_type3A_180, %cond3A_181 : i32
        scf.if %cond3A_182 {
          %dma_start3A = arith.constant 15 : i32
          %dma_start3A_1226 = arith.constant 15 : i32
          %dma_start3A_1227 = arith.constant 0 : i32
          %dma_start3A_1228 = arith.constant 0 : i32
          %dma_start3A_1229 = tpu.memref_slice %arg7[%dma_start3A_1226, %dma_start3A_1227, %dma_start3A_1228] : memref<100x8x128xf32, #tpu.memory_space<vmem>> -> memref<1x8x128xf32, #tpu.memory_space<vmem>>
          %dma_start3A_1230 = tpu.memref_squeeze %dma_start3A_1229 : memref<1x8x128xf32, #tpu.memory_space<vmem>> -> memref<8x128xf32, #tpu.memory_space<vmem>>
          %dma_start3A_1231 = arith.constant 0 : i32
          %dma_start3A_1232 = tpu.memref_slice %arg2[%dma_start3A, %dma_start3A_1231, %multiple_of3A] : memref<100x8x100000xf32, #tpu.memory_space<hbm>> -> memref<1x8x128xf32, #tpu.memory_space<hbm>>
          %dma_start3A_1233 = tpu.memref_squeeze %dma_start3A_1232 : memref<1x8x128xf32, #tpu.memory_space<hbm>> -> memref<8x128xf32, #tpu.memory_space<hbm>>
          %dma_start3A_1234 = arith.constant 0 : i32
          %dma_start3A_1235 = arith.constant 0 : i32
          %dma_start3A_1236 = tpu.memref_slice %arg7[%dma_start3A_1226, %dma_start3A_1234, %dma_start3A_1235] : memref<100x8x128xf32, #tpu.memory_space<vmem>> -> memref<1x8x128xf32, #tpu.memory_space<vmem>>
          %dma_start3A_1237 = tpu.memref_squeeze %dma_start3A_1236 : memref<1x8x128xf32, #tpu.memory_space<vmem>> -> memref<8x128xf32, #tpu.memory_space<vmem>>
          %dma_start3A_1238 = arith.constant 0 : i32
          %dma_start3A_1239 = tpu.memref_slice %arg2[%dma_start3A, %dma_start3A_1238, %multiple_of3A] : memref<100x8x100000xf32, #tpu.memory_space<hbm>> -> memref<1x8x128xf32, #tpu.memory_space<hbm>>
          %dma_start3A_1240 = tpu.memref_squeeze %dma_start3A_1239 : memref<1x8x128xf32, #tpu.memory_space<hbm>> -> memref<8x128xf32, #tpu.memory_space<hbm>>
          tpu.enqueue_dma source(%dma_start3A_1240 : memref<8x128xf32, #tpu.memory_space<hbm>>) target(%dma_start3A_1237 : memref<8x128xf32, #tpu.memory_space<vmem>>) target_semaphore(%arg9 : memref<!tpu.dma_semaphore, #tpu.memory_space<semaphore_mem>>)
        } else {
        }
        %slice3A_183 = vector.extract_strided_slice %get3A_63 {offsets = [0], sizes = [1], strides = [1]} : vector<16xi32> to vector<1xi32>
        %squeeze3A_184 = vector.extract %slice3A_183[0] : i32 from vector<1xi32>
        %ne3A_185 = arith.constant 0 : i32
        %ne3A_186 = arith.cmpi ne, %squeeze3A_184, %ne3A_185 : i32
        %convert_element_type3A_187 = arith.extui %ne3A_186 : i1 to i32
        %cond3A_188 = arith.constant 0 : i32
        %cond3A_189 = arith.cmpi ne, %convert_element_type3A_187, %cond3A_188 : i32
        scf.if %cond3A_189 {
          %dma_start3A = arith.constant 16 : i32
          %dma_start3A_1226 = arith.constant 16 : i32
          %dma_start3A_1227 = arith.constant 0 : i32
          %dma_start3A_1228 = arith.constant 0 : i32
          %dma_start3A_1229 = tpu.memref_slice %arg7[%dma_start3A_1226, %dma_start3A_1227, %dma_start3A_1228] : memref<100x8x128xf32, #tpu.memory_space<vmem>> -> memref<1x8x128xf32, #tpu.memory_space<vmem>>
          %dma_start3A_1230 = tpu.memref_squeeze %dma_start3A_1229 : memref<1x8x128xf32, #tpu.memory_space<vmem>> -> memref<8x128xf32, #tpu.memory_space<vmem>>
          %dma_start3A_1231 = arith.constant 0 : i32
          %dma_start3A_1232 = tpu.memref_slice %arg2[%dma_start3A, %dma_start3A_1231, %multiple_of3A] : memref<100x8x100000xf32, #tpu.memory_space<hbm>> -> memref<1x8x128xf32, #tpu.memory_space<hbm>>
          %dma_start3A_1233 = tpu.memref_squeeze %dma_start3A_1232 : memref<1x8x128xf32, #tpu.memory_space<hbm>> -> memref<8x128xf32, #tpu.memory_space<hbm>>
          %dma_start3A_1234 = arith.constant 0 : i32
          %dma_start3A_1235 = arith.constant 0 : i32
          %dma_start3A_1236 = tpu.memref_slice %arg7[%dma_start3A_1226, %dma_start3A_1234, %dma_start3A_1235] : memref<100x8x128xf32, #tpu.memory_space<vmem>> -> memref<1x8x128xf32, #tpu.memory_space<vmem>>
          %dma_start3A_1237 = tpu.memref_squeeze %dma_start3A_1236 : memref<1x8x128xf32, #tpu.memory_space<vmem>> -> memref<8x128xf32, #tpu.memory_space<vmem>>
          %dma_start3A_1238 = arith.constant 0 : i32
          %dma_start3A_1239 = tpu.memref_slice %arg2[%dma_start3A, %dma_start3A_1238, %multiple_of3A] : memref<100x8x100000xf32, #tpu.memory_space<hbm>> -> memref<1x8x128xf32, #tpu.memory_space<hbm>>
          %dma_start3A_1240 = tpu.memref_squeeze %dma_start3A_1239 : memref<1x8x128xf32, #tpu.memory_space<hbm>> -> memref<8x128xf32, #tpu.memory_space<hbm>>
          tpu.enqueue_dma source(%dma_start3A_1240 : memref<8x128xf32, #tpu.memory_space<hbm>>) target(%dma_start3A_1237 : memref<8x128xf32, #tpu.memory_space<vmem>>) target_semaphore(%arg9 : memref<!tpu.dma_semaphore, #tpu.memory_space<semaphore_mem>>)
        } else {
        }
        %slice3A_190 = vector.extract_strided_slice %get3A_63 {offsets = [1], sizes = [1], strides = [1]} : vector<16xi32> to vector<1xi32>
        %squeeze3A_191 = vector.extract %slice3A_190[0] : i32 from vector<1xi32>
        %ne3A_192 = arith.constant 0 : i32
        %ne3A_193 = arith.cmpi ne, %squeeze3A_191, %ne3A_192 : i32
        %convert_element_type3A_194 = arith.extui %ne3A_193 : i1 to i32
        %cond3A_195 = arith.constant 0 : i32
        %cond3A_196 = arith.cmpi ne, %convert_element_type3A_194, %cond3A_195 : i32
        scf.if %cond3A_196 {
          %dma_start3A = arith.constant 17 : i32
          %dma_start3A_1226 = arith.constant 17 : i32
          %dma_start3A_1227 = arith.constant 0 : i32
          %dma_start3A_1228 = arith.constant 0 : i32
          %dma_start3A_1229 = tpu.memref_slice %arg7[%dma_start3A_1226, %dma_start3A_1227, %dma_start3A_1228] : memref<100x8x128xf32, #tpu.memory_space<vmem>> -> memref<1x8x128xf32, #tpu.memory_space<vmem>>
          %dma_start3A_1230 = tpu.memref_squeeze %dma_start3A_1229 : memref<1x8x128xf32, #tpu.memory_space<vmem>> -> memref<8x128xf32, #tpu.memory_space<vmem>>
          %dma_start3A_1231 = arith.constant 0 : i32
          %dma_start3A_1232 = tpu.memref_slice %arg2[%dma_start3A, %dma_start3A_1231, %multiple_of3A] : memref<100x8x100000xf32, #tpu.memory_space<hbm>> -> memref<1x8x128xf32, #tpu.memory_space<hbm>>
          %dma_start3A_1233 = tpu.memref_squeeze %dma_start3A_1232 : memref<1x8x128xf32, #tpu.memory_space<hbm>> -> memref<8x128xf32, #tpu.memory_space<hbm>>
          %dma_start3A_1234 = arith.constant 0 : i32
          %dma_start3A_1235 = arith.constant 0 : i32
          %dma_start3A_1236 = tpu.memref_slice %arg7[%dma_start3A_1226, %dma_start3A_1234, %dma_start3A_1235] : memref<100x8x128xf32, #tpu.memory_space<vmem>> -> memref<1x8x128xf32, #tpu.memory_space<vmem>>
          %dma_start3A_1237 = tpu.memref_squeeze %dma_start3A_1236 : memref<1x8x128xf32, #tpu.memory_space<vmem>> -> memref<8x128xf32, #tpu.memory_space<vmem>>
          %dma_start3A_1238 = arith.constant 0 : i32
          %dma_start3A_1239 = tpu.memref_slice %arg2[%dma_start3A, %dma_start3A_1238, %multiple_of3A] : memref<100x8x100000xf32, #tpu.memory_space<hbm>> -> memref<1x8x128xf32, #tpu.memory_space<hbm>>
          %dma_start3A_1240 = tpu.memref_squeeze %dma_start3A_1239 : memref<1x8x128xf32, #tpu.memory_space<hbm>> -> memref<8x128xf32, #tpu.memory_space<hbm>>
          tpu.enqueue_dma source(%dma_start3A_1240 : memref<8x128xf32, #tpu.memory_space<hbm>>) target(%dma_start3A_1237 : memref<8x128xf32, #tpu.memory_space<vmem>>) target_semaphore(%arg9 : memref<!tpu.dma_semaphore, #tpu.memory_space<semaphore_mem>>)
        } else {
        }
        %slice3A_197 = vector.extract_strided_slice %get3A_63 {offsets = [2], sizes = [1], strides = [1]} : vector<16xi32> to vector<1xi32>
        %squeeze3A_198 = vector.extract %slice3A_197[0] : i32 from vector<1xi32>
        %ne3A_199 = arith.constant 0 : i32
        %ne3A_200 = arith.cmpi ne, %squeeze3A_198, %ne3A_199 : i32
        %convert_element_type3A_201 = arith.extui %ne3A_200 : i1 to i32
        %cond3A_202 = arith.constant 0 : i32
        %cond3A_203 = arith.cmpi ne, %convert_element_type3A_201, %cond3A_202 : i32
        scf.if %cond3A_203 {
          %dma_start3A = arith.constant 18 : i32
          %dma_start3A_1226 = arith.constant 18 : i32
          %dma_start3A_1227 = arith.constant 0 : i32
          %dma_start3A_1228 = arith.constant 0 : i32
          %dma_start3A_1229 = tpu.memref_slice %arg7[%dma_start3A_1226, %dma_start3A_1227, %dma_start3A_1228] : memref<100x8x128xf32, #tpu.memory_space<vmem>> -> memref<1x8x128xf32, #tpu.memory_space<vmem>>
          %dma_start3A_1230 = tpu.memref_squeeze %dma_start3A_1229 : memref<1x8x128xf32, #tpu.memory_space<vmem>> -> memref<8x128xf32, #tpu.memory_space<vmem>>
          %dma_start3A_1231 = arith.constant 0 : i32
          %dma_start3A_1232 = tpu.memref_slice %arg2[%dma_start3A, %dma_start3A_1231, %multiple_of3A] : memref<100x8x100000xf32, #tpu.memory_space<hbm>> -> memref<1x8x128xf32, #tpu.memory_space<hbm>>
          %dma_start3A_1233 = tpu.memref_squeeze %dma_start3A_1232 : memref<1x8x128xf32, #tpu.memory_space<hbm>> -> memref<8x128xf32, #tpu.memory_space<hbm>>
          %dma_start3A_1234 = arith.constant 0 : i32
          %dma_start3A_1235 = arith.constant 0 : i32
          %dma_start3A_1236 = tpu.memref_slice %arg7[%dma_start3A_1226, %dma_start3A_1234, %dma_start3A_1235] : memref<100x8x128xf32, #tpu.memory_space<vmem>> -> memref<1x8x128xf32, #tpu.memory_space<vmem>>
          %dma_start3A_1237 = tpu.memref_squeeze %dma_start3A_1236 : memref<1x8x128xf32, #tpu.memory_space<vmem>> -> memref<8x128xf32, #tpu.memory_space<vmem>>
          %dma_start3A_1238 = arith.constant 0 : i32
          %dma_start3A_1239 = tpu.memref_slice %arg2[%dma_start3A, %dma_start3A_1238, %multiple_of3A] : memref<100x8x100000xf32, #tpu.memory_space<hbm>> -> memref<1x8x128xf32, #tpu.memory_space<hbm>>
          %dma_start3A_1240 = tpu.memref_squeeze %dma_start3A_1239 : memref<1x8x128xf32, #tpu.memory_space<hbm>> -> memref<8x128xf32, #tpu.memory_space<hbm>>
          tpu.enqueue_dma source(%dma_start3A_1240 : memref<8x128xf32, #tpu.memory_space<hbm>>) target(%dma_start3A_1237 : memref<8x128xf32, #tpu.memory_space<vmem>>) target_semaphore(%arg9 : memref<!tpu.dma_semaphore, #tpu.memory_space<semaphore_mem>>)
        } else {
        }
        %slice3A_204 = vector.extract_strided_slice %get3A_63 {offsets = [3], sizes = [1], strides = [1]} : vector<16xi32> to vector<1xi32>
        %squeeze3A_205 = vector.extract %slice3A_204[0] : i32 from vector<1xi32>
        %ne3A_206 = arith.constant 0 : i32
        %ne3A_207 = arith.cmpi ne, %squeeze3A_205, %ne3A_206 : i32
        %convert_element_type3A_208 = arith.extui %ne3A_207 : i1 to i32
        %cond3A_209 = arith.constant 0 : i32
        %cond3A_210 = arith.cmpi ne, %convert_element_type3A_208, %cond3A_209 : i32
        scf.if %cond3A_210 {
          %dma_start3A = arith.constant 19 : i32
          %dma_start3A_1226 = arith.constant 19 : i32
          %dma_start3A_1227 = arith.constant 0 : i32
          %dma_start3A_1228 = arith.constant 0 : i32
          %dma_start3A_1229 = tpu.memref_slice %arg7[%dma_start3A_1226, %dma_start3A_1227, %dma_start3A_1228] : memref<100x8x128xf32, #tpu.memory_space<vmem>> -> memref<1x8x128xf32, #tpu.memory_space<vmem>>
          %dma_start3A_1230 = tpu.memref_squeeze %dma_start3A_1229 : memref<1x8x128xf32, #tpu.memory_space<vmem>> -> memref<8x128xf32, #tpu.memory_space<vmem>>
          %dma_start3A_1231 = arith.constant 0 : i32
          %dma_start3A_1232 = tpu.memref_slice %arg2[%dma_start3A, %dma_start3A_1231, %multiple_of3A] : memref<100x8x100000xf32, #tpu.memory_space<hbm>> -> memref<1x8x128xf32, #tpu.memory_space<hbm>>
          %dma_start3A_1233 = tpu.memref_squeeze %dma_start3A_1232 : memref<1x8x128xf32, #tpu.memory_space<hbm>> -> memref<8x128xf32, #tpu.memory_space<hbm>>
          %dma_start3A_1234 = arith.constant 0 : i32
          %dma_start3A_1235 = arith.constant 0 : i32
          %dma_start3A_1236 = tpu.memref_slice %arg7[%dma_start3A_1226, %dma_start3A_1234, %dma_start3A_1235] : memref<100x8x128xf32, #tpu.memory_space<vmem>> -> memref<1x8x128xf32, #tpu.memory_space<vmem>>
          %dma_start3A_1237 = tpu.memref_squeeze %dma_start3A_1236 : memref<1x8x128xf32, #tpu.memory_space<vmem>> -> memref<8x128xf32, #tpu.memory_space<vmem>>
          %dma_start3A_1238 = arith.constant 0 : i32
          %dma_start3A_1239 = tpu.memref_slice %arg2[%dma_start3A, %dma_start3A_1238, %multiple_of3A] : memref<100x8x100000xf32, #tpu.memory_space<hbm>> -> memref<1x8x128xf32, #tpu.memory_space<hbm>>
          %dma_start3A_1240 = tpu.memref_squeeze %dma_start3A_1239 : memref<1x8x128xf32, #tpu.memory_space<hbm>> -> memref<8x128xf32, #tpu.memory_space<hbm>>
          tpu.enqueue_dma source(%dma_start3A_1240 : memref<8x128xf32, #tpu.memory_space<hbm>>) target(%dma_start3A_1237 : memref<8x128xf32, #tpu.memory_space<vmem>>) target_semaphore(%arg9 : memref<!tpu.dma_semaphore, #tpu.memory_space<semaphore_mem>>)
        } else {
        }
        %slice3A_211 = vector.extract_strided_slice %get3A_63 {offsets = [4], sizes = [1], strides = [1]} : vector<16xi32> to vector<1xi32>
        %squeeze3A_212 = vector.extract %slice3A_211[0] : i32 from vector<1xi32>
        %ne3A_213 = arith.constant 0 : i32
        %ne3A_214 = arith.cmpi ne, %squeeze3A_212, %ne3A_213 : i32
        %convert_element_type3A_215 = arith.extui %ne3A_214 : i1 to i32
        %cond3A_216 = arith.constant 0 : i32
        %cond3A_217 = arith.cmpi ne, %convert_element_type3A_215, %cond3A_216 : i32
        scf.if %cond3A_217 {
          %dma_start3A = arith.constant 20 : i32
          %dma_start3A_1226 = arith.constant 20 : i32
          %dma_start3A_1227 = arith.constant 0 : i32
          %dma_start3A_1228 = arith.constant 0 : i32
          %dma_start3A_1229 = tpu.memref_slice %arg7[%dma_start3A_1226, %dma_start3A_1227, %dma_start3A_1228] : memref<100x8x128xf32, #tpu.memory_space<vmem>> -> memref<1x8x128xf32, #tpu.memory_space<vmem>>
          %dma_start3A_1230 = tpu.memref_squeeze %dma_start3A_1229 : memref<1x8x128xf32, #tpu.memory_space<vmem>> -> memref<8x128xf32, #tpu.memory_space<vmem>>
          %dma_start3A_1231 = arith.constant 0 : i32
          %dma_start3A_1232 = tpu.memref_slice %arg2[%dma_start3A, %dma_start3A_1231, %multiple_of3A] : memref<100x8x100000xf32, #tpu.memory_space<hbm>> -> memref<1x8x128xf32, #tpu.memory_space<hbm>>
          %dma_start3A_1233 = tpu.memref_squeeze %dma_start3A_1232 : memref<1x8x128xf32, #tpu.memory_space<hbm>> -> memref<8x128xf32, #tpu.memory_space<hbm>>
          %dma_start3A_1234 = arith.constant 0 : i32
          %dma_start3A_1235 = arith.constant 0 : i32
          %dma_start3A_1236 = tpu.memref_slice %arg7[%dma_start3A_1226, %dma_start3A_1234, %dma_start3A_1235] : memref<100x8x128xf32, #tpu.memory_space<vmem>> -> memref<1x8x128xf32, #tpu.memory_space<vmem>>
          %dma_start3A_1237 = tpu.memref_squeeze %dma_start3A_1236 : memref<1x8x128xf32, #tpu.memory_space<vmem>> -> memref<8x128xf32, #tpu.memory_space<vmem>>
          %dma_start3A_1238 = arith.constant 0 : i32
          %dma_start3A_1239 = tpu.memref_slice %arg2[%dma_start3A, %dma_start3A_1238, %multiple_of3A] : memref<100x8x100000xf32, #tpu.memory_space<hbm>> -> memref<1x8x128xf32, #tpu.memory_space<hbm>>
          %dma_start3A_1240 = tpu.memref_squeeze %dma_start3A_1239 : memref<1x8x128xf32, #tpu.memory_space<hbm>> -> memref<8x128xf32, #tpu.memory_space<hbm>>
          tpu.enqueue_dma source(%dma_start3A_1240 : memref<8x128xf32, #tpu.memory_space<hbm>>) target(%dma_start3A_1237 : memref<8x128xf32, #tpu.memory_space<vmem>>) target_semaphore(%arg9 : memref<!tpu.dma_semaphore, #tpu.memory_space<semaphore_mem>>)
        } else {
        }
        %slice3A_218 = vector.extract_strided_slice %get3A_63 {offsets = [5], sizes = [1], strides = [1]} : vector<16xi32> to vector<1xi32>
        %squeeze3A_219 = vector.extract %slice3A_218[0] : i32 from vector<1xi32>
        %ne3A_220 = arith.constant 0 : i32
        %ne3A_221 = arith.cmpi ne, %squeeze3A_219, %ne3A_220 : i32
        %convert_element_type3A_222 = arith.extui %ne3A_221 : i1 to i32
        %cond3A_223 = arith.constant 0 : i32
        %cond3A_224 = arith.cmpi ne, %convert_element_type3A_222, %cond3A_223 : i32
        scf.if %cond3A_224 {
          %dma_start3A = arith.constant 21 : i32
          %dma_start3A_1226 = arith.constant 21 : i32
          %dma_start3A_1227 = arith.constant 0 : i32
          %dma_start3A_1228 = arith.constant 0 : i32
          %dma_start3A_1229 = tpu.memref_slice %arg7[%dma_start3A_1226, %dma_start3A_1227, %dma_start3A_1228] : memref<100x8x128xf32, #tpu.memory_space<vmem>> -> memref<1x8x128xf32, #tpu.memory_space<vmem>>
          %dma_start3A_1230 = tpu.memref_squeeze %dma_start3A_1229 : memref<1x8x128xf32, #tpu.memory_space<vmem>> -> memref<8x128xf32, #tpu.memory_space<vmem>>
          %dma_start3A_1231 = arith.constant 0 : i32
          %dma_start3A_1232 = tpu.memref_slice %arg2[%dma_start3A, %dma_start3A_1231, %multiple_of3A] : memref<100x8x100000xf32, #tpu.memory_space<hbm>> -> memref<1x8x128xf32, #tpu.memory_space<hbm>>
          %dma_start3A_1233 = tpu.memref_squeeze %dma_start3A_1232 : memref<1x8x128xf32, #tpu.memory_space<hbm>> -> memref<8x128xf32, #tpu.memory_space<hbm>>
          %dma_start3A_1234 = arith.constant 0 : i32
          %dma_start3A_1235 = arith.constant 0 : i32
          %dma_start3A_1236 = tpu.memref_slice %arg7[%dma_start3A_1226, %dma_start3A_1234, %dma_start3A_1235] : memref<100x8x128xf32, #tpu.memory_space<vmem>> -> memref<1x8x128xf32, #tpu.memory_space<vmem>>
          %dma_start3A_1237 = tpu.memref_squeeze %dma_start3A_1236 : memref<1x8x128xf32, #tpu.memory_space<vmem>> -> memref<8x128xf32, #tpu.memory_space<vmem>>
          %dma_start3A_1238 = arith.constant 0 : i32
          %dma_start3A_1239 = tpu.memref_slice %arg2[%dma_start3A, %dma_start3A_1238, %multiple_of3A] : memref<100x8x100000xf32, #tpu.memory_space<hbm>> -> memref<1x8x128xf32, #tpu.memory_space<hbm>>
          %dma_start3A_1240 = tpu.memref_squeeze %dma_start3A_1239 : memref<1x8x128xf32, #tpu.memory_space<hbm>> -> memref<8x128xf32, #tpu.memory_space<hbm>>
          tpu.enqueue_dma source(%dma_start3A_1240 : memref<8x128xf32, #tpu.memory_space<hbm>>) target(%dma_start3A_1237 : memref<8x128xf32, #tpu.memory_space<vmem>>) target_semaphore(%arg9 : memref<!tpu.dma_semaphore, #tpu.memory_space<semaphore_mem>>)
        } else {
        }
        %slice3A_225 = vector.extract_strided_slice %get3A_63 {offsets = [6], sizes = [1], strides = [1]} : vector<16xi32> to vector<1xi32>
        %squeeze3A_226 = vector.extract %slice3A_225[0] : i32 from vector<1xi32>
        %ne3A_227 = arith.constant 0 : i32
        %ne3A_228 = arith.cmpi ne, %squeeze3A_226, %ne3A_227 : i32
        %convert_element_type3A_229 = arith.extui %ne3A_228 : i1 to i32
        %cond3A_230 = arith.constant 0 : i32
        %cond3A_231 = arith.cmpi ne, %convert_element_type3A_229, %cond3A_230 : i32
        scf.if %cond3A_231 {
          %dma_start3A = arith.constant 22 : i32
          %dma_start3A_1226 = arith.constant 22 : i32
          %dma_start3A_1227 = arith.constant 0 : i32
          %dma_start3A_1228 = arith.constant 0 : i32
          %dma_start3A_1229 = tpu.memref_slice %arg7[%dma_start3A_1226, %dma_start3A_1227, %dma_start3A_1228] : memref<100x8x128xf32, #tpu.memory_space<vmem>> -> memref<1x8x128xf32, #tpu.memory_space<vmem>>
          %dma_start3A_1230 = tpu.memref_squeeze %dma_start3A_1229 : memref<1x8x128xf32, #tpu.memory_space<vmem>> -> memref<8x128xf32, #tpu.memory_space<vmem>>
          %dma_start3A_1231 = arith.constant 0 : i32
          %dma_start3A_1232 = tpu.memref_slice %arg2[%dma_start3A, %dma_start3A_1231, %multiple_of3A] : memref<100x8x100000xf32, #tpu.memory_space<hbm>> -> memref<1x8x128xf32, #tpu.memory_space<hbm>>
          %dma_start3A_1233 = tpu.memref_squeeze %dma_start3A_1232 : memref<1x8x128xf32, #tpu.memory_space<hbm>> -> memref<8x128xf32, #tpu.memory_space<hbm>>
          %dma_start3A_1234 = arith.constant 0 : i32
          %dma_start3A_1235 = arith.constant 0 : i32
          %dma_start3A_1236 = tpu.memref_slice %arg7[%dma_start3A_1226, %dma_start3A_1234, %dma_start3A_1235] : memref<100x8x128xf32, #tpu.memory_space<vmem>> -> memref<1x8x128xf32, #tpu.memory_space<vmem>>
          %dma_start3A_1237 = tpu.memref_squeeze %dma_start3A_1236 : memref<1x8x128xf32, #tpu.memory_space<vmem>> -> memref<8x128xf32, #tpu.memory_space<vmem>>
          %dma_start3A_1238 = arith.constant 0 : i32
          %dma_start3A_1239 = tpu.memref_slice %arg2[%dma_start3A, %dma_start3A_1238, %multiple_of3A] : memref<100x8x100000xf32, #tpu.memory_space<hbm>> -> memref<1x8x128xf32, #tpu.memory_space<hbm>>
          %dma_start3A_1240 = tpu.memref_squeeze %dma_start3A_1239 : memref<1x8x128xf32, #tpu.memory_space<hbm>> -> memref<8x128xf32, #tpu.memory_space<hbm>>
          tpu.enqueue_dma source(%dma_start3A_1240 : memref<8x128xf32, #tpu.memory_space<hbm>>) target(%dma_start3A_1237 : memref<8x128xf32, #tpu.memory_space<vmem>>) target_semaphore(%arg9 : memref<!tpu.dma_semaphore, #tpu.memory_space<semaphore_mem>>)
        } else {
        }
        %slice3A_232 = vector.extract_strided_slice %get3A_63 {offsets = [7], sizes = [1], strides = [1]} : vector<16xi32> to vector<1xi32>
        %squeeze3A_233 = vector.extract %slice3A_232[0] : i32 from vector<1xi32>
        %ne3A_234 = arith.constant 0 : i32
        %ne3A_235 = arith.cmpi ne, %squeeze3A_233, %ne3A_234 : i32
        %convert_element_type3A_236 = arith.extui %ne3A_235 : i1 to i32
        %cond3A_237 = arith.constant 0 : i32
        %cond3A_238 = arith.cmpi ne, %convert_element_type3A_236, %cond3A_237 : i32
        scf.if %cond3A_238 {
          %dma_start3A = arith.constant 23 : i32
          %dma_start3A_1226 = arith.constant 23 : i32
          %dma_start3A_1227 = arith.constant 0 : i32
          %dma_start3A_1228 = arith.constant 0 : i32
          %dma_start3A_1229 = tpu.memref_slice %arg7[%dma_start3A_1226, %dma_start3A_1227, %dma_start3A_1228] : memref<100x8x128xf32, #tpu.memory_space<vmem>> -> memref<1x8x128xf32, #tpu.memory_space<vmem>>
          %dma_start3A_1230 = tpu.memref_squeeze %dma_start3A_1229 : memref<1x8x128xf32, #tpu.memory_space<vmem>> -> memref<8x128xf32, #tpu.memory_space<vmem>>
          %dma_start3A_1231 = arith.constant 0 : i32
          %dma_start3A_1232 = tpu.memref_slice %arg2[%dma_start3A, %dma_start3A_1231, %multiple_of3A] : memref<100x8x100000xf32, #tpu.memory_space<hbm>> -> memref<1x8x128xf32, #tpu.memory_space<hbm>>
          %dma_start3A_1233 = tpu.memref_squeeze %dma_start3A_1232 : memref<1x8x128xf32, #tpu.memory_space<hbm>> -> memref<8x128xf32, #tpu.memory_space<hbm>>
          %dma_start3A_1234 = arith.constant 0 : i32
          %dma_start3A_1235 = arith.constant 0 : i32
          %dma_start3A_1236 = tpu.memref_slice %arg7[%dma_start3A_1226, %dma_start3A_1234, %dma_start3A_1235] : memref<100x8x128xf32, #tpu.memory_space<vmem>> -> memref<1x8x128xf32, #tpu.memory_space<vmem>>
          %dma_start3A_1237 = tpu.memref_squeeze %dma_start3A_1236 : memref<1x8x128xf32, #tpu.memory_space<vmem>> -> memref<8x128xf32, #tpu.memory_space<vmem>>
          %dma_start3A_1238 = arith.constant 0 : i32
          %dma_start3A_1239 = tpu.memref_slice %arg2[%dma_start3A, %dma_start3A_1238, %multiple_of3A] : memref<100x8x100000xf32, #tpu.memory_space<hbm>> -> memref<1x8x128xf32, #tpu.memory_space<hbm>>
          %dma_start3A_1240 = tpu.memref_squeeze %dma_start3A_1239 : memref<1x8x128xf32, #tpu.memory_space<hbm>> -> memref<8x128xf32, #tpu.memory_space<hbm>>
          tpu.enqueue_dma source(%dma_start3A_1240 : memref<8x128xf32, #tpu.memory_space<hbm>>) target(%dma_start3A_1237 : memref<8x128xf32, #tpu.memory_space<vmem>>) target_semaphore(%arg9 : memref<!tpu.dma_semaphore, #tpu.memory_space<semaphore_mem>>)
        } else {
        }
        %slice3A_239 = vector.extract_strided_slice %get3A_63 {offsets = [8], sizes = [1], strides = [1]} : vector<16xi32> to vector<1xi32>
        %squeeze3A_240 = vector.extract %slice3A_239[0] : i32 from vector<1xi32>
        %ne3A_241 = arith.constant 0 : i32
        %ne3A_242 = arith.cmpi ne, %squeeze3A_240, %ne3A_241 : i32
        %convert_element_type3A_243 = arith.extui %ne3A_242 : i1 to i32
        %cond3A_244 = arith.constant 0 : i32
        %cond3A_245 = arith.cmpi ne, %convert_element_type3A_243, %cond3A_244 : i32
        scf.if %cond3A_245 {
          %dma_start3A = arith.constant 24 : i32
          %dma_start3A_1226 = arith.constant 24 : i32
          %dma_start3A_1227 = arith.constant 0 : i32
          %dma_start3A_1228 = arith.constant 0 : i32
          %dma_start3A_1229 = tpu.memref_slice %arg7[%dma_start3A_1226, %dma_start3A_1227, %dma_start3A_1228] : memref<100x8x128xf32, #tpu.memory_space<vmem>> -> memref<1x8x128xf32, #tpu.memory_space<vmem>>
          %dma_start3A_1230 = tpu.memref_squeeze %dma_start3A_1229 : memref<1x8x128xf32, #tpu.memory_space<vmem>> -> memref<8x128xf32, #tpu.memory_space<vmem>>
          %dma_start3A_1231 = arith.constant 0 : i32
          %dma_start3A_1232 = tpu.memref_slice %arg2[%dma_start3A, %dma_start3A_1231, %multiple_of3A] : memref<100x8x100000xf32, #tpu.memory_space<hbm>> -> memref<1x8x128xf32, #tpu.memory_space<hbm>>
          %dma_start3A_1233 = tpu.memref_squeeze %dma_start3A_1232 : memref<1x8x128xf32, #tpu.memory_space<hbm>> -> memref<8x128xf32, #tpu.memory_space<hbm>>
          %dma_start3A_1234 = arith.constant 0 : i32
          %dma_start3A_1235 = arith.constant 0 : i32
          %dma_start3A_1236 = tpu.memref_slice %arg7[%dma_start3A_1226, %dma_start3A_1234, %dma_start3A_1235] : memref<100x8x128xf32, #tpu.memory_space<vmem>> -> memref<1x8x128xf32, #tpu.memory_space<vmem>>
          %dma_start3A_1237 = tpu.memref_squeeze %dma_start3A_1236 : memref<1x8x128xf32, #tpu.memory_space<vmem>> -> memref<8x128xf32, #tpu.memory_space<vmem>>
          %dma_start3A_1238 = arith.constant 0 : i32
          %dma_start3A_1239 = tpu.memref_slice %arg2[%dma_start3A, %dma_start3A_1238, %multiple_of3A] : memref<100x8x100000xf32, #tpu.memory_space<hbm>> -> memref<1x8x128xf32, #tpu.memory_space<hbm>>
          %dma_start3A_1240 = tpu.memref_squeeze %dma_start3A_1239 : memref<1x8x128xf32, #tpu.memory_space<hbm>> -> memref<8x128xf32, #tpu.memory_space<hbm>>
          tpu.enqueue_dma source(%dma_start3A_1240 : memref<8x128xf32, #tpu.memory_space<hbm>>) target(%dma_start3A_1237 : memref<8x128xf32, #tpu.memory_space<vmem>>) target_semaphore(%arg9 : memref<!tpu.dma_semaphore, #tpu.memory_space<semaphore_mem>>)
        } else {
        }
        %slice3A_246 = vector.extract_strided_slice %get3A_63 {offsets = [9], sizes = [1], strides = [1]} : vector<16xi32> to vector<1xi32>
        %squeeze3A_247 = vector.extract %slice3A_246[0] : i32 from vector<1xi32>
        %ne3A_248 = arith.constant 0 : i32
        %ne3A_249 = arith.cmpi ne, %squeeze3A_247, %ne3A_248 : i32
        %convert_element_type3A_250 = arith.extui %ne3A_249 : i1 to i32
        %cond3A_251 = arith.constant 0 : i32
        %cond3A_252 = arith.cmpi ne, %convert_element_type3A_250, %cond3A_251 : i32
        scf.if %cond3A_252 {
          %dma_start3A = arith.constant 25 : i32
          %dma_start3A_1226 = arith.constant 25 : i32
          %dma_start3A_1227 = arith.constant 0 : i32
          %dma_start3A_1228 = arith.constant 0 : i32
          %dma_start3A_1229 = tpu.memref_slice %arg7[%dma_start3A_1226, %dma_start3A_1227, %dma_start3A_1228] : memref<100x8x128xf32, #tpu.memory_space<vmem>> -> memref<1x8x128xf32, #tpu.memory_space<vmem>>
          %dma_start3A_1230 = tpu.memref_squeeze %dma_start3A_1229 : memref<1x8x128xf32, #tpu.memory_space<vmem>> -> memref<8x128xf32, #tpu.memory_space<vmem>>
          %dma_start3A_1231 = arith.constant 0 : i32
          %dma_start3A_1232 = tpu.memref_slice %arg2[%dma_start3A, %dma_start3A_1231, %multiple_of3A] : memref<100x8x100000xf32, #tpu.memory_space<hbm>> -> memref<1x8x128xf32, #tpu.memory_space<hbm>>
          %dma_start3A_1233 = tpu.memref_squeeze %dma_start3A_1232 : memref<1x8x128xf32, #tpu.memory_space<hbm>> -> memref<8x128xf32, #tpu.memory_space<hbm>>
          %dma_start3A_1234 = arith.constant 0 : i32
          %dma_start3A_1235 = arith.constant 0 : i32
          %dma_start3A_1236 = tpu.memref_slice %arg7[%dma_start3A_1226, %dma_start3A_1234, %dma_start3A_1235] : memref<100x8x128xf32, #tpu.memory_space<vmem>> -> memref<1x8x128xf32, #tpu.memory_space<vmem>>
          %dma_start3A_1237 = tpu.memref_squeeze %dma_start3A_1236 : memref<1x8x128xf32, #tpu.memory_space<vmem>> -> memref<8x128xf32, #tpu.memory_space<vmem>>
          %dma_start3A_1238 = arith.constant 0 : i32
          %dma_start3A_1239 = tpu.memref_slice %arg2[%dma_start3A, %dma_start3A_1238, %multiple_of3A] : memref<100x8x100000xf32, #tpu.memory_space<hbm>> -> memref<1x8x128xf32, #tpu.memory_space<hbm>>
          %dma_start3A_1240 = tpu.memref_squeeze %dma_start3A_1239 : memref<1x8x128xf32, #tpu.memory_space<hbm>> -> memref<8x128xf32, #tpu.memory_space<hbm>>
          tpu.enqueue_dma source(%dma_start3A_1240 : memref<8x128xf32, #tpu.memory_space<hbm>>) target(%dma_start3A_1237 : memref<8x128xf32, #tpu.memory_space<vmem>>) target_semaphore(%arg9 : memref<!tpu.dma_semaphore, #tpu.memory_space<semaphore_mem>>)
        } else {
        }
        %slice3A_253 = vector.extract_strided_slice %get3A_63 {offsets = [10], sizes = [1], strides = [1]} : vector<16xi32> to vector<1xi32>
        %squeeze3A_254 = vector.extract %slice3A_253[0] : i32 from vector<1xi32>
        %ne3A_255 = arith.constant 0 : i32
        %ne3A_256 = arith.cmpi ne, %squeeze3A_254, %ne3A_255 : i32
        %convert_element_type3A_257 = arith.extui %ne3A_256 : i1 to i32
        %cond3A_258 = arith.constant 0 : i32
        %cond3A_259 = arith.cmpi ne, %convert_element_type3A_257, %cond3A_258 : i32
        scf.if %cond3A_259 {
          %dma_start3A = arith.constant 26 : i32
          %dma_start3A_1226 = arith.constant 26 : i32
          %dma_start3A_1227 = arith.constant 0 : i32
          %dma_start3A_1228 = arith.constant 0 : i32
          %dma_start3A_1229 = tpu.memref_slice %arg7[%dma_start3A_1226, %dma_start3A_1227, %dma_start3A_1228] : memref<100x8x128xf32, #tpu.memory_space<vmem>> -> memref<1x8x128xf32, #tpu.memory_space<vmem>>
          %dma_start3A_1230 = tpu.memref_squeeze %dma_start3A_1229 : memref<1x8x128xf32, #tpu.memory_space<vmem>> -> memref<8x128xf32, #tpu.memory_space<vmem>>
          %dma_start3A_1231 = arith.constant 0 : i32
          %dma_start3A_1232 = tpu.memref_slice %arg2[%dma_start3A, %dma_start3A_1231, %multiple_of3A] : memref<100x8x100000xf32, #tpu.memory_space<hbm>> -> memref<1x8x128xf32, #tpu.memory_space<hbm>>
          %dma_start3A_1233 = tpu.memref_squeeze %dma_start3A_1232 : memref<1x8x128xf32, #tpu.memory_space<hbm>> -> memref<8x128xf32, #tpu.memory_space<hbm>>
          %dma_start3A_1234 = arith.constant 0 : i32
          %dma_start3A_1235 = arith.constant 0 : i32
          %dma_start3A_1236 = tpu.memref_slice %arg7[%dma_start3A_1226, %dma_start3A_1234, %dma_start3A_1235] : memref<100x8x128xf32, #tpu.memory_space<vmem>> -> memref<1x8x128xf32, #tpu.memory_space<vmem>>
          %dma_start3A_1237 = tpu.memref_squeeze %dma_start3A_1236 : memref<1x8x128xf32, #tpu.memory_space<vmem>> -> memref<8x128xf32, #tpu.memory_space<vmem>>
          %dma_start3A_1238 = arith.constant 0 : i32
          %dma_start3A_1239 = tpu.memref_slice %arg2[%dma_start3A, %dma_start3A_1238, %multiple_of3A] : memref<100x8x100000xf32, #tpu.memory_space<hbm>> -> memref<1x8x128xf32, #tpu.memory_space<hbm>>
          %dma_start3A_1240 = tpu.memref_squeeze %dma_start3A_1239 : memref<1x8x128xf32, #tpu.memory_space<hbm>> -> memref<8x128xf32, #tpu.memory_space<hbm>>
          tpu.enqueue_dma source(%dma_start3A_1240 : memref<8x128xf32, #tpu.memory_space<hbm>>) target(%dma_start3A_1237 : memref<8x128xf32, #tpu.memory_space<vmem>>) target_semaphore(%arg9 : memref<!tpu.dma_semaphore, #tpu.memory_space<semaphore_mem>>)
        } else {
        }
        %slice3A_260 = vector.extract_strided_slice %get3A_63 {offsets = [11], sizes = [1], strides = [1]} : vector<16xi32> to vector<1xi32>
        %squeeze3A_261 = vector.extract %slice3A_260[0] : i32 from vector<1xi32>
        %ne3A_262 = arith.constant 0 : i32
        %ne3A_263 = arith.cmpi ne, %squeeze3A_261, %ne3A_262 : i32
        %convert_element_type3A_264 = arith.extui %ne3A_263 : i1 to i32
        %cond3A_265 = arith.constant 0 : i32
        %cond3A_266 = arith.cmpi ne, %convert_element_type3A_264, %cond3A_265 : i32
        scf.if %cond3A_266 {
          %dma_start3A = arith.constant 27 : i32
          %dma_start3A_1226 = arith.constant 27 : i32
          %dma_start3A_1227 = arith.constant 0 : i32
          %dma_start3A_1228 = arith.constant 0 : i32
          %dma_start3A_1229 = tpu.memref_slice %arg7[%dma_start3A_1226, %dma_start3A_1227, %dma_start3A_1228] : memref<100x8x128xf32, #tpu.memory_space<vmem>> -> memref<1x8x128xf32, #tpu.memory_space<vmem>>
          %dma_start3A_1230 = tpu.memref_squeeze %dma_start3A_1229 : memref<1x8x128xf32, #tpu.memory_space<vmem>> -> memref<8x128xf32, #tpu.memory_space<vmem>>
          %dma_start3A_1231 = arith.constant 0 : i32
          %dma_start3A_1232 = tpu.memref_slice %arg2[%dma_start3A, %dma_start3A_1231, %multiple_of3A] : memref<100x8x100000xf32, #tpu.memory_space<hbm>> -> memref<1x8x128xf32, #tpu.memory_space<hbm>>
          %dma_start3A_1233 = tpu.memref_squeeze %dma_start3A_1232 : memref<1x8x128xf32, #tpu.memory_space<hbm>> -> memref<8x128xf32, #tpu.memory_space<hbm>>
          %dma_start3A_1234 = arith.constant 0 : i32
          %dma_start3A_1235 = arith.constant 0 : i32
          %dma_start3A_1236 = tpu.memref_slice %arg7[%dma_start3A_1226, %dma_start3A_1234, %dma_start3A_1235] : memref<100x8x128xf32, #tpu.memory_space<vmem>> -> memref<1x8x128xf32, #tpu.memory_space<vmem>>
          %dma_start3A_1237 = tpu.memref_squeeze %dma_start3A_1236 : memref<1x8x128xf32, #tpu.memory_space<vmem>> -> memref<8x128xf32, #tpu.memory_space<vmem>>
          %dma_start3A_1238 = arith.constant 0 : i32
          %dma_start3A_1239 = tpu.memref_slice %arg2[%dma_start3A, %dma_start3A_1238, %multiple_of3A] : memref<100x8x100000xf32, #tpu.memory_space<hbm>> -> memref<1x8x128xf32, #tpu.memory_space<hbm>>
          %dma_start3A_1240 = tpu.memref_squeeze %dma_start3A_1239 : memref<1x8x128xf32, #tpu.memory_space<hbm>> -> memref<8x128xf32, #tpu.memory_space<hbm>>
          tpu.enqueue_dma source(%dma_start3A_1240 : memref<8x128xf32, #tpu.memory_space<hbm>>) target(%dma_start3A_1237 : memref<8x128xf32, #tpu.memory_space<vmem>>) target_semaphore(%arg9 : memref<!tpu.dma_semaphore, #tpu.memory_space<semaphore_mem>>)
        } else {
        }
        %slice3A_267 = vector.extract_strided_slice %get3A_63 {offsets = [12], sizes = [1], strides = [1]} : vector<16xi32> to vector<1xi32>
        %squeeze3A_268 = vector.extract %slice3A_267[0] : i32 from vector<1xi32>
        %ne3A_269 = arith.constant 0 : i32
        %ne3A_270 = arith.cmpi ne, %squeeze3A_268, %ne3A_269 : i32
        %convert_element_type3A_271 = arith.extui %ne3A_270 : i1 to i32
        %cond3A_272 = arith.constant 0 : i32
        %cond3A_273 = arith.cmpi ne, %convert_element_type3A_271, %cond3A_272 : i32
        scf.if %cond3A_273 {
          %dma_start3A = arith.constant 28 : i32
          %dma_start3A_1226 = arith.constant 28 : i32
          %dma_start3A_1227 = arith.constant 0 : i32
          %dma_start3A_1228 = arith.constant 0 : i32
          %dma_start3A_1229 = tpu.memref_slice %arg7[%dma_start3A_1226, %dma_start3A_1227, %dma_start3A_1228] : memref<100x8x128xf32, #tpu.memory_space<vmem>> -> memref<1x8x128xf32, #tpu.memory_space<vmem>>
          %dma_start3A_1230 = tpu.memref_squeeze %dma_start3A_1229 : memref<1x8x128xf32, #tpu.memory_space<vmem>> -> memref<8x128xf32, #tpu.memory_space<vmem>>
          %dma_start3A_1231 = arith.constant 0 : i32
          %dma_start3A_1232 = tpu.memref_slice %arg2[%dma_start3A, %dma_start3A_1231, %multiple_of3A] : memref<100x8x100000xf32, #tpu.memory_space<hbm>> -> memref<1x8x128xf32, #tpu.memory_space<hbm>>
          %dma_start3A_1233 = tpu.memref_squeeze %dma_start3A_1232 : memref<1x8x128xf32, #tpu.memory_space<hbm>> -> memref<8x128xf32, #tpu.memory_space<hbm>>
          %dma_start3A_1234 = arith.constant 0 : i32
          %dma_start3A_1235 = arith.constant 0 : i32
          %dma_start3A_1236 = tpu.memref_slice %arg7[%dma_start3A_1226, %dma_start3A_1234, %dma_start3A_1235] : memref<100x8x128xf32, #tpu.memory_space<vmem>> -> memref<1x8x128xf32, #tpu.memory_space<vmem>>
          %dma_start3A_1237 = tpu.memref_squeeze %dma_start3A_1236 : memref<1x8x128xf32, #tpu.memory_space<vmem>> -> memref<8x128xf32, #tpu.memory_space<vmem>>
          %dma_start3A_1238 = arith.constant 0 : i32
          %dma_start3A_1239 = tpu.memref_slice %arg2[%dma_start3A, %dma_start3A_1238, %multiple_of3A] : memref<100x8x100000xf32, #tpu.memory_space<hbm>> -> memref<1x8x128xf32, #tpu.memory_space<hbm>>
          %dma_start3A_1240 = tpu.memref_squeeze %dma_start3A_1239 : memref<1x8x128xf32, #tpu.memory_space<hbm>> -> memref<8x128xf32, #tpu.memory_space<hbm>>
          tpu.enqueue_dma source(%dma_start3A_1240 : memref<8x128xf32, #tpu.memory_space<hbm>>) target(%dma_start3A_1237 : memref<8x128xf32, #tpu.memory_space<vmem>>) target_semaphore(%arg9 : memref<!tpu.dma_semaphore, #tpu.memory_space<semaphore_mem>>)
        } else {
        }
        %slice3A_274 = vector.extract_strided_slice %get3A_63 {offsets = [13], sizes = [1], strides = [1]} : vector<16xi32> to vector<1xi32>
        %squeeze3A_275 = vector.extract %slice3A_274[0] : i32 from vector<1xi32>
        %ne3A_276 = arith.constant 0 : i32
        %ne3A_277 = arith.cmpi ne, %squeeze3A_275, %ne3A_276 : i32
        %convert_element_type3A_278 = arith.extui %ne3A_277 : i1 to i32
        %cond3A_279 = arith.constant 0 : i32
        %cond3A_280 = arith.cmpi ne, %convert_element_type3A_278, %cond3A_279 : i32
        scf.if %cond3A_280 {
          %dma_start3A = arith.constant 29 : i32
          %dma_start3A_1226 = arith.constant 29 : i32
          %dma_start3A_1227 = arith.constant 0 : i32
          %dma_start3A_1228 = arith.constant 0 : i32
          %dma_start3A_1229 = tpu.memref_slice %arg7[%dma_start3A_1226, %dma_start3A_1227, %dma_start3A_1228] : memref<100x8x128xf32, #tpu.memory_space<vmem>> -> memref<1x8x128xf32, #tpu.memory_space<vmem>>
          %dma_start3A_1230 = tpu.memref_squeeze %dma_start3A_1229 : memref<1x8x128xf32, #tpu.memory_space<vmem>> -> memref<8x128xf32, #tpu.memory_space<vmem>>
          %dma_start3A_1231 = arith.constant 0 : i32
          %dma_start3A_1232 = tpu.memref_slice %arg2[%dma_start3A, %dma_start3A_1231, %multiple_of3A] : memref<100x8x100000xf32, #tpu.memory_space<hbm>> -> memref<1x8x128xf32, #tpu.memory_space<hbm>>
          %dma_start3A_1233 = tpu.memref_squeeze %dma_start3A_1232 : memref<1x8x128xf32, #tpu.memory_space<hbm>> -> memref<8x128xf32, #tpu.memory_space<hbm>>
          %dma_start3A_1234 = arith.constant 0 : i32
          %dma_start3A_1235 = arith.constant 0 : i32
          %dma_start3A_1236 = tpu.memref_slice %arg7[%dma_start3A_1226, %dma_start3A_1234, %dma_start3A_1235] : memref<100x8x128xf32, #tpu.memory_space<vmem>> -> memref<1x8x128xf32, #tpu.memory_space<vmem>>
          %dma_start3A_1237 = tpu.memref_squeeze %dma_start3A_1236 : memref<1x8x128xf32, #tpu.memory_space<vmem>> -> memref<8x128xf32, #tpu.memory_space<vmem>>
          %dma_start3A_1238 = arith.constant 0 : i32
          %dma_start3A_1239 = tpu.memref_slice %arg2[%dma_start3A, %dma_start3A_1238, %multiple_of3A] : memref<100x8x100000xf32, #tpu.memory_space<hbm>> -> memref<1x8x128xf32, #tpu.memory_space<hbm>>
          %dma_start3A_1240 = tpu.memref_squeeze %dma_start3A_1239 : memref<1x8x128xf32, #tpu.memory_space<hbm>> -> memref<8x128xf32, #tpu.memory_space<hbm>>
          tpu.enqueue_dma source(%dma_start3A_1240 : memref<8x128xf32, #tpu.memory_space<hbm>>) target(%dma_start3A_1237 : memref<8x128xf32, #tpu.memory_space<vmem>>) target_semaphore(%arg9 : memref<!tpu.dma_semaphore, #tpu.memory_space<semaphore_mem>>)
        } else {
        }
        %slice3A_281 = vector.extract_strided_slice %get3A_63 {offsets = [14], sizes = [1], strides = [1]} : vector<16xi32> to vector<1xi32>
        %squeeze3A_282 = vector.extract %slice3A_281[0] : i32 from vector<1xi32>
        %ne3A_283 = arith.constant 0 : i32
        %ne3A_284 = arith.cmpi ne, %squeeze3A_282, %ne3A_283 : i32
        %convert_element_type3A_285 = arith.extui %ne3A_284 : i1 to i32
        %cond3A_286 = arith.constant 0 : i32
        %cond3A_287 = arith.cmpi ne, %convert_element_type3A_285, %cond3A_286 : i32
        scf.if %cond3A_287 {
          %dma_start3A = arith.constant 30 : i32
          %dma_start3A_1226 = arith.constant 30 : i32
          %dma_start3A_1227 = arith.constant 0 : i32
          %dma_start3A_1228 = arith.constant 0 : i32
          %dma_start3A_1229 = tpu.memref_slice %arg7[%dma_start3A_1226, %dma_start3A_1227, %dma_start3A_1228] : memref<100x8x128xf32, #tpu.memory_space<vmem>> -> memref<1x8x128xf32, #tpu.memory_space<vmem>>
          %dma_start3A_1230 = tpu.memref_squeeze %dma_start3A_1229 : memref<1x8x128xf32, #tpu.memory_space<vmem>> -> memref<8x128xf32, #tpu.memory_space<vmem>>
          %dma_start3A_1231 = arith.constant 0 : i32
          %dma_start3A_1232 = tpu.memref_slice %arg2[%dma_start3A, %dma_start3A_1231, %multiple_of3A] : memref<100x8x100000xf32, #tpu.memory_space<hbm>> -> memref<1x8x128xf32, #tpu.memory_space<hbm>>
          %dma_start3A_1233 = tpu.memref_squeeze %dma_start3A_1232 : memref<1x8x128xf32, #tpu.memory_space<hbm>> -> memref<8x128xf32, #tpu.memory_space<hbm>>
          %dma_start3A_1234 = arith.constant 0 : i32
          %dma_start3A_1235 = arith.constant 0 : i32
          %dma_start3A_1236 = tpu.memref_slice %arg7[%dma_start3A_1226, %dma_start3A_1234, %dma_start3A_1235] : memref<100x8x128xf32, #tpu.memory_space<vmem>> -> memref<1x8x128xf32, #tpu.memory_space<vmem>>
          %dma_start3A_1237 = tpu.memref_squeeze %dma_start3A_1236 : memref<1x8x128xf32, #tpu.memory_space<vmem>> -> memref<8x128xf32, #tpu.memory_space<vmem>>
          %dma_start3A_1238 = arith.constant 0 : i32
          %dma_start3A_1239 = tpu.memref_slice %arg2[%dma_start3A, %dma_start3A_1238, %multiple_of3A] : memref<100x8x100000xf32, #tpu.memory_space<hbm>> -> memref<1x8x128xf32, #tpu.memory_space<hbm>>
          %dma_start3A_1240 = tpu.memref_squeeze %dma_start3A_1239 : memref<1x8x128xf32, #tpu.memory_space<hbm>> -> memref<8x128xf32, #tpu.memory_space<hbm>>
          tpu.enqueue_dma source(%dma_start3A_1240 : memref<8x128xf32, #tpu.memory_space<hbm>>) target(%dma_start3A_1237 : memref<8x128xf32, #tpu.memory_space<vmem>>) target_semaphore(%arg9 : memref<!tpu.dma_semaphore, #tpu.memory_space<semaphore_mem>>)
        } else {
        }
        %slice3A_288 = vector.extract_strided_slice %get3A_63 {offsets = [15], sizes = [1], strides = [1]} : vector<16xi32> to vector<1xi32>
        %squeeze3A_289 = vector.extract %slice3A_288[0] : i32 from vector<1xi32>
        %ne3A_290 = arith.constant 0 : i32
        %ne3A_291 = arith.cmpi ne, %squeeze3A_289, %ne3A_290 : i32
        %convert_element_type3A_292 = arith.extui %ne3A_291 : i1 to i32
        %cond3A_293 = arith.constant 0 : i32
        %cond3A_294 = arith.cmpi ne, %convert_element_type3A_292, %cond3A_293 : i32
        scf.if %cond3A_294 {
          %dma_start3A = arith.constant 31 : i32
          %dma_start3A_1226 = arith.constant 31 : i32
          %dma_start3A_1227 = arith.constant 0 : i32
          %dma_start3A_1228 = arith.constant 0 : i32
          %dma_start3A_1229 = tpu.memref_slice %arg7[%dma_start3A_1226, %dma_start3A_1227, %dma_start3A_1228] : memref<100x8x128xf32, #tpu.memory_space<vmem>> -> memref<1x8x128xf32, #tpu.memory_space<vmem>>
          %dma_start3A_1230 = tpu.memref_squeeze %dma_start3A_1229 : memref<1x8x128xf32, #tpu.memory_space<vmem>> -> memref<8x128xf32, #tpu.memory_space<vmem>>
          %dma_start3A_1231 = arith.constant 0 : i32
          %dma_start3A_1232 = tpu.memref_slice %arg2[%dma_start3A, %dma_start3A_1231, %multiple_of3A] : memref<100x8x100000xf32, #tpu.memory_space<hbm>> -> memref<1x8x128xf32, #tpu.memory_space<hbm>>
          %dma_start3A_1233 = tpu.memref_squeeze %dma_start3A_1232 : memref<1x8x128xf32, #tpu.memory_space<hbm>> -> memref<8x128xf32, #tpu.memory_space<hbm>>
          %dma_start3A_1234 = arith.constant 0 : i32
          %dma_start3A_1235 = arith.constant 0 : i32
          %dma_start3A_1236 = tpu.memref_slice %arg7[%dma_start3A_1226, %dma_start3A_1234, %dma_start3A_1235] : memref<100x8x128xf32, #tpu.memory_space<vmem>> -> memref<1x8x128xf32, #tpu.memory_space<vmem>>
          %dma_start3A_1237 = tpu.memref_squeeze %dma_start3A_1236 : memref<1x8x128xf32, #tpu.memory_space<vmem>> -> memref<8x128xf32, #tpu.memory_space<vmem>>
          %dma_start3A_1238 = arith.constant 0 : i32
          %dma_start3A_1239 = tpu.memref_slice %arg2[%dma_start3A, %dma_start3A_1238, %multiple_of3A] : memref<100x8x100000xf32, #tpu.memory_space<hbm>> -> memref<1x8x128xf32, #tpu.memory_space<hbm>>
          %dma_start3A_1240 = tpu.memref_squeeze %dma_start3A_1239 : memref<1x8x128xf32, #tpu.memory_space<hbm>> -> memref<8x128xf32, #tpu.memory_space<hbm>>
          tpu.enqueue_dma source(%dma_start3A_1240 : memref<8x128xf32, #tpu.memory_space<hbm>>) target(%dma_start3A_1237 : memref<8x128xf32, #tpu.memory_space<vmem>>) target_semaphore(%arg9 : memref<!tpu.dma_semaphore, #tpu.memory_space<semaphore_mem>>)
        } else {
        }
        %slice3A_295 = vector.extract_strided_slice %get3A_65 {offsets = [0], sizes = [1], strides = [1]} : vector<16xi32> to vector<1xi32>
        %squeeze3A_296 = vector.extract %slice3A_295[0] : i32 from vector<1xi32>
        %ne3A_297 = arith.constant 0 : i32
        %ne3A_298 = arith.cmpi ne, %squeeze3A_296, %ne3A_297 : i32
        %convert_element_type3A_299 = arith.extui %ne3A_298 : i1 to i32
        %cond3A_300 = arith.constant 0 : i32
        %cond3A_301 = arith.cmpi ne, %convert_element_type3A_299, %cond3A_300 : i32
        scf.if %cond3A_301 {
          %dma_start3A = arith.constant 32 : i32
          %dma_start3A_1226 = arith.constant 32 : i32
          %dma_start3A_1227 = arith.constant 0 : i32
          %dma_start3A_1228 = arith.constant 0 : i32
          %dma_start3A_1229 = tpu.memref_slice %arg7[%dma_start3A_1226, %dma_start3A_1227, %dma_start3A_1228] : memref<100x8x128xf32, #tpu.memory_space<vmem>> -> memref<1x8x128xf32, #tpu.memory_space<vmem>>
          %dma_start3A_1230 = tpu.memref_squeeze %dma_start3A_1229 : memref<1x8x128xf32, #tpu.memory_space<vmem>> -> memref<8x128xf32, #tpu.memory_space<vmem>>
          %dma_start3A_1231 = arith.constant 0 : i32
          %dma_start3A_1232 = tpu.memref_slice %arg2[%dma_start3A, %dma_start3A_1231, %multiple_of3A] : memref<100x8x100000xf32, #tpu.memory_space<hbm>> -> memref<1x8x128xf32, #tpu.memory_space<hbm>>
          %dma_start3A_1233 = tpu.memref_squeeze %dma_start3A_1232 : memref<1x8x128xf32, #tpu.memory_space<hbm>> -> memref<8x128xf32, #tpu.memory_space<hbm>>
          %dma_start3A_1234 = arith.constant 0 : i32
          %dma_start3A_1235 = arith.constant 0 : i32
          %dma_start3A_1236 = tpu.memref_slice %arg7[%dma_start3A_1226, %dma_start3A_1234, %dma_start3A_1235] : memref<100x8x128xf32, #tpu.memory_space<vmem>> -> memref<1x8x128xf32, #tpu.memory_space<vmem>>
          %dma_start3A_1237 = tpu.memref_squeeze %dma_start3A_1236 : memref<1x8x128xf32, #tpu.memory_space<vmem>> -> memref<8x128xf32, #tpu.memory_space<vmem>>
          %dma_start3A_1238 = arith.constant 0 : i32
          %dma_start3A_1239 = tpu.memref_slice %arg2[%dma_start3A, %dma_start3A_1238, %multiple_of3A] : memref<100x8x100000xf32, #tpu.memory_space<hbm>> -> memref<1x8x128xf32, #tpu.memory_space<hbm>>
          %dma_start3A_1240 = tpu.memref_squeeze %dma_start3A_1239 : memref<1x8x128xf32, #tpu.memory_space<hbm>> -> memref<8x128xf32, #tpu.memory_space<hbm>>
          tpu.enqueue_dma source(%dma_start3A_1240 : memref<8x128xf32, #tpu.memory_space<hbm>>) target(%dma_start3A_1237 : memref<8x128xf32, #tpu.memory_space<vmem>>) target_semaphore(%arg9 : memref<!tpu.dma_semaphore, #tpu.memory_space<semaphore_mem>>)
        } else {
        }
        %slice3A_302 = vector.extract_strided_slice %get3A_65 {offsets = [1], sizes = [1], strides = [1]} : vector<16xi32> to vector<1xi32>
        %squeeze3A_303 = vector.extract %slice3A_302[0] : i32 from vector<1xi32>
        %ne3A_304 = arith.constant 0 : i32
        %ne3A_305 = arith.cmpi ne, %squeeze3A_303, %ne3A_304 : i32
        %convert_element_type3A_306 = arith.extui %ne3A_305 : i1 to i32
        %cond3A_307 = arith.constant 0 : i32
        %cond3A_308 = arith.cmpi ne, %convert_element_type3A_306, %cond3A_307 : i32
        scf.if %cond3A_308 {
          %dma_start3A = arith.constant 33 : i32
          %dma_start3A_1226 = arith.constant 33 : i32
          %dma_start3A_1227 = arith.constant 0 : i32
          %dma_start3A_1228 = arith.constant 0 : i32
          %dma_start3A_1229 = tpu.memref_slice %arg7[%dma_start3A_1226, %dma_start3A_1227, %dma_start3A_1228] : memref<100x8x128xf32, #tpu.memory_space<vmem>> -> memref<1x8x128xf32, #tpu.memory_space<vmem>>
          %dma_start3A_1230 = tpu.memref_squeeze %dma_start3A_1229 : memref<1x8x128xf32, #tpu.memory_space<vmem>> -> memref<8x128xf32, #tpu.memory_space<vmem>>
          %dma_start3A_1231 = arith.constant 0 : i32
          %dma_start3A_1232 = tpu.memref_slice %arg2[%dma_start3A, %dma_start3A_1231, %multiple_of3A] : memref<100x8x100000xf32, #tpu.memory_space<hbm>> -> memref<1x8x128xf32, #tpu.memory_space<hbm>>
          %dma_start3A_1233 = tpu.memref_squeeze %dma_start3A_1232 : memref<1x8x128xf32, #tpu.memory_space<hbm>> -> memref<8x128xf32, #tpu.memory_space<hbm>>
          %dma_start3A_1234 = arith.constant 0 : i32
          %dma_start3A_1235 = arith.constant 0 : i32
          %dma_start3A_1236 = tpu.memref_slice %arg7[%dma_start3A_1226, %dma_start3A_1234, %dma_start3A_1235] : memref<100x8x128xf32, #tpu.memory_space<vmem>> -> memref<1x8x128xf32, #tpu.memory_space<vmem>>
          %dma_start3A_1237 = tpu.memref_squeeze %dma_start3A_1236 : memref<1x8x128xf32, #tpu.memory_space<vmem>> -> memref<8x128xf32, #tpu.memory_space<vmem>>
          %dma_start3A_1238 = arith.constant 0 : i32
          %dma_start3A_1239 = tpu.memref_slice %arg2[%dma_start3A, %dma_start3A_1238, %multiple_of3A] : memref<100x8x100000xf32, #tpu.memory_space<hbm>> -> memref<1x8x128xf32, #tpu.memory_space<hbm>>
          %dma_start3A_1240 = tpu.memref_squeeze %dma_start3A_1239 : memref<1x8x128xf32, #tpu.memory_space<hbm>> -> memref<8x128xf32, #tpu.memory_space<hbm>>
          tpu.enqueue_dma source(%dma_start3A_1240 : memref<8x128xf32, #tpu.memory_space<hbm>>) target(%dma_start3A_1237 : memref<8x128xf32, #tpu.memory_space<vmem>>) target_semaphore(%arg9 : memref<!tpu.dma_semaphore, #tpu.memory_space<semaphore_mem>>)
        } else {
        }
        %slice3A_309 = vector.extract_strided_slice %get3A_65 {offsets = [2], sizes = [1], strides = [1]} : vector<16xi32> to vector<1xi32>
        %squeeze3A_310 = vector.extract %slice3A_309[0] : i32 from vector<1xi32>
        %ne3A_311 = arith.constant 0 : i32
        %ne3A_312 = arith.cmpi ne, %squeeze3A_310, %ne3A_311 : i32
        %convert_element_type3A_313 = arith.extui %ne3A_312 : i1 to i32
        %cond3A_314 = arith.constant 0 : i32
        %cond3A_315 = arith.cmpi ne, %convert_element_type3A_313, %cond3A_314 : i32
        scf.if %cond3A_315 {
          %dma_start3A = arith.constant 34 : i32
          %dma_start3A_1226 = arith.constant 34 : i32
          %dma_start3A_1227 = arith.constant 0 : i32
          %dma_start3A_1228 = arith.constant 0 : i32
          %dma_start3A_1229 = tpu.memref_slice %arg7[%dma_start3A_1226, %dma_start3A_1227, %dma_start3A_1228] : memref<100x8x128xf32, #tpu.memory_space<vmem>> -> memref<1x8x128xf32, #tpu.memory_space<vmem>>
          %dma_start3A_1230 = tpu.memref_squeeze %dma_start3A_1229 : memref<1x8x128xf32, #tpu.memory_space<vmem>> -> memref<8x128xf32, #tpu.memory_space<vmem>>
          %dma_start3A_1231 = arith.constant 0 : i32
          %dma_start3A_1232 = tpu.memref_slice %arg2[%dma_start3A, %dma_start3A_1231, %multiple_of3A] : memref<100x8x100000xf32, #tpu.memory_space<hbm>> -> memref<1x8x128xf32, #tpu.memory_space<hbm>>
          %dma_start3A_1233 = tpu.memref_squeeze %dma_start3A_1232 : memref<1x8x128xf32, #tpu.memory_space<hbm>> -> memref<8x128xf32, #tpu.memory_space<hbm>>
          %dma_start3A_1234 = arith.constant 0 : i32
          %dma_start3A_1235 = arith.constant 0 : i32
          %dma_start3A_1236 = tpu.memref_slice %arg7[%dma_start3A_1226, %dma_start3A_1234, %dma_start3A_1235] : memref<100x8x128xf32, #tpu.memory_space<vmem>> -> memref<1x8x128xf32, #tpu.memory_space<vmem>>
          %dma_start3A_1237 = tpu.memref_squeeze %dma_start3A_1236 : memref<1x8x128xf32, #tpu.memory_space<vmem>> -> memref<8x128xf32, #tpu.memory_space<vmem>>
          %dma_start3A_1238 = arith.constant 0 : i32
          %dma_start3A_1239 = tpu.memref_slice %arg2[%dma_start3A, %dma_start3A_1238, %multiple_of3A] : memref<100x8x100000xf32, #tpu.memory_space<hbm>> -> memref<1x8x128xf32, #tpu.memory_space<hbm>>
          %dma_start3A_1240 = tpu.memref_squeeze %dma_start3A_1239 : memref<1x8x128xf32, #tpu.memory_space<hbm>> -> memref<8x128xf32, #tpu.memory_space<hbm>>
          tpu.enqueue_dma source(%dma_start3A_1240 : memref<8x128xf32, #tpu.memory_space<hbm>>) target(%dma_start3A_1237 : memref<8x128xf32, #tpu.memory_space<vmem>>) target_semaphore(%arg9 : memref<!tpu.dma_semaphore, #tpu.memory_space<semaphore_mem>>)
        } else {
        }
        %slice3A_316 = vector.extract_strided_slice %get3A_65 {offsets = [3], sizes = [1], strides = [1]} : vector<16xi32> to vector<1xi32>
        %squeeze3A_317 = vector.extract %slice3A_316[0] : i32 from vector<1xi32>
        %ne3A_318 = arith.constant 0 : i32
        %ne3A_319 = arith.cmpi ne, %squeeze3A_317, %ne3A_318 : i32
        %convert_element_type3A_320 = arith.extui %ne3A_319 : i1 to i32
        %cond3A_321 = arith.constant 0 : i32
        %cond3A_322 = arith.cmpi ne, %convert_element_type3A_320, %cond3A_321 : i32
        scf.if %cond3A_322 {
          %dma_start3A = arith.constant 35 : i32
          %dma_start3A_1226 = arith.constant 35 : i32
          %dma_start3A_1227 = arith.constant 0 : i32
          %dma_start3A_1228 = arith.constant 0 : i32
          %dma_start3A_1229 = tpu.memref_slice %arg7[%dma_start3A_1226, %dma_start3A_1227, %dma_start3A_1228] : memref<100x8x128xf32, #tpu.memory_space<vmem>> -> memref<1x8x128xf32, #tpu.memory_space<vmem>>
          %dma_start3A_1230 = tpu.memref_squeeze %dma_start3A_1229 : memref<1x8x128xf32, #tpu.memory_space<vmem>> -> memref<8x128xf32, #tpu.memory_space<vmem>>
          %dma_start3A_1231 = arith.constant 0 : i32
          %dma_start3A_1232 = tpu.memref_slice %arg2[%dma_start3A, %dma_start3A_1231, %multiple_of3A] : memref<100x8x100000xf32, #tpu.memory_space<hbm>> -> memref<1x8x128xf32, #tpu.memory_space<hbm>>
          %dma_start3A_1233 = tpu.memref_squeeze %dma_start3A_1232 : memref<1x8x128xf32, #tpu.memory_space<hbm>> -> memref<8x128xf32, #tpu.memory_space<hbm>>
          %dma_start3A_1234 = arith.constant 0 : i32
          %dma_start3A_1235 = arith.constant 0 : i32
          %dma_start3A_1236 = tpu.memref_slice %arg7[%dma_start3A_1226, %dma_start3A_1234, %dma_start3A_1235] : memref<100x8x128xf32, #tpu.memory_space<vmem>> -> memref<1x8x128xf32, #tpu.memory_space<vmem>>
          %dma_start3A_1237 = tpu.memref_squeeze %dma_start3A_1236 : memref<1x8x128xf32, #tpu.memory_space<vmem>> -> memref<8x128xf32, #tpu.memory_space<vmem>>
          %dma_start3A_1238 = arith.constant 0 : i32
          %dma_start3A_1239 = tpu.memref_slice %arg2[%dma_start3A, %dma_start3A_1238, %multiple_of3A] : memref<100x8x100000xf32, #tpu.memory_space<hbm>> -> memref<1x8x128xf32, #tpu.memory_space<hbm>>
          %dma_start3A_1240 = tpu.memref_squeeze %dma_start3A_1239 : memref<1x8x128xf32, #tpu.memory_space<hbm>> -> memref<8x128xf32, #tpu.memory_space<hbm>>
          tpu.enqueue_dma source(%dma_start3A_1240 : memref<8x128xf32, #tpu.memory_space<hbm>>) target(%dma_start3A_1237 : memref<8x128xf32, #tpu.memory_space<vmem>>) target_semaphore(%arg9 : memref<!tpu.dma_semaphore, #tpu.memory_space<semaphore_mem>>)
        } else {
        }
        %slice3A_323 = vector.extract_strided_slice %get3A_65 {offsets = [4], sizes = [1], strides = [1]} : vector<16xi32> to vector<1xi32>
        %squeeze3A_324 = vector.extract %slice3A_323[0] : i32 from vector<1xi32>
        %ne3A_325 = arith.constant 0 : i32
        %ne3A_326 = arith.cmpi ne, %squeeze3A_324, %ne3A_325 : i32
        %convert_element_type3A_327 = arith.extui %ne3A_326 : i1 to i32
        %cond3A_328 = arith.constant 0 : i32
        %cond3A_329 = arith.cmpi ne, %convert_element_type3A_327, %cond3A_328 : i32
        scf.if %cond3A_329 {
          %dma_start3A = arith.constant 36 : i32
          %dma_start3A_1226 = arith.constant 36 : i32
          %dma_start3A_1227 = arith.constant 0 : i32
          %dma_start3A_1228 = arith.constant 0 : i32
          %dma_start3A_1229 = tpu.memref_slice %arg7[%dma_start3A_1226, %dma_start3A_1227, %dma_start3A_1228] : memref<100x8x128xf32, #tpu.memory_space<vmem>> -> memref<1x8x128xf32, #tpu.memory_space<vmem>>
          %dma_start3A_1230 = tpu.memref_squeeze %dma_start3A_1229 : memref<1x8x128xf32, #tpu.memory_space<vmem>> -> memref<8x128xf32, #tpu.memory_space<vmem>>
          %dma_start3A_1231 = arith.constant 0 : i32
          %dma_start3A_1232 = tpu.memref_slice %arg2[%dma_start3A, %dma_start3A_1231, %multiple_of3A] : memref<100x8x100000xf32, #tpu.memory_space<hbm>> -> memref<1x8x128xf32, #tpu.memory_space<hbm>>
          %dma_start3A_1233 = tpu.memref_squeeze %dma_start3A_1232 : memref<1x8x128xf32, #tpu.memory_space<hbm>> -> memref<8x128xf32, #tpu.memory_space<hbm>>
          %dma_start3A_1234 = arith.constant 0 : i32
          %dma_start3A_1235 = arith.constant 0 : i32
          %dma_start3A_1236 = tpu.memref_slice %arg7[%dma_start3A_1226, %dma_start3A_1234, %dma_start3A_1235] : memref<100x8x128xf32, #tpu.memory_space<vmem>> -> memref<1x8x128xf32, #tpu.memory_space<vmem>>
          %dma_start3A_1237 = tpu.memref_squeeze %dma_start3A_1236 : memref<1x8x128xf32, #tpu.memory_space<vmem>> -> memref<8x128xf32, #tpu.memory_space<vmem>>
          %dma_start3A_1238 = arith.constant 0 : i32
          %dma_start3A_1239 = tpu.memref_slice %arg2[%dma_start3A, %dma_start3A_1238, %multiple_of3A] : memref<100x8x100000xf32, #tpu.memory_space<hbm>> -> memref<1x8x128xf32, #tpu.memory_space<hbm>>
          %dma_start3A_1240 = tpu.memref_squeeze %dma_start3A_1239 : memref<1x8x128xf32, #tpu.memory_space<hbm>> -> memref<8x128xf32, #tpu.memory_space<hbm>>
          tpu.enqueue_dma source(%dma_start3A_1240 : memref<8x128xf32, #tpu.memory_space<hbm>>) target(%dma_start3A_1237 : memref<8x128xf32, #tpu.memory_space<vmem>>) target_semaphore(%arg9 : memref<!tpu.dma_semaphore, #tpu.memory_space<semaphore_mem>>)
        } else {
        }
        %slice3A_330 = vector.extract_strided_slice %get3A_65 {offsets = [5], sizes = [1], strides = [1]} : vector<16xi32> to vector<1xi32>
        %squeeze3A_331 = vector.extract %slice3A_330[0] : i32 from vector<1xi32>
        %ne3A_332 = arith.constant 0 : i32
        %ne3A_333 = arith.cmpi ne, %squeeze3A_331, %ne3A_332 : i32
        %convert_element_type3A_334 = arith.extui %ne3A_333 : i1 to i32
        %cond3A_335 = arith.constant 0 : i32
        %cond3A_336 = arith.cmpi ne, %convert_element_type3A_334, %cond3A_335 : i32
        scf.if %cond3A_336 {
          %dma_start3A = arith.constant 37 : i32
          %dma_start3A_1226 = arith.constant 37 : i32
          %dma_start3A_1227 = arith.constant 0 : i32
          %dma_start3A_1228 = arith.constant 0 : i32
          %dma_start3A_1229 = tpu.memref_slice %arg7[%dma_start3A_1226, %dma_start3A_1227, %dma_start3A_1228] : memref<100x8x128xf32, #tpu.memory_space<vmem>> -> memref<1x8x128xf32, #tpu.memory_space<vmem>>
          %dma_start3A_1230 = tpu.memref_squeeze %dma_start3A_1229 : memref<1x8x128xf32, #tpu.memory_space<vmem>> -> memref<8x128xf32, #tpu.memory_space<vmem>>
          %dma_start3A_1231 = arith.constant 0 : i32
          %dma_start3A_1232 = tpu.memref_slice %arg2[%dma_start3A, %dma_start3A_1231, %multiple_of3A] : memref<100x8x100000xf32, #tpu.memory_space<hbm>> -> memref<1x8x128xf32, #tpu.memory_space<hbm>>
          %dma_start3A_1233 = tpu.memref_squeeze %dma_start3A_1232 : memref<1x8x128xf32, #tpu.memory_space<hbm>> -> memref<8x128xf32, #tpu.memory_space<hbm>>
          %dma_start3A_1234 = arith.constant 0 : i32
          %dma_start3A_1235 = arith.constant 0 : i32
          %dma_start3A_1236 = tpu.memref_slice %arg7[%dma_start3A_1226, %dma_start3A_1234, %dma_start3A_1235] : memref<100x8x128xf32, #tpu.memory_space<vmem>> -> memref<1x8x128xf32, #tpu.memory_space<vmem>>
          %dma_start3A_1237 = tpu.memref_squeeze %dma_start3A_1236 : memref<1x8x128xf32, #tpu.memory_space<vmem>> -> memref<8x128xf32, #tpu.memory_space<vmem>>
          %dma_start3A_1238 = arith.constant 0 : i32
          %dma_start3A_1239 = tpu.memref_slice %arg2[%dma_start3A, %dma_start3A_1238, %multiple_of3A] : memref<100x8x100000xf32, #tpu.memory_space<hbm>> -> memref<1x8x128xf32, #tpu.memory_space<hbm>>
          %dma_start3A_1240 = tpu.memref_squeeze %dma_start3A_1239 : memref<1x8x128xf32, #tpu.memory_space<hbm>> -> memref<8x128xf32, #tpu.memory_space<hbm>>
          tpu.enqueue_dma source(%dma_start3A_1240 : memref<8x128xf32, #tpu.memory_space<hbm>>) target(%dma_start3A_1237 : memref<8x128xf32, #tpu.memory_space<vmem>>) target_semaphore(%arg9 : memref<!tpu.dma_semaphore, #tpu.memory_space<semaphore_mem>>)
        } else {
        }
        %slice3A_337 = vector.extract_strided_slice %get3A_65 {offsets = [6], sizes = [1], strides = [1]} : vector<16xi32> to vector<1xi32>
        %squeeze3A_338 = vector.extract %slice3A_337[0] : i32 from vector<1xi32>
        %ne3A_339 = arith.constant 0 : i32
        %ne3A_340 = arith.cmpi ne, %squeeze3A_338, %ne3A_339 : i32
        %convert_element_type3A_341 = arith.extui %ne3A_340 : i1 to i32
        %cond3A_342 = arith.constant 0 : i32
        %cond3A_343 = arith.cmpi ne, %convert_element_type3A_341, %cond3A_342 : i32
        scf.if %cond3A_343 {
          %dma_start3A = arith.constant 38 : i32
          %dma_start3A_1226 = arith.constant 38 : i32
          %dma_start3A_1227 = arith.constant 0 : i32
          %dma_start3A_1228 = arith.constant 0 : i32
          %dma_start3A_1229 = tpu.memref_slice %arg7[%dma_start3A_1226, %dma_start3A_1227, %dma_start3A_1228] : memref<100x8x128xf32, #tpu.memory_space<vmem>> -> memref<1x8x128xf32, #tpu.memory_space<vmem>>
          %dma_start3A_1230 = tpu.memref_squeeze %dma_start3A_1229 : memref<1x8x128xf32, #tpu.memory_space<vmem>> -> memref<8x128xf32, #tpu.memory_space<vmem>>
          %dma_start3A_1231 = arith.constant 0 : i32
          %dma_start3A_1232 = tpu.memref_slice %arg2[%dma_start3A, %dma_start3A_1231, %multiple_of3A] : memref<100x8x100000xf32, #tpu.memory_space<hbm>> -> memref<1x8x128xf32, #tpu.memory_space<hbm>>
          %dma_start3A_1233 = tpu.memref_squeeze %dma_start3A_1232 : memref<1x8x128xf32, #tpu.memory_space<hbm>> -> memref<8x128xf32, #tpu.memory_space<hbm>>
          %dma_start3A_1234 = arith.constant 0 : i32
          %dma_start3A_1235 = arith.constant 0 : i32
          %dma_start3A_1236 = tpu.memref_slice %arg7[%dma_start3A_1226, %dma_start3A_1234, %dma_start3A_1235] : memref<100x8x128xf32, #tpu.memory_space<vmem>> -> memref<1x8x128xf32, #tpu.memory_space<vmem>>
          %dma_start3A_1237 = tpu.memref_squeeze %dma_start3A_1236 : memref<1x8x128xf32, #tpu.memory_space<vmem>> -> memref<8x128xf32, #tpu.memory_space<vmem>>
          %dma_start3A_1238 = arith.constant 0 : i32
          %dma_start3A_1239 = tpu.memref_slice %arg2[%dma_start3A, %dma_start3A_1238, %multiple_of3A] : memref<100x8x100000xf32, #tpu.memory_space<hbm>> -> memref<1x8x128xf32, #tpu.memory_space<hbm>>
          %dma_start3A_1240 = tpu.memref_squeeze %dma_start3A_1239 : memref<1x8x128xf32, #tpu.memory_space<hbm>> -> memref<8x128xf32, #tpu.memory_space<hbm>>
          tpu.enqueue_dma source(%dma_start3A_1240 : memref<8x128xf32, #tpu.memory_space<hbm>>) target(%dma_start3A_1237 : memref<8x128xf32, #tpu.memory_space<vmem>>) target_semaphore(%arg9 : memref<!tpu.dma_semaphore, #tpu.memory_space<semaphore_mem>>)
        } else {
        }
        %slice3A_344 = vector.extract_strided_slice %get3A_65 {offsets = [7], sizes = [1], strides = [1]} : vector<16xi32> to vector<1xi32>
        %squeeze3A_345 = vector.extract %slice3A_344[0] : i32 from vector<1xi32>
        %ne3A_346 = arith.constant 0 : i32
        %ne3A_347 = arith.cmpi ne, %squeeze3A_345, %ne3A_346 : i32
        %convert_element_type3A_348 = arith.extui %ne3A_347 : i1 to i32
        %cond3A_349 = arith.constant 0 : i32
        %cond3A_350 = arith.cmpi ne, %convert_element_type3A_348, %cond3A_349 : i32
        scf.if %cond3A_350 {
          %dma_start3A = arith.constant 39 : i32
          %dma_start3A_1226 = arith.constant 39 : i32
          %dma_start3A_1227 = arith.constant 0 : i32
          %dma_start3A_1228 = arith.constant 0 : i32
          %dma_start3A_1229 = tpu.memref_slice %arg7[%dma_start3A_1226, %dma_start3A_1227, %dma_start3A_1228] : memref<100x8x128xf32, #tpu.memory_space<vmem>> -> memref<1x8x128xf32, #tpu.memory_space<vmem>>
          %dma_start3A_1230 = tpu.memref_squeeze %dma_start3A_1229 : memref<1x8x128xf32, #tpu.memory_space<vmem>> -> memref<8x128xf32, #tpu.memory_space<vmem>>
          %dma_start3A_1231 = arith.constant 0 : i32
          %dma_start3A_1232 = tpu.memref_slice %arg2[%dma_start3A, %dma_start3A_1231, %multiple_of3A] : memref<100x8x100000xf32, #tpu.memory_space<hbm>> -> memref<1x8x128xf32, #tpu.memory_space<hbm>>
          %dma_start3A_1233 = tpu.memref_squeeze %dma_start3A_1232 : memref<1x8x128xf32, #tpu.memory_space<hbm>> -> memref<8x128xf32, #tpu.memory_space<hbm>>
          %dma_start3A_1234 = arith.constant 0 : i32
          %dma_start3A_1235 = arith.constant 0 : i32
          %dma_start3A_1236 = tpu.memref_slice %arg7[%dma_start3A_1226, %dma_start3A_1234, %dma_start3A_1235] : memref<100x8x128xf32, #tpu.memory_space<vmem>> -> memref<1x8x128xf32, #tpu.memory_space<vmem>>
          %dma_start3A_1237 = tpu.memref_squeeze %dma_start3A_1236 : memref<1x8x128xf32, #tpu.memory_space<vmem>> -> memref<8x128xf32, #tpu.memory_space<vmem>>
          %dma_start3A_1238 = arith.constant 0 : i32
          %dma_start3A_1239 = tpu.memref_slice %arg2[%dma_start3A, %dma_start3A_1238, %multiple_of3A] : memref<100x8x100000xf32, #tpu.memory_space<hbm>> -> memref<1x8x128xf32, #tpu.memory_space<hbm>>
          %dma_start3A_1240 = tpu.memref_squeeze %dma_start3A_1239 : memref<1x8x128xf32, #tpu.memory_space<hbm>> -> memref<8x128xf32, #tpu.memory_space<hbm>>
          tpu.enqueue_dma source(%dma_start3A_1240 : memref<8x128xf32, #tpu.memory_space<hbm>>) target(%dma_start3A_1237 : memref<8x128xf32, #tpu.memory_space<vmem>>) target_semaphore(%arg9 : memref<!tpu.dma_semaphore, #tpu.memory_space<semaphore_mem>>)
        } else {
        }
        %slice3A_351 = vector.extract_strided_slice %get3A_65 {offsets = [8], sizes = [1], strides = [1]} : vector<16xi32> to vector<1xi32>
        %squeeze3A_352 = vector.extract %slice3A_351[0] : i32 from vector<1xi32>
        %ne3A_353 = arith.constant 0 : i32
        %ne3A_354 = arith.cmpi ne, %squeeze3A_352, %ne3A_353 : i32
        %convert_element_type3A_355 = arith.extui %ne3A_354 : i1 to i32
        %cond3A_356 = arith.constant 0 : i32
        %cond3A_357 = arith.cmpi ne, %convert_element_type3A_355, %cond3A_356 : i32
        scf.if %cond3A_357 {
          %dma_start3A = arith.constant 40 : i32
          %dma_start3A_1226 = arith.constant 40 : i32
          %dma_start3A_1227 = arith.constant 0 : i32
          %dma_start3A_1228 = arith.constant 0 : i32
          %dma_start3A_1229 = tpu.memref_slice %arg7[%dma_start3A_1226, %dma_start3A_1227, %dma_start3A_1228] : memref<100x8x128xf32, #tpu.memory_space<vmem>> -> memref<1x8x128xf32, #tpu.memory_space<vmem>>
          %dma_start3A_1230 = tpu.memref_squeeze %dma_start3A_1229 : memref<1x8x128xf32, #tpu.memory_space<vmem>> -> memref<8x128xf32, #tpu.memory_space<vmem>>
          %dma_start3A_1231 = arith.constant 0 : i32
          %dma_start3A_1232 = tpu.memref_slice %arg2[%dma_start3A, %dma_start3A_1231, %multiple_of3A] : memref<100x8x100000xf32, #tpu.memory_space<hbm>> -> memref<1x8x128xf32, #tpu.memory_space<hbm>>
          %dma_start3A_1233 = tpu.memref_squeeze %dma_start3A_1232 : memref<1x8x128xf32, #tpu.memory_space<hbm>> -> memref<8x128xf32, #tpu.memory_space<hbm>>
          %dma_start3A_1234 = arith.constant 0 : i32
          %dma_start3A_1235 = arith.constant 0 : i32
          %dma_start3A_1236 = tpu.memref_slice %arg7[%dma_start3A_1226, %dma_start3A_1234, %dma_start3A_1235] : memref<100x8x128xf32, #tpu.memory_space<vmem>> -> memref<1x8x128xf32, #tpu.memory_space<vmem>>
          %dma_start3A_1237 = tpu.memref_squeeze %dma_start3A_1236 : memref<1x8x128xf32, #tpu.memory_space<vmem>> -> memref<8x128xf32, #tpu.memory_space<vmem>>
          %dma_start3A_1238 = arith.constant 0 : i32
          %dma_start3A_1239 = tpu.memref_slice %arg2[%dma_start3A, %dma_start3A_1238, %multiple_of3A] : memref<100x8x100000xf32, #tpu.memory_space<hbm>> -> memref<1x8x128xf32, #tpu.memory_space<hbm>>
          %dma_start3A_1240 = tpu.memref_squeeze %dma_start3A_1239 : memref<1x8x128xf32, #tpu.memory_space<hbm>> -> memref<8x128xf32, #tpu.memory_space<hbm>>
          tpu.enqueue_dma source(%dma_start3A_1240 : memref<8x128xf32, #tpu.memory_space<hbm>>) target(%dma_start3A_1237 : memref<8x128xf32, #tpu.memory_space<vmem>>) target_semaphore(%arg9 : memref<!tpu.dma_semaphore, #tpu.memory_space<semaphore_mem>>)
        } else {
        }
        %slice3A_358 = vector.extract_strided_slice %get3A_65 {offsets = [9], sizes = [1], strides = [1]} : vector<16xi32> to vector<1xi32>
        %squeeze3A_359 = vector.extract %slice3A_358[0] : i32 from vector<1xi32>
        %ne3A_360 = arith.constant 0 : i32
        %ne3A_361 = arith.cmpi ne, %squeeze3A_359, %ne3A_360 : i32
        %convert_element_type3A_362 = arith.extui %ne3A_361 : i1 to i32
        %cond3A_363 = arith.constant 0 : i32
        %cond3A_364 = arith.cmpi ne, %convert_element_type3A_362, %cond3A_363 : i32
        scf.if %cond3A_364 {
          %dma_start3A = arith.constant 41 : i32
          %dma_start3A_1226 = arith.constant 41 : i32
          %dma_start3A_1227 = arith.constant 0 : i32
          %dma_start3A_1228 = arith.constant 0 : i32
          %dma_start3A_1229 = tpu.memref_slice %arg7[%dma_start3A_1226, %dma_start3A_1227, %dma_start3A_1228] : memref<100x8x128xf32, #tpu.memory_space<vmem>> -> memref<1x8x128xf32, #tpu.memory_space<vmem>>
          %dma_start3A_1230 = tpu.memref_squeeze %dma_start3A_1229 : memref<1x8x128xf32, #tpu.memory_space<vmem>> -> memref<8x128xf32, #tpu.memory_space<vmem>>
          %dma_start3A_1231 = arith.constant 0 : i32
          %dma_start3A_1232 = tpu.memref_slice %arg2[%dma_start3A, %dma_start3A_1231, %multiple_of3A] : memref<100x8x100000xf32, #tpu.memory_space<hbm>> -> memref<1x8x128xf32, #tpu.memory_space<hbm>>
          %dma_start3A_1233 = tpu.memref_squeeze %dma_start3A_1232 : memref<1x8x128xf32, #tpu.memory_space<hbm>> -> memref<8x128xf32, #tpu.memory_space<hbm>>
          %dma_start3A_1234 = arith.constant 0 : i32
          %dma_start3A_1235 = arith.constant 0 : i32
          %dma_start3A_1236 = tpu.memref_slice %arg7[%dma_start3A_1226, %dma_start3A_1234, %dma_start3A_1235] : memref<100x8x128xf32, #tpu.memory_space<vmem>> -> memref<1x8x128xf32, #tpu.memory_space<vmem>>
          %dma_start3A_1237 = tpu.memref_squeeze %dma_start3A_1236 : memref<1x8x128xf32, #tpu.memory_space<vmem>> -> memref<8x128xf32, #tpu.memory_space<vmem>>
          %dma_start3A_1238 = arith.constant 0 : i32
          %dma_start3A_1239 = tpu.memref_slice %arg2[%dma_start3A, %dma_start3A_1238, %multiple_of3A] : memref<100x8x100000xf32, #tpu.memory_space<hbm>> -> memref<1x8x128xf32, #tpu.memory_space<hbm>>
          %dma_start3A_1240 = tpu.memref_squeeze %dma_start3A_1239 : memref<1x8x128xf32, #tpu.memory_space<hbm>> -> memref<8x128xf32, #tpu.memory_space<hbm>>
          tpu.enqueue_dma source(%dma_start3A_1240 : memref<8x128xf32, #tpu.memory_space<hbm>>) target(%dma_start3A_1237 : memref<8x128xf32, #tpu.memory_space<vmem>>) target_semaphore(%arg9 : memref<!tpu.dma_semaphore, #tpu.memory_space<semaphore_mem>>)
        } else {
        }
        %slice3A_365 = vector.extract_strided_slice %get3A_65 {offsets = [10], sizes = [1], strides = [1]} : vector<16xi32> to vector<1xi32>
        %squeeze3A_366 = vector.extract %slice3A_365[0] : i32 from vector<1xi32>
        %ne3A_367 = arith.constant 0 : i32
        %ne3A_368 = arith.cmpi ne, %squeeze3A_366, %ne3A_367 : i32
        %convert_element_type3A_369 = arith.extui %ne3A_368 : i1 to i32
        %cond3A_370 = arith.constant 0 : i32
        %cond3A_371 = arith.cmpi ne, %convert_element_type3A_369, %cond3A_370 : i32
        scf.if %cond3A_371 {
          %dma_start3A = arith.constant 42 : i32
          %dma_start3A_1226 = arith.constant 42 : i32
          %dma_start3A_1227 = arith.constant 0 : i32
          %dma_start3A_1228 = arith.constant 0 : i32
          %dma_start3A_1229 = tpu.memref_slice %arg7[%dma_start3A_1226, %dma_start3A_1227, %dma_start3A_1228] : memref<100x8x128xf32, #tpu.memory_space<vmem>> -> memref<1x8x128xf32, #tpu.memory_space<vmem>>
          %dma_start3A_1230 = tpu.memref_squeeze %dma_start3A_1229 : memref<1x8x128xf32, #tpu.memory_space<vmem>> -> memref<8x128xf32, #tpu.memory_space<vmem>>
          %dma_start3A_1231 = arith.constant 0 : i32
          %dma_start3A_1232 = tpu.memref_slice %arg2[%dma_start3A, %dma_start3A_1231, %multiple_of3A] : memref<100x8x100000xf32, #tpu.memory_space<hbm>> -> memref<1x8x128xf32, #tpu.memory_space<hbm>>
          %dma_start3A_1233 = tpu.memref_squeeze %dma_start3A_1232 : memref<1x8x128xf32, #tpu.memory_space<hbm>> -> memref<8x128xf32, #tpu.memory_space<hbm>>
          %dma_start3A_1234 = arith.constant 0 : i32
          %dma_start3A_1235 = arith.constant 0 : i32
          %dma_start3A_1236 = tpu.memref_slice %arg7[%dma_start3A_1226, %dma_start3A_1234, %dma_start3A_1235] : memref<100x8x128xf32, #tpu.memory_space<vmem>> -> memref<1x8x128xf32, #tpu.memory_space<vmem>>
          %dma_start3A_1237 = tpu.memref_squeeze %dma_start3A_1236 : memref<1x8x128xf32, #tpu.memory_space<vmem>> -> memref<8x128xf32, #tpu.memory_space<vmem>>
          %dma_start3A_1238 = arith.constant 0 : i32
          %dma_start3A_1239 = tpu.memref_slice %arg2[%dma_start3A, %dma_start3A_1238, %multiple_of3A] : memref<100x8x100000xf32, #tpu.memory_space<hbm>> -> memref<1x8x128xf32, #tpu.memory_space<hbm>>
          %dma_start3A_1240 = tpu.memref_squeeze %dma_start3A_1239 : memref<1x8x128xf32, #tpu.memory_space<hbm>> -> memref<8x128xf32, #tpu.memory_space<hbm>>
          tpu.enqueue_dma source(%dma_start3A_1240 : memref<8x128xf32, #tpu.memory_space<hbm>>) target(%dma_start3A_1237 : memref<8x128xf32, #tpu.memory_space<vmem>>) target_semaphore(%arg9 : memref<!tpu.dma_semaphore, #tpu.memory_space<semaphore_mem>>)
        } else {
        }
        %slice3A_372 = vector.extract_strided_slice %get3A_65 {offsets = [11], sizes = [1], strides = [1]} : vector<16xi32> to vector<1xi32>
        %squeeze3A_373 = vector.extract %slice3A_372[0] : i32 from vector<1xi32>
        %ne3A_374 = arith.constant 0 : i32
        %ne3A_375 = arith.cmpi ne, %squeeze3A_373, %ne3A_374 : i32
        %convert_element_type3A_376 = arith.extui %ne3A_375 : i1 to i32
        %cond3A_377 = arith.constant 0 : i32
        %cond3A_378 = arith.cmpi ne, %convert_element_type3A_376, %cond3A_377 : i32
        scf.if %cond3A_378 {
          %dma_start3A = arith.constant 43 : i32
          %dma_start3A_1226 = arith.constant 43 : i32
          %dma_start3A_1227 = arith.constant 0 : i32
          %dma_start3A_1228 = arith.constant 0 : i32
          %dma_start3A_1229 = tpu.memref_slice %arg7[%dma_start3A_1226, %dma_start3A_1227, %dma_start3A_1228] : memref<100x8x128xf32, #tpu.memory_space<vmem>> -> memref<1x8x128xf32, #tpu.memory_space<vmem>>
          %dma_start3A_1230 = tpu.memref_squeeze %dma_start3A_1229 : memref<1x8x128xf32, #tpu.memory_space<vmem>> -> memref<8x128xf32, #tpu.memory_space<vmem>>
          %dma_start3A_1231 = arith.constant 0 : i32
          %dma_start3A_1232 = tpu.memref_slice %arg2[%dma_start3A, %dma_start3A_1231, %multiple_of3A] : memref<100x8x100000xf32, #tpu.memory_space<hbm>> -> memref<1x8x128xf32, #tpu.memory_space<hbm>>
          %dma_start3A_1233 = tpu.memref_squeeze %dma_start3A_1232 : memref<1x8x128xf32, #tpu.memory_space<hbm>> -> memref<8x128xf32, #tpu.memory_space<hbm>>
          %dma_start3A_1234 = arith.constant 0 : i32
          %dma_start3A_1235 = arith.constant 0 : i32
          %dma_start3A_1236 = tpu.memref_slice %arg7[%dma_start3A_1226, %dma_start3A_1234, %dma_start3A_1235] : memref<100x8x128xf32, #tpu.memory_space<vmem>> -> memref<1x8x128xf32, #tpu.memory_space<vmem>>
          %dma_start3A_1237 = tpu.memref_squeeze %dma_start3A_1236 : memref<1x8x128xf32, #tpu.memory_space<vmem>> -> memref<8x128xf32, #tpu.memory_space<vmem>>
          %dma_start3A_1238 = arith.constant 0 : i32
          %dma_start3A_1239 = tpu.memref_slice %arg2[%dma_start3A, %dma_start3A_1238, %multiple_of3A] : memref<100x8x100000xf32, #tpu.memory_space<hbm>> -> memref<1x8x128xf32, #tpu.memory_space<hbm>>
          %dma_start3A_1240 = tpu.memref_squeeze %dma_start3A_1239 : memref<1x8x128xf32, #tpu.memory_space<hbm>> -> memref<8x128xf32, #tpu.memory_space<hbm>>
          tpu.enqueue_dma source(%dma_start3A_1240 : memref<8x128xf32, #tpu.memory_space<hbm>>) target(%dma_start3A_1237 : memref<8x128xf32, #tpu.memory_space<vmem>>) target_semaphore(%arg9 : memref<!tpu.dma_semaphore, #tpu.memory_space<semaphore_mem>>)
        } else {
        }
        %slice3A_379 = vector.extract_strided_slice %get3A_65 {offsets = [12], sizes = [1], strides = [1]} : vector<16xi32> to vector<1xi32>
        %squeeze3A_380 = vector.extract %slice3A_379[0] : i32 from vector<1xi32>
        %ne3A_381 = arith.constant 0 : i32
        %ne3A_382 = arith.cmpi ne, %squeeze3A_380, %ne3A_381 : i32
        %convert_element_type3A_383 = arith.extui %ne3A_382 : i1 to i32
        %cond3A_384 = arith.constant 0 : i32
        %cond3A_385 = arith.cmpi ne, %convert_element_type3A_383, %cond3A_384 : i32
        scf.if %cond3A_385 {
          %dma_start3A = arith.constant 44 : i32
          %dma_start3A_1226 = arith.constant 44 : i32
          %dma_start3A_1227 = arith.constant 0 : i32
          %dma_start3A_1228 = arith.constant 0 : i32
          %dma_start3A_1229 = tpu.memref_slice %arg7[%dma_start3A_1226, %dma_start3A_1227, %dma_start3A_1228] : memref<100x8x128xf32, #tpu.memory_space<vmem>> -> memref<1x8x128xf32, #tpu.memory_space<vmem>>
          %dma_start3A_1230 = tpu.memref_squeeze %dma_start3A_1229 : memref<1x8x128xf32, #tpu.memory_space<vmem>> -> memref<8x128xf32, #tpu.memory_space<vmem>>
          %dma_start3A_1231 = arith.constant 0 : i32
          %dma_start3A_1232 = tpu.memref_slice %arg2[%dma_start3A, %dma_start3A_1231, %multiple_of3A] : memref<100x8x100000xf32, #tpu.memory_space<hbm>> -> memref<1x8x128xf32, #tpu.memory_space<hbm>>
          %dma_start3A_1233 = tpu.memref_squeeze %dma_start3A_1232 : memref<1x8x128xf32, #tpu.memory_space<hbm>> -> memref<8x128xf32, #tpu.memory_space<hbm>>
          %dma_start3A_1234 = arith.constant 0 : i32
          %dma_start3A_1235 = arith.constant 0 : i32
          %dma_start3A_1236 = tpu.memref_slice %arg7[%dma_start3A_1226, %dma_start3A_1234, %dma_start3A_1235] : memref<100x8x128xf32, #tpu.memory_space<vmem>> -> memref<1x8x128xf32, #tpu.memory_space<vmem>>
          %dma_start3A_1237 = tpu.memref_squeeze %dma_start3A_1236 : memref<1x8x128xf32, #tpu.memory_space<vmem>> -> memref<8x128xf32, #tpu.memory_space<vmem>>
          %dma_start3A_1238 = arith.constant 0 : i32
          %dma_start3A_1239 = tpu.memref_slice %arg2[%dma_start3A, %dma_start3A_1238, %multiple_of3A] : memref<100x8x100000xf32, #tpu.memory_space<hbm>> -> memref<1x8x128xf32, #tpu.memory_space<hbm>>
          %dma_start3A_1240 = tpu.memref_squeeze %dma_start3A_1239 : memref<1x8x128xf32, #tpu.memory_space<hbm>> -> memref<8x128xf32, #tpu.memory_space<hbm>>
          tpu.enqueue_dma source(%dma_start3A_1240 : memref<8x128xf32, #tpu.memory_space<hbm>>) target(%dma_start3A_1237 : memref<8x128xf32, #tpu.memory_space<vmem>>) target_semaphore(%arg9 : memref<!tpu.dma_semaphore, #tpu.memory_space<semaphore_mem>>)
        } else {
        }
        %slice3A_386 = vector.extract_strided_slice %get3A_65 {offsets = [13], sizes = [1], strides = [1]} : vector<16xi32> to vector<1xi32>
        %squeeze3A_387 = vector.extract %slice3A_386[0] : i32 from vector<1xi32>
        %ne3A_388 = arith.constant 0 : i32
        %ne3A_389 = arith.cmpi ne, %squeeze3A_387, %ne3A_388 : i32
        %convert_element_type3A_390 = arith.extui %ne3A_389 : i1 to i32
        %cond3A_391 = arith.constant 0 : i32
        %cond3A_392 = arith.cmpi ne, %convert_element_type3A_390, %cond3A_391 : i32
        scf.if %cond3A_392 {
          %dma_start3A = arith.constant 45 : i32
          %dma_start3A_1226 = arith.constant 45 : i32
          %dma_start3A_1227 = arith.constant 0 : i32
          %dma_start3A_1228 = arith.constant 0 : i32
          %dma_start3A_1229 = tpu.memref_slice %arg7[%dma_start3A_1226, %dma_start3A_1227, %dma_start3A_1228] : memref<100x8x128xf32, #tpu.memory_space<vmem>> -> memref<1x8x128xf32, #tpu.memory_space<vmem>>
          %dma_start3A_1230 = tpu.memref_squeeze %dma_start3A_1229 : memref<1x8x128xf32, #tpu.memory_space<vmem>> -> memref<8x128xf32, #tpu.memory_space<vmem>>
          %dma_start3A_1231 = arith.constant 0 : i32
          %dma_start3A_1232 = tpu.memref_slice %arg2[%dma_start3A, %dma_start3A_1231, %multiple_of3A] : memref<100x8x100000xf32, #tpu.memory_space<hbm>> -> memref<1x8x128xf32, #tpu.memory_space<hbm>>
          %dma_start3A_1233 = tpu.memref_squeeze %dma_start3A_1232 : memref<1x8x128xf32, #tpu.memory_space<hbm>> -> memref<8x128xf32, #tpu.memory_space<hbm>>
          %dma_start3A_1234 = arith.constant 0 : i32
          %dma_start3A_1235 = arith.constant 0 : i32
          %dma_start3A_1236 = tpu.memref_slice %arg7[%dma_start3A_1226, %dma_start3A_1234, %dma_start3A_1235] : memref<100x8x128xf32, #tpu.memory_space<vmem>> -> memref<1x8x128xf32, #tpu.memory_space<vmem>>
          %dma_start3A_1237 = tpu.memref_squeeze %dma_start3A_1236 : memref<1x8x128xf32, #tpu.memory_space<vmem>> -> memref<8x128xf32, #tpu.memory_space<vmem>>
          %dma_start3A_1238 = arith.constant 0 : i32
          %dma_start3A_1239 = tpu.memref_slice %arg2[%dma_start3A, %dma_start3A_1238, %multiple_of3A] : memref<100x8x100000xf32, #tpu.memory_space<hbm>> -> memref<1x8x128xf32, #tpu.memory_space<hbm>>
          %dma_start3A_1240 = tpu.memref_squeeze %dma_start3A_1239 : memref<1x8x128xf32, #tpu.memory_space<hbm>> -> memref<8x128xf32, #tpu.memory_space<hbm>>
          tpu.enqueue_dma source(%dma_start3A_1240 : memref<8x128xf32, #tpu.memory_space<hbm>>) target(%dma_start3A_1237 : memref<8x128xf32, #tpu.memory_space<vmem>>) target_semaphore(%arg9 : memref<!tpu.dma_semaphore, #tpu.memory_space<semaphore_mem>>)
        } else {
        }
        %slice3A_393 = vector.extract_strided_slice %get3A_65 {offsets = [14], sizes = [1], strides = [1]} : vector<16xi32> to vector<1xi32>
        %squeeze3A_394 = vector.extract %slice3A_393[0] : i32 from vector<1xi32>
        %ne3A_395 = arith.constant 0 : i32
        %ne3A_396 = arith.cmpi ne, %squeeze3A_394, %ne3A_395 : i32
        %convert_element_type3A_397 = arith.extui %ne3A_396 : i1 to i32
        %cond3A_398 = arith.constant 0 : i32
        %cond3A_399 = arith.cmpi ne, %convert_element_type3A_397, %cond3A_398 : i32
        scf.if %cond3A_399 {
          %dma_start3A = arith.constant 46 : i32
          %dma_start3A_1226 = arith.constant 46 : i32
          %dma_start3A_1227 = arith.constant 0 : i32
          %dma_start3A_1228 = arith.constant 0 : i32
          %dma_start3A_1229 = tpu.memref_slice %arg7[%dma_start3A_1226, %dma_start3A_1227, %dma_start3A_1228] : memref<100x8x128xf32, #tpu.memory_space<vmem>> -> memref<1x8x128xf32, #tpu.memory_space<vmem>>
          %dma_start3A_1230 = tpu.memref_squeeze %dma_start3A_1229 : memref<1x8x128xf32, #tpu.memory_space<vmem>> -> memref<8x128xf32, #tpu.memory_space<vmem>>
          %dma_start3A_1231 = arith.constant 0 : i32
          %dma_start3A_1232 = tpu.memref_slice %arg2[%dma_start3A, %dma_start3A_1231, %multiple_of3A] : memref<100x8x100000xf32, #tpu.memory_space<hbm>> -> memref<1x8x128xf32, #tpu.memory_space<hbm>>
          %dma_start3A_1233 = tpu.memref_squeeze %dma_start3A_1232 : memref<1x8x128xf32, #tpu.memory_space<hbm>> -> memref<8x128xf32, #tpu.memory_space<hbm>>
          %dma_start3A_1234 = arith.constant 0 : i32
          %dma_start3A_1235 = arith.constant 0 : i32
          %dma_start3A_1236 = tpu.memref_slice %arg7[%dma_start3A_1226, %dma_start3A_1234, %dma_start3A_1235] : memref<100x8x128xf32, #tpu.memory_space<vmem>> -> memref<1x8x128xf32, #tpu.memory_space<vmem>>
          %dma_start3A_1237 = tpu.memref_squeeze %dma_start3A_1236 : memref<1x8x128xf32, #tpu.memory_space<vmem>> -> memref<8x128xf32, #tpu.memory_space<vmem>>
          %dma_start3A_1238 = arith.constant 0 : i32
          %dma_start3A_1239 = tpu.memref_slice %arg2[%dma_start3A, %dma_start3A_1238, %multiple_of3A] : memref<100x8x100000xf32, #tpu.memory_space<hbm>> -> memref<1x8x128xf32, #tpu.memory_space<hbm>>
          %dma_start3A_1240 = tpu.memref_squeeze %dma_start3A_1239 : memref<1x8x128xf32, #tpu.memory_space<hbm>> -> memref<8x128xf32, #tpu.memory_space<hbm>>
          tpu.enqueue_dma source(%dma_start3A_1240 : memref<8x128xf32, #tpu.memory_space<hbm>>) target(%dma_start3A_1237 : memref<8x128xf32, #tpu.memory_space<vmem>>) target_semaphore(%arg9 : memref<!tpu.dma_semaphore, #tpu.memory_space<semaphore_mem>>)
        } else {
        }
        %slice3A_400 = vector.extract_strided_slice %get3A_65 {offsets = [15], sizes = [1], strides = [1]} : vector<16xi32> to vector<1xi32>
        %squeeze3A_401 = vector.extract %slice3A_400[0] : i32 from vector<1xi32>
        %ne3A_402 = arith.constant 0 : i32
        %ne3A_403 = arith.cmpi ne, %squeeze3A_401, %ne3A_402 : i32
        %convert_element_type3A_404 = arith.extui %ne3A_403 : i1 to i32
        %cond3A_405 = arith.constant 0 : i32
        %cond3A_406 = arith.cmpi ne, %convert_element_type3A_404, %cond3A_405 : i32
        scf.if %cond3A_406 {
          %dma_start3A = arith.constant 47 : i32
          %dma_start3A_1226 = arith.constant 47 : i32
          %dma_start3A_1227 = arith.constant 0 : i32
          %dma_start3A_1228 = arith.constant 0 : i32
          %dma_start3A_1229 = tpu.memref_slice %arg7[%dma_start3A_1226, %dma_start3A_1227, %dma_start3A_1228] : memref<100x8x128xf32, #tpu.memory_space<vmem>> -> memref<1x8x128xf32, #tpu.memory_space<vmem>>
          %dma_start3A_1230 = tpu.memref_squeeze %dma_start3A_1229 : memref<1x8x128xf32, #tpu.memory_space<vmem>> -> memref<8x128xf32, #tpu.memory_space<vmem>>
          %dma_start3A_1231 = arith.constant 0 : i32
          %dma_start3A_1232 = tpu.memref_slice %arg2[%dma_start3A, %dma_start3A_1231, %multiple_of3A] : memref<100x8x100000xf32, #tpu.memory_space<hbm>> -> memref<1x8x128xf32, #tpu.memory_space<hbm>>
          %dma_start3A_1233 = tpu.memref_squeeze %dma_start3A_1232 : memref<1x8x128xf32, #tpu.memory_space<hbm>> -> memref<8x128xf32, #tpu.memory_space<hbm>>
          %dma_start3A_1234 = arith.constant 0 : i32
          %dma_start3A_1235 = arith.constant 0 : i32
          %dma_start3A_1236 = tpu.memref_slice %arg7[%dma_start3A_1226, %dma_start3A_1234, %dma_start3A_1235] : memref<100x8x128xf32, #tpu.memory_space<vmem>> -> memref<1x8x128xf32, #tpu.memory_space<vmem>>
          %dma_start3A_1237 = tpu.memref_squeeze %dma_start3A_1236 : memref<1x8x128xf32, #tpu.memory_space<vmem>> -> memref<8x128xf32, #tpu.memory_space<vmem>>
          %dma_start3A_1238 = arith.constant 0 : i32
          %dma_start3A_1239 = tpu.memref_slice %arg2[%dma_start3A, %dma_start3A_1238, %multiple_of3A] : memref<100x8x100000xf32, #tpu.memory_space<hbm>> -> memref<1x8x128xf32, #tpu.memory_space<hbm>>
          %dma_start3A_1240 = tpu.memref_squeeze %dma_start3A_1239 : memref<1x8x128xf32, #tpu.memory_space<hbm>> -> memref<8x128xf32, #tpu.memory_space<hbm>>
          tpu.enqueue_dma source(%dma_start3A_1240 : memref<8x128xf32, #tpu.memory_space<hbm>>) target(%dma_start3A_1237 : memref<8x128xf32, #tpu.memory_space<vmem>>) target_semaphore(%arg9 : memref<!tpu.dma_semaphore, #tpu.memory_space<semaphore_mem>>)
        } else {
        }
        %slice3A_407 = vector.extract_strided_slice %get3A_67 {offsets = [0], sizes = [1], strides = [1]} : vector<16xi32> to vector<1xi32>
        %squeeze3A_408 = vector.extract %slice3A_407[0] : i32 from vector<1xi32>
        %ne3A_409 = arith.constant 0 : i32
        %ne3A_410 = arith.cmpi ne, %squeeze3A_408, %ne3A_409 : i32
        %convert_element_type3A_411 = arith.extui %ne3A_410 : i1 to i32
        %cond3A_412 = arith.constant 0 : i32
        %cond3A_413 = arith.cmpi ne, %convert_element_type3A_411, %cond3A_412 : i32
        scf.if %cond3A_413 {
          %dma_start3A = arith.constant 48 : i32
          %dma_start3A_1226 = arith.constant 48 : i32
          %dma_start3A_1227 = arith.constant 0 : i32
          %dma_start3A_1228 = arith.constant 0 : i32
          %dma_start3A_1229 = tpu.memref_slice %arg7[%dma_start3A_1226, %dma_start3A_1227, %dma_start3A_1228] : memref<100x8x128xf32, #tpu.memory_space<vmem>> -> memref<1x8x128xf32, #tpu.memory_space<vmem>>
          %dma_start3A_1230 = tpu.memref_squeeze %dma_start3A_1229 : memref<1x8x128xf32, #tpu.memory_space<vmem>> -> memref<8x128xf32, #tpu.memory_space<vmem>>
          %dma_start3A_1231 = arith.constant 0 : i32
          %dma_start3A_1232 = tpu.memref_slice %arg2[%dma_start3A, %dma_start3A_1231, %multiple_of3A] : memref<100x8x100000xf32, #tpu.memory_space<hbm>> -> memref<1x8x128xf32, #tpu.memory_space<hbm>>
          %dma_start3A_1233 = tpu.memref_squeeze %dma_start3A_1232 : memref<1x8x128xf32, #tpu.memory_space<hbm>> -> memref<8x128xf32, #tpu.memory_space<hbm>>
          %dma_start3A_1234 = arith.constant 0 : i32
          %dma_start3A_1235 = arith.constant 0 : i32
          %dma_start3A_1236 = tpu.memref_slice %arg7[%dma_start3A_1226, %dma_start3A_1234, %dma_start3A_1235] : memref<100x8x128xf32, #tpu.memory_space<vmem>> -> memref<1x8x128xf32, #tpu.memory_space<vmem>>
          %dma_start3A_1237 = tpu.memref_squeeze %dma_start3A_1236 : memref<1x8x128xf32, #tpu.memory_space<vmem>> -> memref<8x128xf32, #tpu.memory_space<vmem>>
          %dma_start3A_1238 = arith.constant 0 : i32
          %dma_start3A_1239 = tpu.memref_slice %arg2[%dma_start3A, %dma_start3A_1238, %multiple_of3A] : memref<100x8x100000xf32, #tpu.memory_space<hbm>> -> memref<1x8x128xf32, #tpu.memory_space<hbm>>
          %dma_start3A_1240 = tpu.memref_squeeze %dma_start3A_1239 : memref<1x8x128xf32, #tpu.memory_space<hbm>> -> memref<8x128xf32, #tpu.memory_space<hbm>>
          tpu.enqueue_dma source(%dma_start3A_1240 : memref<8x128xf32, #tpu.memory_space<hbm>>) target(%dma_start3A_1237 : memref<8x128xf32, #tpu.memory_space<vmem>>) target_semaphore(%arg9 : memref<!tpu.dma_semaphore, #tpu.memory_space<semaphore_mem>>)
        } else {
        }
        %slice3A_414 = vector.extract_strided_slice %get3A_67 {offsets = [1], sizes = [1], strides = [1]} : vector<16xi32> to vector<1xi32>
        %squeeze3A_415 = vector.extract %slice3A_414[0] : i32 from vector<1xi32>
        %ne3A_416 = arith.constant 0 : i32
        %ne3A_417 = arith.cmpi ne, %squeeze3A_415, %ne3A_416 : i32
        %convert_element_type3A_418 = arith.extui %ne3A_417 : i1 to i32
        %cond3A_419 = arith.constant 0 : i32
        %cond3A_420 = arith.cmpi ne, %convert_element_type3A_418, %cond3A_419 : i32
        scf.if %cond3A_420 {
          %dma_start3A = arith.constant 49 : i32
          %dma_start3A_1226 = arith.constant 49 : i32
          %dma_start3A_1227 = arith.constant 0 : i32
          %dma_start3A_1228 = arith.constant 0 : i32
          %dma_start3A_1229 = tpu.memref_slice %arg7[%dma_start3A_1226, %dma_start3A_1227, %dma_start3A_1228] : memref<100x8x128xf32, #tpu.memory_space<vmem>> -> memref<1x8x128xf32, #tpu.memory_space<vmem>>
          %dma_start3A_1230 = tpu.memref_squeeze %dma_start3A_1229 : memref<1x8x128xf32, #tpu.memory_space<vmem>> -> memref<8x128xf32, #tpu.memory_space<vmem>>
          %dma_start3A_1231 = arith.constant 0 : i32
          %dma_start3A_1232 = tpu.memref_slice %arg2[%dma_start3A, %dma_start3A_1231, %multiple_of3A] : memref<100x8x100000xf32, #tpu.memory_space<hbm>> -> memref<1x8x128xf32, #tpu.memory_space<hbm>>
          %dma_start3A_1233 = tpu.memref_squeeze %dma_start3A_1232 : memref<1x8x128xf32, #tpu.memory_space<hbm>> -> memref<8x128xf32, #tpu.memory_space<hbm>>
          %dma_start3A_1234 = arith.constant 0 : i32
          %dma_start3A_1235 = arith.constant 0 : i32
          %dma_start3A_1236 = tpu.memref_slice %arg7[%dma_start3A_1226, %dma_start3A_1234, %dma_start3A_1235] : memref<100x8x128xf32, #tpu.memory_space<vmem>> -> memref<1x8x128xf32, #tpu.memory_space<vmem>>
          %dma_start3A_1237 = tpu.memref_squeeze %dma_start3A_1236 : memref<1x8x128xf32, #tpu.memory_space<vmem>> -> memref<8x128xf32, #tpu.memory_space<vmem>>
          %dma_start3A_1238 = arith.constant 0 : i32
          %dma_start3A_1239 = tpu.memref_slice %arg2[%dma_start3A, %dma_start3A_1238, %multiple_of3A] : memref<100x8x100000xf32, #tpu.memory_space<hbm>> -> memref<1x8x128xf32, #tpu.memory_space<hbm>>
          %dma_start3A_1240 = tpu.memref_squeeze %dma_start3A_1239 : memref<1x8x128xf32, #tpu.memory_space<hbm>> -> memref<8x128xf32, #tpu.memory_space<hbm>>
          tpu.enqueue_dma source(%dma_start3A_1240 : memref<8x128xf32, #tpu.memory_space<hbm>>) target(%dma_start3A_1237 : memref<8x128xf32, #tpu.memory_space<vmem>>) target_semaphore(%arg9 : memref<!tpu.dma_semaphore, #tpu.memory_space<semaphore_mem>>)
        } else {
        }
        %slice3A_421 = vector.extract_strided_slice %get3A_67 {offsets = [2], sizes = [1], strides = [1]} : vector<16xi32> to vector<1xi32>
        %squeeze3A_422 = vector.extract %slice3A_421[0] : i32 from vector<1xi32>
        %ne3A_423 = arith.constant 0 : i32
        %ne3A_424 = arith.cmpi ne, %squeeze3A_422, %ne3A_423 : i32
        %convert_element_type3A_425 = arith.extui %ne3A_424 : i1 to i32
        %cond3A_426 = arith.constant 0 : i32
        %cond3A_427 = arith.cmpi ne, %convert_element_type3A_425, %cond3A_426 : i32
        scf.if %cond3A_427 {
          %dma_start3A = arith.constant 50 : i32
          %dma_start3A_1226 = arith.constant 50 : i32
          %dma_start3A_1227 = arith.constant 0 : i32
          %dma_start3A_1228 = arith.constant 0 : i32
          %dma_start3A_1229 = tpu.memref_slice %arg7[%dma_start3A_1226, %dma_start3A_1227, %dma_start3A_1228] : memref<100x8x128xf32, #tpu.memory_space<vmem>> -> memref<1x8x128xf32, #tpu.memory_space<vmem>>
          %dma_start3A_1230 = tpu.memref_squeeze %dma_start3A_1229 : memref<1x8x128xf32, #tpu.memory_space<vmem>> -> memref<8x128xf32, #tpu.memory_space<vmem>>
          %dma_start3A_1231 = arith.constant 0 : i32
          %dma_start3A_1232 = tpu.memref_slice %arg2[%dma_start3A, %dma_start3A_1231, %multiple_of3A] : memref<100x8x100000xf32, #tpu.memory_space<hbm>> -> memref<1x8x128xf32, #tpu.memory_space<hbm>>
          %dma_start3A_1233 = tpu.memref_squeeze %dma_start3A_1232 : memref<1x8x128xf32, #tpu.memory_space<hbm>> -> memref<8x128xf32, #tpu.memory_space<hbm>>
          %dma_start3A_1234 = arith.constant 0 : i32
          %dma_start3A_1235 = arith.constant 0 : i32
          %dma_start3A_1236 = tpu.memref_slice %arg7[%dma_start3A_1226, %dma_start3A_1234, %dma_start3A_1235] : memref<100x8x128xf32, #tpu.memory_space<vmem>> -> memref<1x8x128xf32, #tpu.memory_space<vmem>>
          %dma_start3A_1237 = tpu.memref_squeeze %dma_start3A_1236 : memref<1x8x128xf32, #tpu.memory_space<vmem>> -> memref<8x128xf32, #tpu.memory_space<vmem>>
          %dma_start3A_1238 = arith.constant 0 : i32
          %dma_start3A_1239 = tpu.memref_slice %arg2[%dma_start3A, %dma_start3A_1238, %multiple_of3A] : memref<100x8x100000xf32, #tpu.memory_space<hbm>> -> memref<1x8x128xf32, #tpu.memory_space<hbm>>
          %dma_start3A_1240 = tpu.memref_squeeze %dma_start3A_1239 : memref<1x8x128xf32, #tpu.memory_space<hbm>> -> memref<8x128xf32, #tpu.memory_space<hbm>>
          tpu.enqueue_dma source(%dma_start3A_1240 : memref<8x128xf32, #tpu.memory_space<hbm>>) target(%dma_start3A_1237 : memref<8x128xf32, #tpu.memory_space<vmem>>) target_semaphore(%arg9 : memref<!tpu.dma_semaphore, #tpu.memory_space<semaphore_mem>>)
        } else {
        }
        %slice3A_428 = vector.extract_strided_slice %get3A_67 {offsets = [3], sizes = [1], strides = [1]} : vector<16xi32> to vector<1xi32>
        %squeeze3A_429 = vector.extract %slice3A_428[0] : i32 from vector<1xi32>
        %ne3A_430 = arith.constant 0 : i32
        %ne3A_431 = arith.cmpi ne, %squeeze3A_429, %ne3A_430 : i32
        %convert_element_type3A_432 = arith.extui %ne3A_431 : i1 to i32
        %cond3A_433 = arith.constant 0 : i32
        %cond3A_434 = arith.cmpi ne, %convert_element_type3A_432, %cond3A_433 : i32
        scf.if %cond3A_434 {
          %dma_start3A = arith.constant 51 : i32
          %dma_start3A_1226 = arith.constant 51 : i32
          %dma_start3A_1227 = arith.constant 0 : i32
          %dma_start3A_1228 = arith.constant 0 : i32
          %dma_start3A_1229 = tpu.memref_slice %arg7[%dma_start3A_1226, %dma_start3A_1227, %dma_start3A_1228] : memref<100x8x128xf32, #tpu.memory_space<vmem>> -> memref<1x8x128xf32, #tpu.memory_space<vmem>>
          %dma_start3A_1230 = tpu.memref_squeeze %dma_start3A_1229 : memref<1x8x128xf32, #tpu.memory_space<vmem>> -> memref<8x128xf32, #tpu.memory_space<vmem>>
          %dma_start3A_1231 = arith.constant 0 : i32
          %dma_start3A_1232 = tpu.memref_slice %arg2[%dma_start3A, %dma_start3A_1231, %multiple_of3A] : memref<100x8x100000xf32, #tpu.memory_space<hbm>> -> memref<1x8x128xf32, #tpu.memory_space<hbm>>
          %dma_start3A_1233 = tpu.memref_squeeze %dma_start3A_1232 : memref<1x8x128xf32, #tpu.memory_space<hbm>> -> memref<8x128xf32, #tpu.memory_space<hbm>>
          %dma_start3A_1234 = arith.constant 0 : i32
          %dma_start3A_1235 = arith.constant 0 : i32
          %dma_start3A_1236 = tpu.memref_slice %arg7[%dma_start3A_1226, %dma_start3A_1234, %dma_start3A_1235] : memref<100x8x128xf32, #tpu.memory_space<vmem>> -> memref<1x8x128xf32, #tpu.memory_space<vmem>>
          %dma_start3A_1237 = tpu.memref_squeeze %dma_start3A_1236 : memref<1x8x128xf32, #tpu.memory_space<vmem>> -> memref<8x128xf32, #tpu.memory_space<vmem>>
          %dma_start3A_1238 = arith.constant 0 : i32
          %dma_start3A_1239 = tpu.memref_slice %arg2[%dma_start3A, %dma_start3A_1238, %multiple_of3A] : memref<100x8x100000xf32, #tpu.memory_space<hbm>> -> memref<1x8x128xf32, #tpu.memory_space<hbm>>
          %dma_start3A_1240 = tpu.memref_squeeze %dma_start3A_1239 : memref<1x8x128xf32, #tpu.memory_space<hbm>> -> memref<8x128xf32, #tpu.memory_space<hbm>>
          tpu.enqueue_dma source(%dma_start3A_1240 : memref<8x128xf32, #tpu.memory_space<hbm>>) target(%dma_start3A_1237 : memref<8x128xf32, #tpu.memory_space<vmem>>) target_semaphore(%arg9 : memref<!tpu.dma_semaphore, #tpu.memory_space<semaphore_mem>>)
        } else {
        }
        %slice3A_435 = vector.extract_strided_slice %get3A_67 {offsets = [4], sizes = [1], strides = [1]} : vector<16xi32> to vector<1xi32>
        %squeeze3A_436 = vector.extract %slice3A_435[0] : i32 from vector<1xi32>
        %ne3A_437 = arith.constant 0 : i32
        %ne3A_438 = arith.cmpi ne, %squeeze3A_436, %ne3A_437 : i32
        %convert_element_type3A_439 = arith.extui %ne3A_438 : i1 to i32
        %cond3A_440 = arith.constant 0 : i32
        %cond3A_441 = arith.cmpi ne, %convert_element_type3A_439, %cond3A_440 : i32
        scf.if %cond3A_441 {
          %dma_start3A = arith.constant 52 : i32
          %dma_start3A_1226 = arith.constant 52 : i32
          %dma_start3A_1227 = arith.constant 0 : i32
          %dma_start3A_1228 = arith.constant 0 : i32
          %dma_start3A_1229 = tpu.memref_slice %arg7[%dma_start3A_1226, %dma_start3A_1227, %dma_start3A_1228] : memref<100x8x128xf32, #tpu.memory_space<vmem>> -> memref<1x8x128xf32, #tpu.memory_space<vmem>>
          %dma_start3A_1230 = tpu.memref_squeeze %dma_start3A_1229 : memref<1x8x128xf32, #tpu.memory_space<vmem>> -> memref<8x128xf32, #tpu.memory_space<vmem>>
          %dma_start3A_1231 = arith.constant 0 : i32
          %dma_start3A_1232 = tpu.memref_slice %arg2[%dma_start3A, %dma_start3A_1231, %multiple_of3A] : memref<100x8x100000xf32, #tpu.memory_space<hbm>> -> memref<1x8x128xf32, #tpu.memory_space<hbm>>
          %dma_start3A_1233 = tpu.memref_squeeze %dma_start3A_1232 : memref<1x8x128xf32, #tpu.memory_space<hbm>> -> memref<8x128xf32, #tpu.memory_space<hbm>>
          %dma_start3A_1234 = arith.constant 0 : i32
          %dma_start3A_1235 = arith.constant 0 : i32
          %dma_start3A_1236 = tpu.memref_slice %arg7[%dma_start3A_1226, %dma_start3A_1234, %dma_start3A_1235] : memref<100x8x128xf32, #tpu.memory_space<vmem>> -> memref<1x8x128xf32, #tpu.memory_space<vmem>>
          %dma_start3A_1237 = tpu.memref_squeeze %dma_start3A_1236 : memref<1x8x128xf32, #tpu.memory_space<vmem>> -> memref<8x128xf32, #tpu.memory_space<vmem>>
          %dma_start3A_1238 = arith.constant 0 : i32
          %dma_start3A_1239 = tpu.memref_slice %arg2[%dma_start3A, %dma_start3A_1238, %multiple_of3A] : memref<100x8x100000xf32, #tpu.memory_space<hbm>> -> memref<1x8x128xf32, #tpu.memory_space<hbm>>
          %dma_start3A_1240 = tpu.memref_squeeze %dma_start3A_1239 : memref<1x8x128xf32, #tpu.memory_space<hbm>> -> memref<8x128xf32, #tpu.memory_space<hbm>>
          tpu.enqueue_dma source(%dma_start3A_1240 : memref<8x128xf32, #tpu.memory_space<hbm>>) target(%dma_start3A_1237 : memref<8x128xf32, #tpu.memory_space<vmem>>) target_semaphore(%arg9 : memref<!tpu.dma_semaphore, #tpu.memory_space<semaphore_mem>>)
        } else {
        }
        %slice3A_442 = vector.extract_strided_slice %get3A_67 {offsets = [5], sizes = [1], strides = [1]} : vector<16xi32> to vector<1xi32>
        %squeeze3A_443 = vector.extract %slice3A_442[0] : i32 from vector<1xi32>
        %ne3A_444 = arith.constant 0 : i32
        %ne3A_445 = arith.cmpi ne, %squeeze3A_443, %ne3A_444 : i32
        %convert_element_type3A_446 = arith.extui %ne3A_445 : i1 to i32
        %cond3A_447 = arith.constant 0 : i32
        %cond3A_448 = arith.cmpi ne, %convert_element_type3A_446, %cond3A_447 : i32
        scf.if %cond3A_448 {
          %dma_start3A = arith.constant 53 : i32
          %dma_start3A_1226 = arith.constant 53 : i32
          %dma_start3A_1227 = arith.constant 0 : i32
          %dma_start3A_1228 = arith.constant 0 : i32
          %dma_start3A_1229 = tpu.memref_slice %arg7[%dma_start3A_1226, %dma_start3A_1227, %dma_start3A_1228] : memref<100x8x128xf32, #tpu.memory_space<vmem>> -> memref<1x8x128xf32, #tpu.memory_space<vmem>>
          %dma_start3A_1230 = tpu.memref_squeeze %dma_start3A_1229 : memref<1x8x128xf32, #tpu.memory_space<vmem>> -> memref<8x128xf32, #tpu.memory_space<vmem>>
          %dma_start3A_1231 = arith.constant 0 : i32
          %dma_start3A_1232 = tpu.memref_slice %arg2[%dma_start3A, %dma_start3A_1231, %multiple_of3A] : memref<100x8x100000xf32, #tpu.memory_space<hbm>> -> memref<1x8x128xf32, #tpu.memory_space<hbm>>
          %dma_start3A_1233 = tpu.memref_squeeze %dma_start3A_1232 : memref<1x8x128xf32, #tpu.memory_space<hbm>> -> memref<8x128xf32, #tpu.memory_space<hbm>>
          %dma_start3A_1234 = arith.constant 0 : i32
          %dma_start3A_1235 = arith.constant 0 : i32
          %dma_start3A_1236 = tpu.memref_slice %arg7[%dma_start3A_1226, %dma_start3A_1234, %dma_start3A_1235] : memref<100x8x128xf32, #tpu.memory_space<vmem>> -> memref<1x8x128xf32, #tpu.memory_space<vmem>>
          %dma_start3A_1237 = tpu.memref_squeeze %dma_start3A_1236 : memref<1x8x128xf32, #tpu.memory_space<vmem>> -> memref<8x128xf32, #tpu.memory_space<vmem>>
          %dma_start3A_1238 = arith.constant 0 : i32
          %dma_start3A_1239 = tpu.memref_slice %arg2[%dma_start3A, %dma_start3A_1238, %multiple_of3A] : memref<100x8x100000xf32, #tpu.memory_space<hbm>> -> memref<1x8x128xf32, #tpu.memory_space<hbm>>
          %dma_start3A_1240 = tpu.memref_squeeze %dma_start3A_1239 : memref<1x8x128xf32, #tpu.memory_space<hbm>> -> memref<8x128xf32, #tpu.memory_space<hbm>>
          tpu.enqueue_dma source(%dma_start3A_1240 : memref<8x128xf32, #tpu.memory_space<hbm>>) target(%dma_start3A_1237 : memref<8x128xf32, #tpu.memory_space<vmem>>) target_semaphore(%arg9 : memref<!tpu.dma_semaphore, #tpu.memory_space<semaphore_mem>>)
        } else {
        }
        %slice3A_449 = vector.extract_strided_slice %get3A_67 {offsets = [6], sizes = [1], strides = [1]} : vector<16xi32> to vector<1xi32>
        %squeeze3A_450 = vector.extract %slice3A_449[0] : i32 from vector<1xi32>
        %ne3A_451 = arith.constant 0 : i32
        %ne3A_452 = arith.cmpi ne, %squeeze3A_450, %ne3A_451 : i32
        %convert_element_type3A_453 = arith.extui %ne3A_452 : i1 to i32
        %cond3A_454 = arith.constant 0 : i32
        %cond3A_455 = arith.cmpi ne, %convert_element_type3A_453, %cond3A_454 : i32
        scf.if %cond3A_455 {
          %dma_start3A = arith.constant 54 : i32
          %dma_start3A_1226 = arith.constant 54 : i32
          %dma_start3A_1227 = arith.constant 0 : i32
          %dma_start3A_1228 = arith.constant 0 : i32
          %dma_start3A_1229 = tpu.memref_slice %arg7[%dma_start3A_1226, %dma_start3A_1227, %dma_start3A_1228] : memref<100x8x128xf32, #tpu.memory_space<vmem>> -> memref<1x8x128xf32, #tpu.memory_space<vmem>>
          %dma_start3A_1230 = tpu.memref_squeeze %dma_start3A_1229 : memref<1x8x128xf32, #tpu.memory_space<vmem>> -> memref<8x128xf32, #tpu.memory_space<vmem>>
          %dma_start3A_1231 = arith.constant 0 : i32
          %dma_start3A_1232 = tpu.memref_slice %arg2[%dma_start3A, %dma_start3A_1231, %multiple_of3A] : memref<100x8x100000xf32, #tpu.memory_space<hbm>> -> memref<1x8x128xf32, #tpu.memory_space<hbm>>
          %dma_start3A_1233 = tpu.memref_squeeze %dma_start3A_1232 : memref<1x8x128xf32, #tpu.memory_space<hbm>> -> memref<8x128xf32, #tpu.memory_space<hbm>>
          %dma_start3A_1234 = arith.constant 0 : i32
          %dma_start3A_1235 = arith.constant 0 : i32
          %dma_start3A_1236 = tpu.memref_slice %arg7[%dma_start3A_1226, %dma_start3A_1234, %dma_start3A_1235] : memref<100x8x128xf32, #tpu.memory_space<vmem>> -> memref<1x8x128xf32, #tpu.memory_space<vmem>>
          %dma_start3A_1237 = tpu.memref_squeeze %dma_start3A_1236 : memref<1x8x128xf32, #tpu.memory_space<vmem>> -> memref<8x128xf32, #tpu.memory_space<vmem>>
          %dma_start3A_1238 = arith.constant 0 : i32
          %dma_start3A_1239 = tpu.memref_slice %arg2[%dma_start3A, %dma_start3A_1238, %multiple_of3A] : memref<100x8x100000xf32, #tpu.memory_space<hbm>> -> memref<1x8x128xf32, #tpu.memory_space<hbm>>
          %dma_start3A_1240 = tpu.memref_squeeze %dma_start3A_1239 : memref<1x8x128xf32, #tpu.memory_space<hbm>> -> memref<8x128xf32, #tpu.memory_space<hbm>>
          tpu.enqueue_dma source(%dma_start3A_1240 : memref<8x128xf32, #tpu.memory_space<hbm>>) target(%dma_start3A_1237 : memref<8x128xf32, #tpu.memory_space<vmem>>) target_semaphore(%arg9 : memref<!tpu.dma_semaphore, #tpu.memory_space<semaphore_mem>>)
        } else {
        }
        %slice3A_456 = vector.extract_strided_slice %get3A_67 {offsets = [7], sizes = [1], strides = [1]} : vector<16xi32> to vector<1xi32>
        %squeeze3A_457 = vector.extract %slice3A_456[0] : i32 from vector<1xi32>
        %ne3A_458 = arith.constant 0 : i32
        %ne3A_459 = arith.cmpi ne, %squeeze3A_457, %ne3A_458 : i32
        %convert_element_type3A_460 = arith.extui %ne3A_459 : i1 to i32
        %cond3A_461 = arith.constant 0 : i32
        %cond3A_462 = arith.cmpi ne, %convert_element_type3A_460, %cond3A_461 : i32
        scf.if %cond3A_462 {
          %dma_start3A = arith.constant 55 : i32
          %dma_start3A_1226 = arith.constant 55 : i32
          %dma_start3A_1227 = arith.constant 0 : i32
          %dma_start3A_1228 = arith.constant 0 : i32
          %dma_start3A_1229 = tpu.memref_slice %arg7[%dma_start3A_1226, %dma_start3A_1227, %dma_start3A_1228] : memref<100x8x128xf32, #tpu.memory_space<vmem>> -> memref<1x8x128xf32, #tpu.memory_space<vmem>>
          %dma_start3A_1230 = tpu.memref_squeeze %dma_start3A_1229 : memref<1x8x128xf32, #tpu.memory_space<vmem>> -> memref<8x128xf32, #tpu.memory_space<vmem>>
          %dma_start3A_1231 = arith.constant 0 : i32
          %dma_start3A_1232 = tpu.memref_slice %arg2[%dma_start3A, %dma_start3A_1231, %multiple_of3A] : memref<100x8x100000xf32, #tpu.memory_space<hbm>> -> memref<1x8x128xf32, #tpu.memory_space<hbm>>
          %dma_start3A_1233 = tpu.memref_squeeze %dma_start3A_1232 : memref<1x8x128xf32, #tpu.memory_space<hbm>> -> memref<8x128xf32, #tpu.memory_space<hbm>>
          %dma_start3A_1234 = arith.constant 0 : i32
          %dma_start3A_1235 = arith.constant 0 : i32
          %dma_start3A_1236 = tpu.memref_slice %arg7[%dma_start3A_1226, %dma_start3A_1234, %dma_start3A_1235] : memref<100x8x128xf32, #tpu.memory_space<vmem>> -> memref<1x8x128xf32, #tpu.memory_space<vmem>>
          %dma_start3A_1237 = tpu.memref_squeeze %dma_start3A_1236 : memref<1x8x128xf32, #tpu.memory_space<vmem>> -> memref<8x128xf32, #tpu.memory_space<vmem>>
          %dma_start3A_1238 = arith.constant 0 : i32
          %dma_start3A_1239 = tpu.memref_slice %arg2[%dma_start3A, %dma_start3A_1238, %multiple_of3A] : memref<100x8x100000xf32, #tpu.memory_space<hbm>> -> memref<1x8x128xf32, #tpu.memory_space<hbm>>
          %dma_start3A_1240 = tpu.memref_squeeze %dma_start3A_1239 : memref<1x8x128xf32, #tpu.memory_space<hbm>> -> memref<8x128xf32, #tpu.memory_space<hbm>>
          tpu.enqueue_dma source(%dma_start3A_1240 : memref<8x128xf32, #tpu.memory_space<hbm>>) target(%dma_start3A_1237 : memref<8x128xf32, #tpu.memory_space<vmem>>) target_semaphore(%arg9 : memref<!tpu.dma_semaphore, #tpu.memory_space<semaphore_mem>>)
        } else {
        }
        %slice3A_463 = vector.extract_strided_slice %get3A_67 {offsets = [8], sizes = [1], strides = [1]} : vector<16xi32> to vector<1xi32>
        %squeeze3A_464 = vector.extract %slice3A_463[0] : i32 from vector<1xi32>
        %ne3A_465 = arith.constant 0 : i32
        %ne3A_466 = arith.cmpi ne, %squeeze3A_464, %ne3A_465 : i32
        %convert_element_type3A_467 = arith.extui %ne3A_466 : i1 to i32
        %cond3A_468 = arith.constant 0 : i32
        %cond3A_469 = arith.cmpi ne, %convert_element_type3A_467, %cond3A_468 : i32
        scf.if %cond3A_469 {
          %dma_start3A = arith.constant 56 : i32
          %dma_start3A_1226 = arith.constant 56 : i32
          %dma_start3A_1227 = arith.constant 0 : i32
          %dma_start3A_1228 = arith.constant 0 : i32
          %dma_start3A_1229 = tpu.memref_slice %arg7[%dma_start3A_1226, %dma_start3A_1227, %dma_start3A_1228] : memref<100x8x128xf32, #tpu.memory_space<vmem>> -> memref<1x8x128xf32, #tpu.memory_space<vmem>>
          %dma_start3A_1230 = tpu.memref_squeeze %dma_start3A_1229 : memref<1x8x128xf32, #tpu.memory_space<vmem>> -> memref<8x128xf32, #tpu.memory_space<vmem>>
          %dma_start3A_1231 = arith.constant 0 : i32
          %dma_start3A_1232 = tpu.memref_slice %arg2[%dma_start3A, %dma_start3A_1231, %multiple_of3A] : memref<100x8x100000xf32, #tpu.memory_space<hbm>> -> memref<1x8x128xf32, #tpu.memory_space<hbm>>
          %dma_start3A_1233 = tpu.memref_squeeze %dma_start3A_1232 : memref<1x8x128xf32, #tpu.memory_space<hbm>> -> memref<8x128xf32, #tpu.memory_space<hbm>>
          %dma_start3A_1234 = arith.constant 0 : i32
          %dma_start3A_1235 = arith.constant 0 : i32
          %dma_start3A_1236 = tpu.memref_slice %arg7[%dma_start3A_1226, %dma_start3A_1234, %dma_start3A_1235] : memref<100x8x128xf32, #tpu.memory_space<vmem>> -> memref<1x8x128xf32, #tpu.memory_space<vmem>>
          %dma_start3A_1237 = tpu.memref_squeeze %dma_start3A_1236 : memref<1x8x128xf32, #tpu.memory_space<vmem>> -> memref<8x128xf32, #tpu.memory_space<vmem>>
          %dma_start3A_1238 = arith.constant 0 : i32
          %dma_start3A_1239 = tpu.memref_slice %arg2[%dma_start3A, %dma_start3A_1238, %multiple_of3A] : memref<100x8x100000xf32, #tpu.memory_space<hbm>> -> memref<1x8x128xf32, #tpu.memory_space<hbm>>
          %dma_start3A_1240 = tpu.memref_squeeze %dma_start3A_1239 : memref<1x8x128xf32, #tpu.memory_space<hbm>> -> memref<8x128xf32, #tpu.memory_space<hbm>>
          tpu.enqueue_dma source(%dma_start3A_1240 : memref<8x128xf32, #tpu.memory_space<hbm>>) target(%dma_start3A_1237 : memref<8x128xf32, #tpu.memory_space<vmem>>) target_semaphore(%arg9 : memref<!tpu.dma_semaphore, #tpu.memory_space<semaphore_mem>>)
        } else {
        }
        %slice3A_470 = vector.extract_strided_slice %get3A_67 {offsets = [9], sizes = [1], strides = [1]} : vector<16xi32> to vector<1xi32>
        %squeeze3A_471 = vector.extract %slice3A_470[0] : i32 from vector<1xi32>
        %ne3A_472 = arith.constant 0 : i32
        %ne3A_473 = arith.cmpi ne, %squeeze3A_471, %ne3A_472 : i32
        %convert_element_type3A_474 = arith.extui %ne3A_473 : i1 to i32
        %cond3A_475 = arith.constant 0 : i32
        %cond3A_476 = arith.cmpi ne, %convert_element_type3A_474, %cond3A_475 : i32
        scf.if %cond3A_476 {
          %dma_start3A = arith.constant 57 : i32
          %dma_start3A_1226 = arith.constant 57 : i32
          %dma_start3A_1227 = arith.constant 0 : i32
          %dma_start3A_1228 = arith.constant 0 : i32
          %dma_start3A_1229 = tpu.memref_slice %arg7[%dma_start3A_1226, %dma_start3A_1227, %dma_start3A_1228] : memref<100x8x128xf32, #tpu.memory_space<vmem>> -> memref<1x8x128xf32, #tpu.memory_space<vmem>>
          %dma_start3A_1230 = tpu.memref_squeeze %dma_start3A_1229 : memref<1x8x128xf32, #tpu.memory_space<vmem>> -> memref<8x128xf32, #tpu.memory_space<vmem>>
          %dma_start3A_1231 = arith.constant 0 : i32
          %dma_start3A_1232 = tpu.memref_slice %arg2[%dma_start3A, %dma_start3A_1231, %multiple_of3A] : memref<100x8x100000xf32, #tpu.memory_space<hbm>> -> memref<1x8x128xf32, #tpu.memory_space<hbm>>
          %dma_start3A_1233 = tpu.memref_squeeze %dma_start3A_1232 : memref<1x8x128xf32, #tpu.memory_space<hbm>> -> memref<8x128xf32, #tpu.memory_space<hbm>>
          %dma_start3A_1234 = arith.constant 0 : i32
          %dma_start3A_1235 = arith.constant 0 : i32
          %dma_start3A_1236 = tpu.memref_slice %arg7[%dma_start3A_1226, %dma_start3A_1234, %dma_start3A_1235] : memref<100x8x128xf32, #tpu.memory_space<vmem>> -> memref<1x8x128xf32, #tpu.memory_space<vmem>>
          %dma_start3A_1237 = tpu.memref_squeeze %dma_start3A_1236 : memref<1x8x128xf32, #tpu.memory_space<vmem>> -> memref<8x128xf32, #tpu.memory_space<vmem>>
          %dma_start3A_1238 = arith.constant 0 : i32
          %dma_start3A_1239 = tpu.memref_slice %arg2[%dma_start3A, %dma_start3A_1238, %multiple_of3A] : memref<100x8x100000xf32, #tpu.memory_space<hbm>> -> memref<1x8x128xf32, #tpu.memory_space<hbm>>
          %dma_start3A_1240 = tpu.memref_squeeze %dma_start3A_1239 : memref<1x8x128xf32, #tpu.memory_space<hbm>> -> memref<8x128xf32, #tpu.memory_space<hbm>>
          tpu.enqueue_dma source(%dma_start3A_1240 : memref<8x128xf32, #tpu.memory_space<hbm>>) target(%dma_start3A_1237 : memref<8x128xf32, #tpu.memory_space<vmem>>) target_semaphore(%arg9 : memref<!tpu.dma_semaphore, #tpu.memory_space<semaphore_mem>>)
        } else {
        }
        %slice3A_477 = vector.extract_strided_slice %get3A_67 {offsets = [10], sizes = [1], strides = [1]} : vector<16xi32> to vector<1xi32>
        %squeeze3A_478 = vector.extract %slice3A_477[0] : i32 from vector<1xi32>
        %ne3A_479 = arith.constant 0 : i32
        %ne3A_480 = arith.cmpi ne, %squeeze3A_478, %ne3A_479 : i32
        %convert_element_type3A_481 = arith.extui %ne3A_480 : i1 to i32
        %cond3A_482 = arith.constant 0 : i32
        %cond3A_483 = arith.cmpi ne, %convert_element_type3A_481, %cond3A_482 : i32
        scf.if %cond3A_483 {
          %dma_start3A = arith.constant 58 : i32
          %dma_start3A_1226 = arith.constant 58 : i32
          %dma_start3A_1227 = arith.constant 0 : i32
          %dma_start3A_1228 = arith.constant 0 : i32
          %dma_start3A_1229 = tpu.memref_slice %arg7[%dma_start3A_1226, %dma_start3A_1227, %dma_start3A_1228] : memref<100x8x128xf32, #tpu.memory_space<vmem>> -> memref<1x8x128xf32, #tpu.memory_space<vmem>>
          %dma_start3A_1230 = tpu.memref_squeeze %dma_start3A_1229 : memref<1x8x128xf32, #tpu.memory_space<vmem>> -> memref<8x128xf32, #tpu.memory_space<vmem>>
          %dma_start3A_1231 = arith.constant 0 : i32
          %dma_start3A_1232 = tpu.memref_slice %arg2[%dma_start3A, %dma_start3A_1231, %multiple_of3A] : memref<100x8x100000xf32, #tpu.memory_space<hbm>> -> memref<1x8x128xf32, #tpu.memory_space<hbm>>
          %dma_start3A_1233 = tpu.memref_squeeze %dma_start3A_1232 : memref<1x8x128xf32, #tpu.memory_space<hbm>> -> memref<8x128xf32, #tpu.memory_space<hbm>>
          %dma_start3A_1234 = arith.constant 0 : i32
          %dma_start3A_1235 = arith.constant 0 : i32
          %dma_start3A_1236 = tpu.memref_slice %arg7[%dma_start3A_1226, %dma_start3A_1234, %dma_start3A_1235] : memref<100x8x128xf32, #tpu.memory_space<vmem>> -> memref<1x8x128xf32, #tpu.memory_space<vmem>>
          %dma_start3A_1237 = tpu.memref_squeeze %dma_start3A_1236 : memref<1x8x128xf32, #tpu.memory_space<vmem>> -> memref<8x128xf32, #tpu.memory_space<vmem>>
          %dma_start3A_1238 = arith.constant 0 : i32
          %dma_start3A_1239 = tpu.memref_slice %arg2[%dma_start3A, %dma_start3A_1238, %multiple_of3A] : memref<100x8x100000xf32, #tpu.memory_space<hbm>> -> memref<1x8x128xf32, #tpu.memory_space<hbm>>
          %dma_start3A_1240 = tpu.memref_squeeze %dma_start3A_1239 : memref<1x8x128xf32, #tpu.memory_space<hbm>> -> memref<8x128xf32, #tpu.memory_space<hbm>>
          tpu.enqueue_dma source(%dma_start3A_1240 : memref<8x128xf32, #tpu.memory_space<hbm>>) target(%dma_start3A_1237 : memref<8x128xf32, #tpu.memory_space<vmem>>) target_semaphore(%arg9 : memref<!tpu.dma_semaphore, #tpu.memory_space<semaphore_mem>>)
        } else {
        }
        %slice3A_484 = vector.extract_strided_slice %get3A_67 {offsets = [11], sizes = [1], strides = [1]} : vector<16xi32> to vector<1xi32>
        %squeeze3A_485 = vector.extract %slice3A_484[0] : i32 from vector<1xi32>
        %ne3A_486 = arith.constant 0 : i32
        %ne3A_487 = arith.cmpi ne, %squeeze3A_485, %ne3A_486 : i32
        %convert_element_type3A_488 = arith.extui %ne3A_487 : i1 to i32
        %cond3A_489 = arith.constant 0 : i32
        %cond3A_490 = arith.cmpi ne, %convert_element_type3A_488, %cond3A_489 : i32
        scf.if %cond3A_490 {
          %dma_start3A = arith.constant 59 : i32
          %dma_start3A_1226 = arith.constant 59 : i32
          %dma_start3A_1227 = arith.constant 0 : i32
          %dma_start3A_1228 = arith.constant 0 : i32
          %dma_start3A_1229 = tpu.memref_slice %arg7[%dma_start3A_1226, %dma_start3A_1227, %dma_start3A_1228] : memref<100x8x128xf32, #tpu.memory_space<vmem>> -> memref<1x8x128xf32, #tpu.memory_space<vmem>>
          %dma_start3A_1230 = tpu.memref_squeeze %dma_start3A_1229 : memref<1x8x128xf32, #tpu.memory_space<vmem>> -> memref<8x128xf32, #tpu.memory_space<vmem>>
          %dma_start3A_1231 = arith.constant 0 : i32
          %dma_start3A_1232 = tpu.memref_slice %arg2[%dma_start3A, %dma_start3A_1231, %multiple_of3A] : memref<100x8x100000xf32, #tpu.memory_space<hbm>> -> memref<1x8x128xf32, #tpu.memory_space<hbm>>
          %dma_start3A_1233 = tpu.memref_squeeze %dma_start3A_1232 : memref<1x8x128xf32, #tpu.memory_space<hbm>> -> memref<8x128xf32, #tpu.memory_space<hbm>>
          %dma_start3A_1234 = arith.constant 0 : i32
          %dma_start3A_1235 = arith.constant 0 : i32
          %dma_start3A_1236 = tpu.memref_slice %arg7[%dma_start3A_1226, %dma_start3A_1234, %dma_start3A_1235] : memref<100x8x128xf32, #tpu.memory_space<vmem>> -> memref<1x8x128xf32, #tpu.memory_space<vmem>>
          %dma_start3A_1237 = tpu.memref_squeeze %dma_start3A_1236 : memref<1x8x128xf32, #tpu.memory_space<vmem>> -> memref<8x128xf32, #tpu.memory_space<vmem>>
          %dma_start3A_1238 = arith.constant 0 : i32
          %dma_start3A_1239 = tpu.memref_slice %arg2[%dma_start3A, %dma_start3A_1238, %multiple_of3A] : memref<100x8x100000xf32, #tpu.memory_space<hbm>> -> memref<1x8x128xf32, #tpu.memory_space<hbm>>
          %dma_start3A_1240 = tpu.memref_squeeze %dma_start3A_1239 : memref<1x8x128xf32, #tpu.memory_space<hbm>> -> memref<8x128xf32, #tpu.memory_space<hbm>>
          tpu.enqueue_dma source(%dma_start3A_1240 : memref<8x128xf32, #tpu.memory_space<hbm>>) target(%dma_start3A_1237 : memref<8x128xf32, #tpu.memory_space<vmem>>) target_semaphore(%arg9 : memref<!tpu.dma_semaphore, #tpu.memory_space<semaphore_mem>>)
        } else {
        }
        %slice3A_491 = vector.extract_strided_slice %get3A_67 {offsets = [12], sizes = [1], strides = [1]} : vector<16xi32> to vector<1xi32>
        %squeeze3A_492 = vector.extract %slice3A_491[0] : i32 from vector<1xi32>
        %ne3A_493 = arith.constant 0 : i32
        %ne3A_494 = arith.cmpi ne, %squeeze3A_492, %ne3A_493 : i32
        %convert_element_type3A_495 = arith.extui %ne3A_494 : i1 to i32
        %cond3A_496 = arith.constant 0 : i32
        %cond3A_497 = arith.cmpi ne, %convert_element_type3A_495, %cond3A_496 : i32
        scf.if %cond3A_497 {
          %dma_start3A = arith.constant 60 : i32
          %dma_start3A_1226 = arith.constant 60 : i32
          %dma_start3A_1227 = arith.constant 0 : i32
          %dma_start3A_1228 = arith.constant 0 : i32
          %dma_start3A_1229 = tpu.memref_slice %arg7[%dma_start3A_1226, %dma_start3A_1227, %dma_start3A_1228] : memref<100x8x128xf32, #tpu.memory_space<vmem>> -> memref<1x8x128xf32, #tpu.memory_space<vmem>>
          %dma_start3A_1230 = tpu.memref_squeeze %dma_start3A_1229 : memref<1x8x128xf32, #tpu.memory_space<vmem>> -> memref<8x128xf32, #tpu.memory_space<vmem>>
          %dma_start3A_1231 = arith.constant 0 : i32
          %dma_start3A_1232 = tpu.memref_slice %arg2[%dma_start3A, %dma_start3A_1231, %multiple_of3A] : memref<100x8x100000xf32, #tpu.memory_space<hbm>> -> memref<1x8x128xf32, #tpu.memory_space<hbm>>
          %dma_start3A_1233 = tpu.memref_squeeze %dma_start3A_1232 : memref<1x8x128xf32, #tpu.memory_space<hbm>> -> memref<8x128xf32, #tpu.memory_space<hbm>>
          %dma_start3A_1234 = arith.constant 0 : i32
          %dma_start3A_1235 = arith.constant 0 : i32
          %dma_start3A_1236 = tpu.memref_slice %arg7[%dma_start3A_1226, %dma_start3A_1234, %dma_start3A_1235] : memref<100x8x128xf32, #tpu.memory_space<vmem>> -> memref<1x8x128xf32, #tpu.memory_space<vmem>>
          %dma_start3A_1237 = tpu.memref_squeeze %dma_start3A_1236 : memref<1x8x128xf32, #tpu.memory_space<vmem>> -> memref<8x128xf32, #tpu.memory_space<vmem>>
          %dma_start3A_1238 = arith.constant 0 : i32
          %dma_start3A_1239 = tpu.memref_slice %arg2[%dma_start3A, %dma_start3A_1238, %multiple_of3A] : memref<100x8x100000xf32, #tpu.memory_space<hbm>> -> memref<1x8x128xf32, #tpu.memory_space<hbm>>
          %dma_start3A_1240 = tpu.memref_squeeze %dma_start3A_1239 : memref<1x8x128xf32, #tpu.memory_space<hbm>> -> memref<8x128xf32, #tpu.memory_space<hbm>>
          tpu.enqueue_dma source(%dma_start3A_1240 : memref<8x128xf32, #tpu.memory_space<hbm>>) target(%dma_start3A_1237 : memref<8x128xf32, #tpu.memory_space<vmem>>) target_semaphore(%arg9 : memref<!tpu.dma_semaphore, #tpu.memory_space<semaphore_mem>>)
        } else {
        }
        %slice3A_498 = vector.extract_strided_slice %get3A_67 {offsets = [13], sizes = [1], strides = [1]} : vector<16xi32> to vector<1xi32>
        %squeeze3A_499 = vector.extract %slice3A_498[0] : i32 from vector<1xi32>
        %ne3A_500 = arith.constant 0 : i32
        %ne3A_501 = arith.cmpi ne, %squeeze3A_499, %ne3A_500 : i32
        %convert_element_type3A_502 = arith.extui %ne3A_501 : i1 to i32
        %cond3A_503 = arith.constant 0 : i32
        %cond3A_504 = arith.cmpi ne, %convert_element_type3A_502, %cond3A_503 : i32
        scf.if %cond3A_504 {
          %dma_start3A = arith.constant 61 : i32
          %dma_start3A_1226 = arith.constant 61 : i32
          %dma_start3A_1227 = arith.constant 0 : i32
          %dma_start3A_1228 = arith.constant 0 : i32
          %dma_start3A_1229 = tpu.memref_slice %arg7[%dma_start3A_1226, %dma_start3A_1227, %dma_start3A_1228] : memref<100x8x128xf32, #tpu.memory_space<vmem>> -> memref<1x8x128xf32, #tpu.memory_space<vmem>>
          %dma_start3A_1230 = tpu.memref_squeeze %dma_start3A_1229 : memref<1x8x128xf32, #tpu.memory_space<vmem>> -> memref<8x128xf32, #tpu.memory_space<vmem>>
          %dma_start3A_1231 = arith.constant 0 : i32
          %dma_start3A_1232 = tpu.memref_slice %arg2[%dma_start3A, %dma_start3A_1231, %multiple_of3A] : memref<100x8x100000xf32, #tpu.memory_space<hbm>> -> memref<1x8x128xf32, #tpu.memory_space<hbm>>
          %dma_start3A_1233 = tpu.memref_squeeze %dma_start3A_1232 : memref<1x8x128xf32, #tpu.memory_space<hbm>> -> memref<8x128xf32, #tpu.memory_space<hbm>>
          %dma_start3A_1234 = arith.constant 0 : i32
          %dma_start3A_1235 = arith.constant 0 : i32
          %dma_start3A_1236 = tpu.memref_slice %arg7[%dma_start3A_1226, %dma_start3A_1234, %dma_start3A_1235] : memref<100x8x128xf32, #tpu.memory_space<vmem>> -> memref<1x8x128xf32, #tpu.memory_space<vmem>>
          %dma_start3A_1237 = tpu.memref_squeeze %dma_start3A_1236 : memref<1x8x128xf32, #tpu.memory_space<vmem>> -> memref<8x128xf32, #tpu.memory_space<vmem>>
          %dma_start3A_1238 = arith.constant 0 : i32
          %dma_start3A_1239 = tpu.memref_slice %arg2[%dma_start3A, %dma_start3A_1238, %multiple_of3A] : memref<100x8x100000xf32, #tpu.memory_space<hbm>> -> memref<1x8x128xf32, #tpu.memory_space<hbm>>
          %dma_start3A_1240 = tpu.memref_squeeze %dma_start3A_1239 : memref<1x8x128xf32, #tpu.memory_space<hbm>> -> memref<8x128xf32, #tpu.memory_space<hbm>>
          tpu.enqueue_dma source(%dma_start3A_1240 : memref<8x128xf32, #tpu.memory_space<hbm>>) target(%dma_start3A_1237 : memref<8x128xf32, #tpu.memory_space<vmem>>) target_semaphore(%arg9 : memref<!tpu.dma_semaphore, #tpu.memory_space<semaphore_mem>>)
        } else {
        }
        %slice3A_505 = vector.extract_strided_slice %get3A_67 {offsets = [14], sizes = [1], strides = [1]} : vector<16xi32> to vector<1xi32>
        %squeeze3A_506 = vector.extract %slice3A_505[0] : i32 from vector<1xi32>
        %ne3A_507 = arith.constant 0 : i32
        %ne3A_508 = arith.cmpi ne, %squeeze3A_506, %ne3A_507 : i32
        %convert_element_type3A_509 = arith.extui %ne3A_508 : i1 to i32
        %cond3A_510 = arith.constant 0 : i32
        %cond3A_511 = arith.cmpi ne, %convert_element_type3A_509, %cond3A_510 : i32
        scf.if %cond3A_511 {
          %dma_start3A = arith.constant 62 : i32
          %dma_start3A_1226 = arith.constant 62 : i32
          %dma_start3A_1227 = arith.constant 0 : i32
          %dma_start3A_1228 = arith.constant 0 : i32
          %dma_start3A_1229 = tpu.memref_slice %arg7[%dma_start3A_1226, %dma_start3A_1227, %dma_start3A_1228] : memref<100x8x128xf32, #tpu.memory_space<vmem>> -> memref<1x8x128xf32, #tpu.memory_space<vmem>>
          %dma_start3A_1230 = tpu.memref_squeeze %dma_start3A_1229 : memref<1x8x128xf32, #tpu.memory_space<vmem>> -> memref<8x128xf32, #tpu.memory_space<vmem>>
          %dma_start3A_1231 = arith.constant 0 : i32
          %dma_start3A_1232 = tpu.memref_slice %arg2[%dma_start3A, %dma_start3A_1231, %multiple_of3A] : memref<100x8x100000xf32, #tpu.memory_space<hbm>> -> memref<1x8x128xf32, #tpu.memory_space<hbm>>
          %dma_start3A_1233 = tpu.memref_squeeze %dma_start3A_1232 : memref<1x8x128xf32, #tpu.memory_space<hbm>> -> memref<8x128xf32, #tpu.memory_space<hbm>>
          %dma_start3A_1234 = arith.constant 0 : i32
          %dma_start3A_1235 = arith.constant 0 : i32
          %dma_start3A_1236 = tpu.memref_slice %arg7[%dma_start3A_1226, %dma_start3A_1234, %dma_start3A_1235] : memref<100x8x128xf32, #tpu.memory_space<vmem>> -> memref<1x8x128xf32, #tpu.memory_space<vmem>>
          %dma_start3A_1237 = tpu.memref_squeeze %dma_start3A_1236 : memref<1x8x128xf32, #tpu.memory_space<vmem>> -> memref<8x128xf32, #tpu.memory_space<vmem>>
          %dma_start3A_1238 = arith.constant 0 : i32
          %dma_start3A_1239 = tpu.memref_slice %arg2[%dma_start3A, %dma_start3A_1238, %multiple_of3A] : memref<100x8x100000xf32, #tpu.memory_space<hbm>> -> memref<1x8x128xf32, #tpu.memory_space<hbm>>
          %dma_start3A_1240 = tpu.memref_squeeze %dma_start3A_1239 : memref<1x8x128xf32, #tpu.memory_space<hbm>> -> memref<8x128xf32, #tpu.memory_space<hbm>>
          tpu.enqueue_dma source(%dma_start3A_1240 : memref<8x128xf32, #tpu.memory_space<hbm>>) target(%dma_start3A_1237 : memref<8x128xf32, #tpu.memory_space<vmem>>) target_semaphore(%arg9 : memref<!tpu.dma_semaphore, #tpu.memory_space<semaphore_mem>>)
        } else {
        }
        %slice3A_512 = vector.extract_strided_slice %get3A_67 {offsets = [15], sizes = [1], strides = [1]} : vector<16xi32> to vector<1xi32>
        %squeeze3A_513 = vector.extract %slice3A_512[0] : i32 from vector<1xi32>
        %ne3A_514 = arith.constant 0 : i32
        %ne3A_515 = arith.cmpi ne, %squeeze3A_513, %ne3A_514 : i32
        %convert_element_type3A_516 = arith.extui %ne3A_515 : i1 to i32
        %cond3A_517 = arith.constant 0 : i32
        %cond3A_518 = arith.cmpi ne, %convert_element_type3A_516, %cond3A_517 : i32
        scf.if %cond3A_518 {
          %dma_start3A = arith.constant 63 : i32
          %dma_start3A_1226 = arith.constant 63 : i32
          %dma_start3A_1227 = arith.constant 0 : i32
          %dma_start3A_1228 = arith.constant 0 : i32
          %dma_start3A_1229 = tpu.memref_slice %arg7[%dma_start3A_1226, %dma_start3A_1227, %dma_start3A_1228] : memref<100x8x128xf32, #tpu.memory_space<vmem>> -> memref<1x8x128xf32, #tpu.memory_space<vmem>>
          %dma_start3A_1230 = tpu.memref_squeeze %dma_start3A_1229 : memref<1x8x128xf32, #tpu.memory_space<vmem>> -> memref<8x128xf32, #tpu.memory_space<vmem>>
          %dma_start3A_1231 = arith.constant 0 : i32
          %dma_start3A_1232 = tpu.memref_slice %arg2[%dma_start3A, %dma_start3A_1231, %multiple_of3A] : memref<100x8x100000xf32, #tpu.memory_space<hbm>> -> memref<1x8x128xf32, #tpu.memory_space<hbm>>
          %dma_start3A_1233 = tpu.memref_squeeze %dma_start3A_1232 : memref<1x8x128xf32, #tpu.memory_space<hbm>> -> memref<8x128xf32, #tpu.memory_space<hbm>>
          %dma_start3A_1234 = arith.constant 0 : i32
          %dma_start3A_1235 = arith.constant 0 : i32
          %dma_start3A_1236 = tpu.memref_slice %arg7[%dma_start3A_1226, %dma_start3A_1234, %dma_start3A_1235] : memref<100x8x128xf32, #tpu.memory_space<vmem>> -> memref<1x8x128xf32, #tpu.memory_space<vmem>>
          %dma_start3A_1237 = tpu.memref_squeeze %dma_start3A_1236 : memref<1x8x128xf32, #tpu.memory_space<vmem>> -> memref<8x128xf32, #tpu.memory_space<vmem>>
          %dma_start3A_1238 = arith.constant 0 : i32
          %dma_start3A_1239 = tpu.memref_slice %arg2[%dma_start3A, %dma_start3A_1238, %multiple_of3A] : memref<100x8x100000xf32, #tpu.memory_space<hbm>> -> memref<1x8x128xf32, #tpu.memory_space<hbm>>
          %dma_start3A_1240 = tpu.memref_squeeze %dma_start3A_1239 : memref<1x8x128xf32, #tpu.memory_space<hbm>> -> memref<8x128xf32, #tpu.memory_space<hbm>>
          tpu.enqueue_dma source(%dma_start3A_1240 : memref<8x128xf32, #tpu.memory_space<hbm>>) target(%dma_start3A_1237 : memref<8x128xf32, #tpu.memory_space<vmem>>) target_semaphore(%arg9 : memref<!tpu.dma_semaphore, #tpu.memory_space<semaphore_mem>>)
        } else {
        }
        %slice3A_519 = vector.extract_strided_slice %get3A_69 {offsets = [0], sizes = [1], strides = [1]} : vector<16xi32> to vector<1xi32>
        %squeeze3A_520 = vector.extract %slice3A_519[0] : i32 from vector<1xi32>
        %ne3A_521 = arith.constant 0 : i32
        %ne3A_522 = arith.cmpi ne, %squeeze3A_520, %ne3A_521 : i32
        %convert_element_type3A_523 = arith.extui %ne3A_522 : i1 to i32
        %cond3A_524 = arith.constant 0 : i32
        %cond3A_525 = arith.cmpi ne, %convert_element_type3A_523, %cond3A_524 : i32
        scf.if %cond3A_525 {
          %dma_start3A = arith.constant 64 : i32
          %dma_start3A_1226 = arith.constant 64 : i32
          %dma_start3A_1227 = arith.constant 0 : i32
          %dma_start3A_1228 = arith.constant 0 : i32
          %dma_start3A_1229 = tpu.memref_slice %arg7[%dma_start3A_1226, %dma_start3A_1227, %dma_start3A_1228] : memref<100x8x128xf32, #tpu.memory_space<vmem>> -> memref<1x8x128xf32, #tpu.memory_space<vmem>>
          %dma_start3A_1230 = tpu.memref_squeeze %dma_start3A_1229 : memref<1x8x128xf32, #tpu.memory_space<vmem>> -> memref<8x128xf32, #tpu.memory_space<vmem>>
          %dma_start3A_1231 = arith.constant 0 : i32
          %dma_start3A_1232 = tpu.memref_slice %arg2[%dma_start3A, %dma_start3A_1231, %multiple_of3A] : memref<100x8x100000xf32, #tpu.memory_space<hbm>> -> memref<1x8x128xf32, #tpu.memory_space<hbm>>
          %dma_start3A_1233 = tpu.memref_squeeze %dma_start3A_1232 : memref<1x8x128xf32, #tpu.memory_space<hbm>> -> memref<8x128xf32, #tpu.memory_space<hbm>>
          %dma_start3A_1234 = arith.constant 0 : i32
          %dma_start3A_1235 = arith.constant 0 : i32
          %dma_start3A_1236 = tpu.memref_slice %arg7[%dma_start3A_1226, %dma_start3A_1234, %dma_start3A_1235] : memref<100x8x128xf32, #tpu.memory_space<vmem>> -> memref<1x8x128xf32, #tpu.memory_space<vmem>>
          %dma_start3A_1237 = tpu.memref_squeeze %dma_start3A_1236 : memref<1x8x128xf32, #tpu.memory_space<vmem>> -> memref<8x128xf32, #tpu.memory_space<vmem>>
          %dma_start3A_1238 = arith.constant 0 : i32
          %dma_start3A_1239 = tpu.memref_slice %arg2[%dma_start3A, %dma_start3A_1238, %multiple_of3A] : memref<100x8x100000xf32, #tpu.memory_space<hbm>> -> memref<1x8x128xf32, #tpu.memory_space<hbm>>
          %dma_start3A_1240 = tpu.memref_squeeze %dma_start3A_1239 : memref<1x8x128xf32, #tpu.memory_space<hbm>> -> memref<8x128xf32, #tpu.memory_space<hbm>>
          tpu.enqueue_dma source(%dma_start3A_1240 : memref<8x128xf32, #tpu.memory_space<hbm>>) target(%dma_start3A_1237 : memref<8x128xf32, #tpu.memory_space<vmem>>) target_semaphore(%arg9 : memref<!tpu.dma_semaphore, #tpu.memory_space<semaphore_mem>>)
        } else {
        }
        %slice3A_526 = vector.extract_strided_slice %get3A_69 {offsets = [1], sizes = [1], strides = [1]} : vector<16xi32> to vector<1xi32>
        %squeeze3A_527 = vector.extract %slice3A_526[0] : i32 from vector<1xi32>
        %ne3A_528 = arith.constant 0 : i32
        %ne3A_529 = arith.cmpi ne, %squeeze3A_527, %ne3A_528 : i32
        %convert_element_type3A_530 = arith.extui %ne3A_529 : i1 to i32
        %cond3A_531 = arith.constant 0 : i32
        %cond3A_532 = arith.cmpi ne, %convert_element_type3A_530, %cond3A_531 : i32
        scf.if %cond3A_532 {
          %dma_start3A = arith.constant 65 : i32
          %dma_start3A_1226 = arith.constant 65 : i32
          %dma_start3A_1227 = arith.constant 0 : i32
          %dma_start3A_1228 = arith.constant 0 : i32
          %dma_start3A_1229 = tpu.memref_slice %arg7[%dma_start3A_1226, %dma_start3A_1227, %dma_start3A_1228] : memref<100x8x128xf32, #tpu.memory_space<vmem>> -> memref<1x8x128xf32, #tpu.memory_space<vmem>>
          %dma_start3A_1230 = tpu.memref_squeeze %dma_start3A_1229 : memref<1x8x128xf32, #tpu.memory_space<vmem>> -> memref<8x128xf32, #tpu.memory_space<vmem>>
          %dma_start3A_1231 = arith.constant 0 : i32
          %dma_start3A_1232 = tpu.memref_slice %arg2[%dma_start3A, %dma_start3A_1231, %multiple_of3A] : memref<100x8x100000xf32, #tpu.memory_space<hbm>> -> memref<1x8x128xf32, #tpu.memory_space<hbm>>
          %dma_start3A_1233 = tpu.memref_squeeze %dma_start3A_1232 : memref<1x8x128xf32, #tpu.memory_space<hbm>> -> memref<8x128xf32, #tpu.memory_space<hbm>>
          %dma_start3A_1234 = arith.constant 0 : i32
          %dma_start3A_1235 = arith.constant 0 : i32
          %dma_start3A_1236 = tpu.memref_slice %arg7[%dma_start3A_1226, %dma_start3A_1234, %dma_start3A_1235] : memref<100x8x128xf32, #tpu.memory_space<vmem>> -> memref<1x8x128xf32, #tpu.memory_space<vmem>>
          %dma_start3A_1237 = tpu.memref_squeeze %dma_start3A_1236 : memref<1x8x128xf32, #tpu.memory_space<vmem>> -> memref<8x128xf32, #tpu.memory_space<vmem>>
          %dma_start3A_1238 = arith.constant 0 : i32
          %dma_start3A_1239 = tpu.memref_slice %arg2[%dma_start3A, %dma_start3A_1238, %multiple_of3A] : memref<100x8x100000xf32, #tpu.memory_space<hbm>> -> memref<1x8x128xf32, #tpu.memory_space<hbm>>
          %dma_start3A_1240 = tpu.memref_squeeze %dma_start3A_1239 : memref<1x8x128xf32, #tpu.memory_space<hbm>> -> memref<8x128xf32, #tpu.memory_space<hbm>>
          tpu.enqueue_dma source(%dma_start3A_1240 : memref<8x128xf32, #tpu.memory_space<hbm>>) target(%dma_start3A_1237 : memref<8x128xf32, #tpu.memory_space<vmem>>) target_semaphore(%arg9 : memref<!tpu.dma_semaphore, #tpu.memory_space<semaphore_mem>>)
        } else {
        }
        %slice3A_533 = vector.extract_strided_slice %get3A_69 {offsets = [2], sizes = [1], strides = [1]} : vector<16xi32> to vector<1xi32>
        %squeeze3A_534 = vector.extract %slice3A_533[0] : i32 from vector<1xi32>
        %ne3A_535 = arith.constant 0 : i32
        %ne3A_536 = arith.cmpi ne, %squeeze3A_534, %ne3A_535 : i32
        %convert_element_type3A_537 = arith.extui %ne3A_536 : i1 to i32
        %cond3A_538 = arith.constant 0 : i32
        %cond3A_539 = arith.cmpi ne, %convert_element_type3A_537, %cond3A_538 : i32
        scf.if %cond3A_539 {
          %dma_start3A = arith.constant 66 : i32
          %dma_start3A_1226 = arith.constant 66 : i32
          %dma_start3A_1227 = arith.constant 0 : i32
          %dma_start3A_1228 = arith.constant 0 : i32
          %dma_start3A_1229 = tpu.memref_slice %arg7[%dma_start3A_1226, %dma_start3A_1227, %dma_start3A_1228] : memref<100x8x128xf32, #tpu.memory_space<vmem>> -> memref<1x8x128xf32, #tpu.memory_space<vmem>>
          %dma_start3A_1230 = tpu.memref_squeeze %dma_start3A_1229 : memref<1x8x128xf32, #tpu.memory_space<vmem>> -> memref<8x128xf32, #tpu.memory_space<vmem>>
          %dma_start3A_1231 = arith.constant 0 : i32
          %dma_start3A_1232 = tpu.memref_slice %arg2[%dma_start3A, %dma_start3A_1231, %multiple_of3A] : memref<100x8x100000xf32, #tpu.memory_space<hbm>> -> memref<1x8x128xf32, #tpu.memory_space<hbm>>
          %dma_start3A_1233 = tpu.memref_squeeze %dma_start3A_1232 : memref<1x8x128xf32, #tpu.memory_space<hbm>> -> memref<8x128xf32, #tpu.memory_space<hbm>>
          %dma_start3A_1234 = arith.constant 0 : i32
          %dma_start3A_1235 = arith.constant 0 : i32
          %dma_start3A_1236 = tpu.memref_slice %arg7[%dma_start3A_1226, %dma_start3A_1234, %dma_start3A_1235] : memref<100x8x128xf32, #tpu.memory_space<vmem>> -> memref<1x8x128xf32, #tpu.memory_space<vmem>>
          %dma_start3A_1237 = tpu.memref_squeeze %dma_start3A_1236 : memref<1x8x128xf32, #tpu.memory_space<vmem>> -> memref<8x128xf32, #tpu.memory_space<vmem>>
          %dma_start3A_1238 = arith.constant 0 : i32
          %dma_start3A_1239 = tpu.memref_slice %arg2[%dma_start3A, %dma_start3A_1238, %multiple_of3A] : memref<100x8x100000xf32, #tpu.memory_space<hbm>> -> memref<1x8x128xf32, #tpu.memory_space<hbm>>
          %dma_start3A_1240 = tpu.memref_squeeze %dma_start3A_1239 : memref<1x8x128xf32, #tpu.memory_space<hbm>> -> memref<8x128xf32, #tpu.memory_space<hbm>>
          tpu.enqueue_dma source(%dma_start3A_1240 : memref<8x128xf32, #tpu.memory_space<hbm>>) target(%dma_start3A_1237 : memref<8x128xf32, #tpu.memory_space<vmem>>) target_semaphore(%arg9 : memref<!tpu.dma_semaphore, #tpu.memory_space<semaphore_mem>>)
        } else {
        }
        %slice3A_540 = vector.extract_strided_slice %get3A_69 {offsets = [3], sizes = [1], strides = [1]} : vector<16xi32> to vector<1xi32>
        %squeeze3A_541 = vector.extract %slice3A_540[0] : i32 from vector<1xi32>
        %ne3A_542 = arith.constant 0 : i32
        %ne3A_543 = arith.cmpi ne, %squeeze3A_541, %ne3A_542 : i32
        %convert_element_type3A_544 = arith.extui %ne3A_543 : i1 to i32
        %cond3A_545 = arith.constant 0 : i32
        %cond3A_546 = arith.cmpi ne, %convert_element_type3A_544, %cond3A_545 : i32
        scf.if %cond3A_546 {
          %dma_start3A = arith.constant 67 : i32
          %dma_start3A_1226 = arith.constant 67 : i32
          %dma_start3A_1227 = arith.constant 0 : i32
          %dma_start3A_1228 = arith.constant 0 : i32
          %dma_start3A_1229 = tpu.memref_slice %arg7[%dma_start3A_1226, %dma_start3A_1227, %dma_start3A_1228] : memref<100x8x128xf32, #tpu.memory_space<vmem>> -> memref<1x8x128xf32, #tpu.memory_space<vmem>>
          %dma_start3A_1230 = tpu.memref_squeeze %dma_start3A_1229 : memref<1x8x128xf32, #tpu.memory_space<vmem>> -> memref<8x128xf32, #tpu.memory_space<vmem>>
          %dma_start3A_1231 = arith.constant 0 : i32
          %dma_start3A_1232 = tpu.memref_slice %arg2[%dma_start3A, %dma_start3A_1231, %multiple_of3A] : memref<100x8x100000xf32, #tpu.memory_space<hbm>> -> memref<1x8x128xf32, #tpu.memory_space<hbm>>
          %dma_start3A_1233 = tpu.memref_squeeze %dma_start3A_1232 : memref<1x8x128xf32, #tpu.memory_space<hbm>> -> memref<8x128xf32, #tpu.memory_space<hbm>>
          %dma_start3A_1234 = arith.constant 0 : i32
          %dma_start3A_1235 = arith.constant 0 : i32
          %dma_start3A_1236 = tpu.memref_slice %arg7[%dma_start3A_1226, %dma_start3A_1234, %dma_start3A_1235] : memref<100x8x128xf32, #tpu.memory_space<vmem>> -> memref<1x8x128xf32, #tpu.memory_space<vmem>>
          %dma_start3A_1237 = tpu.memref_squeeze %dma_start3A_1236 : memref<1x8x128xf32, #tpu.memory_space<vmem>> -> memref<8x128xf32, #tpu.memory_space<vmem>>
          %dma_start3A_1238 = arith.constant 0 : i32
          %dma_start3A_1239 = tpu.memref_slice %arg2[%dma_start3A, %dma_start3A_1238, %multiple_of3A] : memref<100x8x100000xf32, #tpu.memory_space<hbm>> -> memref<1x8x128xf32, #tpu.memory_space<hbm>>
          %dma_start3A_1240 = tpu.memref_squeeze %dma_start3A_1239 : memref<1x8x128xf32, #tpu.memory_space<hbm>> -> memref<8x128xf32, #tpu.memory_space<hbm>>
          tpu.enqueue_dma source(%dma_start3A_1240 : memref<8x128xf32, #tpu.memory_space<hbm>>) target(%dma_start3A_1237 : memref<8x128xf32, #tpu.memory_space<vmem>>) target_semaphore(%arg9 : memref<!tpu.dma_semaphore, #tpu.memory_space<semaphore_mem>>)
        } else {
        }
        %slice3A_547 = vector.extract_strided_slice %get3A_69 {offsets = [4], sizes = [1], strides = [1]} : vector<16xi32> to vector<1xi32>
        %squeeze3A_548 = vector.extract %slice3A_547[0] : i32 from vector<1xi32>
        %ne3A_549 = arith.constant 0 : i32
        %ne3A_550 = arith.cmpi ne, %squeeze3A_548, %ne3A_549 : i32
        %convert_element_type3A_551 = arith.extui %ne3A_550 : i1 to i32
        %cond3A_552 = arith.constant 0 : i32
        %cond3A_553 = arith.cmpi ne, %convert_element_type3A_551, %cond3A_552 : i32
        scf.if %cond3A_553 {
          %dma_start3A = arith.constant 68 : i32
          %dma_start3A_1226 = arith.constant 68 : i32
          %dma_start3A_1227 = arith.constant 0 : i32
          %dma_start3A_1228 = arith.constant 0 : i32
          %dma_start3A_1229 = tpu.memref_slice %arg7[%dma_start3A_1226, %dma_start3A_1227, %dma_start3A_1228] : memref<100x8x128xf32, #tpu.memory_space<vmem>> -> memref<1x8x128xf32, #tpu.memory_space<vmem>>
          %dma_start3A_1230 = tpu.memref_squeeze %dma_start3A_1229 : memref<1x8x128xf32, #tpu.memory_space<vmem>> -> memref<8x128xf32, #tpu.memory_space<vmem>>
          %dma_start3A_1231 = arith.constant 0 : i32
          %dma_start3A_1232 = tpu.memref_slice %arg2[%dma_start3A, %dma_start3A_1231, %multiple_of3A] : memref<100x8x100000xf32, #tpu.memory_space<hbm>> -> memref<1x8x128xf32, #tpu.memory_space<hbm>>
          %dma_start3A_1233 = tpu.memref_squeeze %dma_start3A_1232 : memref<1x8x128xf32, #tpu.memory_space<hbm>> -> memref<8x128xf32, #tpu.memory_space<hbm>>
          %dma_start3A_1234 = arith.constant 0 : i32
          %dma_start3A_1235 = arith.constant 0 : i32
          %dma_start3A_1236 = tpu.memref_slice %arg7[%dma_start3A_1226, %dma_start3A_1234, %dma_start3A_1235] : memref<100x8x128xf32, #tpu.memory_space<vmem>> -> memref<1x8x128xf32, #tpu.memory_space<vmem>>
          %dma_start3A_1237 = tpu.memref_squeeze %dma_start3A_1236 : memref<1x8x128xf32, #tpu.memory_space<vmem>> -> memref<8x128xf32, #tpu.memory_space<vmem>>
          %dma_start3A_1238 = arith.constant 0 : i32
          %dma_start3A_1239 = tpu.memref_slice %arg2[%dma_start3A, %dma_start3A_1238, %multiple_of3A] : memref<100x8x100000xf32, #tpu.memory_space<hbm>> -> memref<1x8x128xf32, #tpu.memory_space<hbm>>
          %dma_start3A_1240 = tpu.memref_squeeze %dma_start3A_1239 : memref<1x8x128xf32, #tpu.memory_space<hbm>> -> memref<8x128xf32, #tpu.memory_space<hbm>>
          tpu.enqueue_dma source(%dma_start3A_1240 : memref<8x128xf32, #tpu.memory_space<hbm>>) target(%dma_start3A_1237 : memref<8x128xf32, #tpu.memory_space<vmem>>) target_semaphore(%arg9 : memref<!tpu.dma_semaphore, #tpu.memory_space<semaphore_mem>>)
        } else {
        }
        %slice3A_554 = vector.extract_strided_slice %get3A_69 {offsets = [5], sizes = [1], strides = [1]} : vector<16xi32> to vector<1xi32>
        %squeeze3A_555 = vector.extract %slice3A_554[0] : i32 from vector<1xi32>
        %ne3A_556 = arith.constant 0 : i32
        %ne3A_557 = arith.cmpi ne, %squeeze3A_555, %ne3A_556 : i32
        %convert_element_type3A_558 = arith.extui %ne3A_557 : i1 to i32
        %cond3A_559 = arith.constant 0 : i32
        %cond3A_560 = arith.cmpi ne, %convert_element_type3A_558, %cond3A_559 : i32
        scf.if %cond3A_560 {
          %dma_start3A = arith.constant 69 : i32
          %dma_start3A_1226 = arith.constant 69 : i32
          %dma_start3A_1227 = arith.constant 0 : i32
          %dma_start3A_1228 = arith.constant 0 : i32
          %dma_start3A_1229 = tpu.memref_slice %arg7[%dma_start3A_1226, %dma_start3A_1227, %dma_start3A_1228] : memref<100x8x128xf32, #tpu.memory_space<vmem>> -> memref<1x8x128xf32, #tpu.memory_space<vmem>>
          %dma_start3A_1230 = tpu.memref_squeeze %dma_start3A_1229 : memref<1x8x128xf32, #tpu.memory_space<vmem>> -> memref<8x128xf32, #tpu.memory_space<vmem>>
          %dma_start3A_1231 = arith.constant 0 : i32
          %dma_start3A_1232 = tpu.memref_slice %arg2[%dma_start3A, %dma_start3A_1231, %multiple_of3A] : memref<100x8x100000xf32, #tpu.memory_space<hbm>> -> memref<1x8x128xf32, #tpu.memory_space<hbm>>
          %dma_start3A_1233 = tpu.memref_squeeze %dma_start3A_1232 : memref<1x8x128xf32, #tpu.memory_space<hbm>> -> memref<8x128xf32, #tpu.memory_space<hbm>>
          %dma_start3A_1234 = arith.constant 0 : i32
          %dma_start3A_1235 = arith.constant 0 : i32
          %dma_start3A_1236 = tpu.memref_slice %arg7[%dma_start3A_1226, %dma_start3A_1234, %dma_start3A_1235] : memref<100x8x128xf32, #tpu.memory_space<vmem>> -> memref<1x8x128xf32, #tpu.memory_space<vmem>>
          %dma_start3A_1237 = tpu.memref_squeeze %dma_start3A_1236 : memref<1x8x128xf32, #tpu.memory_space<vmem>> -> memref<8x128xf32, #tpu.memory_space<vmem>>
          %dma_start3A_1238 = arith.constant 0 : i32
          %dma_start3A_1239 = tpu.memref_slice %arg2[%dma_start3A, %dma_start3A_1238, %multiple_of3A] : memref<100x8x100000xf32, #tpu.memory_space<hbm>> -> memref<1x8x128xf32, #tpu.memory_space<hbm>>
          %dma_start3A_1240 = tpu.memref_squeeze %dma_start3A_1239 : memref<1x8x128xf32, #tpu.memory_space<hbm>> -> memref<8x128xf32, #tpu.memory_space<hbm>>
          tpu.enqueue_dma source(%dma_start3A_1240 : memref<8x128xf32, #tpu.memory_space<hbm>>) target(%dma_start3A_1237 : memref<8x128xf32, #tpu.memory_space<vmem>>) target_semaphore(%arg9 : memref<!tpu.dma_semaphore, #tpu.memory_space<semaphore_mem>>)
        } else {
        }
        %slice3A_561 = vector.extract_strided_slice %get3A_69 {offsets = [6], sizes = [1], strides = [1]} : vector<16xi32> to vector<1xi32>
        %squeeze3A_562 = vector.extract %slice3A_561[0] : i32 from vector<1xi32>
        %ne3A_563 = arith.constant 0 : i32
        %ne3A_564 = arith.cmpi ne, %squeeze3A_562, %ne3A_563 : i32
        %convert_element_type3A_565 = arith.extui %ne3A_564 : i1 to i32
        %cond3A_566 = arith.constant 0 : i32
        %cond3A_567 = arith.cmpi ne, %convert_element_type3A_565, %cond3A_566 : i32
        scf.if %cond3A_567 {
          %dma_start3A = arith.constant 70 : i32
          %dma_start3A_1226 = arith.constant 70 : i32
          %dma_start3A_1227 = arith.constant 0 : i32
          %dma_start3A_1228 = arith.constant 0 : i32
          %dma_start3A_1229 = tpu.memref_slice %arg7[%dma_start3A_1226, %dma_start3A_1227, %dma_start3A_1228] : memref<100x8x128xf32, #tpu.memory_space<vmem>> -> memref<1x8x128xf32, #tpu.memory_space<vmem>>
          %dma_start3A_1230 = tpu.memref_squeeze %dma_start3A_1229 : memref<1x8x128xf32, #tpu.memory_space<vmem>> -> memref<8x128xf32, #tpu.memory_space<vmem>>
          %dma_start3A_1231 = arith.constant 0 : i32
          %dma_start3A_1232 = tpu.memref_slice %arg2[%dma_start3A, %dma_start3A_1231, %multiple_of3A] : memref<100x8x100000xf32, #tpu.memory_space<hbm>> -> memref<1x8x128xf32, #tpu.memory_space<hbm>>
          %dma_start3A_1233 = tpu.memref_squeeze %dma_start3A_1232 : memref<1x8x128xf32, #tpu.memory_space<hbm>> -> memref<8x128xf32, #tpu.memory_space<hbm>>
          %dma_start3A_1234 = arith.constant 0 : i32
          %dma_start3A_1235 = arith.constant 0 : i32
          %dma_start3A_1236 = tpu.memref_slice %arg7[%dma_start3A_1226, %dma_start3A_1234, %dma_start3A_1235] : memref<100x8x128xf32, #tpu.memory_space<vmem>> -> memref<1x8x128xf32, #tpu.memory_space<vmem>>
          %dma_start3A_1237 = tpu.memref_squeeze %dma_start3A_1236 : memref<1x8x128xf32, #tpu.memory_space<vmem>> -> memref<8x128xf32, #tpu.memory_space<vmem>>
          %dma_start3A_1238 = arith.constant 0 : i32
          %dma_start3A_1239 = tpu.memref_slice %arg2[%dma_start3A, %dma_start3A_1238, %multiple_of3A] : memref<100x8x100000xf32, #tpu.memory_space<hbm>> -> memref<1x8x128xf32, #tpu.memory_space<hbm>>
          %dma_start3A_1240 = tpu.memref_squeeze %dma_start3A_1239 : memref<1x8x128xf32, #tpu.memory_space<hbm>> -> memref<8x128xf32, #tpu.memory_space<hbm>>
          tpu.enqueue_dma source(%dma_start3A_1240 : memref<8x128xf32, #tpu.memory_space<hbm>>) target(%dma_start3A_1237 : memref<8x128xf32, #tpu.memory_space<vmem>>) target_semaphore(%arg9 : memref<!tpu.dma_semaphore, #tpu.memory_space<semaphore_mem>>)
        } else {
        }
        %slice3A_568 = vector.extract_strided_slice %get3A_69 {offsets = [7], sizes = [1], strides = [1]} : vector<16xi32> to vector<1xi32>
        %squeeze3A_569 = vector.extract %slice3A_568[0] : i32 from vector<1xi32>
        %ne3A_570 = arith.constant 0 : i32
        %ne3A_571 = arith.cmpi ne, %squeeze3A_569, %ne3A_570 : i32
        %convert_element_type3A_572 = arith.extui %ne3A_571 : i1 to i32
        %cond3A_573 = arith.constant 0 : i32
        %cond3A_574 = arith.cmpi ne, %convert_element_type3A_572, %cond3A_573 : i32
        scf.if %cond3A_574 {
          %dma_start3A = arith.constant 71 : i32
          %dma_start3A_1226 = arith.constant 71 : i32
          %dma_start3A_1227 = arith.constant 0 : i32
          %dma_start3A_1228 = arith.constant 0 : i32
          %dma_start3A_1229 = tpu.memref_slice %arg7[%dma_start3A_1226, %dma_start3A_1227, %dma_start3A_1228] : memref<100x8x128xf32, #tpu.memory_space<vmem>> -> memref<1x8x128xf32, #tpu.memory_space<vmem>>
          %dma_start3A_1230 = tpu.memref_squeeze %dma_start3A_1229 : memref<1x8x128xf32, #tpu.memory_space<vmem>> -> memref<8x128xf32, #tpu.memory_space<vmem>>
          %dma_start3A_1231 = arith.constant 0 : i32
          %dma_start3A_1232 = tpu.memref_slice %arg2[%dma_start3A, %dma_start3A_1231, %multiple_of3A] : memref<100x8x100000xf32, #tpu.memory_space<hbm>> -> memref<1x8x128xf32, #tpu.memory_space<hbm>>
          %dma_start3A_1233 = tpu.memref_squeeze %dma_start3A_1232 : memref<1x8x128xf32, #tpu.memory_space<hbm>> -> memref<8x128xf32, #tpu.memory_space<hbm>>
          %dma_start3A_1234 = arith.constant 0 : i32
          %dma_start3A_1235 = arith.constant 0 : i32
          %dma_start3A_1236 = tpu.memref_slice %arg7[%dma_start3A_1226, %dma_start3A_1234, %dma_start3A_1235] : memref<100x8x128xf32, #tpu.memory_space<vmem>> -> memref<1x8x128xf32, #tpu.memory_space<vmem>>
          %dma_start3A_1237 = tpu.memref_squeeze %dma_start3A_1236 : memref<1x8x128xf32, #tpu.memory_space<vmem>> -> memref<8x128xf32, #tpu.memory_space<vmem>>
          %dma_start3A_1238 = arith.constant 0 : i32
          %dma_start3A_1239 = tpu.memref_slice %arg2[%dma_start3A, %dma_start3A_1238, %multiple_of3A] : memref<100x8x100000xf32, #tpu.memory_space<hbm>> -> memref<1x8x128xf32, #tpu.memory_space<hbm>>
          %dma_start3A_1240 = tpu.memref_squeeze %dma_start3A_1239 : memref<1x8x128xf32, #tpu.memory_space<hbm>> -> memref<8x128xf32, #tpu.memory_space<hbm>>
          tpu.enqueue_dma source(%dma_start3A_1240 : memref<8x128xf32, #tpu.memory_space<hbm>>) target(%dma_start3A_1237 : memref<8x128xf32, #tpu.memory_space<vmem>>) target_semaphore(%arg9 : memref<!tpu.dma_semaphore, #tpu.memory_space<semaphore_mem>>)
        } else {
        }
        %slice3A_575 = vector.extract_strided_slice %get3A_69 {offsets = [8], sizes = [1], strides = [1]} : vector<16xi32> to vector<1xi32>
        %squeeze3A_576 = vector.extract %slice3A_575[0] : i32 from vector<1xi32>
        %ne3A_577 = arith.constant 0 : i32
        %ne3A_578 = arith.cmpi ne, %squeeze3A_576, %ne3A_577 : i32
        %convert_element_type3A_579 = arith.extui %ne3A_578 : i1 to i32
        %cond3A_580 = arith.constant 0 : i32
        %cond3A_581 = arith.cmpi ne, %convert_element_type3A_579, %cond3A_580 : i32
        scf.if %cond3A_581 {
          %dma_start3A = arith.constant 72 : i32
          %dma_start3A_1226 = arith.constant 72 : i32
          %dma_start3A_1227 = arith.constant 0 : i32
          %dma_start3A_1228 = arith.constant 0 : i32
          %dma_start3A_1229 = tpu.memref_slice %arg7[%dma_start3A_1226, %dma_start3A_1227, %dma_start3A_1228] : memref<100x8x128xf32, #tpu.memory_space<vmem>> -> memref<1x8x128xf32, #tpu.memory_space<vmem>>
          %dma_start3A_1230 = tpu.memref_squeeze %dma_start3A_1229 : memref<1x8x128xf32, #tpu.memory_space<vmem>> -> memref<8x128xf32, #tpu.memory_space<vmem>>
          %dma_start3A_1231 = arith.constant 0 : i32
          %dma_start3A_1232 = tpu.memref_slice %arg2[%dma_start3A, %dma_start3A_1231, %multiple_of3A] : memref<100x8x100000xf32, #tpu.memory_space<hbm>> -> memref<1x8x128xf32, #tpu.memory_space<hbm>>
          %dma_start3A_1233 = tpu.memref_squeeze %dma_start3A_1232 : memref<1x8x128xf32, #tpu.memory_space<hbm>> -> memref<8x128xf32, #tpu.memory_space<hbm>>
          %dma_start3A_1234 = arith.constant 0 : i32
          %dma_start3A_1235 = arith.constant 0 : i32
          %dma_start3A_1236 = tpu.memref_slice %arg7[%dma_start3A_1226, %dma_start3A_1234, %dma_start3A_1235] : memref<100x8x128xf32, #tpu.memory_space<vmem>> -> memref<1x8x128xf32, #tpu.memory_space<vmem>>
          %dma_start3A_1237 = tpu.memref_squeeze %dma_start3A_1236 : memref<1x8x128xf32, #tpu.memory_space<vmem>> -> memref<8x128xf32, #tpu.memory_space<vmem>>
          %dma_start3A_1238 = arith.constant 0 : i32
          %dma_start3A_1239 = tpu.memref_slice %arg2[%dma_start3A, %dma_start3A_1238, %multiple_of3A] : memref<100x8x100000xf32, #tpu.memory_space<hbm>> -> memref<1x8x128xf32, #tpu.memory_space<hbm>>
          %dma_start3A_1240 = tpu.memref_squeeze %dma_start3A_1239 : memref<1x8x128xf32, #tpu.memory_space<hbm>> -> memref<8x128xf32, #tpu.memory_space<hbm>>
          tpu.enqueue_dma source(%dma_start3A_1240 : memref<8x128xf32, #tpu.memory_space<hbm>>) target(%dma_start3A_1237 : memref<8x128xf32, #tpu.memory_space<vmem>>) target_semaphore(%arg9 : memref<!tpu.dma_semaphore, #tpu.memory_space<semaphore_mem>>)
        } else {
        }
        %slice3A_582 = vector.extract_strided_slice %get3A_69 {offsets = [9], sizes = [1], strides = [1]} : vector<16xi32> to vector<1xi32>
        %squeeze3A_583 = vector.extract %slice3A_582[0] : i32 from vector<1xi32>
        %ne3A_584 = arith.constant 0 : i32
        %ne3A_585 = arith.cmpi ne, %squeeze3A_583, %ne3A_584 : i32
        %convert_element_type3A_586 = arith.extui %ne3A_585 : i1 to i32
        %cond3A_587 = arith.constant 0 : i32
        %cond3A_588 = arith.cmpi ne, %convert_element_type3A_586, %cond3A_587 : i32
        scf.if %cond3A_588 {
          %dma_start3A = arith.constant 73 : i32
          %dma_start3A_1226 = arith.constant 73 : i32
          %dma_start3A_1227 = arith.constant 0 : i32
          %dma_start3A_1228 = arith.constant 0 : i32
          %dma_start3A_1229 = tpu.memref_slice %arg7[%dma_start3A_1226, %dma_start3A_1227, %dma_start3A_1228] : memref<100x8x128xf32, #tpu.memory_space<vmem>> -> memref<1x8x128xf32, #tpu.memory_space<vmem>>
          %dma_start3A_1230 = tpu.memref_squeeze %dma_start3A_1229 : memref<1x8x128xf32, #tpu.memory_space<vmem>> -> memref<8x128xf32, #tpu.memory_space<vmem>>
          %dma_start3A_1231 = arith.constant 0 : i32
          %dma_start3A_1232 = tpu.memref_slice %arg2[%dma_start3A, %dma_start3A_1231, %multiple_of3A] : memref<100x8x100000xf32, #tpu.memory_space<hbm>> -> memref<1x8x128xf32, #tpu.memory_space<hbm>>
          %dma_start3A_1233 = tpu.memref_squeeze %dma_start3A_1232 : memref<1x8x128xf32, #tpu.memory_space<hbm>> -> memref<8x128xf32, #tpu.memory_space<hbm>>
          %dma_start3A_1234 = arith.constant 0 : i32
          %dma_start3A_1235 = arith.constant 0 : i32
          %dma_start3A_1236 = tpu.memref_slice %arg7[%dma_start3A_1226, %dma_start3A_1234, %dma_start3A_1235] : memref<100x8x128xf32, #tpu.memory_space<vmem>> -> memref<1x8x128xf32, #tpu.memory_space<vmem>>
          %dma_start3A_1237 = tpu.memref_squeeze %dma_start3A_1236 : memref<1x8x128xf32, #tpu.memory_space<vmem>> -> memref<8x128xf32, #tpu.memory_space<vmem>>
          %dma_start3A_1238 = arith.constant 0 : i32
          %dma_start3A_1239 = tpu.memref_slice %arg2[%dma_start3A, %dma_start3A_1238, %multiple_of3A] : memref<100x8x100000xf32, #tpu.memory_space<hbm>> -> memref<1x8x128xf32, #tpu.memory_space<hbm>>
          %dma_start3A_1240 = tpu.memref_squeeze %dma_start3A_1239 : memref<1x8x128xf32, #tpu.memory_space<hbm>> -> memref<8x128xf32, #tpu.memory_space<hbm>>
          tpu.enqueue_dma source(%dma_start3A_1240 : memref<8x128xf32, #tpu.memory_space<hbm>>) target(%dma_start3A_1237 : memref<8x128xf32, #tpu.memory_space<vmem>>) target_semaphore(%arg9 : memref<!tpu.dma_semaphore, #tpu.memory_space<semaphore_mem>>)
        } else {
        }
        %slice3A_589 = vector.extract_strided_slice %get3A_69 {offsets = [10], sizes = [1], strides = [1]} : vector<16xi32> to vector<1xi32>
        %squeeze3A_590 = vector.extract %slice3A_589[0] : i32 from vector<1xi32>
        %ne3A_591 = arith.constant 0 : i32
        %ne3A_592 = arith.cmpi ne, %squeeze3A_590, %ne3A_591 : i32
        %convert_element_type3A_593 = arith.extui %ne3A_592 : i1 to i32
        %cond3A_594 = arith.constant 0 : i32
        %cond3A_595 = arith.cmpi ne, %convert_element_type3A_593, %cond3A_594 : i32
        scf.if %cond3A_595 {
          %dma_start3A = arith.constant 74 : i32
          %dma_start3A_1226 = arith.constant 74 : i32
          %dma_start3A_1227 = arith.constant 0 : i32
          %dma_start3A_1228 = arith.constant 0 : i32
          %dma_start3A_1229 = tpu.memref_slice %arg7[%dma_start3A_1226, %dma_start3A_1227, %dma_start3A_1228] : memref<100x8x128xf32, #tpu.memory_space<vmem>> -> memref<1x8x128xf32, #tpu.memory_space<vmem>>
          %dma_start3A_1230 = tpu.memref_squeeze %dma_start3A_1229 : memref<1x8x128xf32, #tpu.memory_space<vmem>> -> memref<8x128xf32, #tpu.memory_space<vmem>>
          %dma_start3A_1231 = arith.constant 0 : i32
          %dma_start3A_1232 = tpu.memref_slice %arg2[%dma_start3A, %dma_start3A_1231, %multiple_of3A] : memref<100x8x100000xf32, #tpu.memory_space<hbm>> -> memref<1x8x128xf32, #tpu.memory_space<hbm>>
          %dma_start3A_1233 = tpu.memref_squeeze %dma_start3A_1232 : memref<1x8x128xf32, #tpu.memory_space<hbm>> -> memref<8x128xf32, #tpu.memory_space<hbm>>
          %dma_start3A_1234 = arith.constant 0 : i32
          %dma_start3A_1235 = arith.constant 0 : i32
          %dma_start3A_1236 = tpu.memref_slice %arg7[%dma_start3A_1226, %dma_start3A_1234, %dma_start3A_1235] : memref<100x8x128xf32, #tpu.memory_space<vmem>> -> memref<1x8x128xf32, #tpu.memory_space<vmem>>
          %dma_start3A_1237 = tpu.memref_squeeze %dma_start3A_1236 : memref<1x8x128xf32, #tpu.memory_space<vmem>> -> memref<8x128xf32, #tpu.memory_space<vmem>>
          %dma_start3A_1238 = arith.constant 0 : i32
          %dma_start3A_1239 = tpu.memref_slice %arg2[%dma_start3A, %dma_start3A_1238, %multiple_of3A] : memref<100x8x100000xf32, #tpu.memory_space<hbm>> -> memref<1x8x128xf32, #tpu.memory_space<hbm>>
          %dma_start3A_1240 = tpu.memref_squeeze %dma_start3A_1239 : memref<1x8x128xf32, #tpu.memory_space<hbm>> -> memref<8x128xf32, #tpu.memory_space<hbm>>
          tpu.enqueue_dma source(%dma_start3A_1240 : memref<8x128xf32, #tpu.memory_space<hbm>>) target(%dma_start3A_1237 : memref<8x128xf32, #tpu.memory_space<vmem>>) target_semaphore(%arg9 : memref<!tpu.dma_semaphore, #tpu.memory_space<semaphore_mem>>)
        } else {
        }
        %slice3A_596 = vector.extract_strided_slice %get3A_69 {offsets = [11], sizes = [1], strides = [1]} : vector<16xi32> to vector<1xi32>
        %squeeze3A_597 = vector.extract %slice3A_596[0] : i32 from vector<1xi32>
        %ne3A_598 = arith.constant 0 : i32
        %ne3A_599 = arith.cmpi ne, %squeeze3A_597, %ne3A_598 : i32
        %convert_element_type3A_600 = arith.extui %ne3A_599 : i1 to i32
        %cond3A_601 = arith.constant 0 : i32
        %cond3A_602 = arith.cmpi ne, %convert_element_type3A_600, %cond3A_601 : i32
        scf.if %cond3A_602 {
          %dma_start3A = arith.constant 75 : i32
          %dma_start3A_1226 = arith.constant 75 : i32
          %dma_start3A_1227 = arith.constant 0 : i32
          %dma_start3A_1228 = arith.constant 0 : i32
          %dma_start3A_1229 = tpu.memref_slice %arg7[%dma_start3A_1226, %dma_start3A_1227, %dma_start3A_1228] : memref<100x8x128xf32, #tpu.memory_space<vmem>> -> memref<1x8x128xf32, #tpu.memory_space<vmem>>
          %dma_start3A_1230 = tpu.memref_squeeze %dma_start3A_1229 : memref<1x8x128xf32, #tpu.memory_space<vmem>> -> memref<8x128xf32, #tpu.memory_space<vmem>>
          %dma_start3A_1231 = arith.constant 0 : i32
          %dma_start3A_1232 = tpu.memref_slice %arg2[%dma_start3A, %dma_start3A_1231, %multiple_of3A] : memref<100x8x100000xf32, #tpu.memory_space<hbm>> -> memref<1x8x128xf32, #tpu.memory_space<hbm>>
          %dma_start3A_1233 = tpu.memref_squeeze %dma_start3A_1232 : memref<1x8x128xf32, #tpu.memory_space<hbm>> -> memref<8x128xf32, #tpu.memory_space<hbm>>
          %dma_start3A_1234 = arith.constant 0 : i32
          %dma_start3A_1235 = arith.constant 0 : i32
          %dma_start3A_1236 = tpu.memref_slice %arg7[%dma_start3A_1226, %dma_start3A_1234, %dma_start3A_1235] : memref<100x8x128xf32, #tpu.memory_space<vmem>> -> memref<1x8x128xf32, #tpu.memory_space<vmem>>
          %dma_start3A_1237 = tpu.memref_squeeze %dma_start3A_1236 : memref<1x8x128xf32, #tpu.memory_space<vmem>> -> memref<8x128xf32, #tpu.memory_space<vmem>>
          %dma_start3A_1238 = arith.constant 0 : i32
          %dma_start3A_1239 = tpu.memref_slice %arg2[%dma_start3A, %dma_start3A_1238, %multiple_of3A] : memref<100x8x100000xf32, #tpu.memory_space<hbm>> -> memref<1x8x128xf32, #tpu.memory_space<hbm>>
          %dma_start3A_1240 = tpu.memref_squeeze %dma_start3A_1239 : memref<1x8x128xf32, #tpu.memory_space<hbm>> -> memref<8x128xf32, #tpu.memory_space<hbm>>
          tpu.enqueue_dma source(%dma_start3A_1240 : memref<8x128xf32, #tpu.memory_space<hbm>>) target(%dma_start3A_1237 : memref<8x128xf32, #tpu.memory_space<vmem>>) target_semaphore(%arg9 : memref<!tpu.dma_semaphore, #tpu.memory_space<semaphore_mem>>)
        } else {
        }
        %slice3A_603 = vector.extract_strided_slice %get3A_69 {offsets = [12], sizes = [1], strides = [1]} : vector<16xi32> to vector<1xi32>
        %squeeze3A_604 = vector.extract %slice3A_603[0] : i32 from vector<1xi32>
        %ne3A_605 = arith.constant 0 : i32
        %ne3A_606 = arith.cmpi ne, %squeeze3A_604, %ne3A_605 : i32
        %convert_element_type3A_607 = arith.extui %ne3A_606 : i1 to i32
        %cond3A_608 = arith.constant 0 : i32
        %cond3A_609 = arith.cmpi ne, %convert_element_type3A_607, %cond3A_608 : i32
        scf.if %cond3A_609 {
          %dma_start3A = arith.constant 76 : i32
          %dma_start3A_1226 = arith.constant 76 : i32
          %dma_start3A_1227 = arith.constant 0 : i32
          %dma_start3A_1228 = arith.constant 0 : i32
          %dma_start3A_1229 = tpu.memref_slice %arg7[%dma_start3A_1226, %dma_start3A_1227, %dma_start3A_1228] : memref<100x8x128xf32, #tpu.memory_space<vmem>> -> memref<1x8x128xf32, #tpu.memory_space<vmem>>
          %dma_start3A_1230 = tpu.memref_squeeze %dma_start3A_1229 : memref<1x8x128xf32, #tpu.memory_space<vmem>> -> memref<8x128xf32, #tpu.memory_space<vmem>>
          %dma_start3A_1231 = arith.constant 0 : i32
          %dma_start3A_1232 = tpu.memref_slice %arg2[%dma_start3A, %dma_start3A_1231, %multiple_of3A] : memref<100x8x100000xf32, #tpu.memory_space<hbm>> -> memref<1x8x128xf32, #tpu.memory_space<hbm>>
          %dma_start3A_1233 = tpu.memref_squeeze %dma_start3A_1232 : memref<1x8x128xf32, #tpu.memory_space<hbm>> -> memref<8x128xf32, #tpu.memory_space<hbm>>
          %dma_start3A_1234 = arith.constant 0 : i32
          %dma_start3A_1235 = arith.constant 0 : i32
          %dma_start3A_1236 = tpu.memref_slice %arg7[%dma_start3A_1226, %dma_start3A_1234, %dma_start3A_1235] : memref<100x8x128xf32, #tpu.memory_space<vmem>> -> memref<1x8x128xf32, #tpu.memory_space<vmem>>
          %dma_start3A_1237 = tpu.memref_squeeze %dma_start3A_1236 : memref<1x8x128xf32, #tpu.memory_space<vmem>> -> memref<8x128xf32, #tpu.memory_space<vmem>>
          %dma_start3A_1238 = arith.constant 0 : i32
          %dma_start3A_1239 = tpu.memref_slice %arg2[%dma_start3A, %dma_start3A_1238, %multiple_of3A] : memref<100x8x100000xf32, #tpu.memory_space<hbm>> -> memref<1x8x128xf32, #tpu.memory_space<hbm>>
          %dma_start3A_1240 = tpu.memref_squeeze %dma_start3A_1239 : memref<1x8x128xf32, #tpu.memory_space<hbm>> -> memref<8x128xf32, #tpu.memory_space<hbm>>
          tpu.enqueue_dma source(%dma_start3A_1240 : memref<8x128xf32, #tpu.memory_space<hbm>>) target(%dma_start3A_1237 : memref<8x128xf32, #tpu.memory_space<vmem>>) target_semaphore(%arg9 : memref<!tpu.dma_semaphore, #tpu.memory_space<semaphore_mem>>)
        } else {
        }
        %slice3A_610 = vector.extract_strided_slice %get3A_69 {offsets = [13], sizes = [1], strides = [1]} : vector<16xi32> to vector<1xi32>
        %squeeze3A_611 = vector.extract %slice3A_610[0] : i32 from vector<1xi32>
        %ne3A_612 = arith.constant 0 : i32
        %ne3A_613 = arith.cmpi ne, %squeeze3A_611, %ne3A_612 : i32
        %convert_element_type3A_614 = arith.extui %ne3A_613 : i1 to i32
        %cond3A_615 = arith.constant 0 : i32
        %cond3A_616 = arith.cmpi ne, %convert_element_type3A_614, %cond3A_615 : i32
        scf.if %cond3A_616 {
          %dma_start3A = arith.constant 77 : i32
          %dma_start3A_1226 = arith.constant 77 : i32
          %dma_start3A_1227 = arith.constant 0 : i32
          %dma_start3A_1228 = arith.constant 0 : i32
          %dma_start3A_1229 = tpu.memref_slice %arg7[%dma_start3A_1226, %dma_start3A_1227, %dma_start3A_1228] : memref<100x8x128xf32, #tpu.memory_space<vmem>> -> memref<1x8x128xf32, #tpu.memory_space<vmem>>
          %dma_start3A_1230 = tpu.memref_squeeze %dma_start3A_1229 : memref<1x8x128xf32, #tpu.memory_space<vmem>> -> memref<8x128xf32, #tpu.memory_space<vmem>>
          %dma_start3A_1231 = arith.constant 0 : i32
          %dma_start3A_1232 = tpu.memref_slice %arg2[%dma_start3A, %dma_start3A_1231, %multiple_of3A] : memref<100x8x100000xf32, #tpu.memory_space<hbm>> -> memref<1x8x128xf32, #tpu.memory_space<hbm>>
          %dma_start3A_1233 = tpu.memref_squeeze %dma_start3A_1232 : memref<1x8x128xf32, #tpu.memory_space<hbm>> -> memref<8x128xf32, #tpu.memory_space<hbm>>
          %dma_start3A_1234 = arith.constant 0 : i32
          %dma_start3A_1235 = arith.constant 0 : i32
          %dma_start3A_1236 = tpu.memref_slice %arg7[%dma_start3A_1226, %dma_start3A_1234, %dma_start3A_1235] : memref<100x8x128xf32, #tpu.memory_space<vmem>> -> memref<1x8x128xf32, #tpu.memory_space<vmem>>
          %dma_start3A_1237 = tpu.memref_squeeze %dma_start3A_1236 : memref<1x8x128xf32, #tpu.memory_space<vmem>> -> memref<8x128xf32, #tpu.memory_space<vmem>>
          %dma_start3A_1238 = arith.constant 0 : i32
          %dma_start3A_1239 = tpu.memref_slice %arg2[%dma_start3A, %dma_start3A_1238, %multiple_of3A] : memref<100x8x100000xf32, #tpu.memory_space<hbm>> -> memref<1x8x128xf32, #tpu.memory_space<hbm>>
          %dma_start3A_1240 = tpu.memref_squeeze %dma_start3A_1239 : memref<1x8x128xf32, #tpu.memory_space<hbm>> -> memref<8x128xf32, #tpu.memory_space<hbm>>
          tpu.enqueue_dma source(%dma_start3A_1240 : memref<8x128xf32, #tpu.memory_space<hbm>>) target(%dma_start3A_1237 : memref<8x128xf32, #tpu.memory_space<vmem>>) target_semaphore(%arg9 : memref<!tpu.dma_semaphore, #tpu.memory_space<semaphore_mem>>)
        } else {
        }
        %slice3A_617 = vector.extract_strided_slice %get3A_69 {offsets = [14], sizes = [1], strides = [1]} : vector<16xi32> to vector<1xi32>
        %squeeze3A_618 = vector.extract %slice3A_617[0] : i32 from vector<1xi32>
        %ne3A_619 = arith.constant 0 : i32
        %ne3A_620 = arith.cmpi ne, %squeeze3A_618, %ne3A_619 : i32
        %convert_element_type3A_621 = arith.extui %ne3A_620 : i1 to i32
        %cond3A_622 = arith.constant 0 : i32
        %cond3A_623 = arith.cmpi ne, %convert_element_type3A_621, %cond3A_622 : i32
        scf.if %cond3A_623 {
          %dma_start3A = arith.constant 78 : i32
          %dma_start3A_1226 = arith.constant 78 : i32
          %dma_start3A_1227 = arith.constant 0 : i32
          %dma_start3A_1228 = arith.constant 0 : i32
          %dma_start3A_1229 = tpu.memref_slice %arg7[%dma_start3A_1226, %dma_start3A_1227, %dma_start3A_1228] : memref<100x8x128xf32, #tpu.memory_space<vmem>> -> memref<1x8x128xf32, #tpu.memory_space<vmem>>
          %dma_start3A_1230 = tpu.memref_squeeze %dma_start3A_1229 : memref<1x8x128xf32, #tpu.memory_space<vmem>> -> memref<8x128xf32, #tpu.memory_space<vmem>>
          %dma_start3A_1231 = arith.constant 0 : i32
          %dma_start3A_1232 = tpu.memref_slice %arg2[%dma_start3A, %dma_start3A_1231, %multiple_of3A] : memref<100x8x100000xf32, #tpu.memory_space<hbm>> -> memref<1x8x128xf32, #tpu.memory_space<hbm>>
          %dma_start3A_1233 = tpu.memref_squeeze %dma_start3A_1232 : memref<1x8x128xf32, #tpu.memory_space<hbm>> -> memref<8x128xf32, #tpu.memory_space<hbm>>
          %dma_start3A_1234 = arith.constant 0 : i32
          %dma_start3A_1235 = arith.constant 0 : i32
          %dma_start3A_1236 = tpu.memref_slice %arg7[%dma_start3A_1226, %dma_start3A_1234, %dma_start3A_1235] : memref<100x8x128xf32, #tpu.memory_space<vmem>> -> memref<1x8x128xf32, #tpu.memory_space<vmem>>
          %dma_start3A_1237 = tpu.memref_squeeze %dma_start3A_1236 : memref<1x8x128xf32, #tpu.memory_space<vmem>> -> memref<8x128xf32, #tpu.memory_space<vmem>>
          %dma_start3A_1238 = arith.constant 0 : i32
          %dma_start3A_1239 = tpu.memref_slice %arg2[%dma_start3A, %dma_start3A_1238, %multiple_of3A] : memref<100x8x100000xf32, #tpu.memory_space<hbm>> -> memref<1x8x128xf32, #tpu.memory_space<hbm>>
          %dma_start3A_1240 = tpu.memref_squeeze %dma_start3A_1239 : memref<1x8x128xf32, #tpu.memory_space<hbm>> -> memref<8x128xf32, #tpu.memory_space<hbm>>
          tpu.enqueue_dma source(%dma_start3A_1240 : memref<8x128xf32, #tpu.memory_space<hbm>>) target(%dma_start3A_1237 : memref<8x128xf32, #tpu.memory_space<vmem>>) target_semaphore(%arg9 : memref<!tpu.dma_semaphore, #tpu.memory_space<semaphore_mem>>)
        } else {
        }
        %slice3A_624 = vector.extract_strided_slice %get3A_69 {offsets = [15], sizes = [1], strides = [1]} : vector<16xi32> to vector<1xi32>
        %squeeze3A_625 = vector.extract %slice3A_624[0] : i32 from vector<1xi32>
        %ne3A_626 = arith.constant 0 : i32
        %ne3A_627 = arith.cmpi ne, %squeeze3A_625, %ne3A_626 : i32
        %convert_element_type3A_628 = arith.extui %ne3A_627 : i1 to i32
        %cond3A_629 = arith.constant 0 : i32
        %cond3A_630 = arith.cmpi ne, %convert_element_type3A_628, %cond3A_629 : i32
        scf.if %cond3A_630 {
          %dma_start3A = arith.constant 79 : i32
          %dma_start3A_1226 = arith.constant 79 : i32
          %dma_start3A_1227 = arith.constant 0 : i32
          %dma_start3A_1228 = arith.constant 0 : i32
          %dma_start3A_1229 = tpu.memref_slice %arg7[%dma_start3A_1226, %dma_start3A_1227, %dma_start3A_1228] : memref<100x8x128xf32, #tpu.memory_space<vmem>> -> memref<1x8x128xf32, #tpu.memory_space<vmem>>
          %dma_start3A_1230 = tpu.memref_squeeze %dma_start3A_1229 : memref<1x8x128xf32, #tpu.memory_space<vmem>> -> memref<8x128xf32, #tpu.memory_space<vmem>>
          %dma_start3A_1231 = arith.constant 0 : i32
          %dma_start3A_1232 = tpu.memref_slice %arg2[%dma_start3A, %dma_start3A_1231, %multiple_of3A] : memref<100x8x100000xf32, #tpu.memory_space<hbm>> -> memref<1x8x128xf32, #tpu.memory_space<hbm>>
          %dma_start3A_1233 = tpu.memref_squeeze %dma_start3A_1232 : memref<1x8x128xf32, #tpu.memory_space<hbm>> -> memref<8x128xf32, #tpu.memory_space<hbm>>
          %dma_start3A_1234 = arith.constant 0 : i32
          %dma_start3A_1235 = arith.constant 0 : i32
          %dma_start3A_1236 = tpu.memref_slice %arg7[%dma_start3A_1226, %dma_start3A_1234, %dma_start3A_1235] : memref<100x8x128xf32, #tpu.memory_space<vmem>> -> memref<1x8x128xf32, #tpu.memory_space<vmem>>
          %dma_start3A_1237 = tpu.memref_squeeze %dma_start3A_1236 : memref<1x8x128xf32, #tpu.memory_space<vmem>> -> memref<8x128xf32, #tpu.memory_space<vmem>>
          %dma_start3A_1238 = arith.constant 0 : i32
          %dma_start3A_1239 = tpu.memref_slice %arg2[%dma_start3A, %dma_start3A_1238, %multiple_of3A] : memref<100x8x100000xf32, #tpu.memory_space<hbm>> -> memref<1x8x128xf32, #tpu.memory_space<hbm>>
          %dma_start3A_1240 = tpu.memref_squeeze %dma_start3A_1239 : memref<1x8x128xf32, #tpu.memory_space<hbm>> -> memref<8x128xf32, #tpu.memory_space<hbm>>
          tpu.enqueue_dma source(%dma_start3A_1240 : memref<8x128xf32, #tpu.memory_space<hbm>>) target(%dma_start3A_1237 : memref<8x128xf32, #tpu.memory_space<vmem>>) target_semaphore(%arg9 : memref<!tpu.dma_semaphore, #tpu.memory_space<semaphore_mem>>)
        } else {
        }
        %slice3A_631 = vector.extract_strided_slice %get3A_71 {offsets = [0], sizes = [1], strides = [1]} : vector<16xi32> to vector<1xi32>
        %squeeze3A_632 = vector.extract %slice3A_631[0] : i32 from vector<1xi32>
        %ne3A_633 = arith.constant 0 : i32
        %ne3A_634 = arith.cmpi ne, %squeeze3A_632, %ne3A_633 : i32
        %convert_element_type3A_635 = arith.extui %ne3A_634 : i1 to i32
        %cond3A_636 = arith.constant 0 : i32
        %cond3A_637 = arith.cmpi ne, %convert_element_type3A_635, %cond3A_636 : i32
        scf.if %cond3A_637 {
          %dma_start3A = arith.constant 80 : i32
          %dma_start3A_1226 = arith.constant 80 : i32
          %dma_start3A_1227 = arith.constant 0 : i32
          %dma_start3A_1228 = arith.constant 0 : i32
          %dma_start3A_1229 = tpu.memref_slice %arg7[%dma_start3A_1226, %dma_start3A_1227, %dma_start3A_1228] : memref<100x8x128xf32, #tpu.memory_space<vmem>> -> memref<1x8x128xf32, #tpu.memory_space<vmem>>
          %dma_start3A_1230 = tpu.memref_squeeze %dma_start3A_1229 : memref<1x8x128xf32, #tpu.memory_space<vmem>> -> memref<8x128xf32, #tpu.memory_space<vmem>>
          %dma_start3A_1231 = arith.constant 0 : i32
          %dma_start3A_1232 = tpu.memref_slice %arg2[%dma_start3A, %dma_start3A_1231, %multiple_of3A] : memref<100x8x100000xf32, #tpu.memory_space<hbm>> -> memref<1x8x128xf32, #tpu.memory_space<hbm>>
          %dma_start3A_1233 = tpu.memref_squeeze %dma_start3A_1232 : memref<1x8x128xf32, #tpu.memory_space<hbm>> -> memref<8x128xf32, #tpu.memory_space<hbm>>
          %dma_start3A_1234 = arith.constant 0 : i32
          %dma_start3A_1235 = arith.constant 0 : i32
          %dma_start3A_1236 = tpu.memref_slice %arg7[%dma_start3A_1226, %dma_start3A_1234, %dma_start3A_1235] : memref<100x8x128xf32, #tpu.memory_space<vmem>> -> memref<1x8x128xf32, #tpu.memory_space<vmem>>
          %dma_start3A_1237 = tpu.memref_squeeze %dma_start3A_1236 : memref<1x8x128xf32, #tpu.memory_space<vmem>> -> memref<8x128xf32, #tpu.memory_space<vmem>>
          %dma_start3A_1238 = arith.constant 0 : i32
          %dma_start3A_1239 = tpu.memref_slice %arg2[%dma_start3A, %dma_start3A_1238, %multiple_of3A] : memref<100x8x100000xf32, #tpu.memory_space<hbm>> -> memref<1x8x128xf32, #tpu.memory_space<hbm>>
          %dma_start3A_1240 = tpu.memref_squeeze %dma_start3A_1239 : memref<1x8x128xf32, #tpu.memory_space<hbm>> -> memref<8x128xf32, #tpu.memory_space<hbm>>
          tpu.enqueue_dma source(%dma_start3A_1240 : memref<8x128xf32, #tpu.memory_space<hbm>>) target(%dma_start3A_1237 : memref<8x128xf32, #tpu.memory_space<vmem>>) target_semaphore(%arg9 : memref<!tpu.dma_semaphore, #tpu.memory_space<semaphore_mem>>)
        } else {
        }
        %slice3A_638 = vector.extract_strided_slice %get3A_71 {offsets = [1], sizes = [1], strides = [1]} : vector<16xi32> to vector<1xi32>
        %squeeze3A_639 = vector.extract %slice3A_638[0] : i32 from vector<1xi32>
        %ne3A_640 = arith.constant 0 : i32
        %ne3A_641 = arith.cmpi ne, %squeeze3A_639, %ne3A_640 : i32
        %convert_element_type3A_642 = arith.extui %ne3A_641 : i1 to i32
        %cond3A_643 = arith.constant 0 : i32
        %cond3A_644 = arith.cmpi ne, %convert_element_type3A_642, %cond3A_643 : i32
        scf.if %cond3A_644 {
          %dma_start3A = arith.constant 81 : i32
          %dma_start3A_1226 = arith.constant 81 : i32
          %dma_start3A_1227 = arith.constant 0 : i32
          %dma_start3A_1228 = arith.constant 0 : i32
          %dma_start3A_1229 = tpu.memref_slice %arg7[%dma_start3A_1226, %dma_start3A_1227, %dma_start3A_1228] : memref<100x8x128xf32, #tpu.memory_space<vmem>> -> memref<1x8x128xf32, #tpu.memory_space<vmem>>
          %dma_start3A_1230 = tpu.memref_squeeze %dma_start3A_1229 : memref<1x8x128xf32, #tpu.memory_space<vmem>> -> memref<8x128xf32, #tpu.memory_space<vmem>>
          %dma_start3A_1231 = arith.constant 0 : i32
          %dma_start3A_1232 = tpu.memref_slice %arg2[%dma_start3A, %dma_start3A_1231, %multiple_of3A] : memref<100x8x100000xf32, #tpu.memory_space<hbm>> -> memref<1x8x128xf32, #tpu.memory_space<hbm>>
          %dma_start3A_1233 = tpu.memref_squeeze %dma_start3A_1232 : memref<1x8x128xf32, #tpu.memory_space<hbm>> -> memref<8x128xf32, #tpu.memory_space<hbm>>
          %dma_start3A_1234 = arith.constant 0 : i32
          %dma_start3A_1235 = arith.constant 0 : i32
          %dma_start3A_1236 = tpu.memref_slice %arg7[%dma_start3A_1226, %dma_start3A_1234, %dma_start3A_1235] : memref<100x8x128xf32, #tpu.memory_space<vmem>> -> memref<1x8x128xf32, #tpu.memory_space<vmem>>
          %dma_start3A_1237 = tpu.memref_squeeze %dma_start3A_1236 : memref<1x8x128xf32, #tpu.memory_space<vmem>> -> memref<8x128xf32, #tpu.memory_space<vmem>>
          %dma_start3A_1238 = arith.constant 0 : i32
          %dma_start3A_1239 = tpu.memref_slice %arg2[%dma_start3A, %dma_start3A_1238, %multiple_of3A] : memref<100x8x100000xf32, #tpu.memory_space<hbm>> -> memref<1x8x128xf32, #tpu.memory_space<hbm>>
          %dma_start3A_1240 = tpu.memref_squeeze %dma_start3A_1239 : memref<1x8x128xf32, #tpu.memory_space<hbm>> -> memref<8x128xf32, #tpu.memory_space<hbm>>
          tpu.enqueue_dma source(%dma_start3A_1240 : memref<8x128xf32, #tpu.memory_space<hbm>>) target(%dma_start3A_1237 : memref<8x128xf32, #tpu.memory_space<vmem>>) target_semaphore(%arg9 : memref<!tpu.dma_semaphore, #tpu.memory_space<semaphore_mem>>)
        } else {
        }
        %slice3A_645 = vector.extract_strided_slice %get3A_71 {offsets = [2], sizes = [1], strides = [1]} : vector<16xi32> to vector<1xi32>
        %squeeze3A_646 = vector.extract %slice3A_645[0] : i32 from vector<1xi32>
        %ne3A_647 = arith.constant 0 : i32
        %ne3A_648 = arith.cmpi ne, %squeeze3A_646, %ne3A_647 : i32
        %convert_element_type3A_649 = arith.extui %ne3A_648 : i1 to i32
        %cond3A_650 = arith.constant 0 : i32
        %cond3A_651 = arith.cmpi ne, %convert_element_type3A_649, %cond3A_650 : i32
        scf.if %cond3A_651 {
          %dma_start3A = arith.constant 82 : i32
          %dma_start3A_1226 = arith.constant 82 : i32
          %dma_start3A_1227 = arith.constant 0 : i32
          %dma_start3A_1228 = arith.constant 0 : i32
          %dma_start3A_1229 = tpu.memref_slice %arg7[%dma_start3A_1226, %dma_start3A_1227, %dma_start3A_1228] : memref<100x8x128xf32, #tpu.memory_space<vmem>> -> memref<1x8x128xf32, #tpu.memory_space<vmem>>
          %dma_start3A_1230 = tpu.memref_squeeze %dma_start3A_1229 : memref<1x8x128xf32, #tpu.memory_space<vmem>> -> memref<8x128xf32, #tpu.memory_space<vmem>>
          %dma_start3A_1231 = arith.constant 0 : i32
          %dma_start3A_1232 = tpu.memref_slice %arg2[%dma_start3A, %dma_start3A_1231, %multiple_of3A] : memref<100x8x100000xf32, #tpu.memory_space<hbm>> -> memref<1x8x128xf32, #tpu.memory_space<hbm>>
          %dma_start3A_1233 = tpu.memref_squeeze %dma_start3A_1232 : memref<1x8x128xf32, #tpu.memory_space<hbm>> -> memref<8x128xf32, #tpu.memory_space<hbm>>
          %dma_start3A_1234 = arith.constant 0 : i32
          %dma_start3A_1235 = arith.constant 0 : i32
          %dma_start3A_1236 = tpu.memref_slice %arg7[%dma_start3A_1226, %dma_start3A_1234, %dma_start3A_1235] : memref<100x8x128xf32, #tpu.memory_space<vmem>> -> memref<1x8x128xf32, #tpu.memory_space<vmem>>
          %dma_start3A_1237 = tpu.memref_squeeze %dma_start3A_1236 : memref<1x8x128xf32, #tpu.memory_space<vmem>> -> memref<8x128xf32, #tpu.memory_space<vmem>>
          %dma_start3A_1238 = arith.constant 0 : i32
          %dma_start3A_1239 = tpu.memref_slice %arg2[%dma_start3A, %dma_start3A_1238, %multiple_of3A] : memref<100x8x100000xf32, #tpu.memory_space<hbm>> -> memref<1x8x128xf32, #tpu.memory_space<hbm>>
          %dma_start3A_1240 = tpu.memref_squeeze %dma_start3A_1239 : memref<1x8x128xf32, #tpu.memory_space<hbm>> -> memref<8x128xf32, #tpu.memory_space<hbm>>
          tpu.enqueue_dma source(%dma_start3A_1240 : memref<8x128xf32, #tpu.memory_space<hbm>>) target(%dma_start3A_1237 : memref<8x128xf32, #tpu.memory_space<vmem>>) target_semaphore(%arg9 : memref<!tpu.dma_semaphore, #tpu.memory_space<semaphore_mem>>)
        } else {
        }
        %slice3A_652 = vector.extract_strided_slice %get3A_71 {offsets = [3], sizes = [1], strides = [1]} : vector<16xi32> to vector<1xi32>
        %squeeze3A_653 = vector.extract %slice3A_652[0] : i32 from vector<1xi32>
        %ne3A_654 = arith.constant 0 : i32
        %ne3A_655 = arith.cmpi ne, %squeeze3A_653, %ne3A_654 : i32
        %convert_element_type3A_656 = arith.extui %ne3A_655 : i1 to i32
        %cond3A_657 = arith.constant 0 : i32
        %cond3A_658 = arith.cmpi ne, %convert_element_type3A_656, %cond3A_657 : i32
        scf.if %cond3A_658 {
          %dma_start3A = arith.constant 83 : i32
          %dma_start3A_1226 = arith.constant 83 : i32
          %dma_start3A_1227 = arith.constant 0 : i32
          %dma_start3A_1228 = arith.constant 0 : i32
          %dma_start3A_1229 = tpu.memref_slice %arg7[%dma_start3A_1226, %dma_start3A_1227, %dma_start3A_1228] : memref<100x8x128xf32, #tpu.memory_space<vmem>> -> memref<1x8x128xf32, #tpu.memory_space<vmem>>
          %dma_start3A_1230 = tpu.memref_squeeze %dma_start3A_1229 : memref<1x8x128xf32, #tpu.memory_space<vmem>> -> memref<8x128xf32, #tpu.memory_space<vmem>>
          %dma_start3A_1231 = arith.constant 0 : i32
          %dma_start3A_1232 = tpu.memref_slice %arg2[%dma_start3A, %dma_start3A_1231, %multiple_of3A] : memref<100x8x100000xf32, #tpu.memory_space<hbm>> -> memref<1x8x128xf32, #tpu.memory_space<hbm>>
          %dma_start3A_1233 = tpu.memref_squeeze %dma_start3A_1232 : memref<1x8x128xf32, #tpu.memory_space<hbm>> -> memref<8x128xf32, #tpu.memory_space<hbm>>
          %dma_start3A_1234 = arith.constant 0 : i32
          %dma_start3A_1235 = arith.constant 0 : i32
          %dma_start3A_1236 = tpu.memref_slice %arg7[%dma_start3A_1226, %dma_start3A_1234, %dma_start3A_1235] : memref<100x8x128xf32, #tpu.memory_space<vmem>> -> memref<1x8x128xf32, #tpu.memory_space<vmem>>
          %dma_start3A_1237 = tpu.memref_squeeze %dma_start3A_1236 : memref<1x8x128xf32, #tpu.memory_space<vmem>> -> memref<8x128xf32, #tpu.memory_space<vmem>>
          %dma_start3A_1238 = arith.constant 0 : i32
          %dma_start3A_1239 = tpu.memref_slice %arg2[%dma_start3A, %dma_start3A_1238, %multiple_of3A] : memref<100x8x100000xf32, #tpu.memory_space<hbm>> -> memref<1x8x128xf32, #tpu.memory_space<hbm>>
          %dma_start3A_1240 = tpu.memref_squeeze %dma_start3A_1239 : memref<1x8x128xf32, #tpu.memory_space<hbm>> -> memref<8x128xf32, #tpu.memory_space<hbm>>
          tpu.enqueue_dma source(%dma_start3A_1240 : memref<8x128xf32, #tpu.memory_space<hbm>>) target(%dma_start3A_1237 : memref<8x128xf32, #tpu.memory_space<vmem>>) target_semaphore(%arg9 : memref<!tpu.dma_semaphore, #tpu.memory_space<semaphore_mem>>)
        } else {
        }
        %slice3A_659 = vector.extract_strided_slice %get3A_71 {offsets = [4], sizes = [1], strides = [1]} : vector<16xi32> to vector<1xi32>
        %squeeze3A_660 = vector.extract %slice3A_659[0] : i32 from vector<1xi32>
        %ne3A_661 = arith.constant 0 : i32
        %ne3A_662 = arith.cmpi ne, %squeeze3A_660, %ne3A_661 : i32
        %convert_element_type3A_663 = arith.extui %ne3A_662 : i1 to i32
        %cond3A_664 = arith.constant 0 : i32
        %cond3A_665 = arith.cmpi ne, %convert_element_type3A_663, %cond3A_664 : i32
        scf.if %cond3A_665 {
          %dma_start3A = arith.constant 84 : i32
          %dma_start3A_1226 = arith.constant 84 : i32
          %dma_start3A_1227 = arith.constant 0 : i32
          %dma_start3A_1228 = arith.constant 0 : i32
          %dma_start3A_1229 = tpu.memref_slice %arg7[%dma_start3A_1226, %dma_start3A_1227, %dma_start3A_1228] : memref<100x8x128xf32, #tpu.memory_space<vmem>> -> memref<1x8x128xf32, #tpu.memory_space<vmem>>
          %dma_start3A_1230 = tpu.memref_squeeze %dma_start3A_1229 : memref<1x8x128xf32, #tpu.memory_space<vmem>> -> memref<8x128xf32, #tpu.memory_space<vmem>>
          %dma_start3A_1231 = arith.constant 0 : i32
          %dma_start3A_1232 = tpu.memref_slice %arg2[%dma_start3A, %dma_start3A_1231, %multiple_of3A] : memref<100x8x100000xf32, #tpu.memory_space<hbm>> -> memref<1x8x128xf32, #tpu.memory_space<hbm>>
          %dma_start3A_1233 = tpu.memref_squeeze %dma_start3A_1232 : memref<1x8x128xf32, #tpu.memory_space<hbm>> -> memref<8x128xf32, #tpu.memory_space<hbm>>
          %dma_start3A_1234 = arith.constant 0 : i32
          %dma_start3A_1235 = arith.constant 0 : i32
          %dma_start3A_1236 = tpu.memref_slice %arg7[%dma_start3A_1226, %dma_start3A_1234, %dma_start3A_1235] : memref<100x8x128xf32, #tpu.memory_space<vmem>> -> memref<1x8x128xf32, #tpu.memory_space<vmem>>
          %dma_start3A_1237 = tpu.memref_squeeze %dma_start3A_1236 : memref<1x8x128xf32, #tpu.memory_space<vmem>> -> memref<8x128xf32, #tpu.memory_space<vmem>>
          %dma_start3A_1238 = arith.constant 0 : i32
          %dma_start3A_1239 = tpu.memref_slice %arg2[%dma_start3A, %dma_start3A_1238, %multiple_of3A] : memref<100x8x100000xf32, #tpu.memory_space<hbm>> -> memref<1x8x128xf32, #tpu.memory_space<hbm>>
          %dma_start3A_1240 = tpu.memref_squeeze %dma_start3A_1239 : memref<1x8x128xf32, #tpu.memory_space<hbm>> -> memref<8x128xf32, #tpu.memory_space<hbm>>
          tpu.enqueue_dma source(%dma_start3A_1240 : memref<8x128xf32, #tpu.memory_space<hbm>>) target(%dma_start3A_1237 : memref<8x128xf32, #tpu.memory_space<vmem>>) target_semaphore(%arg9 : memref<!tpu.dma_semaphore, #tpu.memory_space<semaphore_mem>>)
        } else {
        }
        %slice3A_666 = vector.extract_strided_slice %get3A_71 {offsets = [5], sizes = [1], strides = [1]} : vector<16xi32> to vector<1xi32>
        %squeeze3A_667 = vector.extract %slice3A_666[0] : i32 from vector<1xi32>
        %ne3A_668 = arith.constant 0 : i32
        %ne3A_669 = arith.cmpi ne, %squeeze3A_667, %ne3A_668 : i32
        %convert_element_type3A_670 = arith.extui %ne3A_669 : i1 to i32
        %cond3A_671 = arith.constant 0 : i32
        %cond3A_672 = arith.cmpi ne, %convert_element_type3A_670, %cond3A_671 : i32
        scf.if %cond3A_672 {
          %dma_start3A = arith.constant 85 : i32
          %dma_start3A_1226 = arith.constant 85 : i32
          %dma_start3A_1227 = arith.constant 0 : i32
          %dma_start3A_1228 = arith.constant 0 : i32
          %dma_start3A_1229 = tpu.memref_slice %arg7[%dma_start3A_1226, %dma_start3A_1227, %dma_start3A_1228] : memref<100x8x128xf32, #tpu.memory_space<vmem>> -> memref<1x8x128xf32, #tpu.memory_space<vmem>>
          %dma_start3A_1230 = tpu.memref_squeeze %dma_start3A_1229 : memref<1x8x128xf32, #tpu.memory_space<vmem>> -> memref<8x128xf32, #tpu.memory_space<vmem>>
          %dma_start3A_1231 = arith.constant 0 : i32
          %dma_start3A_1232 = tpu.memref_slice %arg2[%dma_start3A, %dma_start3A_1231, %multiple_of3A] : memref<100x8x100000xf32, #tpu.memory_space<hbm>> -> memref<1x8x128xf32, #tpu.memory_space<hbm>>
          %dma_start3A_1233 = tpu.memref_squeeze %dma_start3A_1232 : memref<1x8x128xf32, #tpu.memory_space<hbm>> -> memref<8x128xf32, #tpu.memory_space<hbm>>
          %dma_start3A_1234 = arith.constant 0 : i32
          %dma_start3A_1235 = arith.constant 0 : i32
          %dma_start3A_1236 = tpu.memref_slice %arg7[%dma_start3A_1226, %dma_start3A_1234, %dma_start3A_1235] : memref<100x8x128xf32, #tpu.memory_space<vmem>> -> memref<1x8x128xf32, #tpu.memory_space<vmem>>
          %dma_start3A_1237 = tpu.memref_squeeze %dma_start3A_1236 : memref<1x8x128xf32, #tpu.memory_space<vmem>> -> memref<8x128xf32, #tpu.memory_space<vmem>>
          %dma_start3A_1238 = arith.constant 0 : i32
          %dma_start3A_1239 = tpu.memref_slice %arg2[%dma_start3A, %dma_start3A_1238, %multiple_of3A] : memref<100x8x100000xf32, #tpu.memory_space<hbm>> -> memref<1x8x128xf32, #tpu.memory_space<hbm>>
          %dma_start3A_1240 = tpu.memref_squeeze %dma_start3A_1239 : memref<1x8x128xf32, #tpu.memory_space<hbm>> -> memref<8x128xf32, #tpu.memory_space<hbm>>
          tpu.enqueue_dma source(%dma_start3A_1240 : memref<8x128xf32, #tpu.memory_space<hbm>>) target(%dma_start3A_1237 : memref<8x128xf32, #tpu.memory_space<vmem>>) target_semaphore(%arg9 : memref<!tpu.dma_semaphore, #tpu.memory_space<semaphore_mem>>)
        } else {
        }
        %slice3A_673 = vector.extract_strided_slice %get3A_71 {offsets = [6], sizes = [1], strides = [1]} : vector<16xi32> to vector<1xi32>
        %squeeze3A_674 = vector.extract %slice3A_673[0] : i32 from vector<1xi32>
        %ne3A_675 = arith.constant 0 : i32
        %ne3A_676 = arith.cmpi ne, %squeeze3A_674, %ne3A_675 : i32
        %convert_element_type3A_677 = arith.extui %ne3A_676 : i1 to i32
        %cond3A_678 = arith.constant 0 : i32
        %cond3A_679 = arith.cmpi ne, %convert_element_type3A_677, %cond3A_678 : i32
        scf.if %cond3A_679 {
          %dma_start3A = arith.constant 86 : i32
          %dma_start3A_1226 = arith.constant 86 : i32
          %dma_start3A_1227 = arith.constant 0 : i32
          %dma_start3A_1228 = arith.constant 0 : i32
          %dma_start3A_1229 = tpu.memref_slice %arg7[%dma_start3A_1226, %dma_start3A_1227, %dma_start3A_1228] : memref<100x8x128xf32, #tpu.memory_space<vmem>> -> memref<1x8x128xf32, #tpu.memory_space<vmem>>
          %dma_start3A_1230 = tpu.memref_squeeze %dma_start3A_1229 : memref<1x8x128xf32, #tpu.memory_space<vmem>> -> memref<8x128xf32, #tpu.memory_space<vmem>>
          %dma_start3A_1231 = arith.constant 0 : i32
          %dma_start3A_1232 = tpu.memref_slice %arg2[%dma_start3A, %dma_start3A_1231, %multiple_of3A] : memref<100x8x100000xf32, #tpu.memory_space<hbm>> -> memref<1x8x128xf32, #tpu.memory_space<hbm>>
          %dma_start3A_1233 = tpu.memref_squeeze %dma_start3A_1232 : memref<1x8x128xf32, #tpu.memory_space<hbm>> -> memref<8x128xf32, #tpu.memory_space<hbm>>
          %dma_start3A_1234 = arith.constant 0 : i32
          %dma_start3A_1235 = arith.constant 0 : i32
          %dma_start3A_1236 = tpu.memref_slice %arg7[%dma_start3A_1226, %dma_start3A_1234, %dma_start3A_1235] : memref<100x8x128xf32, #tpu.memory_space<vmem>> -> memref<1x8x128xf32, #tpu.memory_space<vmem>>
          %dma_start3A_1237 = tpu.memref_squeeze %dma_start3A_1236 : memref<1x8x128xf32, #tpu.memory_space<vmem>> -> memref<8x128xf32, #tpu.memory_space<vmem>>
          %dma_start3A_1238 = arith.constant 0 : i32
          %dma_start3A_1239 = tpu.memref_slice %arg2[%dma_start3A, %dma_start3A_1238, %multiple_of3A] : memref<100x8x100000xf32, #tpu.memory_space<hbm>> -> memref<1x8x128xf32, #tpu.memory_space<hbm>>
          %dma_start3A_1240 = tpu.memref_squeeze %dma_start3A_1239 : memref<1x8x128xf32, #tpu.memory_space<hbm>> -> memref<8x128xf32, #tpu.memory_space<hbm>>
          tpu.enqueue_dma source(%dma_start3A_1240 : memref<8x128xf32, #tpu.memory_space<hbm>>) target(%dma_start3A_1237 : memref<8x128xf32, #tpu.memory_space<vmem>>) target_semaphore(%arg9 : memref<!tpu.dma_semaphore, #tpu.memory_space<semaphore_mem>>)
        } else {
        }
        %slice3A_680 = vector.extract_strided_slice %get3A_71 {offsets = [7], sizes = [1], strides = [1]} : vector<16xi32> to vector<1xi32>
        %squeeze3A_681 = vector.extract %slice3A_680[0] : i32 from vector<1xi32>
        %ne3A_682 = arith.constant 0 : i32
        %ne3A_683 = arith.cmpi ne, %squeeze3A_681, %ne3A_682 : i32
        %convert_element_type3A_684 = arith.extui %ne3A_683 : i1 to i32
        %cond3A_685 = arith.constant 0 : i32
        %cond3A_686 = arith.cmpi ne, %convert_element_type3A_684, %cond3A_685 : i32
        scf.if %cond3A_686 {
          %dma_start3A = arith.constant 87 : i32
          %dma_start3A_1226 = arith.constant 87 : i32
          %dma_start3A_1227 = arith.constant 0 : i32
          %dma_start3A_1228 = arith.constant 0 : i32
          %dma_start3A_1229 = tpu.memref_slice %arg7[%dma_start3A_1226, %dma_start3A_1227, %dma_start3A_1228] : memref<100x8x128xf32, #tpu.memory_space<vmem>> -> memref<1x8x128xf32, #tpu.memory_space<vmem>>
          %dma_start3A_1230 = tpu.memref_squeeze %dma_start3A_1229 : memref<1x8x128xf32, #tpu.memory_space<vmem>> -> memref<8x128xf32, #tpu.memory_space<vmem>>
          %dma_start3A_1231 = arith.constant 0 : i32
          %dma_start3A_1232 = tpu.memref_slice %arg2[%dma_start3A, %dma_start3A_1231, %multiple_of3A] : memref<100x8x100000xf32, #tpu.memory_space<hbm>> -> memref<1x8x128xf32, #tpu.memory_space<hbm>>
          %dma_start3A_1233 = tpu.memref_squeeze %dma_start3A_1232 : memref<1x8x128xf32, #tpu.memory_space<hbm>> -> memref<8x128xf32, #tpu.memory_space<hbm>>
          %dma_start3A_1234 = arith.constant 0 : i32
          %dma_start3A_1235 = arith.constant 0 : i32
          %dma_start3A_1236 = tpu.memref_slice %arg7[%dma_start3A_1226, %dma_start3A_1234, %dma_start3A_1235] : memref<100x8x128xf32, #tpu.memory_space<vmem>> -> memref<1x8x128xf32, #tpu.memory_space<vmem>>
          %dma_start3A_1237 = tpu.memref_squeeze %dma_start3A_1236 : memref<1x8x128xf32, #tpu.memory_space<vmem>> -> memref<8x128xf32, #tpu.memory_space<vmem>>
          %dma_start3A_1238 = arith.constant 0 : i32
          %dma_start3A_1239 = tpu.memref_slice %arg2[%dma_start3A, %dma_start3A_1238, %multiple_of3A] : memref<100x8x100000xf32, #tpu.memory_space<hbm>> -> memref<1x8x128xf32, #tpu.memory_space<hbm>>
          %dma_start3A_1240 = tpu.memref_squeeze %dma_start3A_1239 : memref<1x8x128xf32, #tpu.memory_space<hbm>> -> memref<8x128xf32, #tpu.memory_space<hbm>>
          tpu.enqueue_dma source(%dma_start3A_1240 : memref<8x128xf32, #tpu.memory_space<hbm>>) target(%dma_start3A_1237 : memref<8x128xf32, #tpu.memory_space<vmem>>) target_semaphore(%arg9 : memref<!tpu.dma_semaphore, #tpu.memory_space<semaphore_mem>>)
        } else {
        }
        %slice3A_687 = vector.extract_strided_slice %get3A_71 {offsets = [8], sizes = [1], strides = [1]} : vector<16xi32> to vector<1xi32>
        %squeeze3A_688 = vector.extract %slice3A_687[0] : i32 from vector<1xi32>
        %ne3A_689 = arith.constant 0 : i32
        %ne3A_690 = arith.cmpi ne, %squeeze3A_688, %ne3A_689 : i32
        %convert_element_type3A_691 = arith.extui %ne3A_690 : i1 to i32
        %cond3A_692 = arith.constant 0 : i32
        %cond3A_693 = arith.cmpi ne, %convert_element_type3A_691, %cond3A_692 : i32
        scf.if %cond3A_693 {
          %dma_start3A = arith.constant 88 : i32
          %dma_start3A_1226 = arith.constant 88 : i32
          %dma_start3A_1227 = arith.constant 0 : i32
          %dma_start3A_1228 = arith.constant 0 : i32
          %dma_start3A_1229 = tpu.memref_slice %arg7[%dma_start3A_1226, %dma_start3A_1227, %dma_start3A_1228] : memref<100x8x128xf32, #tpu.memory_space<vmem>> -> memref<1x8x128xf32, #tpu.memory_space<vmem>>
          %dma_start3A_1230 = tpu.memref_squeeze %dma_start3A_1229 : memref<1x8x128xf32, #tpu.memory_space<vmem>> -> memref<8x128xf32, #tpu.memory_space<vmem>>
          %dma_start3A_1231 = arith.constant 0 : i32
          %dma_start3A_1232 = tpu.memref_slice %arg2[%dma_start3A, %dma_start3A_1231, %multiple_of3A] : memref<100x8x100000xf32, #tpu.memory_space<hbm>> -> memref<1x8x128xf32, #tpu.memory_space<hbm>>
          %dma_start3A_1233 = tpu.memref_squeeze %dma_start3A_1232 : memref<1x8x128xf32, #tpu.memory_space<hbm>> -> memref<8x128xf32, #tpu.memory_space<hbm>>
          %dma_start3A_1234 = arith.constant 0 : i32
          %dma_start3A_1235 = arith.constant 0 : i32
          %dma_start3A_1236 = tpu.memref_slice %arg7[%dma_start3A_1226, %dma_start3A_1234, %dma_start3A_1235] : memref<100x8x128xf32, #tpu.memory_space<vmem>> -> memref<1x8x128xf32, #tpu.memory_space<vmem>>
          %dma_start3A_1237 = tpu.memref_squeeze %dma_start3A_1236 : memref<1x8x128xf32, #tpu.memory_space<vmem>> -> memref<8x128xf32, #tpu.memory_space<vmem>>
          %dma_start3A_1238 = arith.constant 0 : i32
          %dma_start3A_1239 = tpu.memref_slice %arg2[%dma_start3A, %dma_start3A_1238, %multiple_of3A] : memref<100x8x100000xf32, #tpu.memory_space<hbm>> -> memref<1x8x128xf32, #tpu.memory_space<hbm>>
          %dma_start3A_1240 = tpu.memref_squeeze %dma_start3A_1239 : memref<1x8x128xf32, #tpu.memory_space<hbm>> -> memref<8x128xf32, #tpu.memory_space<hbm>>
          tpu.enqueue_dma source(%dma_start3A_1240 : memref<8x128xf32, #tpu.memory_space<hbm>>) target(%dma_start3A_1237 : memref<8x128xf32, #tpu.memory_space<vmem>>) target_semaphore(%arg9 : memref<!tpu.dma_semaphore, #tpu.memory_space<semaphore_mem>>)
        } else {
        }
        %slice3A_694 = vector.extract_strided_slice %get3A_71 {offsets = [9], sizes = [1], strides = [1]} : vector<16xi32> to vector<1xi32>
        %squeeze3A_695 = vector.extract %slice3A_694[0] : i32 from vector<1xi32>
        %ne3A_696 = arith.constant 0 : i32
        %ne3A_697 = arith.cmpi ne, %squeeze3A_695, %ne3A_696 : i32
        %convert_element_type3A_698 = arith.extui %ne3A_697 : i1 to i32
        %cond3A_699 = arith.constant 0 : i32
        %cond3A_700 = arith.cmpi ne, %convert_element_type3A_698, %cond3A_699 : i32
        scf.if %cond3A_700 {
          %dma_start3A = arith.constant 89 : i32
          %dma_start3A_1226 = arith.constant 89 : i32
          %dma_start3A_1227 = arith.constant 0 : i32
          %dma_start3A_1228 = arith.constant 0 : i32
          %dma_start3A_1229 = tpu.memref_slice %arg7[%dma_start3A_1226, %dma_start3A_1227, %dma_start3A_1228] : memref<100x8x128xf32, #tpu.memory_space<vmem>> -> memref<1x8x128xf32, #tpu.memory_space<vmem>>
          %dma_start3A_1230 = tpu.memref_squeeze %dma_start3A_1229 : memref<1x8x128xf32, #tpu.memory_space<vmem>> -> memref<8x128xf32, #tpu.memory_space<vmem>>
          %dma_start3A_1231 = arith.constant 0 : i32
          %dma_start3A_1232 = tpu.memref_slice %arg2[%dma_start3A, %dma_start3A_1231, %multiple_of3A] : memref<100x8x100000xf32, #tpu.memory_space<hbm>> -> memref<1x8x128xf32, #tpu.memory_space<hbm>>
          %dma_start3A_1233 = tpu.memref_squeeze %dma_start3A_1232 : memref<1x8x128xf32, #tpu.memory_space<hbm>> -> memref<8x128xf32, #tpu.memory_space<hbm>>
          %dma_start3A_1234 = arith.constant 0 : i32
          %dma_start3A_1235 = arith.constant 0 : i32
          %dma_start3A_1236 = tpu.memref_slice %arg7[%dma_start3A_1226, %dma_start3A_1234, %dma_start3A_1235] : memref<100x8x128xf32, #tpu.memory_space<vmem>> -> memref<1x8x128xf32, #tpu.memory_space<vmem>>
          %dma_start3A_1237 = tpu.memref_squeeze %dma_start3A_1236 : memref<1x8x128xf32, #tpu.memory_space<vmem>> -> memref<8x128xf32, #tpu.memory_space<vmem>>
          %dma_start3A_1238 = arith.constant 0 : i32
          %dma_start3A_1239 = tpu.memref_slice %arg2[%dma_start3A, %dma_start3A_1238, %multiple_of3A] : memref<100x8x100000xf32, #tpu.memory_space<hbm>> -> memref<1x8x128xf32, #tpu.memory_space<hbm>>
          %dma_start3A_1240 = tpu.memref_squeeze %dma_start3A_1239 : memref<1x8x128xf32, #tpu.memory_space<hbm>> -> memref<8x128xf32, #tpu.memory_space<hbm>>
          tpu.enqueue_dma source(%dma_start3A_1240 : memref<8x128xf32, #tpu.memory_space<hbm>>) target(%dma_start3A_1237 : memref<8x128xf32, #tpu.memory_space<vmem>>) target_semaphore(%arg9 : memref<!tpu.dma_semaphore, #tpu.memory_space<semaphore_mem>>)
        } else {
        }
        %slice3A_701 = vector.extract_strided_slice %get3A_71 {offsets = [10], sizes = [1], strides = [1]} : vector<16xi32> to vector<1xi32>
        %squeeze3A_702 = vector.extract %slice3A_701[0] : i32 from vector<1xi32>
        %ne3A_703 = arith.constant 0 : i32
        %ne3A_704 = arith.cmpi ne, %squeeze3A_702, %ne3A_703 : i32
        %convert_element_type3A_705 = arith.extui %ne3A_704 : i1 to i32
        %cond3A_706 = arith.constant 0 : i32
        %cond3A_707 = arith.cmpi ne, %convert_element_type3A_705, %cond3A_706 : i32
        scf.if %cond3A_707 {
          %dma_start3A = arith.constant 90 : i32
          %dma_start3A_1226 = arith.constant 90 : i32
          %dma_start3A_1227 = arith.constant 0 : i32
          %dma_start3A_1228 = arith.constant 0 : i32
          %dma_start3A_1229 = tpu.memref_slice %arg7[%dma_start3A_1226, %dma_start3A_1227, %dma_start3A_1228] : memref<100x8x128xf32, #tpu.memory_space<vmem>> -> memref<1x8x128xf32, #tpu.memory_space<vmem>>
          %dma_start3A_1230 = tpu.memref_squeeze %dma_start3A_1229 : memref<1x8x128xf32, #tpu.memory_space<vmem>> -> memref<8x128xf32, #tpu.memory_space<vmem>>
          %dma_start3A_1231 = arith.constant 0 : i32
          %dma_start3A_1232 = tpu.memref_slice %arg2[%dma_start3A, %dma_start3A_1231, %multiple_of3A] : memref<100x8x100000xf32, #tpu.memory_space<hbm>> -> memref<1x8x128xf32, #tpu.memory_space<hbm>>
          %dma_start3A_1233 = tpu.memref_squeeze %dma_start3A_1232 : memref<1x8x128xf32, #tpu.memory_space<hbm>> -> memref<8x128xf32, #tpu.memory_space<hbm>>
          %dma_start3A_1234 = arith.constant 0 : i32
          %dma_start3A_1235 = arith.constant 0 : i32
          %dma_start3A_1236 = tpu.memref_slice %arg7[%dma_start3A_1226, %dma_start3A_1234, %dma_start3A_1235] : memref<100x8x128xf32, #tpu.memory_space<vmem>> -> memref<1x8x128xf32, #tpu.memory_space<vmem>>
          %dma_start3A_1237 = tpu.memref_squeeze %dma_start3A_1236 : memref<1x8x128xf32, #tpu.memory_space<vmem>> -> memref<8x128xf32, #tpu.memory_space<vmem>>
          %dma_start3A_1238 = arith.constant 0 : i32
          %dma_start3A_1239 = tpu.memref_slice %arg2[%dma_start3A, %dma_start3A_1238, %multiple_of3A] : memref<100x8x100000xf32, #tpu.memory_space<hbm>> -> memref<1x8x128xf32, #tpu.memory_space<hbm>>
          %dma_start3A_1240 = tpu.memref_squeeze %dma_start3A_1239 : memref<1x8x128xf32, #tpu.memory_space<hbm>> -> memref<8x128xf32, #tpu.memory_space<hbm>>
          tpu.enqueue_dma source(%dma_start3A_1240 : memref<8x128xf32, #tpu.memory_space<hbm>>) target(%dma_start3A_1237 : memref<8x128xf32, #tpu.memory_space<vmem>>) target_semaphore(%arg9 : memref<!tpu.dma_semaphore, #tpu.memory_space<semaphore_mem>>)
        } else {
        }
        %slice3A_708 = vector.extract_strided_slice %get3A_71 {offsets = [11], sizes = [1], strides = [1]} : vector<16xi32> to vector<1xi32>
        %squeeze3A_709 = vector.extract %slice3A_708[0] : i32 from vector<1xi32>
        %ne3A_710 = arith.constant 0 : i32
        %ne3A_711 = arith.cmpi ne, %squeeze3A_709, %ne3A_710 : i32
        %convert_element_type3A_712 = arith.extui %ne3A_711 : i1 to i32
        %cond3A_713 = arith.constant 0 : i32
        %cond3A_714 = arith.cmpi ne, %convert_element_type3A_712, %cond3A_713 : i32
        scf.if %cond3A_714 {
          %dma_start3A = arith.constant 91 : i32
          %dma_start3A_1226 = arith.constant 91 : i32
          %dma_start3A_1227 = arith.constant 0 : i32
          %dma_start3A_1228 = arith.constant 0 : i32
          %dma_start3A_1229 = tpu.memref_slice %arg7[%dma_start3A_1226, %dma_start3A_1227, %dma_start3A_1228] : memref<100x8x128xf32, #tpu.memory_space<vmem>> -> memref<1x8x128xf32, #tpu.memory_space<vmem>>
          %dma_start3A_1230 = tpu.memref_squeeze %dma_start3A_1229 : memref<1x8x128xf32, #tpu.memory_space<vmem>> -> memref<8x128xf32, #tpu.memory_space<vmem>>
          %dma_start3A_1231 = arith.constant 0 : i32
          %dma_start3A_1232 = tpu.memref_slice %arg2[%dma_start3A, %dma_start3A_1231, %multiple_of3A] : memref<100x8x100000xf32, #tpu.memory_space<hbm>> -> memref<1x8x128xf32, #tpu.memory_space<hbm>>
          %dma_start3A_1233 = tpu.memref_squeeze %dma_start3A_1232 : memref<1x8x128xf32, #tpu.memory_space<hbm>> -> memref<8x128xf32, #tpu.memory_space<hbm>>
          %dma_start3A_1234 = arith.constant 0 : i32
          %dma_start3A_1235 = arith.constant 0 : i32
          %dma_start3A_1236 = tpu.memref_slice %arg7[%dma_start3A_1226, %dma_start3A_1234, %dma_start3A_1235] : memref<100x8x128xf32, #tpu.memory_space<vmem>> -> memref<1x8x128xf32, #tpu.memory_space<vmem>>
          %dma_start3A_1237 = tpu.memref_squeeze %dma_start3A_1236 : memref<1x8x128xf32, #tpu.memory_space<vmem>> -> memref<8x128xf32, #tpu.memory_space<vmem>>
          %dma_start3A_1238 = arith.constant 0 : i32
          %dma_start3A_1239 = tpu.memref_slice %arg2[%dma_start3A, %dma_start3A_1238, %multiple_of3A] : memref<100x8x100000xf32, #tpu.memory_space<hbm>> -> memref<1x8x128xf32, #tpu.memory_space<hbm>>
          %dma_start3A_1240 = tpu.memref_squeeze %dma_start3A_1239 : memref<1x8x128xf32, #tpu.memory_space<hbm>> -> memref<8x128xf32, #tpu.memory_space<hbm>>
          tpu.enqueue_dma source(%dma_start3A_1240 : memref<8x128xf32, #tpu.memory_space<hbm>>) target(%dma_start3A_1237 : memref<8x128xf32, #tpu.memory_space<vmem>>) target_semaphore(%arg9 : memref<!tpu.dma_semaphore, #tpu.memory_space<semaphore_mem>>)
        } else {
        }
        %slice3A_715 = vector.extract_strided_slice %get3A_71 {offsets = [12], sizes = [1], strides = [1]} : vector<16xi32> to vector<1xi32>
        %squeeze3A_716 = vector.extract %slice3A_715[0] : i32 from vector<1xi32>
        %ne3A_717 = arith.constant 0 : i32
        %ne3A_718 = arith.cmpi ne, %squeeze3A_716, %ne3A_717 : i32
        %convert_element_type3A_719 = arith.extui %ne3A_718 : i1 to i32
        %cond3A_720 = arith.constant 0 : i32
        %cond3A_721 = arith.cmpi ne, %convert_element_type3A_719, %cond3A_720 : i32
        scf.if %cond3A_721 {
          %dma_start3A = arith.constant 92 : i32
          %dma_start3A_1226 = arith.constant 92 : i32
          %dma_start3A_1227 = arith.constant 0 : i32
          %dma_start3A_1228 = arith.constant 0 : i32
          %dma_start3A_1229 = tpu.memref_slice %arg7[%dma_start3A_1226, %dma_start3A_1227, %dma_start3A_1228] : memref<100x8x128xf32, #tpu.memory_space<vmem>> -> memref<1x8x128xf32, #tpu.memory_space<vmem>>
          %dma_start3A_1230 = tpu.memref_squeeze %dma_start3A_1229 : memref<1x8x128xf32, #tpu.memory_space<vmem>> -> memref<8x128xf32, #tpu.memory_space<vmem>>
          %dma_start3A_1231 = arith.constant 0 : i32
          %dma_start3A_1232 = tpu.memref_slice %arg2[%dma_start3A, %dma_start3A_1231, %multiple_of3A] : memref<100x8x100000xf32, #tpu.memory_space<hbm>> -> memref<1x8x128xf32, #tpu.memory_space<hbm>>
          %dma_start3A_1233 = tpu.memref_squeeze %dma_start3A_1232 : memref<1x8x128xf32, #tpu.memory_space<hbm>> -> memref<8x128xf32, #tpu.memory_space<hbm>>
          %dma_start3A_1234 = arith.constant 0 : i32
          %dma_start3A_1235 = arith.constant 0 : i32
          %dma_start3A_1236 = tpu.memref_slice %arg7[%dma_start3A_1226, %dma_start3A_1234, %dma_start3A_1235] : memref<100x8x128xf32, #tpu.memory_space<vmem>> -> memref<1x8x128xf32, #tpu.memory_space<vmem>>
          %dma_start3A_1237 = tpu.memref_squeeze %dma_start3A_1236 : memref<1x8x128xf32, #tpu.memory_space<vmem>> -> memref<8x128xf32, #tpu.memory_space<vmem>>
          %dma_start3A_1238 = arith.constant 0 : i32
          %dma_start3A_1239 = tpu.memref_slice %arg2[%dma_start3A, %dma_start3A_1238, %multiple_of3A] : memref<100x8x100000xf32, #tpu.memory_space<hbm>> -> memref<1x8x128xf32, #tpu.memory_space<hbm>>
          %dma_start3A_1240 = tpu.memref_squeeze %dma_start3A_1239 : memref<1x8x128xf32, #tpu.memory_space<hbm>> -> memref<8x128xf32, #tpu.memory_space<hbm>>
          tpu.enqueue_dma source(%dma_start3A_1240 : memref<8x128xf32, #tpu.memory_space<hbm>>) target(%dma_start3A_1237 : memref<8x128xf32, #tpu.memory_space<vmem>>) target_semaphore(%arg9 : memref<!tpu.dma_semaphore, #tpu.memory_space<semaphore_mem>>)
        } else {
        }
        %slice3A_722 = vector.extract_strided_slice %get3A_71 {offsets = [13], sizes = [1], strides = [1]} : vector<16xi32> to vector<1xi32>
        %squeeze3A_723 = vector.extract %slice3A_722[0] : i32 from vector<1xi32>
        %ne3A_724 = arith.constant 0 : i32
        %ne3A_725 = arith.cmpi ne, %squeeze3A_723, %ne3A_724 : i32
        %convert_element_type3A_726 = arith.extui %ne3A_725 : i1 to i32
        %cond3A_727 = arith.constant 0 : i32
        %cond3A_728 = arith.cmpi ne, %convert_element_type3A_726, %cond3A_727 : i32
        scf.if %cond3A_728 {
          %dma_start3A = arith.constant 93 : i32
          %dma_start3A_1226 = arith.constant 93 : i32
          %dma_start3A_1227 = arith.constant 0 : i32
          %dma_start3A_1228 = arith.constant 0 : i32
          %dma_start3A_1229 = tpu.memref_slice %arg7[%dma_start3A_1226, %dma_start3A_1227, %dma_start3A_1228] : memref<100x8x128xf32, #tpu.memory_space<vmem>> -> memref<1x8x128xf32, #tpu.memory_space<vmem>>
          %dma_start3A_1230 = tpu.memref_squeeze %dma_start3A_1229 : memref<1x8x128xf32, #tpu.memory_space<vmem>> -> memref<8x128xf32, #tpu.memory_space<vmem>>
          %dma_start3A_1231 = arith.constant 0 : i32
          %dma_start3A_1232 = tpu.memref_slice %arg2[%dma_start3A, %dma_start3A_1231, %multiple_of3A] : memref<100x8x100000xf32, #tpu.memory_space<hbm>> -> memref<1x8x128xf32, #tpu.memory_space<hbm>>
          %dma_start3A_1233 = tpu.memref_squeeze %dma_start3A_1232 : memref<1x8x128xf32, #tpu.memory_space<hbm>> -> memref<8x128xf32, #tpu.memory_space<hbm>>
          %dma_start3A_1234 = arith.constant 0 : i32
          %dma_start3A_1235 = arith.constant 0 : i32
          %dma_start3A_1236 = tpu.memref_slice %arg7[%dma_start3A_1226, %dma_start3A_1234, %dma_start3A_1235] : memref<100x8x128xf32, #tpu.memory_space<vmem>> -> memref<1x8x128xf32, #tpu.memory_space<vmem>>
          %dma_start3A_1237 = tpu.memref_squeeze %dma_start3A_1236 : memref<1x8x128xf32, #tpu.memory_space<vmem>> -> memref<8x128xf32, #tpu.memory_space<vmem>>
          %dma_start3A_1238 = arith.constant 0 : i32
          %dma_start3A_1239 = tpu.memref_slice %arg2[%dma_start3A, %dma_start3A_1238, %multiple_of3A] : memref<100x8x100000xf32, #tpu.memory_space<hbm>> -> memref<1x8x128xf32, #tpu.memory_space<hbm>>
          %dma_start3A_1240 = tpu.memref_squeeze %dma_start3A_1239 : memref<1x8x128xf32, #tpu.memory_space<hbm>> -> memref<8x128xf32, #tpu.memory_space<hbm>>
          tpu.enqueue_dma source(%dma_start3A_1240 : memref<8x128xf32, #tpu.memory_space<hbm>>) target(%dma_start3A_1237 : memref<8x128xf32, #tpu.memory_space<vmem>>) target_semaphore(%arg9 : memref<!tpu.dma_semaphore, #tpu.memory_space<semaphore_mem>>)
        } else {
        }
        %slice3A_729 = vector.extract_strided_slice %get3A_71 {offsets = [14], sizes = [1], strides = [1]} : vector<16xi32> to vector<1xi32>
        %squeeze3A_730 = vector.extract %slice3A_729[0] : i32 from vector<1xi32>
        %ne3A_731 = arith.constant 0 : i32
        %ne3A_732 = arith.cmpi ne, %squeeze3A_730, %ne3A_731 : i32
        %convert_element_type3A_733 = arith.extui %ne3A_732 : i1 to i32
        %cond3A_734 = arith.constant 0 : i32
        %cond3A_735 = arith.cmpi ne, %convert_element_type3A_733, %cond3A_734 : i32
        scf.if %cond3A_735 {
          %dma_start3A = arith.constant 94 : i32
          %dma_start3A_1226 = arith.constant 94 : i32
          %dma_start3A_1227 = arith.constant 0 : i32
          %dma_start3A_1228 = arith.constant 0 : i32
          %dma_start3A_1229 = tpu.memref_slice %arg7[%dma_start3A_1226, %dma_start3A_1227, %dma_start3A_1228] : memref<100x8x128xf32, #tpu.memory_space<vmem>> -> memref<1x8x128xf32, #tpu.memory_space<vmem>>
          %dma_start3A_1230 = tpu.memref_squeeze %dma_start3A_1229 : memref<1x8x128xf32, #tpu.memory_space<vmem>> -> memref<8x128xf32, #tpu.memory_space<vmem>>
          %dma_start3A_1231 = arith.constant 0 : i32
          %dma_start3A_1232 = tpu.memref_slice %arg2[%dma_start3A, %dma_start3A_1231, %multiple_of3A] : memref<100x8x100000xf32, #tpu.memory_space<hbm>> -> memref<1x8x128xf32, #tpu.memory_space<hbm>>
          %dma_start3A_1233 = tpu.memref_squeeze %dma_start3A_1232 : memref<1x8x128xf32, #tpu.memory_space<hbm>> -> memref<8x128xf32, #tpu.memory_space<hbm>>
          %dma_start3A_1234 = arith.constant 0 : i32
          %dma_start3A_1235 = arith.constant 0 : i32
          %dma_start3A_1236 = tpu.memref_slice %arg7[%dma_start3A_1226, %dma_start3A_1234, %dma_start3A_1235] : memref<100x8x128xf32, #tpu.memory_space<vmem>> -> memref<1x8x128xf32, #tpu.memory_space<vmem>>
          %dma_start3A_1237 = tpu.memref_squeeze %dma_start3A_1236 : memref<1x8x128xf32, #tpu.memory_space<vmem>> -> memref<8x128xf32, #tpu.memory_space<vmem>>
          %dma_start3A_1238 = arith.constant 0 : i32
          %dma_start3A_1239 = tpu.memref_slice %arg2[%dma_start3A, %dma_start3A_1238, %multiple_of3A] : memref<100x8x100000xf32, #tpu.memory_space<hbm>> -> memref<1x8x128xf32, #tpu.memory_space<hbm>>
          %dma_start3A_1240 = tpu.memref_squeeze %dma_start3A_1239 : memref<1x8x128xf32, #tpu.memory_space<hbm>> -> memref<8x128xf32, #tpu.memory_space<hbm>>
          tpu.enqueue_dma source(%dma_start3A_1240 : memref<8x128xf32, #tpu.memory_space<hbm>>) target(%dma_start3A_1237 : memref<8x128xf32, #tpu.memory_space<vmem>>) target_semaphore(%arg9 : memref<!tpu.dma_semaphore, #tpu.memory_space<semaphore_mem>>)
        } else {
        }
        %slice3A_736 = vector.extract_strided_slice %get3A_71 {offsets = [15], sizes = [1], strides = [1]} : vector<16xi32> to vector<1xi32>
        %squeeze3A_737 = vector.extract %slice3A_736[0] : i32 from vector<1xi32>
        %ne3A_738 = arith.constant 0 : i32
        %ne3A_739 = arith.cmpi ne, %squeeze3A_737, %ne3A_738 : i32
        %convert_element_type3A_740 = arith.extui %ne3A_739 : i1 to i32
        %cond3A_741 = arith.constant 0 : i32
        %cond3A_742 = arith.cmpi ne, %convert_element_type3A_740, %cond3A_741 : i32
        scf.if %cond3A_742 {
          %dma_start3A = arith.constant 95 : i32
          %dma_start3A_1226 = arith.constant 95 : i32
          %dma_start3A_1227 = arith.constant 0 : i32
          %dma_start3A_1228 = arith.constant 0 : i32
          %dma_start3A_1229 = tpu.memref_slice %arg7[%dma_start3A_1226, %dma_start3A_1227, %dma_start3A_1228] : memref<100x8x128xf32, #tpu.memory_space<vmem>> -> memref<1x8x128xf32, #tpu.memory_space<vmem>>
          %dma_start3A_1230 = tpu.memref_squeeze %dma_start3A_1229 : memref<1x8x128xf32, #tpu.memory_space<vmem>> -> memref<8x128xf32, #tpu.memory_space<vmem>>
          %dma_start3A_1231 = arith.constant 0 : i32
          %dma_start3A_1232 = tpu.memref_slice %arg2[%dma_start3A, %dma_start3A_1231, %multiple_of3A] : memref<100x8x100000xf32, #tpu.memory_space<hbm>> -> memref<1x8x128xf32, #tpu.memory_space<hbm>>
          %dma_start3A_1233 = tpu.memref_squeeze %dma_start3A_1232 : memref<1x8x128xf32, #tpu.memory_space<hbm>> -> memref<8x128xf32, #tpu.memory_space<hbm>>
          %dma_start3A_1234 = arith.constant 0 : i32
          %dma_start3A_1235 = arith.constant 0 : i32
          %dma_start3A_1236 = tpu.memref_slice %arg7[%dma_start3A_1226, %dma_start3A_1234, %dma_start3A_1235] : memref<100x8x128xf32, #tpu.memory_space<vmem>> -> memref<1x8x128xf32, #tpu.memory_space<vmem>>
          %dma_start3A_1237 = tpu.memref_squeeze %dma_start3A_1236 : memref<1x8x128xf32, #tpu.memory_space<vmem>> -> memref<8x128xf32, #tpu.memory_space<vmem>>
          %dma_start3A_1238 = arith.constant 0 : i32
          %dma_start3A_1239 = tpu.memref_slice %arg2[%dma_start3A, %dma_start3A_1238, %multiple_of3A] : memref<100x8x100000xf32, #tpu.memory_space<hbm>> -> memref<1x8x128xf32, #tpu.memory_space<hbm>>
          %dma_start3A_1240 = tpu.memref_squeeze %dma_start3A_1239 : memref<1x8x128xf32, #tpu.memory_space<hbm>> -> memref<8x128xf32, #tpu.memory_space<hbm>>
          tpu.enqueue_dma source(%dma_start3A_1240 : memref<8x128xf32, #tpu.memory_space<hbm>>) target(%dma_start3A_1237 : memref<8x128xf32, #tpu.memory_space<vmem>>) target_semaphore(%arg9 : memref<!tpu.dma_semaphore, #tpu.memory_space<semaphore_mem>>)
        } else {
        }
        %slice3A_743 = vector.extract_strided_slice %get3A_73 {offsets = [0], sizes = [1], strides = [1]} : vector<16xi32> to vector<1xi32>
        %squeeze3A_744 = vector.extract %slice3A_743[0] : i32 from vector<1xi32>
        %ne3A_745 = arith.constant 0 : i32
        %ne3A_746 = arith.cmpi ne, %squeeze3A_744, %ne3A_745 : i32
        %convert_element_type3A_747 = arith.extui %ne3A_746 : i1 to i32
        %cond3A_748 = arith.constant 0 : i32
        %cond3A_749 = arith.cmpi ne, %convert_element_type3A_747, %cond3A_748 : i32
        scf.if %cond3A_749 {
          %dma_start3A = arith.constant 96 : i32
          %dma_start3A_1226 = arith.constant 96 : i32
          %dma_start3A_1227 = arith.constant 0 : i32
          %dma_start3A_1228 = arith.constant 0 : i32
          %dma_start3A_1229 = tpu.memref_slice %arg7[%dma_start3A_1226, %dma_start3A_1227, %dma_start3A_1228] : memref<100x8x128xf32, #tpu.memory_space<vmem>> -> memref<1x8x128xf32, #tpu.memory_space<vmem>>
          %dma_start3A_1230 = tpu.memref_squeeze %dma_start3A_1229 : memref<1x8x128xf32, #tpu.memory_space<vmem>> -> memref<8x128xf32, #tpu.memory_space<vmem>>
          %dma_start3A_1231 = arith.constant 0 : i32
          %dma_start3A_1232 = tpu.memref_slice %arg2[%dma_start3A, %dma_start3A_1231, %multiple_of3A] : memref<100x8x100000xf32, #tpu.memory_space<hbm>> -> memref<1x8x128xf32, #tpu.memory_space<hbm>>
          %dma_start3A_1233 = tpu.memref_squeeze %dma_start3A_1232 : memref<1x8x128xf32, #tpu.memory_space<hbm>> -> memref<8x128xf32, #tpu.memory_space<hbm>>
          %dma_start3A_1234 = arith.constant 0 : i32
          %dma_start3A_1235 = arith.constant 0 : i32
          %dma_start3A_1236 = tpu.memref_slice %arg7[%dma_start3A_1226, %dma_start3A_1234, %dma_start3A_1235] : memref<100x8x128xf32, #tpu.memory_space<vmem>> -> memref<1x8x128xf32, #tpu.memory_space<vmem>>
          %dma_start3A_1237 = tpu.memref_squeeze %dma_start3A_1236 : memref<1x8x128xf32, #tpu.memory_space<vmem>> -> memref<8x128xf32, #tpu.memory_space<vmem>>
          %dma_start3A_1238 = arith.constant 0 : i32
          %dma_start3A_1239 = tpu.memref_slice %arg2[%dma_start3A, %dma_start3A_1238, %multiple_of3A] : memref<100x8x100000xf32, #tpu.memory_space<hbm>> -> memref<1x8x128xf32, #tpu.memory_space<hbm>>
          %dma_start3A_1240 = tpu.memref_squeeze %dma_start3A_1239 : memref<1x8x128xf32, #tpu.memory_space<hbm>> -> memref<8x128xf32, #tpu.memory_space<hbm>>
          tpu.enqueue_dma source(%dma_start3A_1240 : memref<8x128xf32, #tpu.memory_space<hbm>>) target(%dma_start3A_1237 : memref<8x128xf32, #tpu.memory_space<vmem>>) target_semaphore(%arg9 : memref<!tpu.dma_semaphore, #tpu.memory_space<semaphore_mem>>)
        } else {
        }
        %slice3A_750 = vector.extract_strided_slice %get3A_73 {offsets = [1], sizes = [1], strides = [1]} : vector<16xi32> to vector<1xi32>
        %squeeze3A_751 = vector.extract %slice3A_750[0] : i32 from vector<1xi32>
        %ne3A_752 = arith.constant 0 : i32
        %ne3A_753 = arith.cmpi ne, %squeeze3A_751, %ne3A_752 : i32
        %convert_element_type3A_754 = arith.extui %ne3A_753 : i1 to i32
        %cond3A_755 = arith.constant 0 : i32
        %cond3A_756 = arith.cmpi ne, %convert_element_type3A_754, %cond3A_755 : i32
        scf.if %cond3A_756 {
          %dma_start3A = arith.constant 97 : i32
          %dma_start3A_1226 = arith.constant 97 : i32
          %dma_start3A_1227 = arith.constant 0 : i32
          %dma_start3A_1228 = arith.constant 0 : i32
          %dma_start3A_1229 = tpu.memref_slice %arg7[%dma_start3A_1226, %dma_start3A_1227, %dma_start3A_1228] : memref<100x8x128xf32, #tpu.memory_space<vmem>> -> memref<1x8x128xf32, #tpu.memory_space<vmem>>
          %dma_start3A_1230 = tpu.memref_squeeze %dma_start3A_1229 : memref<1x8x128xf32, #tpu.memory_space<vmem>> -> memref<8x128xf32, #tpu.memory_space<vmem>>
          %dma_start3A_1231 = arith.constant 0 : i32
          %dma_start3A_1232 = tpu.memref_slice %arg2[%dma_start3A, %dma_start3A_1231, %multiple_of3A] : memref<100x8x100000xf32, #tpu.memory_space<hbm>> -> memref<1x8x128xf32, #tpu.memory_space<hbm>>
          %dma_start3A_1233 = tpu.memref_squeeze %dma_start3A_1232 : memref<1x8x128xf32, #tpu.memory_space<hbm>> -> memref<8x128xf32, #tpu.memory_space<hbm>>
          %dma_start3A_1234 = arith.constant 0 : i32
          %dma_start3A_1235 = arith.constant 0 : i32
          %dma_start3A_1236 = tpu.memref_slice %arg7[%dma_start3A_1226, %dma_start3A_1234, %dma_start3A_1235] : memref<100x8x128xf32, #tpu.memory_space<vmem>> -> memref<1x8x128xf32, #tpu.memory_space<vmem>>
          %dma_start3A_1237 = tpu.memref_squeeze %dma_start3A_1236 : memref<1x8x128xf32, #tpu.memory_space<vmem>> -> memref<8x128xf32, #tpu.memory_space<vmem>>
          %dma_start3A_1238 = arith.constant 0 : i32
          %dma_start3A_1239 = tpu.memref_slice %arg2[%dma_start3A, %dma_start3A_1238, %multiple_of3A] : memref<100x8x100000xf32, #tpu.memory_space<hbm>> -> memref<1x8x128xf32, #tpu.memory_space<hbm>>
          %dma_start3A_1240 = tpu.memref_squeeze %dma_start3A_1239 : memref<1x8x128xf32, #tpu.memory_space<hbm>> -> memref<8x128xf32, #tpu.memory_space<hbm>>
          tpu.enqueue_dma source(%dma_start3A_1240 : memref<8x128xf32, #tpu.memory_space<hbm>>) target(%dma_start3A_1237 : memref<8x128xf32, #tpu.memory_space<vmem>>) target_semaphore(%arg9 : memref<!tpu.dma_semaphore, #tpu.memory_space<semaphore_mem>>)
        } else {
        }
        %slice3A_757 = vector.extract_strided_slice %get3A_73 {offsets = [2], sizes = [1], strides = [1]} : vector<16xi32> to vector<1xi32>
        %squeeze3A_758 = vector.extract %slice3A_757[0] : i32 from vector<1xi32>
        %ne3A_759 = arith.constant 0 : i32
        %ne3A_760 = arith.cmpi ne, %squeeze3A_758, %ne3A_759 : i32
        %convert_element_type3A_761 = arith.extui %ne3A_760 : i1 to i32
        %cond3A_762 = arith.constant 0 : i32
        %cond3A_763 = arith.cmpi ne, %convert_element_type3A_761, %cond3A_762 : i32
        scf.if %cond3A_763 {
          %dma_start3A = arith.constant 98 : i32
          %dma_start3A_1226 = arith.constant 98 : i32
          %dma_start3A_1227 = arith.constant 0 : i32
          %dma_start3A_1228 = arith.constant 0 : i32
          %dma_start3A_1229 = tpu.memref_slice %arg7[%dma_start3A_1226, %dma_start3A_1227, %dma_start3A_1228] : memref<100x8x128xf32, #tpu.memory_space<vmem>> -> memref<1x8x128xf32, #tpu.memory_space<vmem>>
          %dma_start3A_1230 = tpu.memref_squeeze %dma_start3A_1229 : memref<1x8x128xf32, #tpu.memory_space<vmem>> -> memref<8x128xf32, #tpu.memory_space<vmem>>
          %dma_start3A_1231 = arith.constant 0 : i32
          %dma_start3A_1232 = tpu.memref_slice %arg2[%dma_start3A, %dma_start3A_1231, %multiple_of3A] : memref<100x8x100000xf32, #tpu.memory_space<hbm>> -> memref<1x8x128xf32, #tpu.memory_space<hbm>>
          %dma_start3A_1233 = tpu.memref_squeeze %dma_start3A_1232 : memref<1x8x128xf32, #tpu.memory_space<hbm>> -> memref<8x128xf32, #tpu.memory_space<hbm>>
          %dma_start3A_1234 = arith.constant 0 : i32
          %dma_start3A_1235 = arith.constant 0 : i32
          %dma_start3A_1236 = tpu.memref_slice %arg7[%dma_start3A_1226, %dma_start3A_1234, %dma_start3A_1235] : memref<100x8x128xf32, #tpu.memory_space<vmem>> -> memref<1x8x128xf32, #tpu.memory_space<vmem>>
          %dma_start3A_1237 = tpu.memref_squeeze %dma_start3A_1236 : memref<1x8x128xf32, #tpu.memory_space<vmem>> -> memref<8x128xf32, #tpu.memory_space<vmem>>
          %dma_start3A_1238 = arith.constant 0 : i32
          %dma_start3A_1239 = tpu.memref_slice %arg2[%dma_start3A, %dma_start3A_1238, %multiple_of3A] : memref<100x8x100000xf32, #tpu.memory_space<hbm>> -> memref<1x8x128xf32, #tpu.memory_space<hbm>>
          %dma_start3A_1240 = tpu.memref_squeeze %dma_start3A_1239 : memref<1x8x128xf32, #tpu.memory_space<hbm>> -> memref<8x128xf32, #tpu.memory_space<hbm>>
          tpu.enqueue_dma source(%dma_start3A_1240 : memref<8x128xf32, #tpu.memory_space<hbm>>) target(%dma_start3A_1237 : memref<8x128xf32, #tpu.memory_space<vmem>>) target_semaphore(%arg9 : memref<!tpu.dma_semaphore, #tpu.memory_space<semaphore_mem>>)
        } else {
        }
        %slice3A_764 = vector.extract_strided_slice %get3A_73 {offsets = [3], sizes = [1], strides = [1]} : vector<16xi32> to vector<1xi32>
        %squeeze3A_765 = vector.extract %slice3A_764[0] : i32 from vector<1xi32>
        %ne3A_766 = arith.constant 0 : i32
        %ne3A_767 = arith.cmpi ne, %squeeze3A_765, %ne3A_766 : i32
        %convert_element_type3A_768 = arith.extui %ne3A_767 : i1 to i32
        %cond3A_769 = arith.constant 0 : i32
        %cond3A_770 = arith.cmpi ne, %convert_element_type3A_768, %cond3A_769 : i32
        scf.if %cond3A_770 {
          %dma_start3A = arith.constant 99 : i32
          %dma_start3A_1226 = arith.constant 99 : i32
          %dma_start3A_1227 = arith.constant 0 : i32
          %dma_start3A_1228 = arith.constant 0 : i32
          %dma_start3A_1229 = tpu.memref_slice %arg7[%dma_start3A_1226, %dma_start3A_1227, %dma_start3A_1228] : memref<100x8x128xf32, #tpu.memory_space<vmem>> -> memref<1x8x128xf32, #tpu.memory_space<vmem>>
          %dma_start3A_1230 = tpu.memref_squeeze %dma_start3A_1229 : memref<1x8x128xf32, #tpu.memory_space<vmem>> -> memref<8x128xf32, #tpu.memory_space<vmem>>
          %dma_start3A_1231 = arith.constant 0 : i32
          %dma_start3A_1232 = tpu.memref_slice %arg2[%dma_start3A, %dma_start3A_1231, %multiple_of3A] : memref<100x8x100000xf32, #tpu.memory_space<hbm>> -> memref<1x8x128xf32, #tpu.memory_space<hbm>>
          %dma_start3A_1233 = tpu.memref_squeeze %dma_start3A_1232 : memref<1x8x128xf32, #tpu.memory_space<hbm>> -> memref<8x128xf32, #tpu.memory_space<hbm>>
          %dma_start3A_1234 = arith.constant 0 : i32
          %dma_start3A_1235 = arith.constant 0 : i32
          %dma_start3A_1236 = tpu.memref_slice %arg7[%dma_start3A_1226, %dma_start3A_1234, %dma_start3A_1235] : memref<100x8x128xf32, #tpu.memory_space<vmem>> -> memref<1x8x128xf32, #tpu.memory_space<vmem>>
          %dma_start3A_1237 = tpu.memref_squeeze %dma_start3A_1236 : memref<1x8x128xf32, #tpu.memory_space<vmem>> -> memref<8x128xf32, #tpu.memory_space<vmem>>
          %dma_start3A_1238 = arith.constant 0 : i32
          %dma_start3A_1239 = tpu.memref_slice %arg2[%dma_start3A, %dma_start3A_1238, %multiple_of3A] : memref<100x8x100000xf32, #tpu.memory_space<hbm>> -> memref<1x8x128xf32, #tpu.memory_space<hbm>>
          %dma_start3A_1240 = tpu.memref_squeeze %dma_start3A_1239 : memref<1x8x128xf32, #tpu.memory_space<hbm>> -> memref<8x128xf32, #tpu.memory_space<hbm>>
          tpu.enqueue_dma source(%dma_start3A_1240 : memref<8x128xf32, #tpu.memory_space<hbm>>) target(%dma_start3A_1237 : memref<8x128xf32, #tpu.memory_space<vmem>>) target_semaphore(%arg9 : memref<!tpu.dma_semaphore, #tpu.memory_space<semaphore_mem>>)
        } else {
        }
        %add3A_771 = arith.addi %get3A_61, %get3A_63 : vector<16xi32>
        %add3A_772 = arith.addi %add3A_771, %get3A_65 : vector<16xi32>
        %add3A_773 = arith.addi %add3A_772, %get3A_67 : vector<16xi32>
        %add3A_774 = arith.addi %add3A_773, %get3A_69 : vector<16xi32>
        %add3A_775 = arith.addi %add3A_774, %get3A_71 : vector<16xi32>
        %add3A_776 = arith.addi %add3A_775, %get3A_73 : vector<16xi32>
        %reduce_sum3A = arith.constant true
        %reduce_sum3A_777 = vector.broadcast %reduce_sum3A : i1 to vector<16xi1>
        %reduce_sum3A_778 = tpu.scan <sum>, %add3A_776 masked %reduce_sum3A_777 : vector<16xi32>, vector<16xi1> -> vector<16xi32>
        %reduce_sum3A_779 = vector.extract %reduce_sum3A_778[15] : i32 from vector<16xi32>
        %while3A = arith.constant 0 : i32
        %while3A_780 = arith.constant 0 : i32
        %while3A_781 = arith.subi %reduce_sum3A_779, %while3A_780 : i32
        %while3A_782 = arith.addi %while3A_780, %while3A_781 : i32
        %while3A_783 = arith.constant 1 : i32
        %while3A_784 = arith.divsi %while3A_781, %while3A_783 : i32
        %while3A_785 = arith.muli %while3A_784, %while3A_783 : i32
        %while3A_786 = arith.addi %while3A_780, %while3A_785 : i32
        %while3A_787 = arith.constant 1 : i32
        scf.for %while3A_1226 = %while3A_780 to %while3A_786 step %while3A_787  : i32 {
          %dma_wait3A = arith.constant 0 : i32
          %dma_wait3A_1227 = arith.constant 0 : i32
          %dma_wait3A_1228 = arith.constant 0 : i32
          %dma_wait3A_1229 = arith.constant 0 : i32
          %dma_wait3A_1230 = tpu.memref_slice %arg7[%dma_wait3A_1227, %dma_wait3A_1228, %dma_wait3A_1229] : memref<100x8x128xf32, #tpu.memory_space<vmem>> -> memref<1x8x128xf32, #tpu.memory_space<vmem>>
          %dma_wait3A_1231 = tpu.memref_squeeze %dma_wait3A_1230 : memref<1x8x128xf32, #tpu.memory_space<vmem>> -> memref<8x128xf32, #tpu.memory_space<vmem>>
          %dma_wait3A_1232 = arith.constant 0 : i32
          %dma_wait3A_1233 = tpu.memref_slice %arg2[%dma_wait3A, %dma_wait3A_1232, %multiple_of3A] : memref<100x8x100000xf32, #tpu.memory_space<hbm>> -> memref<1x8x128xf32, #tpu.memory_space<hbm>>
          %dma_wait3A_1234 = tpu.memref_squeeze %dma_wait3A_1233 : memref<1x8x128xf32, #tpu.memory_space<hbm>> -> memref<8x128xf32, #tpu.memory_space<hbm>>
          %dma_wait3A_1235 = arith.constant 0 : i32
          %dma_wait3A_1236 = arith.constant 0 : i32
          %dma_wait3A_1237 = tpu.memref_slice %arg7[%dma_wait3A_1227, %dma_wait3A_1235, %dma_wait3A_1236] : memref<100x8x128xf32, #tpu.memory_space<vmem>> -> memref<1x8x128xf32, #tpu.memory_space<vmem>>
          %dma_wait3A_1238 = tpu.memref_squeeze %dma_wait3A_1237 : memref<1x8x128xf32, #tpu.memory_space<vmem>> -> memref<8x128xf32, #tpu.memory_space<vmem>>
          %dma_wait3A_1239 = arith.constant 0 : i32
          %dma_wait3A_1240 = tpu.memref_slice %arg2[%dma_wait3A, %dma_wait3A_1239, %multiple_of3A] : memref<100x8x100000xf32, #tpu.memory_space<hbm>> -> memref<1x8x128xf32, #tpu.memory_space<hbm>>
          %dma_wait3A_1241 = tpu.memref_squeeze %dma_wait3A_1240 : memref<1x8x128xf32, #tpu.memory_space<hbm>> -> memref<8x128xf32, #tpu.memory_space<hbm>>
          tpu.wait_dma2 semaphore(%arg9 : memref<!tpu.dma_semaphore, #tpu.memory_space<semaphore_mem>>) src(%dma_wait3A_1241 : memref<8x128xf32, #tpu.memory_space<hbm>>) dst(%dma_wait3A_1238 : memref<8x128xf32, #tpu.memory_space<vmem>>)
        }
        %while3A_788 = arith.constant 1 : i32
        scf.for %while3A_1226 = %while3A_786 to %while3A_782 step %while3A_788  : i32 {
          %dma_wait3A = arith.constant 0 : i32
          %dma_wait3A_1227 = arith.constant 0 : i32
          %dma_wait3A_1228 = arith.constant 0 : i32
          %dma_wait3A_1229 = arith.constant 0 : i32
          %dma_wait3A_1230 = tpu.memref_slice %arg7[%dma_wait3A_1227, %dma_wait3A_1228, %dma_wait3A_1229] : memref<100x8x128xf32, #tpu.memory_space<vmem>> -> memref<1x8x128xf32, #tpu.memory_space<vmem>>
          %dma_wait3A_1231 = tpu.memref_squeeze %dma_wait3A_1230 : memref<1x8x128xf32, #tpu.memory_space<vmem>> -> memref<8x128xf32, #tpu.memory_space<vmem>>
          %dma_wait3A_1232 = arith.constant 0 : i32
          %dma_wait3A_1233 = tpu.memref_slice %arg2[%dma_wait3A, %dma_wait3A_1232, %multiple_of3A] : memref<100x8x100000xf32, #tpu.memory_space<hbm>> -> memref<1x8x128xf32, #tpu.memory_space<hbm>>
          %dma_wait3A_1234 = tpu.memref_squeeze %dma_wait3A_1233 : memref<1x8x128xf32, #tpu.memory_space<hbm>> -> memref<8x128xf32, #tpu.memory_space<hbm>>
          %dma_wait3A_1235 = arith.constant 0 : i32
          %dma_wait3A_1236 = arith.constant 0 : i32
          %dma_wait3A_1237 = tpu.memref_slice %arg7[%dma_wait3A_1227, %dma_wait3A_1235, %dma_wait3A_1236] : memref<100x8x128xf32, #tpu.memory_space<vmem>> -> memref<1x8x128xf32, #tpu.memory_space<vmem>>
          %dma_wait3A_1238 = tpu.memref_squeeze %dma_wait3A_1237 : memref<1x8x128xf32, #tpu.memory_space<vmem>> -> memref<8x128xf32, #tpu.memory_space<vmem>>
          %dma_wait3A_1239 = arith.constant 0 : i32
          %dma_wait3A_1240 = tpu.memref_slice %arg2[%dma_wait3A, %dma_wait3A_1239, %multiple_of3A] : memref<100x8x100000xf32, #tpu.memory_space<hbm>> -> memref<1x8x128xf32, #tpu.memory_space<hbm>>
          %dma_wait3A_1241 = tpu.memref_squeeze %dma_wait3A_1240 : memref<1x8x128xf32, #tpu.memory_space<hbm>> -> memref<8x128xf32, #tpu.memory_space<hbm>>
          tpu.wait_dma2 semaphore(%arg9 : memref<!tpu.dma_semaphore, #tpu.memory_space<semaphore_mem>>) src(%dma_wait3A_1241 : memref<8x128xf32, #tpu.memory_space<hbm>>) dst(%dma_wait3A_1238 : memref<8x128xf32, #tpu.memory_space<vmem>>)
        }
        %get3A_789 = arith.constant 0 : index
        %get3A_790 = tpu.vector_load %arg5[%get3A_789] {strides = array<i32>} : memref<128xi32, #tpu.memory_space<vmem>>, vector<16xi32>,
        %add3A_791 = arith.constant 0 : i32
        %add3A_792 = vector.broadcast %add3A_791 : i32 to vector<16xi32>
        %add3A_793 = arith.addi %add3A_792, %iota3A : vector<16xi32>
        %broadcast_in_dim3A_794 = arith.constant 0 : i32
        %broadcast_in_dim3A_795 = vector.broadcast %broadcast_in_dim3A_794 : i32 to vector<16xi32>
        %gather3A = tpu.vector_load_idx %arg7[%get3A_790, %broadcast_in_dim3A_795, %add3A_793] : memref<100x8x128xf32, #tpu.memory_space<vmem>>[vector<16xi32>, vector<16xi32>, vector<16xi32>], vector<16xf32>,
        %add3A_796 = arith.constant 0 : i32
        %add3A_797 = vector.broadcast %add3A_796 : i32 to vector<16xi32>
        %add3A_798 = arith.addi %mul3A_3, %add3A_797 : vector<16xi32>
        tpu.vector_store_idx %arg8[%add3A_798], %gather3A : memref<1024xf32, #tpu.memory_space<vmem>>[vector<16xi32>], vector<16xf32>,
        %broadcast_in_dim3A_799 = arith.constant 1 : i32
        %broadcast_in_dim3A_800 = vector.broadcast %broadcast_in_dim3A_799 : i32 to vector<16xi32>
        %gather3A_801 = tpu.vector_load_idx %arg7[%get3A_790, %broadcast_in_dim3A_800, %add3A_793] : memref<100x8x128xf32, #tpu.memory_space<vmem>>[vector<16xi32>, vector<16xi32>, vector<16xi32>], vector<16xf32>,
        %add3A_802 = arith.constant 1 : i32
        %add3A_803 = vector.broadcast %add3A_802 : i32 to vector<16xi32>
        %add3A_804 = arith.addi %mul3A_3, %add3A_803 : vector<16xi32>
        tpu.vector_store_idx %arg8[%add3A_804], %gather3A_801 : memref<1024xf32, #tpu.memory_space<vmem>>[vector<16xi32>], vector<16xf32>,
        %broadcast_in_dim3A_805 = arith.constant 2 : i32
        %broadcast_in_dim3A_806 = vector.broadcast %broadcast_in_dim3A_805 : i32 to vector<16xi32>
        %gather3A_807 = tpu.vector_load_idx %arg7[%get3A_790, %broadcast_in_dim3A_806, %add3A_793] : memref<100x8x128xf32, #tpu.memory_space<vmem>>[vector<16xi32>, vector<16xi32>, vector<16xi32>], vector<16xf32>,
        %add3A_808 = arith.constant 2 : i32
        %add3A_809 = vector.broadcast %add3A_808 : i32 to vector<16xi32>
        %add3A_810 = arith.addi %mul3A_3, %add3A_809 : vector<16xi32>
        tpu.vector_store_idx %arg8[%add3A_810], %gather3A_807 : memref<1024xf32, #tpu.memory_space<vmem>>[vector<16xi32>], vector<16xf32>,
        %broadcast_in_dim3A_811 = arith.constant 3 : i32
        %broadcast_in_dim3A_812 = vector.broadcast %broadcast_in_dim3A_811 : i32 to vector<16xi32>
        %gather3A_813 = tpu.vector_load_idx %arg7[%get3A_790, %broadcast_in_dim3A_812, %add3A_793] : memref<100x8x128xf32, #tpu.memory_space<vmem>>[vector<16xi32>, vector<16xi32>, vector<16xi32>], vector<16xf32>,
        %add3A_814 = arith.constant 3 : i32
        %add3A_815 = vector.broadcast %add3A_814 : i32 to vector<16xi32>
        %add3A_816 = arith.addi %mul3A_3, %add3A_815 : vector<16xi32>
        tpu.vector_store_idx %arg8[%add3A_816], %gather3A_813 : memref<1024xf32, #tpu.memory_space<vmem>>[vector<16xi32>], vector<16xf32>,
        %broadcast_in_dim3A_817 = arith.constant 4 : i32
        %broadcast_in_dim3A_818 = vector.broadcast %broadcast_in_dim3A_817 : i32 to vector<16xi32>
        %gather3A_819 = tpu.vector_load_idx %arg7[%get3A_790, %broadcast_in_dim3A_818, %add3A_793] : memref<100x8x128xf32, #tpu.memory_space<vmem>>[vector<16xi32>, vector<16xi32>, vector<16xi32>], vector<16xf32>,
        %add3A_820 = arith.constant 4 : i32
        %add3A_821 = vector.broadcast %add3A_820 : i32 to vector<16xi32>
        %add3A_822 = arith.addi %mul3A_3, %add3A_821 : vector<16xi32>
        tpu.vector_store_idx %arg8[%add3A_822], %gather3A_819 : memref<1024xf32, #tpu.memory_space<vmem>>[vector<16xi32>], vector<16xf32>,
        %broadcast_in_dim3A_823 = arith.constant 5 : i32
        %broadcast_in_dim3A_824 = vector.broadcast %broadcast_in_dim3A_823 : i32 to vector<16xi32>
        %gather3A_825 = tpu.vector_load_idx %arg7[%get3A_790, %broadcast_in_dim3A_824, %add3A_793] : memref<100x8x128xf32, #tpu.memory_space<vmem>>[vector<16xi32>, vector<16xi32>, vector<16xi32>], vector<16xf32>,
        %add3A_826 = arith.constant 5 : i32
        %add3A_827 = vector.broadcast %add3A_826 : i32 to vector<16xi32>
        %add3A_828 = arith.addi %mul3A_3, %add3A_827 : vector<16xi32>
        tpu.vector_store_idx %arg8[%add3A_828], %gather3A_825 : memref<1024xf32, #tpu.memory_space<vmem>>[vector<16xi32>], vector<16xf32>,
        %broadcast_in_dim3A_829 = arith.constant 6 : i32
        %broadcast_in_dim3A_830 = vector.broadcast %broadcast_in_dim3A_829 : i32 to vector<16xi32>
        %gather3A_831 = tpu.vector_load_idx %arg7[%get3A_790, %broadcast_in_dim3A_830, %add3A_793] : memref<100x8x128xf32, #tpu.memory_space<vmem>>[vector<16xi32>, vector<16xi32>, vector<16xi32>], vector<16xf32>,
        %add3A_832 = arith.constant 6 : i32
        %add3A_833 = vector.broadcast %add3A_832 : i32 to vector<16xi32>
        %add3A_834 = arith.addi %mul3A_3, %add3A_833 : vector<16xi32>
        tpu.vector_store_idx %arg8[%add3A_834], %gather3A_831 : memref<1024xf32, #tpu.memory_space<vmem>>[vector<16xi32>], vector<16xf32>,
        %broadcast_in_dim3A_835 = arith.constant 7 : i32
        %broadcast_in_dim3A_836 = vector.broadcast %broadcast_in_dim3A_835 : i32 to vector<16xi32>
        %gather3A_837 = tpu.vector_load_idx %arg7[%get3A_790, %broadcast_in_dim3A_836, %add3A_793] : memref<100x8x128xf32, #tpu.memory_space<vmem>>[vector<16xi32>, vector<16xi32>, vector<16xi32>], vector<16xf32>,
        %add3A_838 = arith.constant 7 : i32
        %add3A_839 = vector.broadcast %add3A_838 : i32 to vector<16xi32>
        %add3A_840 = arith.addi %mul3A_3, %add3A_839 : vector<16xi32>
        tpu.vector_store_idx %arg8[%add3A_840], %gather3A_837 : memref<1024xf32, #tpu.memory_space<vmem>>[vector<16xi32>], vector<16xf32>,
        %get3A_841 = arith.constant 16 : index
        %get3A_842 = tpu.vector_load %arg5[%get3A_841] {strides = array<i32>} : memref<128xi32, #tpu.memory_space<vmem>>, vector<16xi32>,
        %add3A_843 = arith.constant 16 : i32
        %add3A_844 = vector.broadcast %add3A_843 : i32 to vector<16xi32>
        %add3A_845 = arith.addi %add3A_844, %iota3A : vector<16xi32>
        %broadcast_in_dim3A_846 = arith.constant 0 : i32
        %broadcast_in_dim3A_847 = vector.broadcast %broadcast_in_dim3A_846 : i32 to vector<16xi32>
        %gather3A_848 = tpu.vector_load_idx %arg7[%get3A_842, %broadcast_in_dim3A_847, %add3A_845] : memref<100x8x128xf32, #tpu.memory_space<vmem>>[vector<16xi32>, vector<16xi32>, vector<16xi32>], vector<16xf32>,
        %add3A_849 = arith.constant 128 : i32
        %add3A_850 = vector.broadcast %add3A_849 : i32 to vector<16xi32>
        %add3A_851 = arith.addi %mul3A_3, %add3A_850 : vector<16xi32>
        tpu.vector_store_idx %arg8[%add3A_851], %gather3A_848 : memref<1024xf32, #tpu.memory_space<vmem>>[vector<16xi32>], vector<16xf32>,
        %broadcast_in_dim3A_852 = arith.constant 1 : i32
        %broadcast_in_dim3A_853 = vector.broadcast %broadcast_in_dim3A_852 : i32 to vector<16xi32>
        %gather3A_854 = tpu.vector_load_idx %arg7[%get3A_842, %broadcast_in_dim3A_853, %add3A_845] : memref<100x8x128xf32, #tpu.memory_space<vmem>>[vector<16xi32>, vector<16xi32>, vector<16xi32>], vector<16xf32>,
        %add3A_855 = arith.constant 129 : i32
        %add3A_856 = vector.broadcast %add3A_855 : i32 to vector<16xi32>
        %add3A_857 = arith.addi %mul3A_3, %add3A_856 : vector<16xi32>
        tpu.vector_store_idx %arg8[%add3A_857], %gather3A_854 : memref<1024xf32, #tpu.memory_space<vmem>>[vector<16xi32>], vector<16xf32>,
        %broadcast_in_dim3A_858 = arith.constant 2 : i32
        %broadcast_in_dim3A_859 = vector.broadcast %broadcast_in_dim3A_858 : i32 to vector<16xi32>
        %gather3A_860 = tpu.vector_load_idx %arg7[%get3A_842, %broadcast_in_dim3A_859, %add3A_845] : memref<100x8x128xf32, #tpu.memory_space<vmem>>[vector<16xi32>, vector<16xi32>, vector<16xi32>], vector<16xf32>,
        %add3A_861 = arith.constant 130 : i32
        %add3A_862 = vector.broadcast %add3A_861 : i32 to vector<16xi32>
        %add3A_863 = arith.addi %mul3A_3, %add3A_862 : vector<16xi32>
        tpu.vector_store_idx %arg8[%add3A_863], %gather3A_860 : memref<1024xf32, #tpu.memory_space<vmem>>[vector<16xi32>], vector<16xf32>,
        %broadcast_in_dim3A_864 = arith.constant 3 : i32
        %broadcast_in_dim3A_865 = vector.broadcast %broadcast_in_dim3A_864 : i32 to vector<16xi32>
        %gather3A_866 = tpu.vector_load_idx %arg7[%get3A_842, %broadcast_in_dim3A_865, %add3A_845] : memref<100x8x128xf32, #tpu.memory_space<vmem>>[vector<16xi32>, vector<16xi32>, vector<16xi32>], vector<16xf32>,
        %add3A_867 = arith.constant 131 : i32
        %add3A_868 = vector.broadcast %add3A_867 : i32 to vector<16xi32>
        %add3A_869 = arith.addi %mul3A_3, %add3A_868 : vector<16xi32>
        tpu.vector_store_idx %arg8[%add3A_869], %gather3A_866 : memref<1024xf32, #tpu.memory_space<vmem>>[vector<16xi32>], vector<16xf32>,
        %broadcast_in_dim3A_870 = arith.constant 4 : i32
        %broadcast_in_dim3A_871 = vector.broadcast %broadcast_in_dim3A_870 : i32 to vector<16xi32>
        %gather3A_872 = tpu.vector_load_idx %arg7[%get3A_842, %broadcast_in_dim3A_871, %add3A_845] : memref<100x8x128xf32, #tpu.memory_space<vmem>>[vector<16xi32>, vector<16xi32>, vector<16xi32>], vector<16xf32>,
        %add3A_873 = arith.constant 132 : i32
        %add3A_874 = vector.broadcast %add3A_873 : i32 to vector<16xi32>
        %add3A_875 = arith.addi %mul3A_3, %add3A_874 : vector<16xi32>
        tpu.vector_store_idx %arg8[%add3A_875], %gather3A_872 : memref<1024xf32, #tpu.memory_space<vmem>>[vector<16xi32>], vector<16xf32>,
        %broadcast_in_dim3A_876 = arith.constant 5 : i32
        %broadcast_in_dim3A_877 = vector.broadcast %broadcast_in_dim3A_876 : i32 to vector<16xi32>
        %gather3A_878 = tpu.vector_load_idx %arg7[%get3A_842, %broadcast_in_dim3A_877, %add3A_845] : memref<100x8x128xf32, #tpu.memory_space<vmem>>[vector<16xi32>, vector<16xi32>, vector<16xi32>], vector<16xf32>,
        %add3A_879 = arith.constant 133 : i32
        %add3A_880 = vector.broadcast %add3A_879 : i32 to vector<16xi32>
        %add3A_881 = arith.addi %mul3A_3, %add3A_880 : vector<16xi32>
        tpu.vector_store_idx %arg8[%add3A_881], %gather3A_878 : memref<1024xf32, #tpu.memory_space<vmem>>[vector<16xi32>], vector<16xf32>,
        %broadcast_in_dim3A_882 = arith.constant 6 : i32
        %broadcast_in_dim3A_883 = vector.broadcast %broadcast_in_dim3A_882 : i32 to vector<16xi32>
        %gather3A_884 = tpu.vector_load_idx %arg7[%get3A_842, %broadcast_in_dim3A_883, %add3A_845] : memref<100x8x128xf32, #tpu.memory_space<vmem>>[vector<16xi32>, vector<16xi32>, vector<16xi32>], vector<16xf32>,
        %add3A_885 = arith.constant 134 : i32
        %add3A_886 = vector.broadcast %add3A_885 : i32 to vector<16xi32>
        %add3A_887 = arith.addi %mul3A_3, %add3A_886 : vector<16xi32>
        tpu.vector_store_idx %arg8[%add3A_887], %gather3A_884 : memref<1024xf32, #tpu.memory_space<vmem>>[vector<16xi32>], vector<16xf32>,
        %broadcast_in_dim3A_888 = arith.constant 7 : i32
        %broadcast_in_dim3A_889 = vector.broadcast %broadcast_in_dim3A_888 : i32 to vector<16xi32>
        %gather3A_890 = tpu.vector_load_idx %arg7[%get3A_842, %broadcast_in_dim3A_889, %add3A_845] : memref<100x8x128xf32, #tpu.memory_space<vmem>>[vector<16xi32>, vector<16xi32>, vector<16xi32>], vector<16xf32>,
        %add3A_891 = arith.constant 135 : i32
        %add3A_892 = vector.broadcast %add3A_891 : i32 to vector<16xi32>
        %add3A_893 = arith.addi %mul3A_3, %add3A_892 : vector<16xi32>
        tpu.vector_store_idx %arg8[%add3A_893], %gather3A_890 : memref<1024xf32, #tpu.memory_space<vmem>>[vector<16xi32>], vector<16xf32>,
        %get3A_894 = arith.constant 32 : index
        %get3A_895 = tpu.vector_load %arg5[%get3A_894] {strides = array<i32>} : memref<128xi32, #tpu.memory_space<vmem>>, vector<16xi32>,
        %add3A_896 = arith.constant 32 : i32
        %add3A_897 = vector.broadcast %add3A_896 : i32 to vector<16xi32>
        %add3A_898 = arith.addi %add3A_897, %iota3A : vector<16xi32>
        %broadcast_in_dim3A_899 = arith.constant 0 : i32
        %broadcast_in_dim3A_900 = vector.broadcast %broadcast_in_dim3A_899 : i32 to vector<16xi32>
        %gather3A_901 = tpu.vector_load_idx %arg7[%get3A_895, %broadcast_in_dim3A_900, %add3A_898] : memref<100x8x128xf32, #tpu.memory_space<vmem>>[vector<16xi32>, vector<16xi32>, vector<16xi32>], vector<16xf32>,
        %add3A_902 = arith.constant 256 : i32
        %add3A_903 = vector.broadcast %add3A_902 : i32 to vector<16xi32>
        %add3A_904 = arith.addi %mul3A_3, %add3A_903 : vector<16xi32>
        tpu.vector_store_idx %arg8[%add3A_904], %gather3A_901 : memref<1024xf32, #tpu.memory_space<vmem>>[vector<16xi32>], vector<16xf32>,
        %broadcast_in_dim3A_905 = arith.constant 1 : i32
        %broadcast_in_dim3A_906 = vector.broadcast %broadcast_in_dim3A_905 : i32 to vector<16xi32>
        %gather3A_907 = tpu.vector_load_idx %arg7[%get3A_895, %broadcast_in_dim3A_906, %add3A_898] : memref<100x8x128xf32, #tpu.memory_space<vmem>>[vector<16xi32>, vector<16xi32>, vector<16xi32>], vector<16xf32>,
        %add3A_908 = arith.constant 257 : i32
        %add3A_909 = vector.broadcast %add3A_908 : i32 to vector<16xi32>
        %add3A_910 = arith.addi %mul3A_3, %add3A_909 : vector<16xi32>
        tpu.vector_store_idx %arg8[%add3A_910], %gather3A_907 : memref<1024xf32, #tpu.memory_space<vmem>>[vector<16xi32>], vector<16xf32>,
        %broadcast_in_dim3A_911 = arith.constant 2 : i32
        %broadcast_in_dim3A_912 = vector.broadcast %broadcast_in_dim3A_911 : i32 to vector<16xi32>
        %gather3A_913 = tpu.vector_load_idx %arg7[%get3A_895, %broadcast_in_dim3A_912, %add3A_898] : memref<100x8x128xf32, #tpu.memory_space<vmem>>[vector<16xi32>, vector<16xi32>, vector<16xi32>], vector<16xf32>,
        %add3A_914 = arith.constant 258 : i32
        %add3A_915 = vector.broadcast %add3A_914 : i32 to vector<16xi32>
        %add3A_916 = arith.addi %mul3A_3, %add3A_915 : vector<16xi32>
        tpu.vector_store_idx %arg8[%add3A_916], %gather3A_913 : memref<1024xf32, #tpu.memory_space<vmem>>[vector<16xi32>], vector<16xf32>,
        %broadcast_in_dim3A_917 = arith.constant 3 : i32
        %broadcast_in_dim3A_918 = vector.broadcast %broadcast_in_dim3A_917 : i32 to vector<16xi32>
        %gather3A_919 = tpu.vector_load_idx %arg7[%get3A_895, %broadcast_in_dim3A_918, %add3A_898] : memref<100x8x128xf32, #tpu.memory_space<vmem>>[vector<16xi32>, vector<16xi32>, vector<16xi32>], vector<16xf32>,
        %add3A_920 = arith.constant 259 : i32
        %add3A_921 = vector.broadcast %add3A_920 : i32 to vector<16xi32>
        %add3A_922 = arith.addi %mul3A_3, %add3A_921 : vector<16xi32>
        tpu.vector_store_idx %arg8[%add3A_922], %gather3A_919 : memref<1024xf32, #tpu.memory_space<vmem>>[vector<16xi32>], vector<16xf32>,
        %broadcast_in_dim3A_923 = arith.constant 4 : i32
        %broadcast_in_dim3A_924 = vector.broadcast %broadcast_in_dim3A_923 : i32 to vector<16xi32>
        %gather3A_925 = tpu.vector_load_idx %arg7[%get3A_895, %broadcast_in_dim3A_924, %add3A_898] : memref<100x8x128xf32, #tpu.memory_space<vmem>>[vector<16xi32>, vector<16xi32>, vector<16xi32>], vector<16xf32>,
        %add3A_926 = arith.constant 260 : i32
        %add3A_927 = vector.broadcast %add3A_926 : i32 to vector<16xi32>
        %add3A_928 = arith.addi %mul3A_3, %add3A_927 : vector<16xi32>
        tpu.vector_store_idx %arg8[%add3A_928], %gather3A_925 : memref<1024xf32, #tpu.memory_space<vmem>>[vector<16xi32>], vector<16xf32>,
        %broadcast_in_dim3A_929 = arith.constant 5 : i32
        %broadcast_in_dim3A_930 = vector.broadcast %broadcast_in_dim3A_929 : i32 to vector<16xi32>
        %gather3A_931 = tpu.vector_load_idx %arg7[%get3A_895, %broadcast_in_dim3A_930, %add3A_898] : memref<100x8x128xf32, #tpu.memory_space<vmem>>[vector<16xi32>, vector<16xi32>, vector<16xi32>], vector<16xf32>,
        %add3A_932 = arith.constant 261 : i32
        %add3A_933 = vector.broadcast %add3A_932 : i32 to vector<16xi32>
        %add3A_934 = arith.addi %mul3A_3, %add3A_933 : vector<16xi32>
        tpu.vector_store_idx %arg8[%add3A_934], %gather3A_931 : memref<1024xf32, #tpu.memory_space<vmem>>[vector<16xi32>], vector<16xf32>,
        %broadcast_in_dim3A_935 = arith.constant 6 : i32
        %broadcast_in_dim3A_936 = vector.broadcast %broadcast_in_dim3A_935 : i32 to vector<16xi32>
        %gather3A_937 = tpu.vector_load_idx %arg7[%get3A_895, %broadcast_in_dim3A_936, %add3A_898] : memref<100x8x128xf32, #tpu.memory_space<vmem>>[vector<16xi32>, vector<16xi32>, vector<16xi32>], vector<16xf32>,
        %add3A_938 = arith.constant 262 : i32
        %add3A_939 = vector.broadcast %add3A_938 : i32 to vector<16xi32>
        %add3A_940 = arith.addi %mul3A_3, %add3A_939 : vector<16xi32>
        tpu.vector_store_idx %arg8[%add3A_940], %gather3A_937 : memref<1024xf32, #tpu.memory_space<vmem>>[vector<16xi32>], vector<16xf32>,
        %broadcast_in_dim3A_941 = arith.constant 7 : i32
        %broadcast_in_dim3A_942 = vector.broadcast %broadcast_in_dim3A_941 : i32 to vector<16xi32>
        %gather3A_943 = tpu.vector_load_idx %arg7[%get3A_895, %broadcast_in_dim3A_942, %add3A_898] : memref<100x8x128xf32, #tpu.memory_space<vmem>>[vector<16xi32>, vector<16xi32>, vector<16xi32>], vector<16xf32>,
        %add3A_944 = arith.constant 263 : i32
        %add3A_945 = vector.broadcast %add3A_944 : i32 to vector<16xi32>
        %add3A_946 = arith.addi %mul3A_3, %add3A_945 : vector<16xi32>
        tpu.vector_store_idx %arg8[%add3A_946], %gather3A_943 : memref<1024xf32, #tpu.memory_space<vmem>>[vector<16xi32>], vector<16xf32>,
        %get3A_947 = arith.constant 48 : index
        %get3A_948 = tpu.vector_load %arg5[%get3A_947] {strides = array<i32>} : memref<128xi32, #tpu.memory_space<vmem>>, vector<16xi32>,
        %add3A_949 = arith.constant 48 : i32
        %add3A_950 = vector.broadcast %add3A_949 : i32 to vector<16xi32>
        %add3A_951 = arith.addi %add3A_950, %iota3A : vector<16xi32>
        %broadcast_in_dim3A_952 = arith.constant 0 : i32
        %broadcast_in_dim3A_953 = vector.broadcast %broadcast_in_dim3A_952 : i32 to vector<16xi32>
        %gather3A_954 = tpu.vector_load_idx %arg7[%get3A_948, %broadcast_in_dim3A_953, %add3A_951] : memref<100x8x128xf32, #tpu.memory_space<vmem>>[vector<16xi32>, vector<16xi32>, vector<16xi32>], vector<16xf32>,
        %add3A_955 = arith.constant 384 : i32
        %add3A_956 = vector.broadcast %add3A_955 : i32 to vector<16xi32>
        %add3A_957 = arith.addi %mul3A_3, %add3A_956 : vector<16xi32>
        tpu.vector_store_idx %arg8[%add3A_957], %gather3A_954 : memref<1024xf32, #tpu.memory_space<vmem>>[vector<16xi32>], vector<16xf32>,
        %broadcast_in_dim3A_958 = arith.constant 1 : i32
        %broadcast_in_dim3A_959 = vector.broadcast %broadcast_in_dim3A_958 : i32 to vector<16xi32>
        %gather3A_960 = tpu.vector_load_idx %arg7[%get3A_948, %broadcast_in_dim3A_959, %add3A_951] : memref<100x8x128xf32, #tpu.memory_space<vmem>>[vector<16xi32>, vector<16xi32>, vector<16xi32>], vector<16xf32>,
        %add3A_961 = arith.constant 385 : i32
        %add3A_962 = vector.broadcast %add3A_961 : i32 to vector<16xi32>
        %add3A_963 = arith.addi %mul3A_3, %add3A_962 : vector<16xi32>
        tpu.vector_store_idx %arg8[%add3A_963], %gather3A_960 : memref<1024xf32, #tpu.memory_space<vmem>>[vector<16xi32>], vector<16xf32>,
        %broadcast_in_dim3A_964 = arith.constant 2 : i32
        %broadcast_in_dim3A_965 = vector.broadcast %broadcast_in_dim3A_964 : i32 to vector<16xi32>
        %gather3A_966 = tpu.vector_load_idx %arg7[%get3A_948, %broadcast_in_dim3A_965, %add3A_951] : memref<100x8x128xf32, #tpu.memory_space<vmem>>[vector<16xi32>, vector<16xi32>, vector<16xi32>], vector<16xf32>,
        %add3A_967 = arith.constant 386 : i32
        %add3A_968 = vector.broadcast %add3A_967 : i32 to vector<16xi32>
        %add3A_969 = arith.addi %mul3A_3, %add3A_968 : vector<16xi32>
        tpu.vector_store_idx %arg8[%add3A_969], %gather3A_966 : memref<1024xf32, #tpu.memory_space<vmem>>[vector<16xi32>], vector<16xf32>,
        %broadcast_in_dim3A_970 = arith.constant 3 : i32
        %broadcast_in_dim3A_971 = vector.broadcast %broadcast_in_dim3A_970 : i32 to vector<16xi32>
        %gather3A_972 = tpu.vector_load_idx %arg7[%get3A_948, %broadcast_in_dim3A_971, %add3A_951] : memref<100x8x128xf32, #tpu.memory_space<vmem>>[vector<16xi32>, vector<16xi32>, vector<16xi32>], vector<16xf32>,
        %add3A_973 = arith.constant 387 : i32
        %add3A_974 = vector.broadcast %add3A_973 : i32 to vector<16xi32>
        %add3A_975 = arith.addi %mul3A_3, %add3A_974 : vector<16xi32>
        tpu.vector_store_idx %arg8[%add3A_975], %gather3A_972 : memref<1024xf32, #tpu.memory_space<vmem>>[vector<16xi32>], vector<16xf32>,
        %broadcast_in_dim3A_976 = arith.constant 4 : i32
        %broadcast_in_dim3A_977 = vector.broadcast %broadcast_in_dim3A_976 : i32 to vector<16xi32>
        %gather3A_978 = tpu.vector_load_idx %arg7[%get3A_948, %broadcast_in_dim3A_977, %add3A_951] : memref<100x8x128xf32, #tpu.memory_space<vmem>>[vector<16xi32>, vector<16xi32>, vector<16xi32>], vector<16xf32>,
        %add3A_979 = arith.constant 388 : i32
        %add3A_980 = vector.broadcast %add3A_979 : i32 to vector<16xi32>
        %add3A_981 = arith.addi %mul3A_3, %add3A_980 : vector<16xi32>
        tpu.vector_store_idx %arg8[%add3A_981], %gather3A_978 : memref<1024xf32, #tpu.memory_space<vmem>>[vector<16xi32>], vector<16xf32>,
        %broadcast_in_dim3A_982 = arith.constant 5 : i32
        %broadcast_in_dim3A_983 = vector.broadcast %broadcast_in_dim3A_982 : i32 to vector<16xi32>
        %gather3A_984 = tpu.vector_load_idx %arg7[%get3A_948, %broadcast_in_dim3A_983, %add3A_951] : memref<100x8x128xf32, #tpu.memory_space<vmem>>[vector<16xi32>, vector<16xi32>, vector<16xi32>], vector<16xf32>,
        %add3A_985 = arith.constant 389 : i32
        %add3A_986 = vector.broadcast %add3A_985 : i32 to vector<16xi32>
        %add3A_987 = arith.addi %mul3A_3, %add3A_986 : vector<16xi32>
        tpu.vector_store_idx %arg8[%add3A_987], %gather3A_984 : memref<1024xf32, #tpu.memory_space<vmem>>[vector<16xi32>], vector<16xf32>,
        %broadcast_in_dim3A_988 = arith.constant 6 : i32
        %broadcast_in_dim3A_989 = vector.broadcast %broadcast_in_dim3A_988 : i32 to vector<16xi32>
        %gather3A_990 = tpu.vector_load_idx %arg7[%get3A_948, %broadcast_in_dim3A_989, %add3A_951] : memref<100x8x128xf32, #tpu.memory_space<vmem>>[vector<16xi32>, vector<16xi32>, vector<16xi32>], vector<16xf32>,
        %add3A_991 = arith.constant 390 : i32
        %add3A_992 = vector.broadcast %add3A_991 : i32 to vector<16xi32>
        %add3A_993 = arith.addi %mul3A_3, %add3A_992 : vector<16xi32>
        tpu.vector_store_idx %arg8[%add3A_993], %gather3A_990 : memref<1024xf32, #tpu.memory_space<vmem>>[vector<16xi32>], vector<16xf32>,
        %broadcast_in_dim3A_994 = arith.constant 7 : i32
        %broadcast_in_dim3A_995 = vector.broadcast %broadcast_in_dim3A_994 : i32 to vector<16xi32>
        %gather3A_996 = tpu.vector_load_idx %arg7[%get3A_948, %broadcast_in_dim3A_995, %add3A_951] : memref<100x8x128xf32, #tpu.memory_space<vmem>>[vector<16xi32>, vector<16xi32>, vector<16xi32>], vector<16xf32>,
        %add3A_997 = arith.constant 391 : i32
        %add3A_998 = vector.broadcast %add3A_997 : i32 to vector<16xi32>
        %add3A_999 = arith.addi %mul3A_3, %add3A_998 : vector<16xi32>
        tpu.vector_store_idx %arg8[%add3A_999], %gather3A_996 : memref<1024xf32, #tpu.memory_space<vmem>>[vector<16xi32>], vector<16xf32>,
        %get3A_1000 = arith.constant 64 : index
        %get3A_1001 = tpu.vector_load %arg5[%get3A_1000] {strides = array<i32>} : memref<128xi32, #tpu.memory_space<vmem>>, vector<16xi32>,
        %add3A_1002 = arith.constant 64 : i32
        %add3A_1003 = vector.broadcast %add3A_1002 : i32 to vector<16xi32>
        %add3A_1004 = arith.addi %add3A_1003, %iota3A : vector<16xi32>
        %broadcast_in_dim3A_1005 = arith.constant 0 : i32
        %broadcast_in_dim3A_1006 = vector.broadcast %broadcast_in_dim3A_1005 : i32 to vector<16xi32>
        %gather3A_1007 = tpu.vector_load_idx %arg7[%get3A_1001, %broadcast_in_dim3A_1006, %add3A_1004] : memref<100x8x128xf32, #tpu.memory_space<vmem>>[vector<16xi32>, vector<16xi32>, vector<16xi32>], vector<16xf32>,
        %add3A_1008 = arith.constant 512 : i32
        %add3A_1009 = vector.broadcast %add3A_1008 : i32 to vector<16xi32>
        %add3A_1010 = arith.addi %mul3A_3, %add3A_1009 : vector<16xi32>
        tpu.vector_store_idx %arg8[%add3A_1010], %gather3A_1007 : memref<1024xf32, #tpu.memory_space<vmem>>[vector<16xi32>], vector<16xf32>,
        %broadcast_in_dim3A_1011 = arith.constant 1 : i32
        %broadcast_in_dim3A_1012 = vector.broadcast %broadcast_in_dim3A_1011 : i32 to vector<16xi32>
        %gather3A_1013 = tpu.vector_load_idx %arg7[%get3A_1001, %broadcast_in_dim3A_1012, %add3A_1004] : memref<100x8x128xf32, #tpu.memory_space<vmem>>[vector<16xi32>, vector<16xi32>, vector<16xi32>], vector<16xf32>,
        %add3A_1014 = arith.constant 513 : i32
        %add3A_1015 = vector.broadcast %add3A_1014 : i32 to vector<16xi32>
        %add3A_1016 = arith.addi %mul3A_3, %add3A_1015 : vector<16xi32>
        tpu.vector_store_idx %arg8[%add3A_1016], %gather3A_1013 : memref<1024xf32, #tpu.memory_space<vmem>>[vector<16xi32>], vector<16xf32>,
        %broadcast_in_dim3A_1017 = arith.constant 2 : i32
        %broadcast_in_dim3A_1018 = vector.broadcast %broadcast_in_dim3A_1017 : i32 to vector<16xi32>
        %gather3A_1019 = tpu.vector_load_idx %arg7[%get3A_1001, %broadcast_in_dim3A_1018, %add3A_1004] : memref<100x8x128xf32, #tpu.memory_space<vmem>>[vector<16xi32>, vector<16xi32>, vector<16xi32>], vector<16xf32>,
        %add3A_1020 = arith.constant 514 : i32
        %add3A_1021 = vector.broadcast %add3A_1020 : i32 to vector<16xi32>
        %add3A_1022 = arith.addi %mul3A_3, %add3A_1021 : vector<16xi32>
        tpu.vector_store_idx %arg8[%add3A_1022], %gather3A_1019 : memref<1024xf32, #tpu.memory_space<vmem>>[vector<16xi32>], vector<16xf32>,
        %broadcast_in_dim3A_1023 = arith.constant 3 : i32
        %broadcast_in_dim3A_1024 = vector.broadcast %broadcast_in_dim3A_1023 : i32 to vector<16xi32>
        %gather3A_1025 = tpu.vector_load_idx %arg7[%get3A_1001, %broadcast_in_dim3A_1024, %add3A_1004] : memref<100x8x128xf32, #tpu.memory_space<vmem>>[vector<16xi32>, vector<16xi32>, vector<16xi32>], vector<16xf32>,
        %add3A_1026 = arith.constant 515 : i32
        %add3A_1027 = vector.broadcast %add3A_1026 : i32 to vector<16xi32>
        %add3A_1028 = arith.addi %mul3A_3, %add3A_1027 : vector<16xi32>
        tpu.vector_store_idx %arg8[%add3A_1028], %gather3A_1025 : memref<1024xf32, #tpu.memory_space<vmem>>[vector<16xi32>], vector<16xf32>,
        %broadcast_in_dim3A_1029 = arith.constant 4 : i32
        %broadcast_in_dim3A_1030 = vector.broadcast %broadcast_in_dim3A_1029 : i32 to vector<16xi32>
        %gather3A_1031 = tpu.vector_load_idx %arg7[%get3A_1001, %broadcast_in_dim3A_1030, %add3A_1004] : memref<100x8x128xf32, #tpu.memory_space<vmem>>[vector<16xi32>, vector<16xi32>, vector<16xi32>], vector<16xf32>,
        %add3A_1032 = arith.constant 516 : i32
        %add3A_1033 = vector.broadcast %add3A_1032 : i32 to vector<16xi32>
        %add3A_1034 = arith.addi %mul3A_3, %add3A_1033 : vector<16xi32>
        tpu.vector_store_idx %arg8[%add3A_1034], %gather3A_1031 : memref<1024xf32, #tpu.memory_space<vmem>>[vector<16xi32>], vector<16xf32>,
        %broadcast_in_dim3A_1035 = arith.constant 5 : i32
        %broadcast_in_dim3A_1036 = vector.broadcast %broadcast_in_dim3A_1035 : i32 to vector<16xi32>
        %gather3A_1037 = tpu.vector_load_idx %arg7[%get3A_1001, %broadcast_in_dim3A_1036, %add3A_1004] : memref<100x8x128xf32, #tpu.memory_space<vmem>>[vector<16xi32>, vector<16xi32>, vector<16xi32>], vector<16xf32>,
        %add3A_1038 = arith.constant 517 : i32
        %add3A_1039 = vector.broadcast %add3A_1038 : i32 to vector<16xi32>
        %add3A_1040 = arith.addi %mul3A_3, %add3A_1039 : vector<16xi32>
        tpu.vector_store_idx %arg8[%add3A_1040], %gather3A_1037 : memref<1024xf32, #tpu.memory_space<vmem>>[vector<16xi32>], vector<16xf32>,
        %broadcast_in_dim3A_1041 = arith.constant 6 : i32
        %broadcast_in_dim3A_1042 = vector.broadcast %broadcast_in_dim3A_1041 : i32 to vector<16xi32>
        %gather3A_1043 = tpu.vector_load_idx %arg7[%get3A_1001, %broadcast_in_dim3A_1042, %add3A_1004] : memref<100x8x128xf32, #tpu.memory_space<vmem>>[vector<16xi32>, vector<16xi32>, vector<16xi32>], vector<16xf32>,
        %add3A_1044 = arith.constant 518 : i32
        %add3A_1045 = vector.broadcast %add3A_1044 : i32 to vector<16xi32>
        %add3A_1046 = arith.addi %mul3A_3, %add3A_1045 : vector<16xi32>
        tpu.vector_store_idx %arg8[%add3A_1046], %gather3A_1043 : memref<1024xf32, #tpu.memory_space<vmem>>[vector<16xi32>], vector<16xf32>,
        %broadcast_in_dim3A_1047 = arith.constant 7 : i32
        %broadcast_in_dim3A_1048 = vector.broadcast %broadcast_in_dim3A_1047 : i32 to vector<16xi32>
        %gather3A_1049 = tpu.vector_load_idx %arg7[%get3A_1001, %broadcast_in_dim3A_1048, %add3A_1004] : memref<100x8x128xf32, #tpu.memory_space<vmem>>[vector<16xi32>, vector<16xi32>, vector<16xi32>], vector<16xf32>,
        %add3A_1050 = arith.constant 519 : i32
        %add3A_1051 = vector.broadcast %add3A_1050 : i32 to vector<16xi32>
        %add3A_1052 = arith.addi %mul3A_3, %add3A_1051 : vector<16xi32>
        tpu.vector_store_idx %arg8[%add3A_1052], %gather3A_1049 : memref<1024xf32, #tpu.memory_space<vmem>>[vector<16xi32>], vector<16xf32>,
        %get3A_1053 = arith.constant 80 : index
        %get3A_1054 = tpu.vector_load %arg5[%get3A_1053] {strides = array<i32>} : memref<128xi32, #tpu.memory_space<vmem>>, vector<16xi32>,
        %add3A_1055 = arith.constant 80 : i32
        %add3A_1056 = vector.broadcast %add3A_1055 : i32 to vector<16xi32>
        %add3A_1057 = arith.addi %add3A_1056, %iota3A : vector<16xi32>
        %broadcast_in_dim3A_1058 = arith.constant 0 : i32
        %broadcast_in_dim3A_1059 = vector.broadcast %broadcast_in_dim3A_1058 : i32 to vector<16xi32>
        %gather3A_1060 = tpu.vector_load_idx %arg7[%get3A_1054, %broadcast_in_dim3A_1059, %add3A_1057] : memref<100x8x128xf32, #tpu.memory_space<vmem>>[vector<16xi32>, vector<16xi32>, vector<16xi32>], vector<16xf32>,
        %add3A_1061 = arith.constant 640 : i32
        %add3A_1062 = vector.broadcast %add3A_1061 : i32 to vector<16xi32>
        %add3A_1063 = arith.addi %mul3A_3, %add3A_1062 : vector<16xi32>
        tpu.vector_store_idx %arg8[%add3A_1063], %gather3A_1060 : memref<1024xf32, #tpu.memory_space<vmem>>[vector<16xi32>], vector<16xf32>,
        %broadcast_in_dim3A_1064 = arith.constant 1 : i32
        %broadcast_in_dim3A_1065 = vector.broadcast %broadcast_in_dim3A_1064 : i32 to vector<16xi32>
        %gather3A_1066 = tpu.vector_load_idx %arg7[%get3A_1054, %broadcast_in_dim3A_1065, %add3A_1057] : memref<100x8x128xf32, #tpu.memory_space<vmem>>[vector<16xi32>, vector<16xi32>, vector<16xi32>], vector<16xf32>,
        %add3A_1067 = arith.constant 641 : i32
        %add3A_1068 = vector.broadcast %add3A_1067 : i32 to vector<16xi32>
        %add3A_1069 = arith.addi %mul3A_3, %add3A_1068 : vector<16xi32>
        tpu.vector_store_idx %arg8[%add3A_1069], %gather3A_1066 : memref<1024xf32, #tpu.memory_space<vmem>>[vector<16xi32>], vector<16xf32>,
        %broadcast_in_dim3A_1070 = arith.constant 2 : i32
        %broadcast_in_dim3A_1071 = vector.broadcast %broadcast_in_dim3A_1070 : i32 to vector<16xi32>
        %gather3A_1072 = tpu.vector_load_idx %arg7[%get3A_1054, %broadcast_in_dim3A_1071, %add3A_1057] : memref<100x8x128xf32, #tpu.memory_space<vmem>>[vector<16xi32>, vector<16xi32>, vector<16xi32>], vector<16xf32>,
        %add3A_1073 = arith.constant 642 : i32
        %add3A_1074 = vector.broadcast %add3A_1073 : i32 to vector<16xi32>
        %add3A_1075 = arith.addi %mul3A_3, %add3A_1074 : vector<16xi32>
        tpu.vector_store_idx %arg8[%add3A_1075], %gather3A_1072 : memref<1024xf32, #tpu.memory_space<vmem>>[vector<16xi32>], vector<16xf32>,
        %broadcast_in_dim3A_1076 = arith.constant 3 : i32
        %broadcast_in_dim3A_1077 = vector.broadcast %broadcast_in_dim3A_1076 : i32 to vector<16xi32>
        %gather3A_1078 = tpu.vector_load_idx %arg7[%get3A_1054, %broadcast_in_dim3A_1077, %add3A_1057] : memref<100x8x128xf32, #tpu.memory_space<vmem>>[vector<16xi32>, vector<16xi32>, vector<16xi32>], vector<16xf32>,
        %add3A_1079 = arith.constant 643 : i32
        %add3A_1080 = vector.broadcast %add3A_1079 : i32 to vector<16xi32>
        %add3A_1081 = arith.addi %mul3A_3, %add3A_1080 : vector<16xi32>
        tpu.vector_store_idx %arg8[%add3A_1081], %gather3A_1078 : memref<1024xf32, #tpu.memory_space<vmem>>[vector<16xi32>], vector<16xf32>,
        %broadcast_in_dim3A_1082 = arith.constant 4 : i32
        %broadcast_in_dim3A_1083 = vector.broadcast %broadcast_in_dim3A_1082 : i32 to vector<16xi32>
        %gather3A_1084 = tpu.vector_load_idx %arg7[%get3A_1054, %broadcast_in_dim3A_1083, %add3A_1057] : memref<100x8x128xf32, #tpu.memory_space<vmem>>[vector<16xi32>, vector<16xi32>, vector<16xi32>], vector<16xf32>,
        %add3A_1085 = arith.constant 644 : i32
        %add3A_1086 = vector.broadcast %add3A_1085 : i32 to vector<16xi32>
        %add3A_1087 = arith.addi %mul3A_3, %add3A_1086 : vector<16xi32>
        tpu.vector_store_idx %arg8[%add3A_1087], %gather3A_1084 : memref<1024xf32, #tpu.memory_space<vmem>>[vector<16xi32>], vector<16xf32>,
        %broadcast_in_dim3A_1088 = arith.constant 5 : i32
        %broadcast_in_dim3A_1089 = vector.broadcast %broadcast_in_dim3A_1088 : i32 to vector<16xi32>
        %gather3A_1090 = tpu.vector_load_idx %arg7[%get3A_1054, %broadcast_in_dim3A_1089, %add3A_1057] : memref<100x8x128xf32, #tpu.memory_space<vmem>>[vector<16xi32>, vector<16xi32>, vector<16xi32>], vector<16xf32>,
        %add3A_1091 = arith.constant 645 : i32
        %add3A_1092 = vector.broadcast %add3A_1091 : i32 to vector<16xi32>
        %add3A_1093 = arith.addi %mul3A_3, %add3A_1092 : vector<16xi32>
        tpu.vector_store_idx %arg8[%add3A_1093], %gather3A_1090 : memref<1024xf32, #tpu.memory_space<vmem>>[vector<16xi32>], vector<16xf32>,
        %broadcast_in_dim3A_1094 = arith.constant 6 : i32
        %broadcast_in_dim3A_1095 = vector.broadcast %broadcast_in_dim3A_1094 : i32 to vector<16xi32>
        %gather3A_1096 = tpu.vector_load_idx %arg7[%get3A_1054, %broadcast_in_dim3A_1095, %add3A_1057] : memref<100x8x128xf32, #tpu.memory_space<vmem>>[vector<16xi32>, vector<16xi32>, vector<16xi32>], vector<16xf32>,
        %add3A_1097 = arith.constant 646 : i32
        %add3A_1098 = vector.broadcast %add3A_1097 : i32 to vector<16xi32>
        %add3A_1099 = arith.addi %mul3A_3, %add3A_1098 : vector<16xi32>
        tpu.vector_store_idx %arg8[%add3A_1099], %gather3A_1096 : memref<1024xf32, #tpu.memory_space<vmem>>[vector<16xi32>], vector<16xf32>,
        %broadcast_in_dim3A_1100 = arith.constant 7 : i32
        %broadcast_in_dim3A_1101 = vector.broadcast %broadcast_in_dim3A_1100 : i32 to vector<16xi32>
        %gather3A_1102 = tpu.vector_load_idx %arg7[%get3A_1054, %broadcast_in_dim3A_1101, %add3A_1057] : memref<100x8x128xf32, #tpu.memory_space<vmem>>[vector<16xi32>, vector<16xi32>, vector<16xi32>], vector<16xf32>,
        %add3A_1103 = arith.constant 647 : i32
        %add3A_1104 = vector.broadcast %add3A_1103 : i32 to vector<16xi32>
        %add3A_1105 = arith.addi %mul3A_3, %add3A_1104 : vector<16xi32>
        tpu.vector_store_idx %arg8[%add3A_1105], %gather3A_1102 : memref<1024xf32, #tpu.memory_space<vmem>>[vector<16xi32>], vector<16xf32>,
        %get3A_1106 = arith.constant 96 : index
        %get3A_1107 = tpu.vector_load %arg5[%get3A_1106] {strides = array<i32>} : memref<128xi32, #tpu.memory_space<vmem>>, vector<16xi32>,
        %add3A_1108 = arith.constant 96 : i32
        %add3A_1109 = vector.broadcast %add3A_1108 : i32 to vector<16xi32>
        %add3A_1110 = arith.addi %add3A_1109, %iota3A : vector<16xi32>
        %broadcast_in_dim3A_1111 = arith.constant 0 : i32
        %broadcast_in_dim3A_1112 = vector.broadcast %broadcast_in_dim3A_1111 : i32 to vector<16xi32>
        %gather3A_1113 = tpu.vector_load_idx %arg7[%get3A_1107, %broadcast_in_dim3A_1112, %add3A_1110] : memref<100x8x128xf32, #tpu.memory_space<vmem>>[vector<16xi32>, vector<16xi32>, vector<16xi32>], vector<16xf32>,
        %add3A_1114 = arith.constant 768 : i32
        %add3A_1115 = vector.broadcast %add3A_1114 : i32 to vector<16xi32>
        %add3A_1116 = arith.addi %mul3A_3, %add3A_1115 : vector<16xi32>
        tpu.vector_store_idx %arg8[%add3A_1116], %gather3A_1113 : memref<1024xf32, #tpu.memory_space<vmem>>[vector<16xi32>], vector<16xf32>,
        %broadcast_in_dim3A_1117 = arith.constant 1 : i32
        %broadcast_in_dim3A_1118 = vector.broadcast %broadcast_in_dim3A_1117 : i32 to vector<16xi32>
        %gather3A_1119 = tpu.vector_load_idx %arg7[%get3A_1107, %broadcast_in_dim3A_1118, %add3A_1110] : memref<100x8x128xf32, #tpu.memory_space<vmem>>[vector<16xi32>, vector<16xi32>, vector<16xi32>], vector<16xf32>,
        %add3A_1120 = arith.constant 769 : i32
        %add3A_1121 = vector.broadcast %add3A_1120 : i32 to vector<16xi32>
        %add3A_1122 = arith.addi %mul3A_3, %add3A_1121 : vector<16xi32>
        tpu.vector_store_idx %arg8[%add3A_1122], %gather3A_1119 : memref<1024xf32, #tpu.memory_space<vmem>>[vector<16xi32>], vector<16xf32>,
        %broadcast_in_dim3A_1123 = arith.constant 2 : i32
        %broadcast_in_dim3A_1124 = vector.broadcast %broadcast_in_dim3A_1123 : i32 to vector<16xi32>
        %gather3A_1125 = tpu.vector_load_idx %arg7[%get3A_1107, %broadcast_in_dim3A_1124, %add3A_1110] : memref<100x8x128xf32, #tpu.memory_space<vmem>>[vector<16xi32>, vector<16xi32>, vector<16xi32>], vector<16xf32>,
        %add3A_1126 = arith.constant 770 : i32
        %add3A_1127 = vector.broadcast %add3A_1126 : i32 to vector<16xi32>
        %add3A_1128 = arith.addi %mul3A_3, %add3A_1127 : vector<16xi32>
        tpu.vector_store_idx %arg8[%add3A_1128], %gather3A_1125 : memref<1024xf32, #tpu.memory_space<vmem>>[vector<16xi32>], vector<16xf32>,
        %broadcast_in_dim3A_1129 = arith.constant 3 : i32
        %broadcast_in_dim3A_1130 = vector.broadcast %broadcast_in_dim3A_1129 : i32 to vector<16xi32>
        %gather3A_1131 = tpu.vector_load_idx %arg7[%get3A_1107, %broadcast_in_dim3A_1130, %add3A_1110] : memref<100x8x128xf32, #tpu.memory_space<vmem>>[vector<16xi32>, vector<16xi32>, vector<16xi32>], vector<16xf32>,
        %add3A_1132 = arith.constant 771 : i32
        %add3A_1133 = vector.broadcast %add3A_1132 : i32 to vector<16xi32>
        %add3A_1134 = arith.addi %mul3A_3, %add3A_1133 : vector<16xi32>
        tpu.vector_store_idx %arg8[%add3A_1134], %gather3A_1131 : memref<1024xf32, #tpu.memory_space<vmem>>[vector<16xi32>], vector<16xf32>,
        %broadcast_in_dim3A_1135 = arith.constant 4 : i32
        %broadcast_in_dim3A_1136 = vector.broadcast %broadcast_in_dim3A_1135 : i32 to vector<16xi32>
        %gather3A_1137 = tpu.vector_load_idx %arg7[%get3A_1107, %broadcast_in_dim3A_1136, %add3A_1110] : memref<100x8x128xf32, #tpu.memory_space<vmem>>[vector<16xi32>, vector<16xi32>, vector<16xi32>], vector<16xf32>,
        %add3A_1138 = arith.constant 772 : i32
        %add3A_1139 = vector.broadcast %add3A_1138 : i32 to vector<16xi32>
        %add3A_1140 = arith.addi %mul3A_3, %add3A_1139 : vector<16xi32>
        tpu.vector_store_idx %arg8[%add3A_1140], %gather3A_1137 : memref<1024xf32, #tpu.memory_space<vmem>>[vector<16xi32>], vector<16xf32>,
        %broadcast_in_dim3A_1141 = arith.constant 5 : i32
        %broadcast_in_dim3A_1142 = vector.broadcast %broadcast_in_dim3A_1141 : i32 to vector<16xi32>
        %gather3A_1143 = tpu.vector_load_idx %arg7[%get3A_1107, %broadcast_in_dim3A_1142, %add3A_1110] : memref<100x8x128xf32, #tpu.memory_space<vmem>>[vector<16xi32>, vector<16xi32>, vector<16xi32>], vector<16xf32>,
        %add3A_1144 = arith.constant 773 : i32
        %add3A_1145 = vector.broadcast %add3A_1144 : i32 to vector<16xi32>
        %add3A_1146 = arith.addi %mul3A_3, %add3A_1145 : vector<16xi32>
        tpu.vector_store_idx %arg8[%add3A_1146], %gather3A_1143 : memref<1024xf32, #tpu.memory_space<vmem>>[vector<16xi32>], vector<16xf32>,
        %broadcast_in_dim3A_1147 = arith.constant 6 : i32
        %broadcast_in_dim3A_1148 = vector.broadcast %broadcast_in_dim3A_1147 : i32 to vector<16xi32>
        %gather3A_1149 = tpu.vector_load_idx %arg7[%get3A_1107, %broadcast_in_dim3A_1148, %add3A_1110] : memref<100x8x128xf32, #tpu.memory_space<vmem>>[vector<16xi32>, vector<16xi32>, vector<16xi32>], vector<16xf32>,
        %add3A_1150 = arith.constant 774 : i32
        %add3A_1151 = vector.broadcast %add3A_1150 : i32 to vector<16xi32>
        %add3A_1152 = arith.addi %mul3A_3, %add3A_1151 : vector<16xi32>
        tpu.vector_store_idx %arg8[%add3A_1152], %gather3A_1149 : memref<1024xf32, #tpu.memory_space<vmem>>[vector<16xi32>], vector<16xf32>,
        %broadcast_in_dim3A_1153 = arith.constant 7 : i32
        %broadcast_in_dim3A_1154 = vector.broadcast %broadcast_in_dim3A_1153 : i32 to vector<16xi32>
        %gather3A_1155 = tpu.vector_load_idx %arg7[%get3A_1107, %broadcast_in_dim3A_1154, %add3A_1110] : memref<100x8x128xf32, #tpu.memory_space<vmem>>[vector<16xi32>, vector<16xi32>, vector<16xi32>], vector<16xf32>,
        %add3A_1156 = arith.constant 775 : i32
        %add3A_1157 = vector.broadcast %add3A_1156 : i32 to vector<16xi32>
        %add3A_1158 = arith.addi %mul3A_3, %add3A_1157 : vector<16xi32>
        tpu.vector_store_idx %arg8[%add3A_1158], %gather3A_1155 : memref<1024xf32, #tpu.memory_space<vmem>>[vector<16xi32>], vector<16xf32>,
        %get3A_1159 = arith.constant 112 : index
        %get3A_1160 = tpu.vector_load %arg5[%get3A_1159] {strides = array<i32>} : memref<128xi32, #tpu.memory_space<vmem>>, vector<16xi32>,
        %add3A_1161 = arith.constant 112 : i32
        %add3A_1162 = vector.broadcast %add3A_1161 : i32 to vector<16xi32>
        %add3A_1163 = arith.addi %add3A_1162, %iota3A : vector<16xi32>
        %broadcast_in_dim3A_1164 = arith.constant 0 : i32
        %broadcast_in_dim3A_1165 = vector.broadcast %broadcast_in_dim3A_1164 : i32 to vector<16xi32>
        %gather3A_1166 = tpu.vector_load_idx %arg7[%get3A_1160, %broadcast_in_dim3A_1165, %add3A_1163] : memref<100x8x128xf32, #tpu.memory_space<vmem>>[vector<16xi32>, vector<16xi32>, vector<16xi32>], vector<16xf32>,
        %add3A_1167 = arith.constant 896 : i32
        %add3A_1168 = vector.broadcast %add3A_1167 : i32 to vector<16xi32>
        %add3A_1169 = arith.addi %mul3A_3, %add3A_1168 : vector<16xi32>
        tpu.vector_store_idx %arg8[%add3A_1169], %gather3A_1166 : memref<1024xf32, #tpu.memory_space<vmem>>[vector<16xi32>], vector<16xf32>,
        %broadcast_in_dim3A_1170 = arith.constant 1 : i32
        %broadcast_in_dim3A_1171 = vector.broadcast %broadcast_in_dim3A_1170 : i32 to vector<16xi32>
        %gather3A_1172 = tpu.vector_load_idx %arg7[%get3A_1160, %broadcast_in_dim3A_1171, %add3A_1163] : memref<100x8x128xf32, #tpu.memory_space<vmem>>[vector<16xi32>, vector<16xi32>, vector<16xi32>], vector<16xf32>,
        %add3A_1173 = arith.constant 897 : i32
        %add3A_1174 = vector.broadcast %add3A_1173 : i32 to vector<16xi32>
        %add3A_1175 = arith.addi %mul3A_3, %add3A_1174 : vector<16xi32>
        tpu.vector_store_idx %arg8[%add3A_1175], %gather3A_1172 : memref<1024xf32, #tpu.memory_space<vmem>>[vector<16xi32>], vector<16xf32>,
        %broadcast_in_dim3A_1176 = arith.constant 2 : i32
        %broadcast_in_dim3A_1177 = vector.broadcast %broadcast_in_dim3A_1176 : i32 to vector<16xi32>
        %gather3A_1178 = tpu.vector_load_idx %arg7[%get3A_1160, %broadcast_in_dim3A_1177, %add3A_1163] : memref<100x8x128xf32, #tpu.memory_space<vmem>>[vector<16xi32>, vector<16xi32>, vector<16xi32>], vector<16xf32>,
        %add3A_1179 = arith.constant 898 : i32
        %add3A_1180 = vector.broadcast %add3A_1179 : i32 to vector<16xi32>
        %add3A_1181 = arith.addi %mul3A_3, %add3A_1180 : vector<16xi32>
        tpu.vector_store_idx %arg8[%add3A_1181], %gather3A_1178 : memref<1024xf32, #tpu.memory_space<vmem>>[vector<16xi32>], vector<16xf32>,
        %broadcast_in_dim3A_1182 = arith.constant 3 : i32
        %broadcast_in_dim3A_1183 = vector.broadcast %broadcast_in_dim3A_1182 : i32 to vector<16xi32>
        %gather3A_1184 = tpu.vector_load_idx %arg7[%get3A_1160, %broadcast_in_dim3A_1183, %add3A_1163] : memref<100x8x128xf32, #tpu.memory_space<vmem>>[vector<16xi32>, vector<16xi32>, vector<16xi32>], vector<16xf32>,
        %add3A_1185 = arith.constant 899 : i32
        %add3A_1186 = vector.broadcast %add3A_1185 : i32 to vector<16xi32>
        %add3A_1187 = arith.addi %mul3A_3, %add3A_1186 : vector<16xi32>
        tpu.vector_store_idx %arg8[%add3A_1187], %gather3A_1184 : memref<1024xf32, #tpu.memory_space<vmem>>[vector<16xi32>], vector<16xf32>,
        %broadcast_in_dim3A_1188 = arith.constant 4 : i32
        %broadcast_in_dim3A_1189 = vector.broadcast %broadcast_in_dim3A_1188 : i32 to vector<16xi32>
        %gather3A_1190 = tpu.vector_load_idx %arg7[%get3A_1160, %broadcast_in_dim3A_1189, %add3A_1163] : memref<100x8x128xf32, #tpu.memory_space<vmem>>[vector<16xi32>, vector<16xi32>, vector<16xi32>], vector<16xf32>,
        %add3A_1191 = arith.constant 900 : i32
        %add3A_1192 = vector.broadcast %add3A_1191 : i32 to vector<16xi32>
        %add3A_1193 = arith.addi %mul3A_3, %add3A_1192 : vector<16xi32>
        tpu.vector_store_idx %arg8[%add3A_1193], %gather3A_1190 : memref<1024xf32, #tpu.memory_space<vmem>>[vector<16xi32>], vector<16xf32>,
        %broadcast_in_dim3A_1194 = arith.constant 5 : i32
        %broadcast_in_dim3A_1195 = vector.broadcast %broadcast_in_dim3A_1194 : i32 to vector<16xi32>
        %gather3A_1196 = tpu.vector_load_idx %arg7[%get3A_1160, %broadcast_in_dim3A_1195, %add3A_1163] : memref<100x8x128xf32, #tpu.memory_space<vmem>>[vector<16xi32>, vector<16xi32>, vector<16xi32>], vector<16xf32>,
        %add3A_1197 = arith.constant 901 : i32
        %add3A_1198 = vector.broadcast %add3A_1197 : i32 to vector<16xi32>
        %add3A_1199 = arith.addi %mul3A_3, %add3A_1198 : vector<16xi32>
        tpu.vector_store_idx %arg8[%add3A_1199], %gather3A_1196 : memref<1024xf32, #tpu.memory_space<vmem>>[vector<16xi32>], vector<16xf32>,
        %broadcast_in_dim3A_1200 = arith.constant 6 : i32
        %broadcast_in_dim3A_1201 = vector.broadcast %broadcast_in_dim3A_1200 : i32 to vector<16xi32>
        %gather3A_1202 = tpu.vector_load_idx %arg7[%get3A_1160, %broadcast_in_dim3A_1201, %add3A_1163] : memref<100x8x128xf32, #tpu.memory_space<vmem>>[vector<16xi32>, vector<16xi32>, vector<16xi32>], vector<16xf32>,
        %add3A_1203 = arith.constant 902 : i32
        %add3A_1204 = vector.broadcast %add3A_1203 : i32 to vector<16xi32>
        %add3A_1205 = arith.addi %mul3A_3, %add3A_1204 : vector<16xi32>
        tpu.vector_store_idx %arg8[%add3A_1205], %gather3A_1202 : memref<1024xf32, #tpu.memory_space<vmem>>[vector<16xi32>], vector<16xf32>,
        %broadcast_in_dim3A_1206 = arith.constant 7 : i32
        %broadcast_in_dim3A_1207 = vector.broadcast %broadcast_in_dim3A_1206 : i32 to vector<16xi32>
        %gather3A_1208 = tpu.vector_load_idx %arg7[%get3A_1160, %broadcast_in_dim3A_1207, %add3A_1163] : memref<100x8x128xf32, #tpu.memory_space<vmem>>[vector<16xi32>, vector<16xi32>, vector<16xi32>], vector<16xf32>,
        %add3A_1209 = arith.constant 903 : i32
        %add3A_1210 = vector.broadcast %add3A_1209 : i32 to vector<16xi32>
        %add3A_1211 = arith.addi %mul3A_3, %add3A_1210 : vector<16xi32>
        tpu.vector_store_idx %arg8[%add3A_1211], %gather3A_1208 : memref<1024xf32, #tpu.memory_space<vmem>>[vector<16xi32>], vector<16xf32>,
        %add3A_1212 = arith.constant 128 : i32
        %add3A_1213 = arith.addi %multiple_of3A, %add3A_1212 : i32
        %le3A_1214 = arith.constant 100000 : i32
        %le3A_1215 = arith.cmpi sle, %add3A_1213, %le3A_1214 : i32
        %convert_element_type3A_1216 = arith.extui %le3A_1215 : i1 to i32
        %cond3A_1217 = arith.constant 0 : i32
        %cond3A_1218 = arith.cmpi ne, %convert_element_type3A_1216, %cond3A_1217 : i32
        scf.if %cond3A_1218 {
          %mul3A_1226 = arith.constant 8 : i32
          %mul3A_1227 = arith.muli %multiple_of3A, %mul3A_1226 : i32
          %dma_start3A = tpu.memref_slice %arg4[%mul3A_1227] : memref<800000xf32, #tpu.memory_space<hbm>> -> memref<1024xf32, #tpu.memory_space<hbm>>
          %dma_start3A_1228 = tpu.memref_slice %arg4[%mul3A_1227] : memref<800000xf32, #tpu.memory_space<hbm>> -> memref<1024xf32, #tpu.memory_space<hbm>>
          tpu.enqueue_dma source(%arg8 : memref<1024xf32, #tpu.memory_space<vmem>>) target(%dma_start3A_1228 : memref<1024xf32, #tpu.memory_space<hbm>>) target_semaphore(%arg10 : memref<!tpu.dma_semaphore, #tpu.memory_space<semaphore_mem>>)
          %dma_wait3A = tpu.memref_slice %arg4[%mul3A_1227] : memref<800000xf32, #tpu.memory_space<hbm>> -> memref<1024xf32, #tpu.memory_space<hbm>>
          %dma_wait3A_1229 = tpu.memref_slice %arg4[%mul3A_1227] : memref<800000xf32, #tpu.memory_space<hbm>> -> memref<1024xf32, #tpu.memory_space<hbm>>
          tpu.wait_dma2 semaphore(%arg10 : memref<!tpu.dma_semaphore, #tpu.memory_space<semaphore_mem>>) src(%arg8 : memref<1024xf32, #tpu.memory_space<vmem>>) dst(%dma_wait3A_1229 : memref<1024xf32, #tpu.memory_space<hbm>>)
        } else {
        }
        %add3A_1219 = arith.constant 128 : i32
        %add3A_1220 = arith.addi %multiple_of3A, %add3A_1219 : i32
        %gt3A_1221 = arith.constant 100000 : i32
        %gt3A_1222 = arith.cmpi sgt, %add3A_1220, %gt3A_1221 : i32
        %convert_element_type3A_1223 = arith.extui %gt3A_1222 : i1 to i32
        %cond3A_1224 = arith.constant 0 : i32
        %cond3A_1225 = arith.cmpi ne, %convert_element_type3A_1223, %cond3A_1224 : i32
        scf.if %cond3A_1225 {
          %mul3A_1226 = arith.constant 8 : i32
          %mul3A_1227 = arith.muli %multiple_of3A, %mul3A_1226 : i32
          %dma_start3A = arith.constant 0 : i32
          %dma_start3A_1228 = tpu.memref_slice %arg8[%dma_start3A] : memref<1024xf32, #tpu.memory_space<vmem>> -> memref<256xf32, #tpu.memory_space<vmem>>
          %dma_start3A_1229 = tpu.memref_slice %arg4[%mul3A_1227] : memref<800000xf32, #tpu.memory_space<hbm>> -> memref<256xf32, #tpu.memory_space<hbm>>
          %dma_start3A_1230 = tpu.memref_slice %arg4[%mul3A_1227] : memref<800000xf32, #tpu.memory_space<hbm>> -> memref<256xf32, #tpu.memory_space<hbm>>
          %dma_start3A_1231 = arith.constant 0 : i32
          %dma_start3A_1232 = tpu.memref_slice %arg8[%dma_start3A_1231] : memref<1024xf32, #tpu.memory_space<vmem>> -> memref<256xf32, #tpu.memory_space<vmem>>
          tpu.enqueue_dma source(%dma_start3A_1232 : memref<256xf32, #tpu.memory_space<vmem>>) target(%dma_start3A_1230 : memref<256xf32, #tpu.memory_space<hbm>>) target_semaphore(%arg10 : memref<!tpu.dma_semaphore, #tpu.memory_space<semaphore_mem>>)
          %dma_wait3A = arith.constant 0 : i32
          %dma_wait3A_1233 = tpu.memref_slice %arg8[%dma_wait3A] : memref<1024xf32, #tpu.memory_space<vmem>> -> memref<256xf32, #tpu.memory_space<vmem>>
          %dma_wait3A_1234 = tpu.memref_slice %arg4[%mul3A_1227] : memref<800000xf32, #tpu.memory_space<hbm>> -> memref<256xf32, #tpu.memory_space<hbm>>
          %dma_wait3A_1235 = tpu.memref_slice %arg4[%mul3A_1227] : memref<800000xf32, #tpu.memory_space<hbm>> -> memref<256xf32, #tpu.memory_space<hbm>>
          %dma_wait3A_1236 = arith.constant 0 : i32
          %dma_wait3A_1237 = tpu.memref_slice %arg8[%dma_wait3A_1236] : memref<1024xf32, #tpu.memory_space<vmem>> -> memref<256xf32, #tpu.memory_space<vmem>>
          tpu.wait_dma2 semaphore(%arg10 : memref<!tpu.dma_semaphore, #tpu.memory_space<semaphore_mem>>) src(%dma_wait3A_1237 : memref<256xf32, #tpu.memory_space<vmem>>) dst(%dma_wait3A_1235 : memref<256xf32, #tpu.memory_space<hbm>>)
        } else {
        }
      } else {
      }
    }
    %scan3A_11 = arith.constant 25 : i32
    return
  }
}

</mosaic_0001>

<sc_bundles>
// kernel: kernel.3.cloned.1.call-start
scs
__scs_entry_jumppad:
0x0: {  	(pc) =	sbr.rel $0x88, $3  }
0x1: {  	(tag) =	ssettag $0x0;
	lr =	simm.s32 $0x1  }
0x2: {  	[smem:$0x3F9F] =	sst lr;
	_ =	strace $0xD0000000  }
0x3: {  	_ = 	snop  }
0x4: {  	_ = 	snop  }
0x5: {  	_ = 	snop  }
0x6: {  	_ = 	snop  }
0x7: {  	_ = 	snop  }
__scs_overlays_trampoline_lowered:
0x8: {  	[smem:$0x3FAE] =	sst s0  }
0x9: {  	[smem:$0x3FAF] =	sst s1  }
0xa: {  	[smem:$0x3FB0] =	sst s2  }
0xb: {  	[smem:$0x3FB1] =	sst s3  }
0xc: {  	[smem:$0x3FB2] =	sst s4  }
0xd: {  	[smem:$0x3FB3] =	sst s5  }
0xe: {  	[smem:$0x3FB4] =	sst s6  }
0xf: {  	[smem:$0x3FB5] =	sst s7  }
0x10: {  	[smem:$0x3FB6] =	sst s8  }
0x11: {  	[smem:$0x3FB7] =	sst s9;
	s0 =	simm.s32 @!p0 $0x0  }
0x12: {  	s1 =	sld [smem:$0x3F9D];
	s0 =	simm.s32 @p0 $0x1  }
0x13: {  	[smem:$0x3FB8] =	sst s0;
	s0 =	simm.s32 @!p1 $0x0  }
0x14: {  	s2 =	sld [smem:$0x3F9C];
	s0 =	simm.s32 @p1 $0x1  }
0x15: {  	[smem:$0x3FB9] =	sst s0;
	s0 =	simm.s32 @!p2 $0x0  }
0x16: {  	s3 =	sld [smem:$0x3FDB];
	s0 =	simm.s32 @p2 $0x1  }
0x17: {  	s4 =	simm.s32 $0x1BF5;
	[smem:$0x3FBB] =	sst s0  }
0x18: {  	s0 =	sld [smem:$0x3F9E];
	_ =	swait.ge [sflag:s4], $0x0  }
0x19: {  	s7 =	sld [smem:$0x3F9F]  }
0x1a: {  	s8 =	sadd.s32 $0xFFFFE003, lr  }
0x1b: {  	s9 =	sadd.s32 $0xFFFFFEF7, lr;
	s5 =	simm.s32 $0xFFFFFFFF;
	p2 =	slt.u32 s8, $0xFFFFF086  }
0x1c: {  	p1 =	slt.u32 s9, $0xF7A;
	s5 =	simm.s32 @!p2 $0x0  }
0x1d: {  	s5 =	simm.s32 @p1 $0x1;
	p0 =	seq.s32 s7, s2  }
0x1e: {  	s7 =	smul.u32 @!p0 $0xF7A, s2;
	p2 =	seq.s32 @!p0 s5, $0x0  }
0x1f: {  	s9 =	smul.u32 $0xF7A, s1;
	s8 =	simm.s32 @!p0 $0x1BF5;
	p2 =	por !p2, p0  }
0x20: {  	[sflag:s8] =	ssyncset.s32 @!p0 $0xFFFFF086;
	s6 =	sadd.s32 @!p0 s3, s7;
	s7 =	simm.s32 @!p0 $0x108  }
0x21: {  	s3 =	sadd.s32 s3, s9;
	s6 =	sadd.s32 @!p0 $0x88, s6;
	s7 =	simm.s32 @p2 $0x1082  }
0x22: {  	[simem:s7], [sflag:s8] =	dma.local @!p0 [hbm:s6], $0xF7A  }
0x23: {  	s9 =	sor.u32 $0xD0000000, s2;
	s6 =	simm.s32 $0x108;
	_ =	swait.ge @!p0 [sflag:s8], $0x0  }
0x24: {  	s3 =	sadd.s32 $0x88, s3;
	s6 =	simm.s32 @!p1 $0x1082;
	[sflag:s4] =	ssyncset.s32 $0xFFFFF086  }
0x25: {  	[simem:s6], [sflag:s4] =	dma.local [hbm:s3], $0xF7A  }
0x26: {  	[smem:$0x3F9F] =	sst s1;
	(tag) =	ssettag s2;
	_ =	strace s9  }
0x27: {  	s1 =	sld [smem:$0x3FAF]  }
0x28: {  	s2 =	sld [smem:$0x3FB0]  }
0x29: {  	s4 =	sld [smem:$0x3FB2]  }
0x2a: {  	p0 =	seq.s32 s5, $0x0;
	s5 =	sld [smem:$0x3FB3]  }
0x2b: {  	s6 =	sld [smem:$0x3FB4]  }
0x2c: {  	s7 =	sld [smem:$0x3FB5]  }
0x2d: {  	s3 =	simm.s32 $0x108;
	s8 =	sld [smem:$0x3FB6]  }
0x2e: {  	s3 =	simm.s32 @!p0 $0x1082;
	s9 =	sld [smem:$0x3FB7]  }
0x2f: {  	lr =	sadd.s32 s0, s3;
	s0 =	sld [smem:$0x3FAE]  }
0x30: {  	s3 =	sld [smem:$0x3FB1]  }
0x31: {  	[smem:$0x3FBA] =	sst s10  }
0x32: {  	s10 =	sld [smem:$0x3FB8];
	_ =	sdelay $0x3  }
0x33: {  	p0 =	seq.s32 s10, $0x1;
	s10 =	sld [smem:$0x3FBA];
	_ =	sdelay $0x3  }
0x34: {  	[smem:$0x3FBA] =	sst s10  }
0x35: {  	s10 =	sld [smem:$0x3FB9];
	_ =	sdelay $0x3  }
0x36: {  	p1 =	seq.s32 s10, $0x1;
	s10 =	sld [smem:$0x3FBA];
	_ =	sdelay $0x3  }
0x37: {  	[smem:$0x3FBA] =	sst s10  }
0x38: {  	s10 =	sld [smem:$0x3FBB]  }
0x39: {  	_ = 	snop;
	(pc) =	sbr.ind lr, $3  }
0x3a: {  	_ = 	snop  }
0x3b: {  	_ = 	snop  }
0x3c: {  	p2 =	seq.s32 s10, $0x1;
	s10 =	sld [smem:$0x3FBA]  }
0x3d: {  	_ =	shalt  }
0x3e: {  	_ =	shalt  }
0x3f: {  	_ =	shalt  }
0x40: {  	_ =	shalt  }
0x41: {  	_ =	shalt  }
0x42: {  	_ =	shalt  }
0x43: {  	_ =	shalt  }
0x44: {  	_ =	shalt  }
0x45: {  	_ =	shalt  }
0x46: {  	_ =	shalt  }
0x47: {  	_ =	shalt  }
0x48: {  	_ =	shalt  }
0x49: {  	_ =	shalt  }
0x4a: {  	_ =	shalt  }
0x4b: {  	_ =	shalt  }
0x4c: {  	_ =	shalt  }
0x4d: {  	_ =	shalt  }
0x4e: {  	_ =	shalt  }
0x4f: {  	_ =	shalt  }
0x50: {  	_ =	shalt  }
0x51: {  	_ =	shalt  }
0x52: {  	_ =	shalt  }
0x53: {  	_ =	shalt  }
0x54: {  	_ =	shalt  }
0x55: {  	_ =	shalt  }
0x56: {  	_ =	shalt  }
0x57: {  	_ =	shalt  }
0x58: {  	_ =	shalt  }
0x59: {  	_ =	shalt  }
0x5a: {  	_ =	shalt  }
0x5b: {  	_ =	shalt  }
0x5c: {  	_ =	shalt  }
0x5d: {  	_ =	shalt  }
0x5e: {  	_ =	shalt  }
0x5f: {  	_ =	shalt  }
0x60: {  	_ =	shalt  }
0x61: {  	_ =	shalt  }
0x62: {  	_ =	shalt  }
0x63: {  	_ =	shalt  }
0x64: {  	_ =	shalt  }
0x65: {  	_ =	shalt  }
0x66: {  	_ =	shalt  }
0x67: {  	_ =	shalt  }
0x68: {  	_ =	shalt  }
0x69: {  	_ =	shalt  }
0x6a: {  	_ =	shalt  }
0x6b: {  	_ =	shalt  }
0x6c: {  	_ =	shalt  }
0x6d: {  	_ =	shalt  }
0x6e: {  	_ =	shalt  }
0x6f: {  	_ =	shalt  }
0x70: {  	_ =	shalt  }
0x71: {  	_ =	shalt  }
0x72: {  	_ =	shalt  }
0x73: {  	_ =	shalt  }
0x74: {  	_ =	shalt  }
0x75: {  	_ =	shalt  }
0x76: {  	_ =	shalt  }
0x77: {  	_ =	shalt  }
0x78: {  	_ =	shalt  }
0x79: {  	_ =	shalt  }
0x7a: {  	_ =	shalt  }
0x7b: {  	_ =	shalt  }
0x7c: {  	_ =	shalt  }
0x7d: {  	_ =	shalt  }
0x7e: {  	_ =	shalt  }
0x7f: {  	_ =	shalt  }
0x80: {  	_ =	shalt  }
0x81: {  	_ =	shalt  }
0x82: {  	_ =	shalt  }
0x83: {  	_ =	shalt  }
0x84: {  	_ =	shalt  }
0x85: {  	_ =	shalt  }
0x86: {  	_ =	shalt  }
0x87: {  	_ =	shalt  }
.Lfunc_end0:
.L_simem_size_0:
called_computation_lowered:
.L_overlay_start_0:
0x88: {  	s2 =	sld [smem:$0x3FD9]  }
0x89: {  	s3 =	sld [smem:$0x3FFE];
	_ =	sdelay $0x1  }
0x8a: {  	s1 =	srdreg.scid  }
0x8b: {  	s0 =	sand.u32 $0x1, s1  }
0x8c: {  	s18 =	sshll.u32 s0, $0xA;
	s2 =	sadd.s32 s3, s2  }
0x8d: {  	s2 =	sadd.s32 s2, s18  }
0x8e: {  	[smem:$0x3FC6] =	sst s2  }
0x8f: {  	_ = 	snop  }
0x90: {  	s2 =	sld [smem:$0x3FC9]  }
0x91: {  	s19 =	sld [smem:$0x3FC8]  }
0x92: {  	s4 =	sld [smem:$0x3FD0];
	(tm) =	ssettm $0x1  }
0x93: {  	s5 =	sld [smem:$0x3FFB];
	_ =	sdelay $0x3  }
0x94: {  	_ =	strace s5  }
0x95: {  	s5 =	sld [smem:$0x3FFC];
	_ =	sdelay $0x3  }
0x96: {  	_ =	strace s5  }
0x97: {  	s5 =	sld [smem:$0x3FFD];
	_ =	sdelay $0x3  }
0x98: {  	_ =	strace s5  }
0x99: {  	_ =	strace $0x8FFFFFFF  }
0x9a: {  	s20 =	sld [smem:$0x3FDB];
	_ =	sdelay $0x1  }
0x9b: {  	s6 =	simm.s32 $_scs_section_size  }
0x9c: {  	s7 =	simm.s32 $_size__tile_overlayer_lowered;
	s8 =	simm.s32 $_tile_overlayer_lowered  }
0x9d: {  	s23 =	simm.s32 $0x1BFF;
	s22 =	sshll.u32 s8, $0x1;
	s5 =	sadd.s32 s6, s20  }
0x9e: {  	s9 =	simm.s32 $0x0;
	s21 =	sshll.u32 s7, $0x1;
	s7 =	sadd.s32 s22, s5  }
0x9f: {  	[timem:s9], [sflag:s23] =	dma.local [hbm:s7], s21  }
0xa0: {  	_ =	swait.ge [sflag:s23], s21  }
0xa1: {  	s6 =	ssub.s32 $0x0, s21;
	[sflag:s23] =	ssyncset.done $0x0  }
0xa2: {  	[sflag:s23] =	ssyncadd.s32 s6;
	_ =	sdelay $0x1  }
0xa3: {  	s24 =	simm.s32 $0x1B8B  }
0xa4: {  	_ =	swait.ge [sflag:s24], $0x1  }
0xa5: {  	[sflag:s24] =	ssyncset.done $0x0  }
0xa6: {  	s25 =	simm.s32 $0x1B8E;
	[sflag:s24] =	ssyncadd.s32 $0xFFFFFFFF  }
0xa7: {  	s26 =	simm.s32 $execute0_lowered;
	[smem:$0x3FD2] =	sst s25  }
0xa8: {  	s6 =	sshll.u32 s26, $0x1;
	_ =	strace $0x80000046;
	[dreg:$0x1] =	wrdreg $0xFFFFFFFF  }
0xa9: {  	s28 =	simm.s32 $_size_execute0_lowered;
	s5 =	sadd.s32 s5, s6;
	[dreg:$0x0] =	wrdreg $0x0  }
0xaa: {  	s6 =	sshll.u32 s28, $0x1;
	[dreg:$0x2] =	wrdreg s5  }
0xab: {  	[dreg:$0x3] =	wrdreg s6  }
0xac: {  	[dreg:$0x4] =	wrdreg $0xC0  }
0xad: {  	_ =	task [dreg:s9], $0x5FFFF  }
0xae: {  	[dreg:$0x1] =	wrdreg $0xFFFFFFFF  }
0xaf: {  	[dreg:$0x0] =	wrdreg $0x60  }
0xb0: {  	[dreg:$0x2] =	wrdreg s19  }
0xb1: {  	[dreg:$0x3] =	wrdreg s2  }
0xb2: {  	[dreg:$0x4] =	wrdreg s4  }
0xb3: {  	[dreg:$0x5] =	wrdreg $0x9  }
0xb4: {  	_ =	task.clear_ibuf [dreg:s9], $0x6FFFF;
	_ =	strace $0x90000046  }
0xb5: {  	s29 =	simm.s32 $0x9;
	_ =	strace $0x80000048  }
0xb6: {  	_ =	swait.ge [sflag:s29], $0x1  }
0xb7: {  	[sflag:s29] =	ssyncadd.s32 $0xFFFFFFFF  }
0xb8: {  	_ =	strace $0x90000048  }
0xb9: {  	_ =	sfence  }
0xba: {  	s30 =	sld [smem:$0x0];
	_ =	sdelay $0x2  }
0xbb: {  	s31 =	sshll.u32 s1, $0xD;
	s1 =	sshrl.u32 s1, $0x2  }
0xbc: {  	s3 =	sand.u32 $0x4000, s31;
	s1 =	sadd.s32 s1, s30  }
0xbd: {  	s0 =	sor.u32 s3, s0;
	s1 =	sshll.u32 s1, $0x11  }
0xbe: {  	s0 =	sor.u32 s1, s0  }
0xbf: {  	s0 =	sadd.s32 $0x8F2B, s0  }
0xc0: {  	[sflag:s0] =	ssyncadd.remote.s32 $0x1  }
0xc1: {  	_ =	sfence.sel $0xFFFF  }
0xc2: {  	[dreg:$0x0] =	wrdreg $0xFFFFFFFF;
	(pc) =	sbr.abs _section_cstart, $3  }
0xc3: {  	[dreg:$0x1] =	wrdreg $0xFFFFFFFF  }
0xc4: {  	_ =	task.clear_ibuf [dreg:s9], $0x2FFFF;
	_ =	strace $0x9FFFFFFF  }
0xc5: {  	(tm) =	ssettm $0x7FFFFFFF  }
tec
execute0_lowered:
.L_overlay_start_1:
0x0: {  	(tag) =	ssettag $0x1  }
0x1: {  	s11 =	rddreg [dreg:$0x0];
	s16 =	simm.s32 $0x0  }
0x2: {  	[smem:$0x7FF] =	sst s16;
	s10 =	sadd.s32 $0x30E00, s11  }
0x3: {  	s12 =	sadd.s32 $0x49500, s11;
	_ =	strace $0x80000047;
	[dreg:$0x6] =	wrdreg s10  }
0x4: {  	s13 =	sadd.s32 $0x61C00, s11;
	[dreg:$0x7] =	wrdreg s12  }
0x5: {  	s14 =	sadd.s32 $0x7A300, s11;
	[dreg:$0x8] =	wrdreg s13  }
0x6: {  	s15 =	sadd.s32 $0x92A00, s11;
	[dreg:$0x9] =	wrdreg s14  }
0x7: {  	s17 =	sadd.s32 $0xAB100, s11;
	[dreg:$0xa] =	wrdreg s15  }
0x8: {  	s18 =	sadd.s32 $0xC3800, s11;
	[dreg:$0xb] =	wrdreg s17  }
0x9: {  	s19 =	sadd.s32 $0xDBF00, s11;
	[dreg:$0xc] =	wrdreg s18  }
0xa: {  	s20 =	sadd.s32 $0xF4600, s11;
	[dreg:$0xd] =	wrdreg s19  }
0xb: {  	s21 =	sadd.s32 $0x10CD00, s11;
	[dreg:$0xe] =	wrdreg s20  }
0xc: {  	s22 =	sadd.s32 $0x125400, s11;
	[dreg:$0xf] =	wrdreg s21  }
0xd: {  	s23 =	sadd.s32 $0x13DB00, s11;
	[dreg:$0x10] =	wrdreg s22  }
0xe: {  	s24 =	sadd.s32 $0x156200, s11;
	[dreg:$0x11] =	wrdreg s23  }
0xf: {  	s25 =	sadd.s32 $0x16E900, s11;
	[dreg:$0x12] =	wrdreg s24  }
0x10: {  	s26 =	sadd.s32 $0x19F700, s11;
	[dreg:$0x13] =	wrdreg s25  }
0x11: {  	s1 =	sadd.s32 $0x1B7E00, s11;
	[dreg:$0x14] =	wrdreg s26  }
0x12: {  	s2 =	sadd.s32 $0x1D0500, s11;
	[dreg:$0x15] =	wrdreg s1  }
0x13: {  	s3 =	sadd.s32 $0x1E8C00, s11;
	[dreg:$0x16] =	wrdreg s2  }
0x14: {  	s4 =	sadd.s32 $0x201300, s11;
	[dreg:$0x17] =	wrdreg s3  }
0x15: {  	s5 =	sadd.s32 $0x219A00, s11;
	[dreg:$0x18] =	wrdreg s4  }
0x16: {  	s6 =	sadd.s32 $0x232100, s11;
	[dreg:$0x19] =	wrdreg s5  }
0x17: {  	s7 =	sadd.s32 $0x24A800, s11;
	[dreg:$0x1a] =	wrdreg s6  }
0x18: {  	s8 =	sadd.s32 $0x262F00, s11;
	[dreg:$0x1b] =	wrdreg s7  }
0x19: {  	s9 =	sadd.s32 $0x27B600, s11;
	[dreg:$0x1c] =	wrdreg s8  }
0x1a: {  	[dreg:$0x1d] =	wrdreg s9;
	s10 =	sadd.s32 $0x293D00, s11  }
0x1b: {  	s12 =	sadd.s32 $0x2AC400, s11;
	[dreg:$0x1e] =	wrdreg s10  }
0x1c: {  	s13 =	sadd.s32 $0x2C4B00, s11;
	[dreg:$0x1f] =	wrdreg s12  }
0x1d: {  	s14 =	sadd.s32 $0x2DD200, s11;
	[smem:$0x7C8] =	sst s13  }
0x1e: {  	s15 =	sadd.s32 $0x2F5900, s11;
	[smem:$0x7C9] =	sst s14  }
0x1f: {  	s28 =	sadd.s32 $0x835A00, s11;
	s17 =	sadd.s32 $0x187000, s11;
	[smem:$0x7CA] =	sst s15  }
0x20: {  	s29 =	sadd.s32 $0x84E100, s11;
	s18 =	sadd.s32 $0x30E000, s11;
	[smem:$0x7CB] =	sst s17  }
0x21: {  	s19 =	sadd.s32 $0x326700, s11;
	[smem:$0x7CC] =	sst s18  }
0x22: {  	s20 =	sadd.s32 $0x33EE00, s11;
	[smem:$0x7CD] =	sst s19  }
0x23: {  	s21 =	sadd.s32 $0x357500, s11;
	[smem:$0x7CE] =	sst s20  }
0x24: {  	s22 =	sadd.s32 $0x36FC00, s11;
	[smem:$0x7CF] =	sst s21  }
0x25: {  	s23 =	sadd.s32 $0x388300, s11;
	[smem:$0x7D0] =	sst s22  }
0x26: {  	s24 =	sadd.s32 $0x3A0A00, s11;
	[smem:$0x7D1] =	sst s23  }
0x27: {  	s25 =	sadd.s32 $0x3B9100, s11;
	[smem:$0x7D2] =	sst s24  }
0x28: {  	s26 =	sadd.s32 $0x3D1800, s11;
	[smem:$0x7D3] =	sst s25  }
0x29: {  	s1 =	sadd.s32 $0x3E9F00, s11;
	[smem:$0x7D4] =	sst s26  }
0x2a: {  	s2 =	sadd.s32 $0x402600, s11;
	[smem:$0x7D5] =	sst s1  }
0x2b: {  	s3 =	sadd.s32 $0x41AD00, s11;
	[smem:$0x7D6] =	sst s2  }
0x2c: {  	s4 =	sadd.s32 $0x433400, s11;
	[smem:$0x7D7] =	sst s3  }
0x2d: {  	s5 =	sadd.s32 $0x44BB00, s11;
	[smem:$0x7D8] =	sst s4  }
0x2e: {  	s6 =	sadd.s32 $0x464200, s11;
	[smem:$0x7D9] =	sst s5  }
0x2f: {  	s7 =	sadd.s32 $0x47C900, s11;
	[smem:$0x7DA] =	sst s6  }
0x30: {  	s8 =	sadd.s32 $0x4AD700, s11;
	[smem:$0x7DB] =	sst s7  }
0x31: {  	s9 =	sadd.s32 $0x4C5E00, s11;
	[smem:$0x7DC] =	sst s8  }
0x32: {  	[smem:$0x7DD] =	sst s9;
	s10 =	sadd.s32 $0x4DE500, s11  }
0x33: {  	s12 =	sadd.s32 $0x4F6C00, s11;
	[smem:$0x7DE] =	sst s10  }
0x34: {  	s13 =	sadd.s32 $0x50F300, s11;
	[smem:$0x7DF] =	sst s12  }
0x35: {  	s14 =	sadd.s32 $0x527A00, s11;
	[smem:$0x7E0] =	sst s13  }
0x36: {  	s15 =	sadd.s32 $0x540100, s11;
	[smem:$0x7E1] =	sst s14  }
0x37: {  	s17 =	sadd.s32 $0x558800, s11;
	[smem:$0x7E2] =	sst s15  }
0x38: {  	s18 =	sadd.s32 $0x570F00, s11;
	[smem:$0x7E3] =	sst s17  }
0x39: {  	s19 =	sadd.s32 $0x589600, s11;
	[smem:$0x7E4] =	sst s18  }
0x3a: {  	s20 =	sadd.s32 $0x5A1D00, s11;
	[smem:$0x7E5] =	sst s19  }
0x3b: {  	s21 =	sadd.s32 $0x5BA400, s11;
	[smem:$0x7E6] =	sst s20  }
0x3c: {  	s22 =	sadd.s32 $0x5D2B00, s11;
	[smem:$0x7E7] =	sst s21  }
0x3d: {  	s23 =	sadd.s32 $0x5EB200, s11;
	[smem:$0x7E8] =	sst s22  }
0x3e: {  	s30 =	sadd.s32 $0x866800, s11;
	s24 =	sadd.s32 $0x495000, s11;
	[smem:$0x7E9] =	sst s23  }
0x3f: {  	s25 =	sadd.s32 $0x603900, s11;
	[smem:$0x7EA] =	sst s24  }
0x40: {  	s31 =	sadd.s32 $0x87EF00, s11;
	s26 =	sadd.s32 $0x61C000, s11;
	[smem:$0x7EB] =	sst s25  }
0x41: {  	s1 =	sadd.s32 $0x634700, s11;
	[smem:$0x7EC] =	sst s26  }
0x42: {  	s2 =	sadd.s32 $0x64CE00, s11;
	[smem:$0x7ED] =	sst s1  }
0x43: {  	s3 =	sadd.s32 $0x665500, s11;
	[smem:$0x7EE] =	sst s2  }
0x44: {  	s4 =	sadd.s32 $0x67DC00, s11;
	[smem:$0x7EF] =	sst s3  }
0x45: {  	s5 =	sadd.s32 $0x696300, s11;
	[smem:$0x7F0] =	sst s4  }
0x46: {  	s6 =	sadd.s32 $0x6AEA00, s11;
	[smem:$0x7F1] =	sst s5  }
0x47: {  	s7 =	sadd.s32 $0x6C7100, s11;
	[smem:$0x7F2] =	sst s6  }
0x48: {  	v0 =	vlaneseq.u32;
	s8 =	sadd.s32 $0x6DF800, s11;
	[smem:$0x7F3] =	sst s7  }
0x49: {  	s0 =	sadd.s32 $0x18700, s11;
	v1 =	vor.u32 $0x100, v0;
	v2 =	vor.u32 $0x180, v0;
	s9 =	sadd.s32 $0x6F7F00, s11;
	[smem:$0x7F4] =	sst s8  }
0x4a: {  	v4 =	vor.u32 $0x200, v0;
	v5 =	vor.u32 $0x280, v0;
	v6 =	vor.u32 $0x300, v0;
	[smem:$0x7F5] =	sst s9;
	s10 =	sadd.s32 $0x710600, s11  }
0x4b: {  	v7 =	vor.u32 $0x380, v0;
	v8 =	vor.u32 $0x80, v0;
	s1 =	sadd.s32 $0x728D00, s11;
	s13 =	sadd.s32 $0x741400, s11  }
0x4c: {  	v17 =	vimm.s32 $0x0;
	v9 =	vor.u32 $0x10, v0;
	v11 =	vor.u32 $0x90, v0;
	s14 =	sadd.s32 $0x759B00, s11;
	s15 =	sadd.s32 $0x772200, s11  }
0x4d: {  	v20 =	vimm.s32 $0x1;
	v12 =	vor.u32 $0x110, v0;
	v14 =	vor.u32 $0x190, v0;
	s2 =	sadd.s32 $0x78A900, s11;
	s18 =	sadd.s32 $0x7BB700, s11  }
0x4e: {  	v3 =	vmul.u32 $0x8, v0;
	v16 =	vor.u32 $0x210, v0;
	v18 =	vor.u32 $0x290, v0;
	[dreg:$0x5] =	wrdreg s0;
	s23 =	sadd.s32 $0x7D3E00, s11;
	s24 =	sadd.s32 $0x7EC500, s11  }
0x4f: {  	v21 =	vor.u32 $0x310, v0;
	v24 =	vor.u32 $0x390, v0;
	v25 =	vor.u32 $0x20, v0;
	s25 =	sadd.s32 $0x804C00, s11;
	[smem:$0x7F6] =	sst s10  }
0x50: {  	v28 =	vor.u32 $0xA0, v0;
	v31 =	vor.u32 $0x120, v0;
	v34 =	vor.u32 $0x1A0, v0;
	s26 =	sadd.s32 $0x81D300, s11;
	[smem:$0x7F7] =	sst s1  }
0x51: {  	v37 =	vor.u32 $0x220, v0;
	v40 =	vor.u32 $0x2A0, v0;
	v43 =	vor.u32 $0x320, v0;
	s4 =	sadd.s32 $0x8AFD00, s11;
	[smem:$0x7F8] =	sst s13  }
0x52: {  	v46 =	vor.u32 $0x3A0, v0;
	v49 =	vor.u32 $0x30, v0;
	v52 =	vor.u32 $0xB0, v0;
	s12 =	srdreg.scid;
	s3 =	sadd.s32 $0x8C8400, s11;
	[smem:$0x7F9] =	sst s14  }
0x53: {  	v54 =	vor.u32 $0x130, v0;
	v10 =	vor.u32 $0x80, v3;
	v13 =	vor.u32 $0x82, v3;
	s21 =	stileid.u32;
	s6 =	sadd.s32 $0x911900, s11;
	[smem:$0x7FA] =	sst s15  }
0x54: {  	v15 =	vor.u32 $0x83, v3;
	v19 =	vor.u32 $0x85, v3;
	v22 =	vor.u32 $0x86, v3;
	s7 =	sadd.s32 $0x7A3000, s11;
	s8 =	sadd.s32 $0x92A000, s11;
	[smem:$0x7FB] =	sst s2  }
0x55: {  	v23 =	vor.u32 $0x1, v3;
	v26 =	vor.u32 $0x2, v3;
	v27 =	vor.u32 $0x100, v3;
	s9 =	sadd.s32 $0x942700, s11;
	s0 =	sand.u32 $0x1, s12;
	[smem:$0x7FC] =	sst s18  }
0x56: {  	v29 =	vor.u32 $0x81, v3;
	v30 =	vor.u32 $0x101, v3;
	v32 =	vor.u32 $0x84, v3;
	s22 =	sshll.u32 s21, $0x8;
	s1 =	sadd.s32 $0x8E0B00, s11;
	s17 =	ssub.s32 $0x2, s0  }
.Ltmp0:
0x57: {  	v33 =	vor.u32 $0x102, v3;
	v35 =	vor.u32 $0x87, v3;
	v36 =	vor.u32 $0x103, v3;
	s10 =	sadd.s32 $0x95AE00, s11;
	s19 =	sshrl.u32 s17, $0x1;
	(pc) =	sbr.rel .LBB2_1-.Ltmp0, $4  }
0x58: {  	v38 =	vor.u32 $0x3, v3;
	v39 =	vor.u32 $0x104, v3;
	v41 =	vor.u32 $0x4, v3;
	s12 =	simm.s32 $0x80;
	s13 =	simm.s32 $0x1;
	s5 =	ssub.s32 s17, s19  }
0x59: {  	v42 =	vor.u32 $0x105, v3;
	v44 =	vor.u32 $0x5, v3;
	v45 =	vor.u32 $0x106, v3;
	s14 =	simm.s32 $0x100;
	s15 =	simm.s32 $0x19100;
	s5 =	smax.u32 s5, $0x1  }
0x5a: {  	v47 =	vor.u32 $0x6, v3;
	v48 =	vor.u32 $0x107, v3;
	v51 =	vor.u32 $0x180, v3;
	s20 =	sshll.u32 s0, $0x7;
	s0 =	sadd.s32 $0x897600, s11;
	[smem:$0x7FD] =	sst s5  }
0x5b: {  	v50 =	vor.u32 $0x7, v3;
	v53 =	vor.u32 $0x181, v3;
	v55 =	vor.u32 $0x182, v3;
	s2 =	sor.u32 s20, s22;
	s5 =	sadd.s32 $0x8F9200, s11;
	s11 =	sadd.s32 $0x973500, s11  }
.LBB2_9:
0x5c: {  	s17 =	sld [smem:$0x7FD]  }
0x5d: {  	s16 =	rddreg [dreg:$0x4]  }
0x5e: {  	s16 =	sadd.s32 $0x1, s16  }
0x5f: {  	p0 =	sne.s32 s16, s17  }
.Ltmp1:
0x60: {  	_ = 	snop;
	(pc) =	sbr.rel @!p0 .LBB2_10-.Ltmp1, $1  }
0x61: {  	_ =	sdelay $0x3  }
.LBB2_1:
.Ltmp2:
0x62: {  	(pc) =	sbr.rel .LBB2_2-.Ltmp2, $2  }
0x63: {  	_ =	sdelay $0x2  }
0x64: {  	[dreg:$0x4] =	wrdreg s16;
	s16 =	simm.s32 $0x0  }
.LBB2_6:
0x65: {  	[sflag:s13] =	ssyncadd.s32 $0xFFFFFC00  }
.LBB2_7:
0x66: {  	v56 =	vld [tilespmem:$0x0];
	_ =	sdelay $0x4  }
0x67: {  	v56 =	vshll.u32 v56, $0xA  }
0x68: {  	v57 =	vor.u32 v0, v56;
	_ =	sdelay $0x4  }
0x69: {  	v57 =	vld.idx.msk [tilespmem:v57+s14+$0x0], $0xffff  }
0x6a: {  	v58 =	vor.u32 v8, v56;
	_ =	sdelay $0x3  }
0x6b: {  	[tilespmem:v3+s15+$0x0] =	vst.idx.msk $0xffff, v57  }
0x6c: {  	v57 =	vld.idx.msk [tilespmem:v58+s14+$0x0], $0xffff  }
0x6d: {  	v61 =	vor.u32 v1, v56;
	_ =	sdelay $0x3  }
0x6e: {  	[tilespmem:v23+s15+$0x0] =	vst.idx.msk $0xffff, v57  }
0x6f: {  	v57 =	vld.idx.msk [tilespmem:v61+s14+$0x0], $0xffff  }
0x70: {  	v62 =	vor.u32 v2, v56;
	_ =	sdelay $0x3  }
0x71: {  	[tilespmem:v26+s15+$0x0] =	vst.idx.msk $0xffff, v57  }
0x72: {  	v57 =	vld.idx.msk [tilespmem:v62+s14+$0x0], $0xffff  }
0x73: {  	v63 =	vor.u32 v4, v56;
	_ =	sdelay $0x3  }
0x74: {  	[tilespmem:v38+s15+$0x0] =	vst.idx.msk $0xffff, v57  }
0x75: {  	v57 =	vld.idx.msk [tilespmem:v63+s14+$0x0], $0xffff  }
0x76: {  	v60 =	vor.u32 v5, v56;
	_ =	sdelay $0x3  }
0x77: {  	[tilespmem:v41+s15+$0x0] =	vst.idx.msk $0xffff, v57  }
0x78: {  	v57 =	vld.idx.msk [tilespmem:v60+s14+$0x0], $0xffff  }
0x79: {  	v61 =	vor.u32 v6, v56;
	_ =	sdelay $0x3  }
0x7a: {  	[tilespmem:v44+s15+$0x0] =	vst.idx.msk $0xffff, v57  }
0x7b: {  	v57 =	vld.idx.msk [tilespmem:v61+s14+$0x0], $0xffff  }
0x7c: {  	v56 =	vor.u32 v7, v56;
	_ =	sdelay $0x3  }
0x7d: {  	[tilespmem:v47+s15+$0x0] =	vst.idx.msk $0xffff, v57  }
0x7e: {  	v56 =	vld.idx.msk [tilespmem:v56+s14+$0x0], $0xffff;
	_ =	sdelay $0x4  }
0x7f: {  	[tilespmem:v50+s15+$0x0] =	vst.idx.msk $0xffff, v56  }
0x80: {  	v56 =	vld [tilespmem:$0x10];
	_ =	sdelay $0x4  }
0x81: {  	v56 =	vshll.u32 v56, $0xA  }
0x82: {  	v62 =	vor.u32 v9, v56;
	_ =	sdelay $0x4  }
0x83: {  	v57 =	vld.idx.msk [tilespmem:v62+s14+$0x0], $0xffff  }
0x84: {  	v63 =	vor.u32 v11, v56;
	_ =	sdelay $0x3  }
0x85: {  	[tilespmem:v10+s15+$0x0] =	vst.idx.msk $0xffff, v57  }
0x86: {  	v57 =	vld.idx.msk [tilespmem:v63+s14+$0x0], $0xffff  }
0x87: {  	v60 =	vor.u32 v12, v56;
	_ =	sdelay $0x3  }
0x88: {  	[tilespmem:v29+s15+$0x0] =	vst.idx.msk $0xffff, v57  }
0x89: {  	v57 =	vld.idx.msk [tilespmem:v60+s14+$0x0], $0xffff  }
0x8a: {  	v61 =	vor.u32 v14, v56;
	_ =	sdelay $0x3  }
0x8b: {  	[tilespmem:v13+s15+$0x0] =	vst.idx.msk $0xffff, v57  }
0x8c: {  	v57 =	vld.idx.msk [tilespmem:v61+s14+$0x0], $0xffff  }
0x8d: {  	v62 =	vor.u32 v16, v56;
	_ =	sdelay $0x3  }
0x8e: {  	[tilespmem:v15+s15+$0x0] =	vst.idx.msk $0xffff, v57  }
0x8f: {  	v57 =	vld.idx.msk [tilespmem:v62+s14+$0x0], $0xffff  }
0x90: {  	v63 =	vor.u32 v18, v56;
	_ =	sdelay $0x3  }
0x91: {  	[tilespmem:v32+s15+$0x0] =	vst.idx.msk $0xffff, v57  }
0x92: {  	v57 =	vld.idx.msk [tilespmem:v63+s14+$0x0], $0xffff  }
0x93: {  	v60 =	vor.u32 v21, v56;
	_ =	sdelay $0x3  }
0x94: {  	[tilespmem:v19+s15+$0x0] =	vst.idx.msk $0xffff, v57  }
0x95: {  	v57 =	vld.idx.msk [tilespmem:v60+s14+$0x0], $0xffff  }
0x96: {  	v56 =	vor.u32 v24, v56;
	_ =	sdelay $0x3  }
0x97: {  	[tilespmem:v22+s15+$0x0] =	vst.idx.msk $0xffff, v57  }
0x98: {  	v56 =	vld.idx.msk [tilespmem:v56+s14+$0x0], $0xffff;
	_ =	sdelay $0x4  }
0x99: {  	[tilespmem:v35+s15+$0x0] =	vst.idx.msk $0xffff, v56  }
0x9a: {  	v56 =	vld [tilespmem:$0x20];
	_ =	sdelay $0x4  }
0x9b: {  	v56 =	vshll.u32 v56, $0xA  }
0x9c: {  	v61 =	vor.u32 v25, v56;
	_ =	sdelay $0x4  }
0x9d: {  	v57 =	vld.idx.msk [tilespmem:v61+s14+$0x0], $0xffff  }
0x9e: {  	v62 =	vor.u32 v28, v56;
	_ =	sdelay $0x3  }
0x9f: {  	[tilespmem:v27+s15+$0x0] =	vst.idx.msk $0xffff, v57  }
0xa0: {  	v57 =	vld.idx.msk [tilespmem:v62+s14+$0x0], $0xffff  }
0xa1: {  	v63 =	vor.u32 v31, v56;
	_ =	sdelay $0x3  }
0xa2: {  	[tilespmem:v30+s15+$0x0] =	vst.idx.msk $0xffff, v57  }
0xa3: {  	v57 =	vld.idx.msk [tilespmem:v63+s14+$0x0], $0xffff  }
0xa4: {  	v60 =	vor.u32 v34, v56;
	_ =	sdelay $0x3  }
0xa5: {  	[tilespmem:v33+s15+$0x0] =	vst.idx.msk $0xffff, v57  }
0xa6: {  	v57 =	vld.idx.msk [tilespmem:v60+s14+$0x0], $0xffff  }
0xa7: {  	v61 =	vor.u32 v37, v56;
	_ =	sdelay $0x3  }
0xa8: {  	[tilespmem:v36+s15+$0x0] =	vst.idx.msk $0xffff, v57  }
0xa9: {  	v57 =	vld.idx.msk [tilespmem:v61+s14+$0x0], $0xffff  }
0xaa: {  	v62 =	vor.u32 v40, v56;
	_ =	sdelay $0x3  }
0xab: {  	[tilespmem:v39+s15+$0x0] =	vst.idx.msk $0xffff, v57  }
0xac: {  	v57 =	vld.idx.msk [tilespmem:v62+s14+$0x0], $0xffff  }
0xad: {  	v63 =	vor.u32 v43, v56;
	_ =	sdelay $0x3  }
0xae: {  	[tilespmem:v42+s15+$0x0] =	vst.idx.msk $0xffff, v57  }
0xaf: {  	v57 =	vld.idx.msk [tilespmem:v63+s14+$0x0], $0xffff  }
0xb0: {  	v56 =	vor.u32 v46, v56;
	_ =	sdelay $0x3  }
0xb1: {  	[tilespmem:v45+s15+$0x0] =	vst.idx.msk $0xffff, v57  }
0xb2: {  	v56 =	vld.idx.msk [tilespmem:v56+s14+$0x0], $0xffff;
	_ =	sdelay $0x4  }
0xb3: {  	[tilespmem:v48+s15+$0x0] =	vst.idx.msk $0xffff, v56  }
0xb4: {  	v56 =	vld [tilespmem:$0x30];
	_ =	sdelay $0x4  }
0xb5: {  	v56 =	vshll.u32 v56, $0xA  }
0xb6: {  	v60 =	vor.u32 v49, v56;
	_ =	sdelay $0x4  }
0xb7: {  	v57 =	vld.idx.msk [tilespmem:v60+s14+$0x0], $0xffff  }
0xb8: {  	v61 =	vor.u32 v52, v56;
	_ =	sdelay $0x3  }
0xb9: {  	[tilespmem:v51+s15+$0x0] =	vst.idx.msk $0xffff, v57  }
0xba: {  	v57 =	vld.idx.msk [tilespmem:v61+s14+$0x0], $0xffff  }
0xbb: {  	v62 =	vor.u32 v54, v56;
	_ =	sdelay $0x3  }
0xbc: {  	[tilespmem:v53+s15+$0x0] =	vst.idx.msk $0xffff, v57  }
0xbd: {  	v63 =	vor.u32 $0x1B0, v0;
	v57 =	vld.idx.msk [tilespmem:v62+s14+$0x0], $0xffff  }
0xbe: {  	v58 =	vor.u32 v63, v56;
	_ =	sdelay $0x3  }
0xbf: {  	[tilespmem:v55+s15+$0x0] =	vst.idx.msk $0xffff, v57  }
0xc0: {  	v59 =	vor.u32 $0x230, v0;
	v60 =	vor.u32 $0x183, v3;
	v57 =	vld.idx.msk [tilespmem:v58+s14+$0x0], $0xffff  }
0xc1: {  	v59 =	vor.u32 v59, v56;
	_ =	sdelay $0x3  }
0xc2: {  	[tilespmem:v60+s15+$0x0] =	vst.idx.msk $0xffff, v57  }
0xc3: {  	v61 =	vor.u32 $0x184, v3;
	v62 =	vor.u32 $0x2B0, v0;
	v57 =	vld.idx.msk [tilespmem:v59+s14+$0x0], $0xffff  }
0xc4: {  	v59 =	vor.u32 v62, v56;
	_ =	sdelay $0x3  }
0xc5: {  	[tilespmem:v61+s15+$0x0] =	vst.idx.msk $0xffff, v57  }
0xc6: {  	v63 =	vor.u32 $0x185, v3;
	v60 =	vor.u32 $0x330, v0;
	v57 =	vld.idx.msk [tilespmem:v59+s14+$0x0], $0xffff  }
0xc7: {  	v59 =	vor.u32 v60, v56;
	_ =	sdelay $0x3  }
0xc8: {  	[tilespmem:v63+s15+$0x0] =	vst.idx.msk $0xffff, v57  }
0xc9: {  	v62 =	vor.u32 $0x3B0, v0;
	v61 =	vor.u32 $0x186, v3;
	v57 =	vld.idx.msk [tilespmem:v59+s14+$0x0], $0xffff  }
0xca: {  	v56 =	vor.u32 v62, v56;
	_ =	sdelay $0x3  }
0xcb: {  	[tilespmem:v61+s15+$0x0] =	vst.idx.msk $0xffff, v57  }
0xcc: {  	v63 =	vor.u32 $0x187, v3;
	v56 =	vld.idx.msk [tilespmem:v56+s14+$0x0], $0xffff;
	_ =	sdelay $0x4  }
0xcd: {  	[tilespmem:v63+s15+$0x0] =	vst.idx.msk $0xffff, v56  }
0xce: {  	v56 =	vld [tilespmem:$0x40];
	_ =	sdelay $0x4  }
0xcf: {  	v60 =	vor.u32 $0x40, v0;
	v56 =	vshll.u32 v56, $0xA  }
0xd0: {  	v57 =	vor.u32 v60, v56;
	_ =	sdelay $0x4  }
0xd1: {  	v62 =	vor.u32 $0xC0, v0;
	v61 =	vor.u32 $0x200, v3;
	v57 =	vld.idx.msk [tilespmem:v57+s14+$0x0], $0xffff  }
0xd2: {  	v59 =	vor.u32 v62, v56;
	_ =	sdelay $0x3  }
0xd3: {  	[tilespmem:v61+s15+$0x0] =	vst.idx.msk $0xffff, v57  }
0xd4: {  	v63 =	vor.u32 $0x201, v3;
	v60 =	vor.u32 $0x140, v0;
	v57 =	vld.idx.msk [tilespmem:v59+s14+$0x0], $0xffff  }
0xd5: {  	v59 =	vor.u32 v60, v56;
	_ =	sdelay $0x3  }
0xd6: {  	[tilespmem:v63+s15+$0x0] =	vst.idx.msk $0xffff, v57  }
0xd7: {  	v62 =	vor.u32 $0x1C0, v0;
	v61 =	vor.u32 $0x202, v3;
	v57 =	vld.idx.msk [tilespmem:v59+s14+$0x0], $0xffff  }
0xd8: {  	v59 =	vor.u32 v62, v56;
	_ =	sdelay $0x3  }
0xd9: {  	[tilespmem:v61+s15+$0x0] =	vst.idx.msk $0xffff, v57  }
0xda: {  	v60 =	vor.u32 $0x240, v0;
	v63 =	vor.u32 $0x203, v3;
	v57 =	vld.idx.msk [tilespmem:v59+s14+$0x0], $0xffff  }
0xdb: {  	v59 =	vor.u32 v60, v56;
	_ =	sdelay $0x3  }
0xdc: {  	[tilespmem:v63+s15+$0x0] =	vst.idx.msk $0xffff, v57  }
0xdd: {  	v62 =	vor.u32 $0x2C0, v0;
	v61 =	vor.u32 $0x204, v3;
	v57 =	vld.idx.msk [tilespmem:v59+s14+$0x0], $0xffff  }
0xde: {  	v59 =	vor.u32 v62, v56;
	_ =	sdelay $0x3  }
0xdf: {  	[tilespmem:v61+s15+$0x0] =	vst.idx.msk $0xffff, v57  }
0xe0: {  	v60 =	vor.u32 $0x340, v0;
	v63 =	vor.u32 $0x205, v3;
	v57 =	vld.idx.msk [tilespmem:v59+s14+$0x0], $0xffff  }
0xe1: {  	v59 =	vor.u32 v60, v56;
	_ =	sdelay $0x3  }
0xe2: {  	[tilespmem:v63+s15+$0x0] =	vst.idx.msk $0xffff, v57  }
0xe3: {  	v62 =	vor.u32 $0x3C0, v0;
	v61 =	vor.u32 $0x206, v3;
	v57 =	vld.idx.msk [tilespmem:v59+s14+$0x0], $0xffff  }
0xe4: {  	v56 =	vor.u32 v62, v56;
	_ =	sdelay $0x3  }
0xe5: {  	[tilespmem:v61+s15+$0x0] =	vst.idx.msk $0xffff, v57  }
0xe6: {  	v63 =	vor.u32 $0x207, v3;
	v56 =	vld.idx.msk [tilespmem:v56+s14+$0x0], $0xffff;
	_ =	sdelay $0x4  }
0xe7: {  	[tilespmem:v63+s15+$0x0] =	vst.idx.msk $0xffff, v56  }
0xe8: {  	v56 =	vld [tilespmem:$0x50];
	_ =	sdelay $0x4  }
0xe9: {  	v60 =	vor.u32 $0x50, v0;
	v56 =	vshll.u32 v56, $0xA  }
0xea: {  	v57 =	vor.u32 v60, v56;
	_ =	sdelay $0x4  }
0xeb: {  	v62 =	vor.u32 $0xD0, v0;
	v61 =	vor.u32 $0x280, v3;
	v57 =	vld.idx.msk [tilespmem:v57+s14+$0x0], $0xffff  }
0xec: {  	v59 =	vor.u32 v62, v56;
	_ =	sdelay $0x3  }
0xed: {  	[tilespmem:v61+s15+$0x0] =	vst.idx.msk $0xffff, v57  }
0xee: {  	v63 =	vor.u32 $0x281, v3;
	v60 =	vor.u32 $0x150, v0;
	v57 =	vld.idx.msk [tilespmem:v59+s14+$0x0], $0xffff  }
0xef: {  	v59 =	vor.u32 v60, v56;
	_ =	sdelay $0x3  }
0xf0: {  	[tilespmem:v63+s15+$0x0] =	vst.idx.msk $0xffff, v57  }
0xf1: {  	v62 =	vor.u32 $0x1D0, v0;
	v61 =	vor.u32 $0x282, v3;
	v57 =	vld.idx.msk [tilespmem:v59+s14+$0x0], $0xffff  }
0xf2: {  	v59 =	vor.u32 v62, v56;
	_ =	sdelay $0x3  }
0xf3: {  	[tilespmem:v61+s15+$0x0] =	vst.idx.msk $0xffff, v57  }
0xf4: {  	v60 =	vor.u32 $0x250, v0;
	v63 =	vor.u32 $0x283, v3;
	v57 =	vld.idx.msk [tilespmem:v59+s14+$0x0], $0xffff  }
0xf5: {  	v59 =	vor.u32 v60, v56;
	_ =	sdelay $0x3  }
0xf6: {  	[tilespmem:v63+s15+$0x0] =	vst.idx.msk $0xffff, v57  }
0xf7: {  	v62 =	vor.u32 $0x2D0, v0;
	v61 =	vor.u32 $0x284, v3;
	v57 =	vld.idx.msk [tilespmem:v59+s14+$0x0], $0xffff  }
0xf8: {  	v59 =	vor.u32 v62, v56;
	_ =	sdelay $0x3  }
0xf9: {  	[tilespmem:v61+s15+$0x0] =	vst.idx.msk $0xffff, v57  }
0xfa: {  	v60 =	vor.u32 $0x350, v0;
	v63 =	vor.u32 $0x285, v3;
	v57 =	vld.idx.msk [tilespmem:v59+s14+$0x0], $0xffff  }
0xfb: {  	v59 =	vor.u32 v60, v56;
	_ =	sdelay $0x3  }
0xfc: {  	[tilespmem:v63+s15+$0x0] =	vst.idx.msk $0xffff, v57  }
0xfd: {  	v62 =	vor.u32 $0x3D0, v0;
	v61 =	vor.u32 $0x286, v3;
	v57 =	vld.idx.msk [tilespmem:v59+s14+$0x0], $0xffff  }
0xfe: {  	v56 =	vor.u32 v62, v56;
	_ =	sdelay $0x3  }
0xff: {  	[tilespmem:v61+s15+$0x0] =	vst.idx.msk $0xffff, v57  }
0x100: {  	v63 =	vor.u32 $0x287, v3;
	v56 =	vld.idx.msk [tilespmem:v56+s14+$0x0], $0xffff;
	_ =	sdelay $0x4  }
0x101: {  	[tilespmem:v63+s15+$0x0] =	vst.idx.msk $0xffff, v56  }
0x102: {  	v56 =	vld [tilespmem:$0x60];
	_ =	sdelay $0x4  }
0x103: {  	v60 =	vor.u32 $0x60, v0;
	v56 =	vshll.u32 v56, $0xA  }
0x104: {  	v57 =	vor.u32 v60, v56;
	_ =	sdelay $0x4  }
0x105: {  	v62 =	vor.u32 $0xE0, v0;
	v61 =	vor.u32 $0x300, v3;
	v57 =	vld.idx.msk [tilespmem:v57+s14+$0x0], $0xffff  }
0x106: {  	v59 =	vor.u32 v62, v56;
	_ =	sdelay $0x3  }
0x107: {  	[tilespmem:v61+s15+$0x0] =	vst.idx.msk $0xffff, v57  }
0x108: {  	v63 =	vor.u32 $0x301, v3;
	v60 =	vor.u32 $0x160, v0;
	v57 =	vld.idx.msk [tilespmem:v59+s14+$0x0], $0xffff  }
0x109: {  	v59 =	vor.u32 v60, v56;
	_ =	sdelay $0x3  }
0x10a: {  	[tilespmem:v63+s15+$0x0] =	vst.idx.msk $0xffff, v57  }
0x10b: {  	v62 =	vor.u32 $0x1E0, v0;
	v61 =	vor.u32 $0x302, v3;
	v57 =	vld.idx.msk [tilespmem:v59+s14+$0x0], $0xffff  }
0x10c: {  	v59 =	vor.u32 v62, v56;
	_ =	sdelay $0x3  }
0x10d: {  	[tilespmem:v61+s15+$0x0] =	vst.idx.msk $0xffff, v57  }
0x10e: {  	v60 =	vor.u32 $0x260, v0;
	v63 =	vor.u32 $0x303, v3;
	v57 =	vld.idx.msk [tilespmem:v59+s14+$0x0], $0xffff  }
0x10f: {  	v59 =	vor.u32 v60, v56;
	_ =	sdelay $0x3  }
0x110: {  	[tilespmem:v63+s15+$0x0] =	vst.idx.msk $0xffff, v57  }
0x111: {  	v62 =	vor.u32 $0x2E0, v0;
	v61 =	vor.u32 $0x304, v3;
	v57 =	vld.idx.msk [tilespmem:v59+s14+$0x0], $0xffff  }
0x112: {  	v59 =	vor.u32 v62, v56;
	_ =	sdelay $0x3  }
0x113: {  	[tilespmem:v61+s15+$0x0] =	vst.idx.msk $0xffff, v57  }
0x114: {  	v60 =	vor.u32 $0x360, v0;
	v63 =	vor.u32 $0x305, v3;
	v57 =	vld.idx.msk [tilespmem:v59+s14+$0x0], $0xffff  }
0x115: {  	v59 =	vor.u32 v60, v56;
	_ =	sdelay $0x3  }
0x116: {  	[tilespmem:v63+s15+$0x0] =	vst.idx.msk $0xffff, v57  }
0x117: {  	v62 =	vor.u32 $0x3E0, v0;
	v61 =	vor.u32 $0x306, v3;
	v57 =	vld.idx.msk [tilespmem:v59+s14+$0x0], $0xffff  }
0x118: {  	v56 =	vor.u32 v62, v56;
	_ =	sdelay $0x3  }
0x119: {  	[tilespmem:v61+s15+$0x0] =	vst.idx.msk $0xffff, v57  }
0x11a: {  	v63 =	vor.u32 $0x307, v3;
	v56 =	vld.idx.msk [tilespmem:v56+s14+$0x0], $0xffff;
	_ =	sdelay $0x4  }
0x11b: {  	[tilespmem:v63+s15+$0x0] =	vst.idx.msk $0xffff, v56  }
0x11c: {  	v56 =	vld [tilespmem:$0x70];
	_ =	sdelay $0x4  }
0x11d: {  	v60 =	vor.u32 $0x70, v0;
	v56 =	vshll.u32 v56, $0xA  }
0x11e: {  	v57 =	vor.u32 v60, v56;
	_ =	sdelay $0x4  }
0x11f: {  	v62 =	vor.u32 $0xF0, v0;
	v61 =	vor.u32 $0x380, v3;
	v57 =	vld.idx.msk [tilespmem:v57+s14+$0x0], $0xffff  }
0x120: {  	v59 =	vor.u32 v62, v56;
	_ =	sdelay $0x3  }
0x121: {  	[tilespmem:v61+s15+$0x0] =	vst.idx.msk $0xffff, v57  }
0x122: {  	v63 =	vor.u32 $0x381, v3;
	v60 =	vor.u32 $0x170, v0;
	v57 =	vld.idx.msk [tilespmem:v59+s14+$0x0], $0xffff  }
0x123: {  	v59 =	vor.u32 v60, v56;
	_ =	sdelay $0x3  }
0x124: {  	[tilespmem:v63+s15+$0x0] =	vst.idx.msk $0xffff, v57  }
0x125: {  	v62 =	vor.u32 $0x1F0, v0;
	v61 =	vor.u32 $0x382, v3;
	v57 =	vld.idx.msk [tilespmem:v59+s14+$0x0], $0xffff  }
0x126: {  	v59 =	vor.u32 v62, v56;
	_ =	sdelay $0x3  }
0x127: {  	[tilespmem:v61+s15+$0x0] =	vst.idx.msk $0xffff, v57  }
0x128: {  	v60 =	vor.u32 $0x270, v0;
	v63 =	vor.u32 $0x383, v3;
	v57 =	vld.idx.msk [tilespmem:v59+s14+$0x0], $0xffff  }
0x129: {  	v59 =	vor.u32 v60, v56;
	_ =	sdelay $0x3  }
0x12a: {  	[tilespmem:v63+s15+$0x0] =	vst.idx.msk $0xffff, v57  }
0x12b: {  	v62 =	vor.u32 $0x2F0, v0;
	v61 =	vor.u32 $0x384, v3;
	v57 =	vld.idx.msk [tilespmem:v59+s14+$0x0], $0xffff  }
0x12c: {  	v59 =	vor.u32 v62, v56;
	_ =	sdelay $0x3  }
0x12d: {  	[tilespmem:v61+s15+$0x0] =	vst.idx.msk $0xffff, v57  }
0x12e: {  	v60 =	vor.u32 $0x370, v0;
	v63 =	vor.u32 $0x385, v3;
	v57 =	vld.idx.msk [tilespmem:v59+s14+$0x0], $0xffff  }
0x12f: {  	v59 =	vor.u32 v60, v56;
	_ =	sdelay $0x3  }
0x130: {  	[tilespmem:v63+s15+$0x0] =	vst.idx.msk $0xffff, v57  }
0x131: {  	v62 =	vor.u32 $0x3F0, v0;
	v61 =	vor.u32 $0x386, v3;
	v57 =	vld.idx.msk [tilespmem:v59+s14+$0x0], $0xffff  }
0x132: {  	v56 =	vor.u32 v62, v56;
	_ =	sdelay $0x3  }
0x133: {  	[tilespmem:v61+s15+$0x0] =	vst.idx.msk $0xffff, v57  }
0x134: {  	v63 =	vor.u32 $0x387, v3;
	v56 =	vld.idx.msk [tilespmem:v56+s14+$0x0], $0xffff;
	_ =	sdelay $0x3  }
0x135: {  	s20 =	rddreg [dreg:$0x2]  }
0x136: {  	s17 =	sadd.s32 s20, s17;
	s20 =	simm.s32 @p0 $0x19100;
	[tilespmem:v63+s15+$0x0] =	vst.idx.msk $0xffff, v56  }
0x137: {  	[hbm4b:s17+s19] =	stream.linear.scatter @p0 [tilespmem:s20], [sflag:$0x2], $0x100, $0x38;
	[tilespmem:$0x19500] =	vst v63  }
0x138: {  	s19 =	simm.s32 @p0 $0x2  }
0x139: {  	_ =	swait.ge @p0 [sflag:s19], $0x100  }
0x13a: {  	[sflag:s19] =	ssyncset.done @p0 $0x0  }
0x13b: {  	[sflag:s19] =	ssyncadd.s32 @p0 $0xFFFFFF00;
	s19 =	simm.s32 @!p0 $0x19100  }
0x13c: {  	[hbm4b:s17+s18] =	stream.linear.scatter @!p0 [tilespmem:s19], [sflag:$0x2], $0x400, $0x38;
	[tilespmem:$0x19500] =	vst v63  }
0x13d: {  	s17 =	simm.s32 @!p0 $0x2  }
0x13e: {  	_ =	swait.ge @!p0 [sflag:s17], $0x400  }
0x13f: {  	[sflag:s17] =	ssyncset.done @!p0 $0x0  }
0x140: {  	[sflag:s17] =	ssyncadd.s32 @!p0 $0xFFFFFC00  }
.LBB2_8:
0x141: {  	s16 =	sadd.s32 $0x1, s16  }
0x142: {  	p0 =	sne.s32 s16, $0x19  }
.Ltmp3:
0x143: {  	_ = 	snop;
	(pc) =	sbr.rel @!p0 .LBB2_9-.Ltmp3, $1  }
0x144: {  	_ =	sdelay $0x3  }
.LBB2_2:
0x145: {  	s17 =	sshll.u32 s16, $0xC  }
0x146: {  	s17 =	sor.u32 s2, s17  }
0x147: {  	p0 =	sgt.u32 s17, $0x186FF  }
.Ltmp4:
0x148: {  	_ = 	snop;
	(pc) =	sbr.rel @p0 .LBB2_8-.Ltmp4, $1  }
0x149: {  	_ =	sdelay $0x3  }
0x14a: {  	p0 =	sgt.u32 s17, $0x18620;
	s18 =	sshrl.u32 s17, $0x3;
	s19 =	rddreg [dreg:$0x1]  }
0x14b: {  	s20 =	sadd.s32 s19, s18;
	s19 =	simm.s32 @p0 $0x0;
	s18 =	simm.s32 @p0 $0x3  }
0x14c: {  	[tilespmem:s19], [sflag:$0x3] =	stream.linear.gather @p0 [hbm4b:s20+s19], $0x20, $0x38;
	[tilespmem:$0x19500] =	vst v63  }
0x14d: {  	_ =	swait.ge @p0 [sflag:s18], $0x20  }
0x14e: {  	[sflag:s18] =	ssyncset.done @p0 $0x0  }
0x14f: {  	[sflag:s18] =	ssyncadd.s32 @p0 $0xFFFFFFE0;
	s18 =	simm.s32 @!p0 $0x0  }
0x150: {  	[tilespmem:s18], [sflag:$0x3] =	stream.linear.gather @!p0 [hbm4b:s20+s18], $0x80, $0x38;
	[tilespmem:$0x19500] =	vst v63  }
0x151: {  	s20 =	simm.s32 @!p0 $0x3  }
0x152: {  	_ =	swait.ge @!p0 [sflag:s20], $0x80  }
0x153: {  	[sflag:s20] =	ssyncset.done @!p0 $0x0  }
0x154: {  	[sflag:s20] =	ssyncadd.s32 @!p0 $0xFFFFFF80  }
0x155: {  	v56 =	vld [tilespmem:$0x0]  }
0x156: {  	[tilespmem:$0x80] =	vst v17  }
0x157: {  	[tilespmem:$0x90] =	vst v17  }
0x158: {  	[tilespmem:$0xA0] =	vst v17  }
0x159: {  	[tilespmem:$0xB0] =	vst v17  }
0x15a: {  	[tilespmem:$0xC0] =	vst v17  }
0x15b: {  	[tilespmem:$0xD0] =	vst v17  }
0x15c: {  	[tilespmem:$0xE0] =	vst v17  }
0x15d: {  	[tilespmem:v56+s12+$0x0] =	vst.idx.msk $0xffff, v20  }
0x15e: {  	v56 =	vld [tilespmem:$0x10];
	_ =	sdelay $0x7  }
0x15f: {  	[tilespmem:v56+s12+$0x0] =	vst.idx.msk $0xffff, v20  }
0x160: {  	v56 =	vld [tilespmem:$0x20];
	_ =	sdelay $0x7  }
0x161: {  	[tilespmem:v56+s12+$0x0] =	vst.idx.msk $0xffff, v20  }
0x162: {  	v56 =	vld [tilespmem:$0x30];
	_ =	sdelay $0x7  }
0x163: {  	[tilespmem:v56+s12+$0x0] =	vst.idx.msk $0xffff, v20  }
0x164: {  	v56 =	vld [tilespmem:$0x40];
	_ =	sdelay $0x7  }
0x165: {  	[tilespmem:v56+s12+$0x0] =	vst.idx.msk $0xffff, v20  }
0x166: {  	v56 =	vld [tilespmem:$0x50];
	_ =	sdelay $0x7  }
0x167: {  	[tilespmem:v56+s12+$0x0] =	vst.idx.msk $0xffff, v20  }
0x168: {  	v56 =	vld [tilespmem:$0x60];
	_ =	sdelay $0x7  }
0x169: {  	[tilespmem:v56+s12+$0x0] =	vst.idx.msk $0xffff, v20  }
0x16a: {  	v56 =	vld [tilespmem:$0x70];
	_ =	sdelay $0x7  }
0x16b: {  	[tilespmem:v56+s12+$0x0] =	vst.idx.msk $0xffff, v20  }
0x16c: {  	v59 =	vld [tilespmem:$0x80];
	_ =	sdelay $0x4  }
0x16d: {  	(v2sf) =	vpush v59, $0x0;
	_ =	sdelay $0x3  }
0x16e: {  	(v2sf) =	vpush v59, $0x1;
	_ =	sdelay $0x3  }
0x16f: {  	(v2sf) =	vpush v59, $0x2;
	_ =	sdelay $0x3  }
0x170: {  	(v2sf) =	vpush v59, $0x3  }
0x171: {  	v62 =	vld [tilespmem:$0x90]  }
0x172: {  	v61 =	vld [tilespmem:$0xA0]  }
0x173: {  	v60 =	vld [tilespmem:$0xB0];
	s21 =	spop (v2sf)  }
0x174: {  	s20 =	rddreg [dreg:$0x0];
	v57 =	vld [tilespmem:$0xC0];
	(v2sf) =	vpush v59, $0x4;
	p1 =	seq.s32 s21, $0x0  }
0x175: {  	v58 =	vld [tilespmem:$0xD0];
	s20 =	sadd.s32 @!p1 s20, s17;
	s21 =	simm.s32 @!p1 $0x0;
	s22 =	simm.s32 @!p1 $0x100  }
0x176: {  	v56 =	vld [tilespmem:$0xE0];
	[tilespmem:s22], [sflag:$0x1] =	stream.linear.gather @!p1 [hbm4b:s20+s21], $0x400, $0x38  }
0x177: {  	s22 =	spop (v2sf)  }
0x178: {  	(v2sf) =	vpush v59, $0x5;
	s20 =	rddreg [dreg:$0x5];
	p1 =	seq.s32 s22, $0x0  }
0x179: {  	s20 =	sadd.s32 @!p1 s17, s20;
	s21 =	simm.s32 @!p1 $0x0;
	s22 =	simm.s32 @!p1 $0x500  }
0x17a: {  	[tilespmem:s22], [sflag:$0x1] =	stream.linear.gather @!p1 [hbm4b:s20+s21], $0x400, $0x38;
	[tilespmem:$0x19500] =	vst v63  }
0x17b: {  	s21 =	spop (v2sf)  }
0x17c: {  	(v2sf) =	vpush v59, $0x6;
	s20 =	rddreg [dreg:$0x6];
	p1 =	seq.s32 s21, $0x0  }
0x17d: {  	s20 =	sadd.s32 @!p1 s17, s20;
	s21 =	simm.s32 @!p1 $0x0;
	s22 =	simm.s32 @!p1 $0x900  }
0x17e: {  	[tilespmem:s22], [sflag:$0x1] =	stream.linear.gather @!p1 [hbm4b:s20+s21], $0x400, $0x38;
	[tilespmem:$0x19500] =	vst v63  }
0x17f: {  	s22 =	spop (v2sf)  }
0x180: {  	(v2sf) =	vpush v59, $0x7;
	s20 =	rddreg [dreg:$0x7];
	p1 =	seq.s32 s22, $0x0  }
0x181: {  	s20 =	sadd.s32 @!p1 s17, s20;
	s21 =	simm.s32 @!p1 $0x0;
	s22 =	simm.s32 @!p1 $0xD00  }
0x182: {  	[tilespmem:s22], [sflag:$0x1] =	stream.linear.gather @!p1 [hbm4b:s20+s21], $0x400, $0x38;
	[tilespmem:$0x19500] =	vst v63  }
0x183: {  	s21 =	spop (v2sf)  }
0x184: {  	s20 =	rddreg [dreg:$0x8];
	(v2sf) =	vpush v59, $0x8;
	p1 =	seq.s32 s21, $0x0  }
0x185: {  	s20 =	sadd.s32 @!p1 s17, s20;
	s21 =	simm.s32 @!p1 $0x0;
	s22 =	simm.s32 @!p1 $0x1100  }
0x186: {  	[tilespmem:s22], [sflag:$0x1] =	stream.linear.gather @!p1 [hbm4b:s20+s21], $0x400, $0x38;
	[tilespmem:$0x19500] =	vst v63  }
0x187: {  	s22 =	spop (v2sf)  }
0x188: {  	(v2sf) =	vpush v59, $0x9;
	s20 =	rddreg [dreg:$0x9];
	p1 =	seq.s32 s22, $0x0  }
0x189: {  	s20 =	sadd.s32 @!p1 s17, s20;
	s21 =	simm.s32 @!p1 $0x0;
	s22 =	simm.s32 @!p1 $0x1500  }
0x18a: {  	[tilespmem:s22], [sflag:$0x1] =	stream.linear.gather @!p1 [hbm4b:s20+s21], $0x400, $0x38;
	[tilespmem:$0x19500] =	vst v63  }
0x18b: {  	s21 =	spop (v2sf)  }
0x18c: {  	(v2sf) =	vpush v59, $0xA;
	s20 =	rddreg [dreg:$0xa];
	p1 =	seq.s32 s21, $0x0  }
0x18d: {  	s20 =	sadd.s32 @!p1 s17, s20;
	s21 =	simm.s32 @!p1 $0x0;
	s22 =	simm.s32 @!p1 $0x1900  }
0x18e: {  	[tilespmem:s22], [sflag:$0x1] =	stream.linear.gather @!p1 [hbm4b:s20+s21], $0x400, $0x38;
	[tilespmem:$0x19500] =	vst v63  }
0x18f: {  	s22 =	spop (v2sf)  }
0x190: {  	(v2sf) =	vpush v59, $0xB;
	s20 =	rddreg [dreg:$0xb];
	p1 =	seq.s32 s22, $0x0  }
0x191: {  	s20 =	sadd.s32 @!p1 s17, s20;
	s21 =	simm.s32 @!p1 $0x0;
	s22 =	simm.s32 @!p1 $0x1D00  }
0x192: {  	[tilespmem:s22], [sflag:$0x1] =	stream.linear.gather @!p1 [hbm4b:s20+s21], $0x400, $0x38;
	[tilespmem:$0x19500] =	vst v63  }
0x193: {  	s21 =	spop (v2sf)  }
0x194: {  	s20 =	rddreg [dreg:$0xc];
	(v2sf) =	vpush v59, $0xC;
	p1 =	seq.s32 s21, $0x0  }
0x195: {  	s20 =	sadd.s32 @!p1 s17, s20;
	s21 =	simm.s32 @!p1 $0x0;
	s22 =	simm.s32 @!p1 $0x2100  }
0x196: {  	[tilespmem:s22], [sflag:$0x1] =	stream.linear.gather @!p1 [hbm4b:s20+s21], $0x400, $0x38;
	[tilespmem:$0x19500] =	vst v63  }
0x197: {  	s22 =	spop (v2sf)  }
0x198: {  	(v2sf) =	vpush v59, $0xD;
	s20 =	rddreg [dreg:$0xd];
	p1 =	seq.s32 s22, $0x0  }
0x199: {  	s20 =	sadd.s32 @!p1 s17, s20;
	s21 =	simm.s32 @!p1 $0x0;
	s22 =	simm.s32 @!p1 $0x2500  }
0x19a: {  	[tilespmem:s22], [sflag:$0x1] =	stream.linear.gather @!p1 [hbm4b:s20+s21], $0x400, $0x38;
	[tilespmem:$0x19500] =	vst v63  }
0x19b: {  	s21 =	spop (v2sf)  }
0x19c: {  	(v2sf) =	vpush v59, $0xE;
	s20 =	rddreg [dreg:$0xe];
	p1 =	seq.s32 s21, $0x0  }
0x19d: {  	s20 =	sadd.s32 @!p1 s17, s20;
	s21 =	simm.s32 @!p1 $0x0;
	s22 =	simm.s32 @!p1 $0x2900  }
0x19e: {  	[tilespmem:s22], [sflag:$0x1] =	stream.linear.gather @!p1 [hbm4b:s20+s21], $0x400, $0x38;
	[tilespmem:$0x19500] =	vst v63  }
0x19f: {  	s22 =	spop (v2sf)  }
0x1a0: {  	(v2sf) =	vpush v59, $0xF;
	s20 =	rddreg [dreg:$0xf];
	p1 =	seq.s32 s22, $0x0  }
0x1a1: {  	s20 =	sadd.s32 @!p1 s17, s20;
	s21 =	simm.s32 @!p1 $0x0;
	s22 =	simm.s32 @!p1 $0x2D00  }
0x1a2: {  	[tilespmem:s22], [sflag:$0x1] =	stream.linear.gather @!p1 [hbm4b:s20+s21], $0x400, $0x38;
	[tilespmem:$0x19500] =	vst v63  }
0x1a3: {  	s21 =	spop (v2sf)  }
0x1a4: {  	s20 =	rddreg [dreg:$0x10];
	p1 =	seq.s32 s21, $0x0  }
0x1a5: {  	(v2sf) =	vpush v62, $0x0;
	s20 =	sadd.s32 @!p1 s17, s20;
	s21 =	simm.s32 @!p1 $0x0;
	s22 =	simm.s32 @!p1 $0x3100  }
0x1a6: {  	[tilespmem:s22], [sflag:$0x1] =	stream.linear.gather @!p1 [hbm4b:s20+s21], $0x400, $0x38;
	[tilespmem:$0x19500] =	vst v63  }
0x1a7: {  	s22 =	spop (v2sf)  }
0x1a8: {  	s20 =	rddreg [dreg:$0x11];
	p1 =	seq.s32 s22, $0x0  }
0x1a9: {  	(v2sf) =	vpush v62, $0x1;
	s20 =	sadd.s32 @!p1 s17, s20;
	s21 =	simm.s32 @!p1 $0x0;
	s22 =	simm.s32 @!p1 $0x3500  }
0x1aa: {  	[tilespmem:s22], [sflag:$0x1] =	stream.linear.gather @!p1 [hbm4b:s20+s21], $0x400, $0x38;
	[tilespmem:$0x19500] =	vst v63  }
0x1ab: {  	s21 =	spop (v2sf)  }
0x1ac: {  	s20 =	rddreg [dreg:$0x12];
	p1 =	seq.s32 s21, $0x0  }
0x1ad: {  	(v2sf) =	vpush v62, $0x2;
	s20 =	sadd.s32 @!p1 s17, s20;
	s21 =	simm.s32 @!p1 $0x0;
	s22 =	simm.s32 @!p1 $0x3900  }
0x1ae: {  	[tilespmem:s22], [sflag:$0x1] =	stream.linear.gather @!p1 [hbm4b:s20+s21], $0x400, $0x38;
	[tilespmem:$0x19500] =	vst v63  }
0x1af: {  	s22 =	spop (v2sf)  }
0x1b0: {  	s20 =	rddreg [dreg:$0x13];
	p1 =	seq.s32 s22, $0x0  }
0x1b1: {  	(v2sf) =	vpush v62, $0x3;
	s20 =	sadd.s32 @!p1 s17, s20;
	s21 =	simm.s32 @!p1 $0x0;
	s22 =	simm.s32 @!p1 $0x3D00  }
0x1b2: {  	[tilespmem:s22], [sflag:$0x1] =	stream.linear.gather @!p1 [hbm4b:s20+s21], $0x400, $0x38;
	[tilespmem:$0x19500] =	vst v63  }
0x1b3: {  	s20 =	sld [smem:$0x7CB]  }
0x1b4: {  	s21 =	spop (v2sf)  }
0x1b5: {  	(v2sf) =	vpush v62, $0x4;
	p1 =	seq.s32 s21, $0x0  }
0x1b6: {  	s20 =	sadd.s32 @!p1 s17, s20;
	s21 =	simm.s32 @!p1 $0x0;
	s22 =	simm.s32 @!p1 $0x4100  }
0x1b7: {  	[tilespmem:s22], [sflag:$0x1] =	stream.linear.gather @!p1 [hbm4b:s20+s21], $0x400, $0x38;
	[tilespmem:$0x19500] =	vst v63  }
0x1b8: {  	s22 =	spop (v2sf)  }
0x1b9: {  	(v2sf) =	vpush v62, $0x5;
	s20 =	rddreg [dreg:$0x14];
	p1 =	seq.s32 s22, $0x0  }
0x1ba: {  	s20 =	sadd.s32 @!p1 s17, s20;
	s21 =	simm.s32 @!p1 $0x0;
	s22 =	simm.s32 @!p1 $0x4500  }
0x1bb: {  	[tilespmem:s22], [sflag:$0x1] =	stream.linear.gather @!p1 [hbm4b:s20+s21], $0x400, $0x38;
	[tilespmem:$0x19500] =	vst v63  }
0x1bc: {  	s21 =	spop (v2sf)  }
0x1bd: {  	(v2sf) =	vpush v62, $0x6;
	s20 =	rddreg [dreg:$0x15];
	p1 =	seq.s32 s21, $0x0  }
0x1be: {  	s20 =	sadd.s32 @!p1 s17, s20;
	s21 =	simm.s32 @!p1 $0x0;
	s22 =	simm.s32 @!p1 $0x4900  }
0x1bf: {  	[tilespmem:s22], [sflag:$0x1] =	stream.linear.gather @!p1 [hbm4b:s20+s21], $0x400, $0x38;
	[tilespmem:$0x19500] =	vst v63  }
0x1c0: {  	s22 =	spop (v2sf)  }
0x1c1: {  	(v2sf) =	vpush v62, $0x7;
	s20 =	rddreg [dreg:$0x16];
	p1 =	seq.s32 s22, $0x0  }
0x1c2: {  	s20 =	sadd.s32 @!p1 s17, s20;
	s21 =	simm.s32 @!p1 $0x0;
	s22 =	simm.s32 @!p1 $0x4D00  }
0x1c3: {  	[tilespmem:s22], [sflag:$0x1] =	stream.linear.gather @!p1 [hbm4b:s20+s21], $0x400, $0x38;
	[tilespmem:$0x19500] =	vst v63  }
0x1c4: {  	s21 =	spop (v2sf)  }
0x1c5: {  	s20 =	rddreg [dreg:$0x17];
	(v2sf) =	vpush v62, $0x8;
	p1 =	seq.s32 s21, $0x0  }
0x1c6: {  	s20 =	sadd.s32 @!p1 s17, s20;
	s21 =	simm.s32 @!p1 $0x0;
	s22 =	simm.s32 @!p1 $0x5100  }
0x1c7: {  	[tilespmem:s22], [sflag:$0x1] =	stream.linear.gather @!p1 [hbm4b:s20+s21], $0x400, $0x38;
	[tilespmem:$0x19500] =	vst v63  }
0x1c8: {  	s22 =	spop (v2sf)  }
0x1c9: {  	(v2sf) =	vpush v62, $0x9;
	s20 =	rddreg [dreg:$0x18];
	p1 =	seq.s32 s22, $0x0  }
0x1ca: {  	s20 =	sadd.s32 @!p1 s17, s20;
	s21 =	simm.s32 @!p1 $0x0;
	s22 =	simm.s32 @!p1 $0x5500  }
0x1cb: {  	[tilespmem:s22], [sflag:$0x1] =	stream.linear.gather @!p1 [hbm4b:s20+s21], $0x400, $0x38;
	[tilespmem:$0x19500] =	vst v63  }
0x1cc: {  	s21 =	spop (v2sf)  }
0x1cd: {  	(v2sf) =	vpush v62, $0xA;
	s20 =	rddreg [dreg:$0x19];
	p1 =	seq.s32 s21, $0x0  }
0x1ce: {  	s20 =	sadd.s32 @!p1 s17, s20;
	s21 =	simm.s32 @!p1 $0x0;
	s22 =	simm.s32 @!p1 $0x5900  }
0x1cf: {  	[tilespmem:s22], [sflag:$0x1] =	stream.linear.gather @!p1 [hbm4b:s20+s21], $0x400, $0x38;
	[tilespmem:$0x19500] =	vst v63  }
0x1d0: {  	s22 =	spop (v2sf)  }
0x1d1: {  	(v2sf) =	vpush v62, $0xB;
	s20 =	rddreg [dreg:$0x1a];
	p1 =	seq.s32 s22, $0x0  }
0x1d2: {  	s20 =	sadd.s32 @!p1 s17, s20;
	s21 =	simm.s32 @!p1 $0x0;
	s22 =	simm.s32 @!p1 $0x5D00  }
0x1d3: {  	[tilespmem:s22], [sflag:$0x1] =	stream.linear.gather @!p1 [hbm4b:s20+s21], $0x400, $0x38;
	[tilespmem:$0x19500] =	vst v63  }
0x1d4: {  	s21 =	spop (v2sf)  }
0x1d5: {  	s20 =	rddreg [dreg:$0x1b];
	(v2sf) =	vpush v62, $0xC;
	p1 =	seq.s32 s21, $0x0  }
0x1d6: {  	s20 =	sadd.s32 @!p1 s17, s20;
	s21 =	simm.s32 @!p1 $0x0;
	s22 =	simm.s32 @!p1 $0x6100  }
0x1d7: {  	[tilespmem:s22], [sflag:$0x1] =	stream.linear.gather @!p1 [hbm4b:s20+s21], $0x400, $0x38;
	[tilespmem:$0x19500] =	vst v63  }
0x1d8: {  	s22 =	spop (v2sf)  }
0x1d9: {  	s20 =	rddreg [dreg:$0x1c];
	p1 =	seq.s32 s22, $0x0  }
0x1da: {  	(v2sf) =	vpush v62, $0xD;
	s20 =	sadd.s32 @!p1 s17, s20;
	s21 =	simm.s32 @!p1 $0x0;
	s22 =	simm.s32 @!p1 $0x6500  }
0x1db: {  	[tilespmem:s22], [sflag:$0x1] =	stream.linear.gather @!p1 [hbm4b:s20+s21], $0x400, $0x38;
	[tilespmem:$0x19500] =	vst v63  }
0x1dc: {  	s21 =	spop (v2sf)  }
0x1dd: {  	s20 =	rddreg [dreg:$0x1d];
	p1 =	seq.s32 s21, $0x0  }
0x1de: {  	s20 =	sadd.s32 @!p1 s17, s20;
	s21 =	simm.s32 @!p1 $0x0;
	s22 =	simm.s32 @!p1 $0x6900  }
0x1df: {  	(v2sf) =	vpush v62, $0xE;
	[tilespmem:s22], [sflag:$0x1] =	stream.linear.gather @!p1 [hbm4b:s20+s21], $0x400, $0x38;
	[tilespmem:$0x19500] =	vst v63  }
0x1e0: {  	s22 =	spop (v2sf)  }
0x1e1: {  	s20 =	rddreg [dreg:$0x1e];
	p1 =	seq.s32 s22, $0x0  }
0x1e2: {  	s20 =	sadd.s32 @!p1 s17, s20;
	s21 =	simm.s32 @!p1 $0x0;
	s22 =	simm.s32 @!p1 $0x6D00  }
0x1e3: {  	[tilespmem:s22], [sflag:$0x1] =	stream.linear.gather @!p1 [hbm4b:s20+s21], $0x400, $0x38;
	[tilespmem:$0x19500] =	vst v63  }
0x1e4: {  	(v2sf) =	vpush v62, $0xF;
	s21 =	spop (v2sf)  }
0x1e5: {  	s20 =	rddreg [dreg:$0x1f];
	p1 =	seq.s32 s21, $0x0  }
0x1e6: {  	s20 =	sadd.s32 @!p1 s17, s20;
	s21 =	simm.s32 @!p1 $0x0;
	s22 =	simm.s32 @!p1 $0x7100  }
0x1e7: {  	[tilespmem:s22], [sflag:$0x1] =	stream.linear.gather @!p1 [hbm4b:s20+s21], $0x400, $0x38;
	[tilespmem:$0x19500] =	vst v63  }
0x1e8: {  	s20 =	sld [smem:$0x7C8]  }
0x1e9: {  	(v2sf) =	vpush v61, $0x0;
	s22 =	spop (v2sf)  }
0x1ea: {  	p1 =	seq.s32 s22, $0x0  }
0x1eb: {  	s21 =	simm.s32 @!p1 $0x0;
	s22 =	simm.s32 @!p1 $0x7500;
	s20 =	sadd.s32 @!p1 s17, s20  }
0x1ec: {  	[tilespmem:s22], [sflag:$0x1] =	stream.linear.gather @!p1 [hbm4b:s20+s21], $0x400, $0x38;
	[tilespmem:$0x19500] =	vst v63  }
0x1ed: {  	s20 =	sld [smem:$0x7C9]  }
0x1ee: {  	(v2sf) =	vpush v61, $0x1;
	s21 =	spop (v2sf)  }
0x1ef: {  	p1 =	seq.s32 s21, $0x0  }
0x1f0: {  	s21 =	simm.s32 @!p1 $0x0;
	s22 =	simm.s32 @!p1 $0x7900;
	s20 =	sadd.s32 @!p1 s17, s20  }
0x1f1: {  	[tilespmem:s22], [sflag:$0x1] =	stream.linear.gather @!p1 [hbm4b:s20+s21], $0x400, $0x38;
	[tilespmem:$0x19500] =	vst v63  }
0x1f2: {  	s20 =	sld [smem:$0x7CA]  }
0x1f3: {  	(v2sf) =	vpush v61, $0x2;
	s22 =	spop (v2sf)  }
0x1f4: {  	p1 =	seq.s32 s22, $0x0  }
0x1f5: {  	s21 =	simm.s32 @!p1 $0x0;
	s22 =	simm.s32 @!p1 $0x7D00;
	s20 =	sadd.s32 @!p1 s17, s20  }
0x1f6: {  	[tilespmem:s22], [sflag:$0x1] =	stream.linear.gather @!p1 [hbm4b:s20+s21], $0x400, $0x38;
	[tilespmem:$0x19500] =	vst v63  }
0x1f7: {  	s20 =	sld [smem:$0x7CC]  }
0x1f8: {  	(v2sf) =	vpush v61, $0x3;
	s21 =	spop (v2sf)  }
0x1f9: {  	p1 =	seq.s32 s21, $0x0  }
0x1fa: {  	s21 =	simm.s32 @!p1 $0x0;
	s22 =	simm.s32 @!p1 $0x8100;
	s20 =	sadd.s32 @!p1 s17, s20  }
0x1fb: {  	[tilespmem:s22], [sflag:$0x1] =	stream.linear.gather @!p1 [hbm4b:s20+s21], $0x400, $0x38;
	[tilespmem:$0x19500] =	vst v63  }
0x1fc: {  	s20 =	sld [smem:$0x7CD]  }
0x1fd: {  	(v2sf) =	vpush v61, $0x4;
	s22 =	spop (v2sf)  }
0x1fe: {  	p1 =	seq.s32 s22, $0x0  }
0x1ff: {  	s21 =	simm.s32 @!p1 $0x0;
	s22 =	simm.s32 @!p1 $0x8500;
	s20 =	sadd.s32 @!p1 s17, s20  }
0x200: {  	[tilespmem:s22], [sflag:$0x1] =	stream.linear.gather @!p1 [hbm4b:s20+s21], $0x400, $0x38;
	[tilespmem:$0x19500] =	vst v63  }
0x201: {  	s20 =	sld [smem:$0x7CE]  }
0x202: {  	(v2sf) =	vpush v61, $0x5;
	s21 =	spop (v2sf)  }
0x203: {  	p1 =	seq.s32 s21, $0x0  }
0x204: {  	s21 =	simm.s32 @!p1 $0x0;
	s22 =	simm.s32 @!p1 $0x8900;
	s20 =	sadd.s32 @!p1 s17, s20  }
0x205: {  	[tilespmem:s22], [sflag:$0x1] =	stream.linear.gather @!p1 [hbm4b:s20+s21], $0x400, $0x38;
	[tilespmem:$0x19500] =	vst v63  }
0x206: {  	s20 =	sld [smem:$0x7CF]  }
0x207: {  	(v2sf) =	vpush v61, $0x6;
	s22 =	spop (v2sf)  }
0x208: {  	p1 =	seq.s32 s22, $0x0  }
0x209: {  	s21 =	simm.s32 @!p1 $0x0;
	s22 =	simm.s32 @!p1 $0x8D00;
	s20 =	sadd.s32 @!p1 s17, s20  }
0x20a: {  	[tilespmem:s22], [sflag:$0x1] =	stream.linear.gather @!p1 [hbm4b:s20+s21], $0x400, $0x38;
	[tilespmem:$0x19500] =	vst v63  }
0x20b: {  	s20 =	sld [smem:$0x7D0]  }
0x20c: {  	(v2sf) =	vpush v61, $0x7;
	s21 =	spop (v2sf)  }
0x20d: {  	p1 =	seq.s32 s21, $0x0  }
0x20e: {  	s21 =	simm.s32 @!p1 $0x0;
	s22 =	simm.s32 @!p1 $0x9100;
	s20 =	sadd.s32 @!p1 s17, s20  }
0x20f: {  	[tilespmem:s22], [sflag:$0x1] =	stream.linear.gather @!p1 [hbm4b:s20+s21], $0x400, $0x38;
	[tilespmem:$0x19500] =	vst v63  }
0x210: {  	s20 =	sld [smem:$0x7D1]  }
0x211: {  	(v2sf) =	vpush v61, $0x8;
	s22 =	spop (v2sf)  }
0x212: {  	p1 =	seq.s32 s22, $0x0  }
0x213: {  	s21 =	simm.s32 @!p1 $0x0;
	s22 =	simm.s32 @!p1 $0x9500;
	s20 =	sadd.s32 @!p1 s17, s20  }
0x214: {  	[tilespmem:s22], [sflag:$0x1] =	stream.linear.gather @!p1 [hbm4b:s20+s21], $0x400, $0x38;
	[tilespmem:$0x19500] =	vst v63  }
0x215: {  	s20 =	sld [smem:$0x7D2]  }
0x216: {  	(v2sf) =	vpush v61, $0x9;
	s21 =	spop (v2sf)  }
0x217: {  	p1 =	seq.s32 s21, $0x0  }
0x218: {  	s21 =	simm.s32 @!p1 $0x0;
	s22 =	simm.s32 @!p1 $0x9900;
	s20 =	sadd.s32 @!p1 s17, s20  }
0x219: {  	[tilespmem:s22], [sflag:$0x1] =	stream.linear.gather @!p1 [hbm4b:s20+s21], $0x400, $0x38;
	[tilespmem:$0x19500] =	vst v63  }
0x21a: {  	s20 =	sld [smem:$0x7D3]  }
0x21b: {  	(v2sf) =	vpush v61, $0xA;
	s22 =	spop (v2sf)  }
0x21c: {  	p1 =	seq.s32 s22, $0x0  }
0x21d: {  	s21 =	simm.s32 @!p1 $0x0;
	s22 =	simm.s32 @!p1 $0x9D00;
	s20 =	sadd.s32 @!p1 s17, s20  }
0x21e: {  	[tilespmem:s22], [sflag:$0x1] =	stream.linear.gather @!p1 [hbm4b:s20+s21], $0x400, $0x38;
	[tilespmem:$0x19500] =	vst v63  }
0x21f: {  	s20 =	sld [smem:$0x7D4]  }
0x220: {  	(v2sf) =	vpush v61, $0xB;
	s21 =	spop (v2sf)  }
0x221: {  	p1 =	seq.s32 s21, $0x0  }
0x222: {  	s21 =	simm.s32 @!p1 $0x0;
	s22 =	simm.s32 @!p1 $0xA100;
	s20 =	sadd.s32 @!p1 s17, s20  }
0x223: {  	[tilespmem:s22], [sflag:$0x1] =	stream.linear.gather @!p1 [hbm4b:s20+s21], $0x400, $0x38;
	[tilespmem:$0x19500] =	vst v63  }
0x224: {  	s20 =	sld [smem:$0x7D5]  }
0x225: {  	(v2sf) =	vpush v61, $0xC;
	s22 =	spop (v2sf)  }
0x226: {  	p1 =	seq.s32 s22, $0x0  }
0x227: {  	s21 =	simm.s32 @!p1 $0x0;
	s22 =	simm.s32 @!p1 $0xA500;
	s20 =	sadd.s32 @!p1 s17, s20  }
0x228: {  	[tilespmem:s22], [sflag:$0x1] =	stream.linear.gather @!p1 [hbm4b:s20+s21], $0x400, $0x38;
	[tilespmem:$0x19500] =	vst v63  }
0x229: {  	s20 =	sld [smem:$0x7D6]  }
0x22a: {  	(v2sf) =	vpush v61, $0xD;
	s21 =	spop (v2sf)  }
0x22b: {  	p1 =	seq.s32 s21, $0x0  }
0x22c: {  	s21 =	simm.s32 @!p1 $0x0;
	s22 =	simm.s32 @!p1 $0xA900;
	s20 =	sadd.s32 @!p1 s17, s20  }
0x22d: {  	[tilespmem:s22], [sflag:$0x1] =	stream.linear.gather @!p1 [hbm4b:s20+s21], $0x400, $0x38;
	[tilespmem:$0x19500] =	vst v63  }
0x22e: {  	s20 =	sld [smem:$0x7D7]  }
0x22f: {  	(v2sf) =	vpush v61, $0xE;
	s22 =	spop (v2sf)  }
0x230: {  	p1 =	seq.s32 s22, $0x0  }
0x231: {  	s21 =	simm.s32 @!p1 $0x0;
	s22 =	simm.s32 @!p1 $0xAD00;
	s20 =	sadd.s32 @!p1 s17, s20  }
0x232: {  	[tilespmem:s22], [sflag:$0x1] =	stream.linear.gather @!p1 [hbm4b:s20+s21], $0x400, $0x38;
	[tilespmem:$0x19500] =	vst v63  }
0x233: {  	s20 =	sld [smem:$0x7D8]  }
0x234: {  	(v2sf) =	vpush v61, $0xF;
	s21 =	spop (v2sf)  }
0x235: {  	p1 =	seq.s32 s21, $0x0  }
0x236: {  	s21 =	simm.s32 @!p1 $0x0;
	s22 =	simm.s32 @!p1 $0xB100;
	s20 =	sadd.s32 @!p1 s17, s20  }
0x237: {  	[tilespmem:s22], [sflag:$0x1] =	stream.linear.gather @!p1 [hbm4b:s20+s21], $0x400, $0x38;
	[tilespmem:$0x19500] =	vst v63  }
0x238: {  	s20 =	sld [smem:$0x7D9]  }
0x239: {  	(v2sf) =	vpush v60, $0x0;
	s22 =	spop (v2sf)  }
0x23a: {  	p1 =	seq.s32 s22, $0x0  }
0x23b: {  	s21 =	simm.s32 @!p1 $0x0;
	s22 =	simm.s32 @!p1 $0xB500;
	s20 =	sadd.s32 @!p1 s17, s20  }
0x23c: {  	[tilespmem:s22], [sflag:$0x1] =	stream.linear.gather @!p1 [hbm4b:s20+s21], $0x400, $0x38;
	[tilespmem:$0x19500] =	vst v63  }
0x23d: {  	s20 =	sld [smem:$0x7DA]  }
0x23e: {  	(v2sf) =	vpush v60, $0x1;
	s21 =	spop (v2sf)  }
0x23f: {  	p1 =	seq.s32 s21, $0x0  }
0x240: {  	s21 =	simm.s32 @!p1 $0x0;
	s22 =	simm.s32 @!p1 $0xB900;
	s20 =	sadd.s32 @!p1 s17, s20  }
0x241: {  	[tilespmem:s22], [sflag:$0x1] =	stream.linear.gather @!p1 [hbm4b:s20+s21], $0x400, $0x38;
	[tilespmem:$0x19500] =	vst v63  }
0x242: {  	s20 =	sld [smem:$0x7DB]  }
0x243: {  	(v2sf) =	vpush v60, $0x2;
	s22 =	spop (v2sf)  }
0x244: {  	p1 =	seq.s32 s22, $0x0  }
0x245: {  	s21 =	simm.s32 @!p1 $0x0;
	s22 =	simm.s32 @!p1 $0xBD00;
	s20 =	sadd.s32 @!p1 s17, s20  }
0x246: {  	[tilespmem:s22], [sflag:$0x1] =	stream.linear.gather @!p1 [hbm4b:s20+s21], $0x400, $0x38;
	[tilespmem:$0x19500] =	vst v63  }
0x247: {  	s20 =	sld [smem:$0x7EA]  }
0x248: {  	(v2sf) =	vpush v60, $0x3;
	s21 =	spop (v2sf)  }
0x249: {  	p1 =	seq.s32 s21, $0x0  }
0x24a: {  	s21 =	simm.s32 @!p1 $0x0;
	s22 =	simm.s32 @!p1 $0xC100;
	s20 =	sadd.s32 @!p1 s17, s20  }
0x24b: {  	[tilespmem:s22], [sflag:$0x1] =	stream.linear.gather @!p1 [hbm4b:s20+s21], $0x400, $0x38;
	[tilespmem:$0x19500] =	vst v63  }
0x24c: {  	s20 =	sld [smem:$0x7DC]  }
0x24d: {  	(v2sf) =	vpush v60, $0x4;
	s22 =	spop (v2sf)  }
0x24e: {  	p1 =	seq.s32 s22, $0x0  }
0x24f: {  	s21 =	simm.s32 @!p1 $0x0;
	s22 =	simm.s32 @!p1 $0xC500;
	s20 =	sadd.s32 @!p1 s17, s20  }
0x250: {  	[tilespmem:s22], [sflag:$0x1] =	stream.linear.gather @!p1 [hbm4b:s20+s21], $0x400, $0x38;
	[tilespmem:$0x19500] =	vst v63  }
0x251: {  	s20 =	sld [smem:$0x7DD]  }
0x252: {  	(v2sf) =	vpush v60, $0x5;
	s21 =	spop (v2sf)  }
0x253: {  	p1 =	seq.s32 s21, $0x0  }
0x254: {  	s21 =	simm.s32 @!p1 $0x0;
	s22 =	simm.s32 @!p1 $0xC900;
	s20 =	sadd.s32 @!p1 s17, s20  }
0x255: {  	[tilespmem:s22], [sflag:$0x1] =	stream.linear.gather @!p1 [hbm4b:s20+s21], $0x400, $0x38;
	[tilespmem:$0x19500] =	vst v63  }
0x256: {  	s20 =	sld [smem:$0x7DE]  }
0x257: {  	(v2sf) =	vpush v60, $0x6;
	s22 =	spop (v2sf)  }
0x258: {  	p1 =	seq.s32 s22, $0x0  }
0x259: {  	s21 =	simm.s32 @!p1 $0x0;
	s22 =	simm.s32 @!p1 $0xCD00;
	s20 =	sadd.s32 @!p1 s17, s20  }
0x25a: {  	[tilespmem:s22], [sflag:$0x1] =	stream.linear.gather @!p1 [hbm4b:s20+s21], $0x400, $0x38;
	[tilespmem:$0x19500] =	vst v63  }
0x25b: {  	s20 =	sld [smem:$0x7DF]  }
0x25c: {  	(v2sf) =	vpush v60, $0x7;
	s21 =	spop (v2sf)  }
0x25d: {  	p1 =	seq.s32 s21, $0x0  }
0x25e: {  	s21 =	simm.s32 @!p1 $0x0;
	s22 =	simm.s32 @!p1 $0xD100;
	s20 =	sadd.s32 @!p1 s17, s20  }
0x25f: {  	[tilespmem:s22], [sflag:$0x1] =	stream.linear.gather @!p1 [hbm4b:s20+s21], $0x400, $0x38;
	[tilespmem:$0x19500] =	vst v63  }
0x260: {  	s20 =	sld [smem:$0x7E0]  }
0x261: {  	(v2sf) =	vpush v60, $0x8;
	s22 =	spop (v2sf)  }
0x262: {  	p1 =	seq.s32 s22, $0x0  }
0x263: {  	s21 =	simm.s32 @!p1 $0x0;
	s22 =	simm.s32 @!p1 $0xD500;
	s20 =	sadd.s32 @!p1 s17, s20  }
0x264: {  	[tilespmem:s22], [sflag:$0x1] =	stream.linear.gather @!p1 [hbm4b:s20+s21], $0x400, $0x38;
	[tilespmem:$0x19500] =	vst v63  }
0x265: {  	s20 =	sld [smem:$0x7E1]  }
0x266: {  	(v2sf) =	vpush v60, $0x9;
	s21 =	spop (v2sf)  }
0x267: {  	p1 =	seq.s32 s21, $0x0  }
0x268: {  	s21 =	simm.s32 @!p1 $0x0;
	s22 =	simm.s32 @!p1 $0xD900;
	s20 =	sadd.s32 @!p1 s17, s20  }
0x269: {  	[tilespmem:s22], [sflag:$0x1] =	stream.linear.gather @!p1 [hbm4b:s20+s21], $0x400, $0x38;
	[tilespmem:$0x19500] =	vst v63  }
0x26a: {  	s20 =	sld [smem:$0x7E2]  }
0x26b: {  	(v2sf) =	vpush v60, $0xA;
	s22 =	spop (v2sf)  }
0x26c: {  	p1 =	seq.s32 s22, $0x0  }
0x26d: {  	s21 =	simm.s32 @!p1 $0x0;
	s22 =	simm.s32 @!p1 $0xDD00;
	s20 =	sadd.s32 @!p1 s17, s20  }
0x26e: {  	[tilespmem:s22], [sflag:$0x1] =	stream.linear.gather @!p1 [hbm4b:s20+s21], $0x400, $0x38;
	[tilespmem:$0x19500] =	vst v63  }
0x26f: {  	s20 =	sld [smem:$0x7E3]  }
0x270: {  	(v2sf) =	vpush v60, $0xB;
	s21 =	spop (v2sf)  }
0x271: {  	p1 =	seq.s32 s21, $0x0  }
0x272: {  	s21 =	simm.s32 @!p1 $0x0;
	s22 =	simm.s32 @!p1 $0xE100;
	s20 =	sadd.s32 @!p1 s17, s20  }
0x273: {  	[tilespmem:s22], [sflag:$0x1] =	stream.linear.gather @!p1 [hbm4b:s20+s21], $0x400, $0x38;
	[tilespmem:$0x19500] =	vst v63  }
0x274: {  	s20 =	sld [smem:$0x7E4]  }
0x275: {  	(v2sf) =	vpush v60, $0xC;
	s22 =	spop (v2sf)  }
0x276: {  	p1 =	seq.s32 s22, $0x0  }
0x277: {  	s21 =	simm.s32 @!p1 $0x0;
	s22 =	simm.s32 @!p1 $0xE500;
	s20 =	sadd.s32 @!p1 s17, s20  }
0x278: {  	[tilespmem:s22], [sflag:$0x1] =	stream.linear.gather @!p1 [hbm4b:s20+s21], $0x400, $0x38;
	[tilespmem:$0x19500] =	vst v63  }
0x279: {  	s20 =	sld [smem:$0x7E5]  }
0x27a: {  	(v2sf) =	vpush v60, $0xD;
	s21 =	spop (v2sf)  }
0x27b: {  	p1 =	seq.s32 s21, $0x0  }
0x27c: {  	s21 =	simm.s32 @!p1 $0x0;
	s22 =	simm.s32 @!p1 $0xE900;
	s20 =	sadd.s32 @!p1 s17, s20  }
0x27d: {  	[tilespmem:s22], [sflag:$0x1] =	stream.linear.gather @!p1 [hbm4b:s20+s21], $0x400, $0x38;
	[tilespmem:$0x19500] =	vst v63  }
0x27e: {  	s20 =	sld [smem:$0x7E6]  }
0x27f: {  	(v2sf) =	vpush v60, $0xE;
	s22 =	spop (v2sf)  }
0x280: {  	p1 =	seq.s32 s22, $0x0  }
0x281: {  	s21 =	simm.s32 @!p1 $0x0;
	s22 =	simm.s32 @!p1 $0xED00;
	s20 =	sadd.s32 @!p1 s17, s20  }
0x282: {  	[tilespmem:s22], [sflag:$0x1] =	stream.linear.gather @!p1 [hbm4b:s20+s21], $0x400, $0x38;
	[tilespmem:$0x19500] =	vst v63  }
0x283: {  	s20 =	sld [smem:$0x7E7]  }
0x284: {  	(v2sf) =	vpush v60, $0xF;
	s21 =	spop (v2sf)  }
0x285: {  	p1 =	seq.s32 s21, $0x0  }
0x286: {  	s21 =	simm.s32 @!p1 $0x0;
	s22 =	simm.s32 @!p1 $0xF100;
	s20 =	sadd.s32 @!p1 s17, s20  }
0x287: {  	[tilespmem:s22], [sflag:$0x1] =	stream.linear.gather @!p1 [hbm4b:s20+s21], $0x400, $0x38;
	[tilespmem:$0x19500] =	vst v63  }
0x288: {  	s20 =	sld [smem:$0x7E8]  }
0x289: {  	(v2sf) =	vpush v57, $0x0;
	s22 =	spop (v2sf)  }
0x28a: {  	p1 =	seq.s32 s22, $0x0  }
0x28b: {  	s21 =	simm.s32 @!p1 $0x0;
	s22 =	simm.s32 @!p1 $0xF500;
	s20 =	sadd.s32 @!p1 s17, s20  }
0x28c: {  	[tilespmem:s22], [sflag:$0x1] =	stream.linear.gather @!p1 [hbm4b:s20+s21], $0x400, $0x38;
	[tilespmem:$0x19500] =	vst v63  }
0x28d: {  	s20 =	sld [smem:$0x7E9]  }
0x28e: {  	(v2sf) =	vpush v57, $0x1;
	s21 =	spop (v2sf)  }
0x28f: {  	p1 =	seq.s32 s21, $0x0  }
0x290: {  	s21 =	simm.s32 @!p1 $0x0;
	s22 =	simm.s32 @!p1 $0xF900;
	s20 =	sadd.s32 @!p1 s17, s20  }
0x291: {  	[tilespmem:s22], [sflag:$0x1] =	stream.linear.gather @!p1 [hbm4b:s20+s21], $0x400, $0x38;
	[tilespmem:$0x19500] =	vst v63  }
0x292: {  	s20 =	sld [smem:$0x7EB]  }
0x293: {  	(v2sf) =	vpush v57, $0x2;
	s22 =	spop (v2sf)  }
0x294: {  	p1 =	seq.s32 s22, $0x0  }
0x295: {  	s21 =	simm.s32 @!p1 $0x0;
	s22 =	simm.s32 @!p1 $0xFD00;
	s20 =	sadd.s32 @!p1 s17, s20  }
0x296: {  	[tilespmem:s22], [sflag:$0x1] =	stream.linear.gather @!p1 [hbm4b:s20+s21], $0x400, $0x38;
	[tilespmem:$0x19500] =	vst v63  }
0x297: {  	s20 =	sld [smem:$0x7EC]  }
0x298: {  	(v2sf) =	vpush v57, $0x3;
	s21 =	spop (v2sf)  }
0x299: {  	p1 =	seq.s32 s21, $0x0  }
0x29a: {  	s21 =	simm.s32 @!p1 $0x0;
	s22 =	simm.s32 @!p1 $0x10100;
	s20 =	sadd.s32 @!p1 s17, s20  }
0x29b: {  	[tilespmem:s22], [sflag:$0x1] =	stream.linear.gather @!p1 [hbm4b:s20+s21], $0x400, $0x38;
	[tilespmem:$0x19500] =	vst v63  }
0x29c: {  	s20 =	sld [smem:$0x7ED]  }
0x29d: {  	(v2sf) =	vpush v57, $0x4;
	s22 =	spop (v2sf)  }
0x29e: {  	p1 =	seq.s32 s22, $0x0  }
0x29f: {  	s21 =	simm.s32 @!p1 $0x0;
	s22 =	simm.s32 @!p1 $0x10500;
	s20 =	sadd.s32 @!p1 s17, s20  }
0x2a0: {  	[tilespmem:s22], [sflag:$0x1] =	stream.linear.gather @!p1 [hbm4b:s20+s21], $0x400, $0x38;
	[tilespmem:$0x19500] =	vst v63  }
0x2a1: {  	s20 =	sld [smem:$0x7EE]  }
0x2a2: {  	(v2sf) =	vpush v57, $0x5;
	s21 =	spop (v2sf)  }
0x2a3: {  	p1 =	seq.s32 s21, $0x0  }
0x2a4: {  	s21 =	simm.s32 @!p1 $0x0;
	s22 =	simm.s32 @!p1 $0x10900;
	s20 =	sadd.s32 @!p1 s17, s20  }
0x2a5: {  	[tilespmem:s22], [sflag:$0x1] =	stream.linear.gather @!p1 [hbm4b:s20+s21], $0x400, $0x38;
	[tilespmem:$0x19500] =	vst v63  }
0x2a6: {  	s20 =	sld [smem:$0x7EF]  }
0x2a7: {  	(v2sf) =	vpush v57, $0x6;
	s22 =	spop (v2sf)  }
0x2a8: {  	p1 =	seq.s32 s22, $0x0  }
0x2a9: {  	s21 =	simm.s32 @!p1 $0x0;
	s22 =	simm.s32 @!p1 $0x10D00;
	s20 =	sadd.s32 @!p1 s17, s20  }
0x2aa: {  	[tilespmem:s22], [sflag:$0x1] =	stream.linear.gather @!p1 [hbm4b:s20+s21], $0x400, $0x38;
	[tilespmem:$0x19500] =	vst v63  }
0x2ab: {  	s20 =	sld [smem:$0x7F0]  }
0x2ac: {  	(v2sf) =	vpush v57, $0x7;
	s21 =	spop (v2sf)  }
0x2ad: {  	p1 =	seq.s32 s21, $0x0  }
0x2ae: {  	s21 =	simm.s32 @!p1 $0x0;
	s22 =	simm.s32 @!p1 $0x11100;
	s20 =	sadd.s32 @!p1 s17, s20  }
0x2af: {  	[tilespmem:s22], [sflag:$0x1] =	stream.linear.gather @!p1 [hbm4b:s20+s21], $0x400, $0x38;
	[tilespmem:$0x19500] =	vst v63  }
0x2b0: {  	s20 =	sld [smem:$0x7F1]  }
0x2b1: {  	(v2sf) =	vpush v57, $0x8;
	s22 =	spop (v2sf)  }
0x2b2: {  	p1 =	seq.s32 s22, $0x0  }
0x2b3: {  	s21 =	simm.s32 @!p1 $0x0;
	s22 =	simm.s32 @!p1 $0x11500;
	s20 =	sadd.s32 @!p1 s17, s20  }
0x2b4: {  	[tilespmem:s22], [sflag:$0x1] =	stream.linear.gather @!p1 [hbm4b:s20+s21], $0x400, $0x38;
	[tilespmem:$0x19500] =	vst v63  }
0x2b5: {  	s20 =	sld [smem:$0x7F2]  }
0x2b6: {  	(v2sf) =	vpush v57, $0x9;
	s21 =	spop (v2sf)  }
0x2b7: {  	p1 =	seq.s32 s21, $0x0  }
0x2b8: {  	s21 =	simm.s32 @!p1 $0x0;
	s22 =	simm.s32 @!p1 $0x11900;
	s20 =	sadd.s32 @!p1 s17, s20  }
0x2b9: {  	[tilespmem:s22], [sflag:$0x1] =	stream.linear.gather @!p1 [hbm4b:s20+s21], $0x400, $0x38;
	[tilespmem:$0x19500] =	vst v63  }
0x2ba: {  	s20 =	sld [smem:$0x7F3]  }
0x2bb: {  	(v2sf) =	vpush v57, $0xA;
	s22 =	spop (v2sf)  }
0x2bc: {  	p1 =	seq.s32 s22, $0x0  }
0x2bd: {  	s21 =	simm.s32 @!p1 $0x0;
	s22 =	simm.s32 @!p1 $0x11D00;
	s20 =	sadd.s32 @!p1 s17, s20  }
0x2be: {  	[tilespmem:s22], [sflag:$0x1] =	stream.linear.gather @!p1 [hbm4b:s20+s21], $0x400, $0x38;
	[tilespmem:$0x19500] =	vst v63  }
0x2bf: {  	s20 =	sld [smem:$0x7F4]  }
0x2c0: {  	(v2sf) =	vpush v57, $0xB;
	s21 =	spop (v2sf)  }
0x2c1: {  	p1 =	seq.s32 s21, $0x0  }
0x2c2: {  	s21 =	simm.s32 @!p1 $0x0;
	s22 =	simm.s32 @!p1 $0x12100;
	s20 =	sadd.s32 @!p1 s17, s20  }
0x2c3: {  	[tilespmem:s22], [sflag:$0x1] =	stream.linear.gather @!p1 [hbm4b:s20+s21], $0x400, $0x38;
	[tilespmem:$0x19500] =	vst v63  }
0x2c4: {  	s20 =	sld [smem:$0x7F5]  }
0x2c5: {  	(v2sf) =	vpush v57, $0xC;
	s22 =	spop (v2sf)  }
0x2c6: {  	p1 =	seq.s32 s22, $0x0  }
0x2c7: {  	s21 =	simm.s32 @!p1 $0x0;
	s22 =	simm.s32 @!p1 $0x12500;
	s20 =	sadd.s32 @!p1 s17, s20  }
0x2c8: {  	[tilespmem:s22], [sflag:$0x1] =	stream.linear.gather @!p1 [hbm4b:s20+s21], $0x400, $0x38;
	[tilespmem:$0x19500] =	vst v63  }
0x2c9: {  	s20 =	sld [smem:$0x7F6]  }
0x2ca: {  	(v2sf) =	vpush v57, $0xD;
	s21 =	spop (v2sf)  }
0x2cb: {  	p1 =	seq.s32 s21, $0x0  }
0x2cc: {  	s21 =	simm.s32 @!p1 $0x0;
	s22 =	simm.s32 @!p1 $0x12900;
	s20 =	sadd.s32 @!p1 s17, s20  }
0x2cd: {  	[tilespmem:s22], [sflag:$0x1] =	stream.linear.gather @!p1 [hbm4b:s20+s21], $0x400, $0x38;
	[tilespmem:$0x19500] =	vst v63  }
0x2ce: {  	s20 =	sld [smem:$0x7F7]  }
0x2cf: {  	(v2sf) =	vpush v57, $0xE;
	s22 =	spop (v2sf)  }
0x2d0: {  	p1 =	seq.s32 s22, $0x0  }
0x2d1: {  	s21 =	simm.s32 @!p1 $0x0;
	s22 =	simm.s32 @!p1 $0x12D00;
	s20 =	sadd.s32 @!p1 s17, s20  }
0x2d2: {  	[tilespmem:s22], [sflag:$0x1] =	stream.linear.gather @!p1 [hbm4b:s20+s21], $0x400, $0x38;
	[tilespmem:$0x19500] =	vst v63  }
0x2d3: {  	s20 =	sld [smem:$0x7F8]  }
0x2d4: {  	(v2sf) =	vpush v57, $0xF;
	s21 =	spop (v2sf)  }
0x2d5: {  	p1 =	seq.s32 s21, $0x0  }
0x2d6: {  	s21 =	simm.s32 @!p1 $0x0;
	s22 =	simm.s32 @!p1 $0x13100;
	s20 =	sadd.s32 @!p1 s17, s20  }
0x2d7: {  	[tilespmem:s22], [sflag:$0x1] =	stream.linear.gather @!p1 [hbm4b:s20+s21], $0x400, $0x38;
	[tilespmem:$0x19500] =	vst v63  }
0x2d8: {  	(v2sf) =	vpush v58, $0x0;
	s20 =	sld [smem:$0x7F9]  }
0x2d9: {  	s22 =	spop (v2sf)  }
0x2da: {  	p1 =	seq.s32 s22, $0x0  }
0x2db: {  	s21 =	simm.s32 @!p1 $0x0;
	s22 =	simm.s32 @!p1 $0x13500;
	s20 =	sadd.s32 @!p1 s17, s20  }
0x2dc: {  	[tilespmem:s22], [sflag:$0x1] =	stream.linear.gather @!p1 [hbm4b:s20+s21], $0x400, $0x38;
	[tilespmem:$0x19500] =	vst v63  }
0x2dd: {  	(v2sf) =	vpush v58, $0x1;
	s20 =	sld [smem:$0x7FA]  }
0x2de: {  	s21 =	spop (v2sf)  }
0x2df: {  	p1 =	seq.s32 s21, $0x0  }
0x2e0: {  	s21 =	simm.s32 @!p1 $0x0;
	s22 =	simm.s32 @!p1 $0x13900;
	s20 =	sadd.s32 @!p1 s17, s20  }
0x2e1: {  	(v2sf) =	vpush v58, $0x2;
	[tilespmem:s22], [sflag:$0x1] =	stream.linear.gather @!p1 [hbm4b:s20+s21], $0x400, $0x38;
	[tilespmem:$0x19500] =	vst v63  }
0x2e2: {  	s20 =	sld [smem:$0x7FB]  }
0x2e3: {  	s22 =	spop (v2sf)  }
0x2e4: {  	p1 =	seq.s32 s22, $0x0  }
0x2e5: {  	(v2sf) =	vpush v58, $0x3;
	s21 =	simm.s32 @!p1 $0x0;
	s22 =	simm.s32 @!p1 $0x13D00;
	s20 =	sadd.s32 @!p1 s17, s20  }
0x2e6: {  	[tilespmem:s22], [sflag:$0x1] =	stream.linear.gather @!p1 [hbm4b:s20+s21], $0x400, $0x38;
	[tilespmem:$0x19500] =	vst v63  }
0x2e7: {  	s21 =	spop (v2sf)  }
0x2e8: {  	p1 =	seq.s32 s21, $0x0  }
0x2e9: {  	(v2sf) =	vpush v58, $0x4;
	s20 =	sadd.s32 @!p1 s17, s7;
	s21 =	simm.s32 @!p1 $0x0;
	s22 =	simm.s32 @!p1 $0x14100  }
0x2ea: {  	[tilespmem:s22], [sflag:$0x1] =	stream.linear.gather @!p1 [hbm4b:s20+s21], $0x400, $0x38;
	[tilespmem:$0x19500] =	vst v63  }
0x2eb: {  	s20 =	sld [smem:$0x7FC]  }
0x2ec: {  	s22 =	spop (v2sf)  }
0x2ed: {  	(v2sf) =	vpush v58, $0x5;
	p1 =	seq.s32 s22, $0x0  }
0x2ee: {  	s21 =	simm.s32 @!p1 $0x0;
	s22 =	simm.s32 @!p1 $0x14500;
	s20 =	sadd.s32 @!p1 s17, s20  }
0x2ef: {  	[tilespmem:s22], [sflag:$0x1] =	stream.linear.gather @!p1 [hbm4b:s20+s21], $0x400, $0x38;
	[tilespmem:$0x19500] =	vst v63  }
0x2f0: {  	s21 =	spop (v2sf)  }
0x2f1: {  	(v2sf) =	vpush v58, $0x6;
	p1 =	seq.s32 s21, $0x0  }
0x2f2: {  	s20 =	sadd.s32 @!p1 s17, s23;
	s21 =	simm.s32 @!p1 $0x0;
	s22 =	simm.s32 @!p1 $0x14900  }
0x2f3: {  	[tilespmem:s22], [sflag:$0x1] =	stream.linear.gather @!p1 [hbm4b:s20+s21], $0x400, $0x38;
	[tilespmem:$0x19500] =	vst v63  }
0x2f4: {  	s22 =	spop (v2sf)  }
0x2f5: {  	(v2sf) =	vpush v58, $0x7;
	p1 =	seq.s32 s22, $0x0  }
0x2f6: {  	s20 =	sadd.s32 @!p1 s17, s24;
	s21 =	simm.s32 @!p1 $0x0;
	s22 =	simm.s32 @!p1 $0x14D00  }
0x2f7: {  	[tilespmem:s22], [sflag:$0x1] =	stream.linear.gather @!p1 [hbm4b:s20+s21], $0x400, $0x38;
	[tilespmem:$0x19500] =	vst v63  }
0x2f8: {  	s21 =	spop (v2sf)  }
0x2f9: {  	(v2sf) =	vpush v58, $0x8;
	p1 =	seq.s32 s21, $0x0  }
0x2fa: {  	s20 =	sadd.s32 @!p1 s17, s25;
	s21 =	simm.s32 @!p1 $0x0;
	s22 =	simm.s32 @!p1 $0x15100  }
0x2fb: {  	[tilespmem:s22], [sflag:$0x1] =	stream.linear.gather @!p1 [hbm4b:s20+s21], $0x400, $0x38;
	[tilespmem:$0x19500] =	vst v63  }
0x2fc: {  	s22 =	spop (v2sf)  }
0x2fd: {  	(v2sf) =	vpush v58, $0x9;
	p1 =	seq.s32 s22, $0x0  }
0x2fe: {  	s20 =	sadd.s32 @!p1 s17, s26;
	s21 =	simm.s32 @!p1 $0x0;
	s22 =	simm.s32 @!p1 $0x15500  }
0x2ff: {  	[tilespmem:s22], [sflag:$0x1] =	stream.linear.gather @!p1 [hbm4b:s20+s21], $0x400, $0x38;
	[tilespmem:$0x19500] =	vst v63  }
0x300: {  	s21 =	spop (v2sf)  }
0x301: {  	(v2sf) =	vpush v58, $0xA;
	p1 =	seq.s32 s21, $0x0  }
0x302: {  	s20 =	sadd.s32 @!p1 s17, s28;
	s21 =	simm.s32 @!p1 $0x0;
	s22 =	simm.s32 @!p1 $0x15900  }
0x303: {  	[tilespmem:s22], [sflag:$0x1] =	stream.linear.gather @!p1 [hbm4b:s20+s21], $0x400, $0x38;
	[tilespmem:$0x19500] =	vst v63  }
0x304: {  	s22 =	spop (v2sf)  }
0x305: {  	(v2sf) =	vpush v58, $0xB;
	p1 =	seq.s32 s22, $0x0  }
0x306: {  	s20 =	sadd.s32 @!p1 s17, s29;
	s21 =	simm.s32 @!p1 $0x0;
	s22 =	simm.s32 @!p1 $0x15D00  }
0x307: {  	[tilespmem:s22], [sflag:$0x1] =	stream.linear.gather @!p1 [hbm4b:s20+s21], $0x400, $0x38;
	[tilespmem:$0x19500] =	vst v63  }
0x308: {  	s21 =	spop (v2sf)  }
0x309: {  	(v2sf) =	vpush v58, $0xC;
	p1 =	seq.s32 s21, $0x0  }
0x30a: {  	s20 =	sadd.s32 @!p1 s17, s30;
	s21 =	simm.s32 @!p1 $0x0;
	s22 =	simm.s32 @!p1 $0x16100  }
0x30b: {  	[tilespmem:s22], [sflag:$0x1] =	stream.linear.gather @!p1 [hbm4b:s20+s21], $0x400, $0x38;
	[tilespmem:$0x19500] =	vst v63  }
0x30c: {  	s22 =	spop (v2sf)  }
0x30d: {  	(v2sf) =	vpush v58, $0xD;
	p1 =	seq.s32 s22, $0x0  }
0x30e: {  	s20 =	sadd.s32 @!p1 s17, s31;
	s21 =	simm.s32 @!p1 $0x0;
	s22 =	simm.s32 @!p1 $0x16500  }
0x30f: {  	[tilespmem:s22], [sflag:$0x1] =	stream.linear.gather @!p1 [hbm4b:s20+s21], $0x400, $0x38;
	[tilespmem:$0x19500] =	vst v63  }
0x310: {  	s21 =	spop (v2sf)  }
0x311: {  	(v2sf) =	vpush v58, $0xE;
	p1 =	seq.s32 s21, $0x0  }
0x312: {  	s20 =	sadd.s32 @!p1 s17, s0;
	s21 =	simm.s32 @!p1 $0x0;
	s22 =	simm.s32 @!p1 $0x16900  }
0x313: {  	[tilespmem:s22], [sflag:$0x1] =	stream.linear.gather @!p1 [hbm4b:s20+s21], $0x400, $0x38;
	[tilespmem:$0x19500] =	vst v63  }
0x314: {  	s22 =	spop (v2sf)  }
0x315: {  	(v2sf) =	vpush v58, $0xF;
	p1 =	seq.s32 s22, $0x0  }
0x316: {  	s20 =	sadd.s32 @!p1 s17, s4;
	s21 =	simm.s32 @!p1 $0x0;
	s22 =	simm.s32 @!p1 $0x16D00  }
0x317: {  	[tilespmem:s22], [sflag:$0x1] =	stream.linear.gather @!p1 [hbm4b:s20+s21], $0x400, $0x38;
	[tilespmem:$0x19500] =	vst v63  }
0x318: {  	s21 =	spop (v2sf)  }
0x319: {  	(v2sf) =	vpush v56, $0x0;
	p1 =	seq.s32 s21, $0x0  }
0x31a: {  	s20 =	sadd.s32 @!p1 s17, s3;
	s21 =	simm.s32 @!p1 $0x0;
	s22 =	simm.s32 @!p1 $0x17100  }
0x31b: {  	[tilespmem:s22], [sflag:$0x1] =	stream.linear.gather @!p1 [hbm4b:s20+s21], $0x400, $0x38;
	[tilespmem:$0x19500] =	vst v63  }
0x31c: {  	v59 =	vadd.s32 v59, v62;
	s22 =	spop (v2sf)  }
0x31d: {  	v59 =	vadd.s32 v61, v59;
	(v2sf) =	vpush v56, $0x1;
	p1 =	seq.s32 s22, $0x0  }
0x31e: {  	v59 =	vadd.s32 v60, v59;
	s20 =	sadd.s32 @!p1 s17, s1;
	s21 =	simm.s32 @!p1 $0x0;
	s22 =	simm.s32 @!p1 $0x17500  }
0x31f: {  	v57 =	vadd.s32 v57, v59;
	[tilespmem:s22], [sflag:$0x1] =	stream.linear.gather @!p1 [hbm4b:s20+s21], $0x400, $0x38;
	[tilespmem:$0x19500] =	vst v63  }
0x320: {  	v57 =	vadd.s32 v58, v57;
	s21 =	spop (v2sf)  }
0x321: {  	v57 =	vadd.s32 v56, v57;
	(v2sf) =	vpush v56, $0x2;
	p1 =	seq.s32 s21, $0x0  }
0x322: {  	(xrf0) =	vadd.scan.msk.s32 $0xffff, v57;
	s20 =	sadd.s32 @!p1 s17, s5;
	s21 =	simm.s32 @!p1 $0x0;
	s22 =	simm.s32 @!p1 $0x17900  }
0x323: {  	[tilespmem:s22], [sflag:$0x1] =	stream.linear.gather @!p1 [hbm4b:s20+s21], $0x400, $0x38;
	[tilespmem:$0x19500] =	vst v63  }
0x324: {  	s22 =	spop (v2sf)  }
0x325: {  	(v2sf) =	vpush v56, $0x3;
	p1 =	seq.s32 s22, $0x0  }
0x326: {  	s20 =	sadd.s32 @!p1 s17, s6;
	s21 =	simm.s32 @!p1 $0x0;
	s22 =	simm.s32 @!p1 $0x17D00  }
0x327: {  	[tilespmem:s22], [sflag:$0x1] =	stream.linear.gather @!p1 [hbm4b:s20+s21], $0x400, $0x38;
	[tilespmem:$0x19500] =	vst v63  }
0x328: {  	v63, _, _ =	vpop (xrf0);
	s21 =	spop (v2sf)  }
0x329: {  	(v2sf) =	vpush v63, $0xF;
	p1 =	seq.s32 s21, $0x0  }
0x32a: {  	s20 =	sadd.s32 @!p1 s17, s8;
	s21 =	simm.s32 @!p1 $0x0;
	s22 =	simm.s32 @!p1 $0x18100  }
0x32b: {  	[tilespmem:s22], [sflag:$0x1] =	stream.linear.gather @!p1 [hbm4b:s20+s21], $0x400, $0x38;
	[tilespmem:$0x19500] =	vst v63  }
0x32c: {  	s22 =	spop (v2sf)  }
0x32d: {  	p1 =	seq.s32 s22, $0x0  }
0x32e: {  	s20 =	sadd.s32 @!p1 s17, s9;
	s21 =	simm.s32 @!p1 $0x0;
	s22 =	simm.s32 @!p1 $0x18500  }
0x32f: {  	[tilespmem:s22], [sflag:$0x1] =	stream.linear.gather @!p1 [hbm4b:s20+s21], $0x400, $0x38;
	[tilespmem:$0x19500] =	vst v63  }
0x330: {  	s21 =	spop (v2sf)  }
0x331: {  	p1 =	seq.s32 s21, $0x0  }
0x332: {  	s20 =	sadd.s32 @!p1 s17, s10;
	s21 =	simm.s32 @!p1 $0x0;
	s22 =	simm.s32 @!p1 $0x18900  }
0x333: {  	[tilespmem:s22], [sflag:$0x1] =	stream.linear.gather @!p1 [hbm4b:s20+s21], $0x400, $0x38;
	[tilespmem:$0x19500] =	vst v63  }
0x334: {  	s22 =	spop (v2sf)  }
0x335: {  	p1 =	seq.s32 s22, $0x0  }
0x336: {  	s20 =	sadd.s32 @!p1 s17, s11;
	s21 =	simm.s32 @!p1 $0x0;
	s22 =	simm.s32 @!p1 $0x18D00  }
0x337: {  	[tilespmem:s22], [sflag:$0x1] =	stream.linear.gather @!p1 [hbm4b:s20+s21], $0x400, $0x38;
	[tilespmem:$0x19500] =	vst v63  }
0x338: {  	s20 =	spop (v2sf)  }
0x339: {  	p1 =	slt.s32 s20, $0x1  }
.Ltmp5:
0x33a: {  	_ = 	snop;
	(pc) =	sbr.rel @p1 .LBB2_7-.Ltmp5, $1  }
0x33b: {  	_ =	sdelay $0x3  }
0x33c: {  	p1 =	sne.s32 s20, $0x1  }
.Ltmp6:
0x33d: {  	_ = 	snop;
	(pc) =	sbr.rel @!p1 .LBB2_6-.Ltmp6, $3  }
0x33e: {  	_ =	sdelay $0x1  }
0x33f: {  	_ =	swait.ge [sflag:s13], $0x400  }
0x340: {  	s20 =	sadd.s32 $0xFFFFFFFF, s20;
	[sflag:s13] =	ssyncset.done $0x0  }
.LBB2_5:
0x341: {  	p1 =	sne.s32 s20, $0x1;
	s20 =	sadd.s32 $0xFFFFFFFF, s20;
	[sflag:s13] =	ssyncadd.s32 $0xFFFFFC00  }
.Ltmp7:
0x342: {  	(pc) =	sbr.rel @p1 .LBB2_5-.Ltmp7, $3  }
0x343: {  	_ =	sdelay $0x1  }
0x344: {  	_ =	swait.ge [sflag:s13], $0x400  }
0x345: {  	[sflag:s13] =	ssyncset.done $0x0  }
.Ltmp8:
0x346: {  	_ = 	snop;
	(pc) =	sbr.rel .LBB2_6-.Ltmp8, $1  }
0x347: {  	_ =	sdelay $0x3  }
.LBB2_10:
0x348: {  	_ =	sfence.sel $0x180000  }
0x349: {  	[bflag:$0x0] =	sbarrier.arrive $0xFFFF  }
0x34a: {  	_ =	strace $0x90000047  }
0x34b: {  	s0 =	stileid.u32;
	[bflag:$0x2] =	sbarrier.arrive $0xFFFF  }
0x34c: {  	p0 =	sne.s32 s0, $0x0;
	s0 =	rddreg [dreg:$0x3]  }
0x34d: {  	s0 =	sadd.s32 @!p0 $0x100000, s0  }
0x34e: {  	[sflag:s0] =	ssyncadd.tile.s32 @!p0 $0x1;
	_ =	shalt  }
.Lfunc_end2:
_tile_overlayer_lowered:
.L_overlay_start_2:
0x34f: {  	(tag) =	ssettag $0x2  }
0x350: {  	s0 =	rddreg [dreg:$0x0];
	s2 =	stileid.u32  }
0x351: {  	s1 =	rddreg [dreg:$0x1];
	p0 =	sne.s32 s2, $0x0  }
0x352: {  	s3 =	rddreg [dreg:$0x2];
	[bflag:$0x3] =	sbarrier.arrive $0xFFFF;
	s2 =	simm.s32 @!p0 $0x1C03  }
0x353: {  	[timem:s3], [sflag:s2] =	dma.local @!p0 [hbm:s0], s1  }
0x354: {  	s0 =	simm.s32 @!p0 $0x3  }
0x355: {  	_ =	swait.ge @!p0 [sflag:s0], s1  }
0x356: {  	s1 =	ssub.s32 @!p0 $0x0, s1;
	[sflag:s0] =	ssyncset.done @!p0 $0x0  }
0x357: {  	[sflag:s0] =	ssyncadd.s32 @!p0 s1  }
0x358: {  	[bflag:$0x3] =	sbarrier.arrive $0xFFFF  }
0x359: {  	_ =	shalt  }

</sc_bundles>
